<compile_context>
chip_gen: v7x
topology: tpu7x:2x2x1
jax: 0.10.2.dev20260603
libtpu: 0.0.44.dev20260713+nightly
codegen_flags: <defaults>
</compile_context>

<pallas_src>
import functools

import jax
import jax.numpy as jnp
from jax import lax
from jax.experimental import pallas as pl
from jax.experimental.pallas import tpu as pltpu
from jax.experimental.pallas import tpu_sc as plsc

N_NODES = 10000
IN_DIM = 128
HID = 64

NPAD = 10240
NC, NS = 2, 16
NW = NC * NS
EPW = 10240
EPAD = NW * EPW
CHUNK = 512
GROUPS = CHUNK // 128
NCHUNK = EPW // CHUNK
ROWS_PER_W = EPW // 128
ROWS_PER_CHUNK = CHUNK // 128
EPW0, EPW1 = 14336, 6144
NPAIR0 = EPW0 // (2 * CHUNK)
NPAIR1 = EPW1 // (2 * CHUNK)
ROWS_W0 = EPW0 // 128
ROWS_W1 = EPW1 // 128
TILE_ROWS = NPAD // NS
DEAD_DST = 10100
DEGW = 16

_sc_mesh = plsc.VectorSubcoreMesh(core_axis_name="c", subcore_axis_name="s")


_HALF = TILE_ROWS // 2


@functools.partial(
    pl.kernel,
    out_type=jax.ShapeDtypeStruct((NC, NPAD, HID), jnp.float32),
    mesh=_sc_mesh,
    scratch_types=[
        pltpu.VMEM((ROWS_W0, 128), jnp.int32),
        pltpu.VMEM((2 * GROUPS, 128), jnp.int32),
        pltpu.VMEM((CHUNK, HID), jnp.float32),
        pltpu.VMEM((CHUNK, HID), jnp.float32),
        pltpu.VMEM_SHARED((NPAD, HID), jnp.float32),
        pltpu.SemaphoreType.DMA,
        pltpu.SemaphoreType.DMA,
        pltpu.SemaphoreType.DMA,
        pltpu.SemaphoreType.DMA,
        pltpu.SemaphoreType.DMA,
    ],
    compiler_params=pltpu.CompilerParams(use_tc_tiling_on_sc=False),
)
def _sc_propagate(g_hbm, src_hbm, dst_hbm, zeros_hbm, out_hbm,
                  sidx, didx, rows_a, rows_b, acc_sh,
                  sem_ga, sem_gb, sem_sa, sem_sb, sem_i):
    c = lax.axis_index("c")
    s = lax.axis_index("s")
    row_base = jnp.where(c == 0, s * ROWS_W0, NS * ROWS_W0 + s * ROWS_W1)

    @pl.when(c == 0)
    def _():
        pltpu.sync_copy(src_hbm.at[pl.ds(row_base, ROWS_W0)],
                        sidx.at[pl.ds(0, ROWS_W0)])

    @pl.when(c == 1)
    def _():
        pltpu.sync_copy(src_hbm.at[pl.ds(row_base, ROWS_W1)],
                        sidx.at[pl.ds(0, ROWS_W1)])

    npair = jnp.where(c == 0, NPAIR0, NPAIR1)

    pltpu.sync_copy(zeros_hbm, rows_a.at[pl.ds(0, _HALF)])
    for h in range(2):
        pltpu.sync_copy(rows_a.at[pl.ds(0, _HALF)],
                        acc_sh.at[pl.ds(s * TILE_ROWS + h * _HALF, _HALF)])
    plsc.subcore_barrier()

    @pl.loop(0, npair)
    def _pair(i):
        r0 = i * 2 * GROUPS
        di = pltpu.async_copy(dst_hbm.at[pl.ds(row_base + r0, 2 * GROUPS)],
                              didx, sem_i)
        ga = [pltpu.async_copy(g_hbm.at[sidx.at[r0 + j]],
                               rows_a.at[pl.ds(j * 128, 128)], sem_ga)
              for j in range(GROUPS)]
        gb = [pltpu.async_copy(g_hbm.at[sidx.at[r0 + GROUPS + j]],
                               rows_b.at[pl.ds(j * 128, 128)], sem_gb)
              for j in range(GROUPS)]
        for d in ga:
            d.wait()
        di.wait()
        sa = [pltpu.async_copy(rows_a.at[pl.ds(j * 128, 128)],
                               acc_sh.at[didx.at[j]], sem_sa, add=True)
              for j in range(GROUPS)]
        for d in gb:
            d.wait()
        sb = [pltpu.async_copy(rows_b.at[pl.ds(j * 128, 128)],
                               acc_sh.at[didx.at[GROUPS + j]], sem_sb,
                               add=True)
              for j in range(GROUPS)]
        for d in sa + sb:
            d.wait()

    plsc.subcore_barrier()
    for h in range(2):
        pltpu.sync_copy(acc_sh.at[pl.ds(s * TILE_ROWS + h * _HALF, _HALF)],
                        rows_a.at[pl.ds(0, _HALF)])
        pltpu.sync_copy(rows_a.at[pl.ds(0, _HALF)],
                        out_hbm.at[c].at[pl.ds(s * TILE_ROWS + h * _HALF,
                                               _HALF)])


@functools.partial(
    pl.kernel,
    out_type=jax.ShapeDtypeStruct((NC, NPAD, DEGW), jnp.float32),
    mesh=_sc_mesh,
    scratch_types=[
        pltpu.VMEM((ROWS_PER_W, 128), jnp.int32),
        pltpu.VMEM((128, DEGW), jnp.float32),
        pltpu.VMEM((TILE_ROWS, DEGW), jnp.float32),
        pltpu.VMEM_SHARED((NPAD, DEGW), jnp.float32),
        pltpu.SemaphoreType.DMA,
    ],
    compiler_params=pltpu.CompilerParams(use_tc_tiling_on_sc=False),
)
def _sc_degree(dst_hbm, ones_hbm, zeros_hbm, out_hbm,
               didx, ones_v, stage, deg_sh, sem):
    c = lax.axis_index("c")
    s = lax.axis_index("s")
    w = s * NC + c

    pltpu.sync_copy(dst_hbm.at[pl.ds(w * ROWS_PER_W, ROWS_PER_W)], didx)
    pltpu.sync_copy(ones_hbm, ones_v)
    pltpu.sync_copy(zeros_hbm, stage)
    pltpu.sync_copy(stage, deg_sh.at[pl.ds(s * TILE_ROWS, TILE_ROWS)])
    plsc.subcore_barrier()

    def _drain_deg():
        for _ in range(2 * GROUPS):
            pltpu.make_async_copy(zeros_hbm.at[pl.ds(0, 128)],
                                  ones_v, sem).wait()

    @pl.loop(0, NCHUNK // 2)
    def _pair(i):
        r0 = i * 2 * GROUPS

        @pl.when(i > 0)
        def _():
            _drain_deg()

        for j in range(2 * GROUPS):
            pltpu.async_copy(ones_v, deg_sh.at[didx.at[r0 + j]], sem,
                             add=True)

    _drain_deg()
    plsc.subcore_barrier()
    pltpu.sync_copy(deg_sh.at[pl.ds(s * TILE_ROWS, TILE_ROWS)], stage)
    pltpu.sync_copy(stage, out_hbm.at[c].at[pl.ds(s * TILE_ROWS, TILE_ROWS)])


def _tc_matmul_kernel(x_ref, w_ref, o_ref):
    o_ref[...] = jnp.dot(x_ref[...], w_ref[...],
                         preferred_element_type=jnp.float32)


def _tc_prep_kernel(deg_ref, h_ref, dinv_ref, g_ref):
    deg = deg_ref[0, :, 0:1] + deg_ref[1, :, 0:1] + 1.0
    dinv = lax.rsqrt(deg)
    dinv_ref[...] = dinv
    g_ref[...] = h_ref[...] * dinv


def _tc_layer_kernel(acc_ref, g_ref, dinv_ref, b_ref, w_ref, o_ref):
    dinv = dinv_ref[...]
    t = dinv * (acc_ref[0] + acc_ref[1] + g_ref[...]) + b_ref[...]
    t = jnp.maximum(t, 0.0)
    o_ref[...] = dinv * jnp.dot(t, w_ref[...],
                                preferred_element_type=jnp.float32)


def _tc_final_kernel(acc_ref, g_ref, dinv_ref, b_ref, o_ref):
    o_ref[...] = (dinv_ref[...] * (acc_ref[0] + acc_ref[1] + g_ref[...])
                  + b_ref[...])


def _tc_call(body, out_shapes):
    return pl.pallas_call(body, out_shape=out_shapes)


def kernel(x, edge_index, W1, b1, W2, b2, W3, b3):
    src = edge_index[0]
    dst = edge_index[1]
    e = src.shape[0]
    fill = EPAD - e
    src2d = jnp.concatenate(
        [src, jnp.zeros((fill,), jnp.int32)]).reshape(EPAD // 128, 128)
    dst2d = jnp.concatenate(
        [dst, jnp.full((fill,), DEAD_DST, jnp.int32)]).reshape(EPAD // 128, 128)
    x_pad = jnp.concatenate(
        [x, jnp.zeros((NPAD - N_NODES, IN_DIM), jnp.float32)])
    zeros_tile = jnp.zeros((_HALF, HID), jnp.float32)
    ones_deg = jnp.ones((128, DEGW), jnp.float32)
    zeros_deg = jnp.zeros((TILE_ROWS, DEGW), jnp.float32)
    b1r = b1.reshape(1, HID)
    b2r = b2.reshape(1, HID)
    b3r = b3.reshape(1, HID)

    deg = _sc_degree(dst2d, ones_deg, zeros_deg)

    h1 = _tc_call(_tc_matmul_kernel,
                  jax.ShapeDtypeStruct((NPAD, HID), jnp.float32))(x_pad, W1)
    dinv, g1 = _tc_call(
        _tc_prep_kernel,
        (jax.ShapeDtypeStruct((NPAD, 1), jnp.float32),
         jax.ShapeDtypeStruct((NPAD, HID), jnp.float32)))(deg, h1)

    acc1 = _sc_propagate(g1, src2d, dst2d, zeros_tile)
    g2 = _tc_call(_tc_layer_kernel,
                  jax.ShapeDtypeStruct((NPAD, HID), jnp.float32))(
                      acc1, g1, dinv, b1r, W2)
    acc2 = _sc_propagate(g2, src2d, dst2d, zeros_tile)
    g3 = _tc_call(_tc_layer_kernel,
                  jax.ShapeDtypeStruct((NPAD, HID), jnp.float32))(
                      acc2, g2, dinv, b2r, W3)
    acc3 = _sc_propagate(g3, src2d, dst2d, zeros_tile)
    out = _tc_call(_tc_final_kernel,
                   jax.ShapeDtypeStruct((NPAD, HID), jnp.float32))(
                       acc3, g3, dinv, b3r)
    return out[:N_NODES]

# --- scband reference (transcript-rebuilt; emitter-appended) ---
"""Pipeline reference for scband-gcnencoder-27212912787788 (READ-ONLY COPY).

The authoritative reference and input builder live on the scoring server;
editing this copy changes nothing except your own understanding.
"""

import jax, jax.numpy as jnp
import numpy as np

N_NODES = 10000
N_EDGES = 320000
IN_DIM = 128
HID = 64
OUT = 64


def _gcn_conv(x, src, dst, W, b):
    # PyG-style GCNConv: x' = D^{-1/2} (A + I) D^{-1/2} x W + b
    N = x.shape[0]
    deg = jnp.zeros((N,), x.dtype).at[dst].add(1.0)
    dinv = jnp.where(deg > 0, jax.lax.rsqrt(deg), 0.0)
    norm = dinv[src] * dinv[dst]
    h = x @ W
    msg = jnp.take(h, src, axis=0) * norm[:, None]
    out = jnp.zeros((N, W.shape[1]), x.dtype).at[dst].add(msg)
    return out + b


def _forward(x, edge_index, W1, b1, W2, b2, W3, b3):
    N = x.shape[0]
    loop = jnp.arange(N, dtype=edge_index.dtype)
    src = jnp.concatenate([edge_index[0], loop])
    dst = jnp.concatenate([edge_index[1], loop])
    h = _gcn_conv(x, src, dst, W1, b1)
    h = jax.nn.relu(h)
    # dropout is identity in eval mode
    h = _gcn_conv(h, src, dst, W2, b2)
    h = jax.nn.relu(h)
    h = _gcn_conv(h, src, dst, W3, b3)
    return h


def setup_inputs(seed: int = 0):
    key = jax.random.key(seed)
    ks = jax.random.split(key, 8)
    x = jax.random.normal(ks[0], (N_NODES, IN_DIM), jnp.float32)
    edge_index = jax.random.randint(ks[1], (2, N_EDGES), 0, N_NODES, dtype=jnp.int32)

    def glorot(k, fan_in, fan_out):
        s = (6.0 / (fan_in + fan_out)) ** 0.5
        return jax.random.uniform(k, (fan_in, fan_out), jnp.float32, -s, s)

    W1 = glorot(ks[2], IN_DIM, HID)
    b1 = jnp.zeros((HID,), jnp.float32)
    W2 = glorot(ks[3], HID, HID)
    b2 = jnp.zeros((HID,), jnp.float32)
    W3 = glorot(ks[4], HID, OUT)
    b3 = jnp.zeros((OUT,), jnp.float32)
    return {"x": x, "edge_index": edge_index, "W1": W1, "b1": b1, "W2": W2, "b2": b2, "W3": W3, "b3": b3}


def reference(x, edge_index, W1, b1, W2, b2, W3, b3):
    return _forward(x, edge_index, W1, b1, W2, b2, W3, b3)

if __name__ == "__main__":
    import jax
    _d = setup_inputs()
    print(jax.jit(kernel)(*tuple(_d.values())))

</pallas_src>

<mosaic_0001>
#map = affine_map<(d0, d1) -> (0, 0)>
#map1 = affine_map<(d0, d1) -> (0, 0, 0)>
module attributes {stable_mosaic.version = 14 : i64} {
  func.func @_sc_propagate(%arg0: i32, %arg1: i32, %arg2: memref<10240x64xf32, #tpu.memory_space<hbm>>, %arg3: memref<2560x128xi32, #tpu.memory_space<hbm>>, %arg4: memref<2560x128xi32, #tpu.memory_space<hbm>>, %arg5: memref<320x64xf32, #tpu.memory_space<hbm>>, %arg6: memref<2x10240x64xf32, #tpu.memory_space<hbm>>, %arg7: memref<112x128xi32, #tpu.memory_space<vmem>>, %arg8: memref<8x128xi32, #tpu.memory_space<vmem>>, %arg9: memref<512x64xf32, #tpu.memory_space<vmem>>, %arg10: memref<512x64xf32, #tpu.memory_space<vmem>>, %arg11: memref<10240x64xf32, #tpu.memory_space<vmem_shared>>, %arg12: memref<!tpu.dma_semaphore, #tpu.memory_space<semaphore_mem>>, %arg13: memref<!tpu.dma_semaphore, #tpu.memory_space<semaphore_mem>>, %arg14: memref<!tpu.dma_semaphore, #tpu.memory_space<semaphore_mem>>, %arg15: memref<!tpu.dma_semaphore, #tpu.memory_space<semaphore_mem>>, %arg16: memref<!tpu.dma_semaphore, #tpu.memory_space<semaphore_mem>>) attributes {dimension_semantics = [#tpu.dimension_semantics<core_parallel>, #tpu.dimension_semantics<subcore_parallel>], iteration_bounds = array<i64: 2, 16>, scalar_prefetch = 0 : i64, scratch_operands = 10 : i64, tpu.core_type = #tpu.core_type<sc_vector_subcore>, window_params = [{transform_indices = #map}, {transform_indices = #map}, {transform_indices = #map}, {transform_indices = #map}, {transform_indices = #map1}]} {
    %eq3A = arith.constant 0 : i32
    %eq3A_0 = arith.cmpi eq, %arg0, %eq3A : i32
    %mul3A = arith.constant 112 : i32
    %mul3A_1 = arith.muli %arg1, %mul3A : i32
    %mul3A_2 = arith.constant 48 : i32
    %mul3A_3 = arith.muli %arg1, %mul3A_2 : i32
    %add3A = arith.constant 1792 : i32
    %add3A_4 = arith.addi %add3A, %mul3A_3 : i32
    %select_n3A = arith.select %eq3A_0, %mul3A_1, %add3A_4 : i32
    %eq3A_5 = arith.constant 0 : i32
    %eq3A_6 = arith.cmpi eq, %arg0, %eq3A_5 : i32
    %convert_element_type3A = arith.extui %eq3A_6 : i1 to i32
    %cond3A = arith.constant 0 : i32
    %cond3A_7 = arith.cmpi ne, %convert_element_type3A, %cond3A : i32
    scf.if %cond3A_7 {
      "tpu.region"() ({
        %run_scoped3A = tpu.sem_alloc : memref<!tpu.dma_semaphore, #tpu.memory_space<semaphore_mem>>
        %dma_start3A = arith.constant 0 : i32
        %dma_start3A_58 = arith.constant 0 : i32
        %dma_start3A_59 = tpu.memref_slice %arg7[%dma_start3A, %dma_start3A_58] : memref<112x128xi32, #tpu.memory_space<vmem>> -> memref<112x128xi32, #tpu.memory_space<vmem>>
        %dma_start3A_60 = arith.constant 0 : i32
        %dma_start3A_61 = tpu.memref_slice %arg3[%select_n3A, %dma_start3A_60] : memref<2560x128xi32, #tpu.memory_space<hbm>> -> memref<112x128xi32, #tpu.memory_space<hbm>>
        %dma_start3A_62 = arith.constant 0 : i32
        %dma_start3A_63 = arith.constant 0 : i32
        %dma_start3A_64 = tpu.memref_slice %arg7[%dma_start3A_62, %dma_start3A_63] : memref<112x128xi32, #tpu.memory_space<vmem>> -> memref<112x128xi32, #tpu.memory_space<vmem>>
        %dma_start3A_65 = arith.constant 0 : i32
        %dma_start3A_66 = tpu.memref_slice %arg3[%select_n3A, %dma_start3A_65] : memref<2560x128xi32, #tpu.memory_space<hbm>> -> memref<112x128xi32, #tpu.memory_space<hbm>>
        tpu.enqueue_dma source(%dma_start3A_66 : memref<112x128xi32, #tpu.memory_space<hbm>>) target(%dma_start3A_64 : memref<112x128xi32, #tpu.memory_space<vmem>>) target_semaphore(%run_scoped3A : memref<!tpu.dma_semaphore, #tpu.memory_space<semaphore_mem>>)
        %dma_wait3A = arith.constant 0 : i32
        %dma_wait3A_67 = arith.constant 0 : i32
        %dma_wait3A_68 = tpu.memref_slice %arg7[%dma_wait3A, %dma_wait3A_67] : memref<112x128xi32, #tpu.memory_space<vmem>> -> memref<112x128xi32, #tpu.memory_space<vmem>>
        %dma_wait3A_69 = arith.constant 0 : i32
        %dma_wait3A_70 = tpu.memref_slice %arg3[%select_n3A, %dma_wait3A_69] : memref<2560x128xi32, #tpu.memory_space<hbm>> -> memref<112x128xi32, #tpu.memory_space<hbm>>
        %dma_wait3A_71 = arith.constant 0 : i32
        %dma_wait3A_72 = arith.constant 0 : i32
        %dma_wait3A_73 = tpu.memref_slice %arg7[%dma_wait3A_71, %dma_wait3A_72] : memref<112x128xi32, #tpu.memory_space<vmem>> -> memref<112x128xi32, #tpu.memory_space<vmem>>
        %dma_wait3A_74 = arith.constant 0 : i32
        %dma_wait3A_75 = tpu.memref_slice %arg3[%select_n3A, %dma_wait3A_74] : memref<2560x128xi32, #tpu.memory_space<hbm>> -> memref<112x128xi32, #tpu.memory_space<hbm>>
        tpu.wait_dma2 semaphore(%run_scoped3A : memref<!tpu.dma_semaphore, #tpu.memory_space<semaphore_mem>>) src(%dma_wait3A_75 : memref<112x128xi32, #tpu.memory_space<hbm>>) dst(%dma_wait3A_73 : memref<112x128xi32, #tpu.memory_space<vmem>>)
        tpu.yield
      }) : () -> ()
    } else {
    }
    %eq3A_8 = arith.constant 1 : i32
    %eq3A_9 = arith.cmpi eq, %arg0, %eq3A_8 : i32
    %convert_element_type3A_10 = arith.extui %eq3A_9 : i1 to i32
    %cond3A_11 = arith.constant 0 : i32
    %cond3A_12 = arith.cmpi ne, %convert_element_type3A_10, %cond3A_11 : i32
    scf.if %cond3A_12 {
      "tpu.region"() ({
        %run_scoped3A = tpu.sem_alloc : memref<!tpu.dma_semaphore, #tpu.memory_space<semaphore_mem>>
        %dma_start3A = arith.constant 0 : i32
        %dma_start3A_58 = arith.constant 0 : i32
        %dma_start3A_59 = tpu.memref_slice %arg7[%dma_start3A, %dma_start3A_58] : memref<112x128xi32, #tpu.memory_space<vmem>> -> memref<48x128xi32, #tpu.memory_space<vmem>>
        %dma_start3A_60 = arith.constant 0 : i32
        %dma_start3A_61 = tpu.memref_slice %arg3[%select_n3A, %dma_start3A_60] : memref<2560x128xi32, #tpu.memory_space<hbm>> -> memref<48x128xi32, #tpu.memory_space<hbm>>
        %dma_start3A_62 = arith.constant 0 : i32
        %dma_start3A_63 = arith.constant 0 : i32
        %dma_start3A_64 = tpu.memref_slice %arg7[%dma_start3A_62, %dma_start3A_63] : memref<112x128xi32, #tpu.memory_space<vmem>> -> memref<48x128xi32, #tpu.memory_space<vmem>>
        %dma_start3A_65 = arith.constant 0 : i32
        %dma_start3A_66 = tpu.memref_slice %arg3[%select_n3A, %dma_start3A_65] : memref<2560x128xi32, #tpu.memory_space<hbm>> -> memref<48x128xi32, #tpu.memory_space<hbm>>
        tpu.enqueue_dma source(%dma_start3A_66 : memref<48x128xi32, #tpu.memory_space<hbm>>) target(%dma_start3A_64 : memref<48x128xi32, #tpu.memory_space<vmem>>) target_semaphore(%run_scoped3A : memref<!tpu.dma_semaphore, #tpu.memory_space<semaphore_mem>>)
        %dma_wait3A = arith.constant 0 : i32
        %dma_wait3A_67 = arith.constant 0 : i32
        %dma_wait3A_68 = tpu.memref_slice %arg7[%dma_wait3A, %dma_wait3A_67] : memref<112x128xi32, #tpu.memory_space<vmem>> -> memref<48x128xi32, #tpu.memory_space<vmem>>
        %dma_wait3A_69 = arith.constant 0 : i32
        %dma_wait3A_70 = tpu.memref_slice %arg3[%select_n3A, %dma_wait3A_69] : memref<2560x128xi32, #tpu.memory_space<hbm>> -> memref<48x128xi32, #tpu.memory_space<hbm>>
        %dma_wait3A_71 = arith.constant 0 : i32
        %dma_wait3A_72 = arith.constant 0 : i32
        %dma_wait3A_73 = tpu.memref_slice %arg7[%dma_wait3A_71, %dma_wait3A_72] : memref<112x128xi32, #tpu.memory_space<vmem>> -> memref<48x128xi32, #tpu.memory_space<vmem>>
        %dma_wait3A_74 = arith.constant 0 : i32
        %dma_wait3A_75 = tpu.memref_slice %arg3[%select_n3A, %dma_wait3A_74] : memref<2560x128xi32, #tpu.memory_space<hbm>> -> memref<48x128xi32, #tpu.memory_space<hbm>>
        tpu.wait_dma2 semaphore(%run_scoped3A : memref<!tpu.dma_semaphore, #tpu.memory_space<semaphore_mem>>) src(%dma_wait3A_75 : memref<48x128xi32, #tpu.memory_space<hbm>>) dst(%dma_wait3A_73 : memref<48x128xi32, #tpu.memory_space<vmem>>)
        tpu.yield
      }) : () -> ()
    } else {
    }
    %eq3A_13 = arith.constant 0 : i32
    %eq3A_14 = arith.cmpi eq, %arg0, %eq3A_13 : i32
    %jit3A = arith.constant 14 : i32
    %jit3A_15 = arith.constant 6 : i32
    %select_n3A_16 = arith.select %eq3A_14, %jit3A, %jit3A_15 : i32
    "tpu.region"() ({
      %run_scoped3A = tpu.sem_alloc : memref<!tpu.dma_semaphore, #tpu.memory_space<semaphore_mem>>
      %dma_start3A = arith.constant 0 : i32
      %dma_start3A_58 = arith.constant 0 : i32
      %dma_start3A_59 = tpu.memref_slice %arg9[%dma_start3A, %dma_start3A_58] : memref<512x64xf32, #tpu.memory_space<vmem>> -> memref<320x64xf32, #tpu.memory_space<vmem>>
      %dma_start3A_60 = arith.constant 0 : i32
      %dma_start3A_61 = arith.constant 0 : i32
      %dma_start3A_62 = tpu.memref_slice %arg9[%dma_start3A_60, %dma_start3A_61] : memref<512x64xf32, #tpu.memory_space<vmem>> -> memref<320x64xf32, #tpu.memory_space<vmem>>
      tpu.enqueue_dma source(%arg5 : memref<320x64xf32, #tpu.memory_space<hbm>>) target(%dma_start3A_62 : memref<320x64xf32, #tpu.memory_space<vmem>>) target_semaphore(%run_scoped3A : memref<!tpu.dma_semaphore, #tpu.memory_space<semaphore_mem>>)
      %dma_wait3A = arith.constant 0 : i32
      %dma_wait3A_63 = arith.constant 0 : i32
      %dma_wait3A_64 = tpu.memref_slice %arg9[%dma_wait3A, %dma_wait3A_63] : memref<512x64xf32, #tpu.memory_space<vmem>> -> memref<320x64xf32, #tpu.memory_space<vmem>>
      %dma_wait3A_65 = arith.constant 0 : i32
      %dma_wait3A_66 = arith.constant 0 : i32
      %dma_wait3A_67 = tpu.memref_slice %arg9[%dma_wait3A_65, %dma_wait3A_66] : memref<512x64xf32, #tpu.memory_space<vmem>> -> memref<320x64xf32, #tpu.memory_space<vmem>>
      tpu.wait_dma2 semaphore(%run_scoped3A : memref<!tpu.dma_semaphore, #tpu.memory_space<semaphore_mem>>) src(%arg5 : memref<320x64xf32, #tpu.memory_space<hbm>>) dst(%dma_wait3A_67 : memref<320x64xf32, #tpu.memory_space<vmem>>)
      tpu.yield
    }) : () -> ()
    %mul3A_17 = arith.constant 640 : i32
    %mul3A_18 = arith.muli %arg1, %mul3A_17 : i32
    %add3A_19 = arith.constant 0 : i32
    %add3A_20 = arith.addi %mul3A_18, %add3A_19 : i32
    "tpu.region"() ({
      %run_scoped3A = tpu.sem_alloc : memref<!tpu.dma_semaphore, #tpu.memory_space<semaphore_mem>>
      %dma_start3A = arith.constant 0 : i32
      %dma_start3A_58 = arith.constant 0 : i32
      %dma_start3A_59 = tpu.memref_slice %arg9[%dma_start3A, %dma_start3A_58] : memref<512x64xf32, #tpu.memory_space<vmem>> -> memref<320x64xf32, #tpu.memory_space<vmem>>
      %dma_start3A_60 = arith.constant 0 : i32
      %dma_start3A_61 = tpu.memref_slice %arg11[%add3A_20, %dma_start3A_60] : memref<10240x64xf32, #tpu.memory_space<vmem_shared>> -> memref<320x64xf32, #tpu.memory_space<vmem_shared>>
      %dma_start3A_62 = arith.constant 0 : i32
      %dma_start3A_63 = tpu.memref_slice %arg11[%add3A_20, %dma_start3A_62] : memref<10240x64xf32, #tpu.memory_space<vmem_shared>> -> memref<320x64xf32, #tpu.memory_space<vmem_shared>>
      %dma_start3A_64 = arith.constant 0 : i32
      %dma_start3A_65 = arith.constant 0 : i32
      %dma_start3A_66 = tpu.memref_slice %arg9[%dma_start3A_64, %dma_start3A_65] : memref<512x64xf32, #tpu.memory_space<vmem>> -> memref<320x64xf32, #tpu.memory_space<vmem>>
      tpu.enqueue_dma source(%dma_start3A_66 : memref<320x64xf32, #tpu.memory_space<vmem>>) target(%dma_start3A_63 : memref<320x64xf32, #tpu.memory_space<vmem_shared>>) target_semaphore(%run_scoped3A : memref<!tpu.dma_semaphore, #tpu.memory_space<semaphore_mem>>)
      %dma_wait3A = arith.constant 0 : i32
      %dma_wait3A_67 = arith.constant 0 : i32
      %dma_wait3A_68 = tpu.memref_slice %arg9[%dma_wait3A, %dma_wait3A_67] : memref<512x64xf32, #tpu.memory_space<vmem>> -> memref<320x64xf32, #tpu.memory_space<vmem>>
      %dma_wait3A_69 = arith.constant 0 : i32
      %dma_wait3A_70 = tpu.memref_slice %arg11[%add3A_20, %dma_wait3A_69] : memref<10240x64xf32, #tpu.memory_space<vmem_shared>> -> memref<320x64xf32, #tpu.memory_space<vmem_shared>>
      %dma_wait3A_71 = arith.constant 0 : i32
      %dma_wait3A_72 = tpu.memref_slice %arg11[%add3A_20, %dma_wait3A_71] : memref<10240x64xf32, #tpu.memory_space<vmem_shared>> -> memref<320x64xf32, #tpu.memory_space<vmem_shared>>
      %dma_wait3A_73 = arith.constant 0 : i32
      %dma_wait3A_74 = arith.constant 0 : i32
      %dma_wait3A_75 = tpu.memref_slice %arg9[%dma_wait3A_73, %dma_wait3A_74] : memref<512x64xf32, #tpu.memory_space<vmem>> -> memref<320x64xf32, #tpu.memory_space<vmem>>
      tpu.wait_dma2 semaphore(%run_scoped3A : memref<!tpu.dma_semaphore, #tpu.memory_space<semaphore_mem>>) src(%dma_wait3A_75 : memref<320x64xf32, #tpu.memory_space<vmem>>) dst(%dma_wait3A_72 : memref<320x64xf32, #tpu.memory_space<vmem_shared>>)
      tpu.yield
    }) : () -> ()
    %mul3A_21 = arith.constant 640 : i32
    %mul3A_22 = arith.muli %arg1, %mul3A_21 : i32
    %add3A_23 = arith.constant 320 : i32
    %add3A_24 = arith.addi %mul3A_22, %add3A_23 : i32
    "tpu.region"() ({
      %run_scoped3A = tpu.sem_alloc : memref<!tpu.dma_semaphore, #tpu.memory_space<semaphore_mem>>
      %dma_start3A = arith.constant 0 : i32
      %dma_start3A_58 = arith.constant 0 : i32
      %dma_start3A_59 = tpu.memref_slice %arg9[%dma_start3A, %dma_start3A_58] : memref<512x64xf32, #tpu.memory_space<vmem>> -> memref<320x64xf32, #tpu.memory_space<vmem>>
      %dma_start3A_60 = arith.constant 0 : i32
      %dma_start3A_61 = tpu.memref_slice %arg11[%add3A_24, %dma_start3A_60] : memref<10240x64xf32, #tpu.memory_space<vmem_shared>> -> memref<320x64xf32, #tpu.memory_space<vmem_shared>>
      %dma_start3A_62 = arith.constant 0 : i32
      %dma_start3A_63 = tpu.memref_slice %arg11[%add3A_24, %dma_start3A_62] : memref<10240x64xf32, #tpu.memory_space<vmem_shared>> -> memref<320x64xf32, #tpu.memory_space<vmem_shared>>
      %dma_start3A_64 = arith.constant 0 : i32
      %dma_start3A_65 = arith.constant 0 : i32
      %dma_start3A_66 = tpu.memref_slice %arg9[%dma_start3A_64, %dma_start3A_65] : memref<512x64xf32, #tpu.memory_space<vmem>> -> memref<320x64xf32, #tpu.memory_space<vmem>>
      tpu.enqueue_dma source(%dma_start3A_66 : memref<320x64xf32, #tpu.memory_space<vmem>>) target(%dma_start3A_63 : memref<320x64xf32, #tpu.memory_space<vmem_shared>>) target_semaphore(%run_scoped3A : memref<!tpu.dma_semaphore, #tpu.memory_space<semaphore_mem>>)
      %dma_wait3A = arith.constant 0 : i32
      %dma_wait3A_67 = arith.constant 0 : i32
      %dma_wait3A_68 = tpu.memref_slice %arg9[%dma_wait3A, %dma_wait3A_67] : memref<512x64xf32, #tpu.memory_space<vmem>> -> memref<320x64xf32, #tpu.memory_space<vmem>>
      %dma_wait3A_69 = arith.constant 0 : i32
      %dma_wait3A_70 = tpu.memref_slice %arg11[%add3A_24, %dma_wait3A_69] : memref<10240x64xf32, #tpu.memory_space<vmem_shared>> -> memref<320x64xf32, #tpu.memory_space<vmem_shared>>
      %dma_wait3A_71 = arith.constant 0 : i32
      %dma_wait3A_72 = tpu.memref_slice %arg11[%add3A_24, %dma_wait3A_71] : memref<10240x64xf32, #tpu.memory_space<vmem_shared>> -> memref<320x64xf32, #tpu.memory_space<vmem_shared>>
      %dma_wait3A_73 = arith.constant 0 : i32
      %dma_wait3A_74 = arith.constant 0 : i32
      %dma_wait3A_75 = tpu.memref_slice %arg9[%dma_wait3A_73, %dma_wait3A_74] : memref<512x64xf32, #tpu.memory_space<vmem>> -> memref<320x64xf32, #tpu.memory_space<vmem>>
      tpu.wait_dma2 semaphore(%run_scoped3A : memref<!tpu.dma_semaphore, #tpu.memory_space<semaphore_mem>>) src(%dma_wait3A_75 : memref<320x64xf32, #tpu.memory_space<vmem>>) dst(%dma_wait3A_72 : memref<320x64xf32, #tpu.memory_space<vmem_shared>>)
      tpu.yield
    }) : () -> ()
    %barrier3A = arith.constant 0 : index
    tpu.barrier barrier_id(%barrier3A)
    %sub3A = arith.constant 0 : i32
    %sub3A_25 = arith.subi %select_n3A_16, %sub3A : i32
    %sub3A_26 = arith.constant 1 : i32
    %sub3A_27 = arith.constant 1 : i32
    %sub3A_28 = arith.subi %sub3A_26, %sub3A_27 : i32
    %add3A_29 = arith.addi %sub3A_25, %sub3A_28 : i32
    %div3A = arith.constant 1 : i32
    %div3A_30 = arith.divsi %add3A_29, %div3A : i32
    %while3A = arith.constant 1 : i32
    %while3A_31 = arith.constant 0 : i32
    %while3A_32 = arith.constant 0 : i32
    %while3A_33 = arith.subi %div3A_30, %while3A_32 : i32
    %while3A_34 = arith.addi %while3A_32, %while3A_33 : i32
    %while3A_35 = arith.constant 1 : i32
    %while3A_36 = arith.divsi %while3A_33, %while3A_35 : i32
    %while3A_37 = arith.muli %while3A_36, %while3A_35 : i32
    %while3A_38 = arith.addi %while3A_32, %while3A_37 : i32
    %while3A_39 = arith.constant 1 : i32
    scf.for %while3A_58 = %while3A_32 to %while3A_38 step %while3A_39  : i32 {
      %mul3A_59 = arith.muli %while3A_58, %while3A : i32
      %add3A_60 = arith.addi %while3A_31, %mul3A_59 : i32
      %mul3A_61 = arith.constant 2 : i32
      %mul3A_62 = arith.muli %add3A_60, %mul3A_61 : i32
      %mul3A_63 = arith.constant 4 : i32
      %mul3A_64 = arith.muli %mul3A_62, %mul3A_63 : i32
      %add3A_65 = arith.addi %select_n3A, %mul3A_64 : i32
      %dma_start3A = arith.constant 0 : i32
      %dma_start3A_66 = tpu.memref_slice %arg4[%add3A_65, %dma_start3A] : memref<2560x128xi32, #tpu.memory_space<hbm>> -> memref<8x128xi32, #tpu.memory_space<hbm>>
      %dma_start3A_67 = arith.constant 0 : i32
      %dma_start3A_68 = tpu.memref_slice %arg4[%add3A_65, %dma_start3A_67] : memref<2560x128xi32, #tpu.memory_space<hbm>> -> memref<8x128xi32, #tpu.memory_space<hbm>>
      tpu.enqueue_dma source(%dma_start3A_68 : memref<8x128xi32, #tpu.memory_space<hbm>>) target(%arg8 : memref<8x128xi32, #tpu.memory_space<vmem>>) target_semaphore(%arg16 : memref<!tpu.dma_semaphore, #tpu.memory_space<semaphore_mem>>)
      %add3A_69 = arith.constant 0 : i32
      %add3A_70 = arith.addi %mul3A_64, %add3A_69 : i32
      %dma_start3A_71 = arith.constant 0 : i32
      %dma_start3A_72 = arith.constant 0 : i32
      %dma_start3A_73 = tpu.memref_slice %arg9[%dma_start3A_71, %dma_start3A_72] : memref<512x64xf32, #tpu.memory_space<vmem>> -> memref<128x64xf32, #tpu.memory_space<vmem>>
      %dma_start3A_74 = arith.constant 0 : i32
      %dma_start3A_75 = tpu.memref_slice %arg7[%add3A_70, %dma_start3A_74] : memref<112x128xi32, #tpu.memory_space<vmem>> -> memref<1x128xi32, #tpu.memory_space<vmem>>
      %dma_start3A_76 = tpu.memref_squeeze %dma_start3A_75 : memref<1x128xi32, #tpu.memory_space<vmem>> -> memref<128xi32, #tpu.memory_space<vmem>>
      %dma_start3A_77 = arith.constant 0 : i32
      %dma_start3A_78 = arith.constant 0 : i32
      %dma_start3A_79 = tpu.memref_slice %arg2[%dma_start3A_77, %dma_start3A_78] : memref<10240x64xf32, #tpu.memory_space<hbm>> -> memref<10240x64xf32, #tpu.memory_space<hbm>>
      tpu.enqueue_indirect_dma source(%dma_start3A_79 : memref<10240x64xf32, #tpu.memory_space<hbm>>) target(%dma_start3A_73 : memref<128x64xf32, #tpu.memory_space<vmem>>) offsets(%dma_start3A_76 : memref<128xi32, #tpu.memory_space<vmem>>) semaphore(%arg12 : memref<!tpu.dma_semaphore, #tpu.memory_space<semaphore_mem>>)
      %add3A_80 = arith.constant 1 : i32
      %add3A_81 = arith.addi %mul3A_64, %add3A_80 : i32
      %dma_start3A_82 = arith.constant 128 : i32
      %dma_start3A_83 = arith.constant 0 : i32
      %dma_start3A_84 = tpu.memref_slice %arg9[%dma_start3A_82, %dma_start3A_83] : memref<512x64xf32, #tpu.memory_space<vmem>> -> memref<128x64xf32, #tpu.memory_space<vmem>>
      %dma_start3A_85 = arith.constant 0 : i32
      %dma_start3A_86 = tpu.memref_slice %arg7[%add3A_81, %dma_start3A_85] : memref<112x128xi32, #tpu.memory_space<vmem>> -> memref<1x128xi32, #tpu.memory_space<vmem>>
      %dma_start3A_87 = tpu.memref_squeeze %dma_start3A_86 : memref<1x128xi32, #tpu.memory_space<vmem>> -> memref<128xi32, #tpu.memory_space<vmem>>
      %dma_start3A_88 = arith.constant 0 : i32
      %dma_start3A_89 = arith.constant 0 : i32
      %dma_start3A_90 = tpu.memref_slice %arg2[%dma_start3A_88, %dma_start3A_89] : memref<10240x64xf32, #tpu.memory_space<hbm>> -> memref<10240x64xf32, #tpu.memory_space<hbm>>
      tpu.enqueue_indirect_dma source(%dma_start3A_90 : memref<10240x64xf32, #tpu.memory_space<hbm>>) target(%dma_start3A_84 : memref<128x64xf32, #tpu.memory_space<vmem>>) offsets(%dma_start3A_87 : memref<128xi32, #tpu.memory_space<vmem>>) semaphore(%arg12 : memref<!tpu.dma_semaphore, #tpu.memory_space<semaphore_mem>>)
      %add3A_91 = arith.constant 2 : i32
      %add3A_92 = arith.addi %mul3A_64, %add3A_91 : i32
      %dma_start3A_93 = arith.constant 256 : i32
      %dma_start3A_94 = arith.constant 0 : i32
      %dma_start3A_95 = tpu.memref_slice %arg9[%dma_start3A_93, %dma_start3A_94] : memref<512x64xf32, #tpu.memory_space<vmem>> -> memref<128x64xf32, #tpu.memory_space<vmem>>
      %dma_start3A_96 = arith.constant 0 : i32
      %dma_start3A_97 = tpu.memref_slice %arg7[%add3A_92, %dma_start3A_96] : memref<112x128xi32, #tpu.memory_space<vmem>> -> memref<1x128xi32, #tpu.memory_space<vmem>>
      %dma_start3A_98 = tpu.memref_squeeze %dma_start3A_97 : memref<1x128xi32, #tpu.memory_space<vmem>> -> memref<128xi32, #tpu.memory_space<vmem>>
      %dma_start3A_99 = arith.constant 0 : i32
      %dma_start3A_100 = arith.constant 0 : i32
      %dma_start3A_101 = tpu.memref_slice %arg2[%dma_start3A_99, %dma_start3A_100] : memref<10240x64xf32, #tpu.memory_space<hbm>> -> memref<10240x64xf32, #tpu.memory_space<hbm>>
      tpu.enqueue_indirect_dma source(%dma_start3A_101 : memref<10240x64xf32, #tpu.memory_space<hbm>>) target(%dma_start3A_95 : memref<128x64xf32, #tpu.memory_space<vmem>>) offsets(%dma_start3A_98 : memref<128xi32, #tpu.memory_space<vmem>>) semaphore(%arg12 : memref<!tpu.dma_semaphore, #tpu.memory_space<semaphore_mem>>)
      %add3A_102 = arith.constant 3 : i32
      %add3A_103 = arith.addi %mul3A_64, %add3A_102 : i32
      %dma_start3A_104 = arith.constant 384 : i32
      %dma_start3A_105 = arith.constant 0 : i32
      %dma_start3A_106 = tpu.memref_slice %arg9[%dma_start3A_104, %dma_start3A_105] : memref<512x64xf32, #tpu.memory_space<vmem>> -> memref<128x64xf32, #tpu.memory_space<vmem>>
      %dma_start3A_107 = arith.constant 0 : i32
      %dma_start3A_108 = tpu.memref_slice %arg7[%add3A_103, %dma_start3A_107] : memref<112x128xi32, #tpu.memory_space<vmem>> -> memref<1x128xi32, #tpu.memory_space<vmem>>
      %dma_start3A_109 = tpu.memref_squeeze %dma_start3A_108 : memref<1x128xi32, #tpu.memory_space<vmem>> -> memref<128xi32, #tpu.memory_space<vmem>>
      %dma_start3A_110 = arith.constant 0 : i32
      %dma_start3A_111 = arith.constant 0 : i32
      %dma_start3A_112 = tpu.memref_slice %arg2[%dma_start3A_110, %dma_start3A_111] : memref<10240x64xf32, #tpu.memory_space<hbm>> -> memref<10240x64xf32, #tpu.memory_space<hbm>>
      tpu.enqueue_indirect_dma source(%dma_start3A_112 : memref<10240x64xf32, #tpu.memory_space<hbm>>) target(%dma_start3A_106 : memref<128x64xf32, #tpu.memory_space<vmem>>) offsets(%dma_start3A_109 : memref<128xi32, #tpu.memory_space<vmem>>) semaphore(%arg12 : memref<!tpu.dma_semaphore, #tpu.memory_space<semaphore_mem>>)
      %add3A_113 = arith.constant 4 : i32
      %add3A_114 = arith.addi %mul3A_64, %add3A_113 : i32
      %add3A_115 = arith.constant 0 : i32
      %add3A_116 = arith.addi %add3A_114, %add3A_115 : i32
      %dma_start3A_117 = arith.constant 0 : i32
      %dma_start3A_118 = arith.constant 0 : i32
      %dma_start3A_119 = tpu.memref_slice %arg10[%dma_start3A_117, %dma_start3A_118] : memref<512x64xf32, #tpu.memory_space<vmem>> -> memref<128x64xf32, #tpu.memory_space<vmem>>
      %dma_start3A_120 = arith.constant 0 : i32
      %dma_start3A_121 = tpu.memref_slice %arg7[%add3A_116, %dma_start3A_120] : memref<112x128xi32, #tpu.memory_space<vmem>> -> memref<1x128xi32, #tpu.memory_space<vmem>>
      %dma_start3A_122 = tpu.memref_squeeze %dma_start3A_121 : memref<1x128xi32, #tpu.memory_space<vmem>> -> memref<128xi32, #tpu.memory_space<vmem>>
      %dma_start3A_123 = arith.constant 0 : i32
      %dma_start3A_124 = arith.constant 0 : i32
      %dma_start3A_125 = tpu.memref_slice %arg2[%dma_start3A_123, %dma_start3A_124] : memref<10240x64xf32, #tpu.memory_space<hbm>> -> memref<10240x64xf32, #tpu.memory_space<hbm>>
      tpu.enqueue_indirect_dma source(%dma_start3A_125 : memref<10240x64xf32, #tpu.memory_space<hbm>>) target(%dma_start3A_119 : memref<128x64xf32, #tpu.memory_space<vmem>>) offsets(%dma_start3A_122 : memref<128xi32, #tpu.memory_space<vmem>>) semaphore(%arg13 : memref<!tpu.dma_semaphore, #tpu.memory_space<semaphore_mem>>)
      %add3A_126 = arith.constant 4 : i32
      %add3A_127 = arith.addi %mul3A_64, %add3A_126 : i32
      %add3A_128 = arith.constant 1 : i32
      %add3A_129 = arith.addi %add3A_127, %add3A_128 : i32
      %dma_start3A_130 = arith.constant 128 : i32
      %dma_start3A_131 = arith.constant 0 : i32
      %dma_start3A_132 = tpu.memref_slice %arg10[%dma_start3A_130, %dma_start3A_131] : memref<512x64xf32, #tpu.memory_space<vmem>> -> memref<128x64xf32, #tpu.memory_space<vmem>>
      %dma_start3A_133 = arith.constant 0 : i32
      %dma_start3A_134 = tpu.memref_slice %arg7[%add3A_129, %dma_start3A_133] : memref<112x128xi32, #tpu.memory_space<vmem>> -> memref<1x128xi32, #tpu.memory_space<vmem>>
      %dma_start3A_135 = tpu.memref_squeeze %dma_start3A_134 : memref<1x128xi32, #tpu.memory_space<vmem>> -> memref<128xi32, #tpu.memory_space<vmem>>
      %dma_start3A_136 = arith.constant 0 : i32
      %dma_start3A_137 = arith.constant 0 : i32
      %dma_start3A_138 = tpu.memref_slice %arg2[%dma_start3A_136, %dma_start3A_137] : memref<10240x64xf32, #tpu.memory_space<hbm>> -> memref<10240x64xf32, #tpu.memory_space<hbm>>
      tpu.enqueue_indirect_dma source(%dma_start3A_138 : memref<10240x64xf32, #tpu.memory_space<hbm>>) target(%dma_start3A_132 : memref<128x64xf32, #tpu.memory_space<vmem>>) offsets(%dma_start3A_135 : memref<128xi32, #tpu.memory_space<vmem>>) semaphore(%arg13 : memref<!tpu.dma_semaphore, #tpu.memory_space<semaphore_mem>>)
      %add3A_139 = arith.constant 4 : i32
      %add3A_140 = arith.addi %mul3A_64, %add3A_139 : i32
      %add3A_141 = arith.constant 2 : i32
      %add3A_142 = arith.addi %add3A_140, %add3A_141 : i32
      %dma_start3A_143 = arith.constant 256 : i32
      %dma_start3A_144 = arith.constant 0 : i32
      %dma_start3A_145 = tpu.memref_slice %arg10[%dma_start3A_143, %dma_start3A_144] : memref<512x64xf32, #tpu.memory_space<vmem>> -> memref<128x64xf32, #tpu.memory_space<vmem>>
      %dma_start3A_146 = arith.constant 0 : i32
      %dma_start3A_147 = tpu.memref_slice %arg7[%add3A_142, %dma_start3A_146] : memref<112x128xi32, #tpu.memory_space<vmem>> -> memref<1x128xi32, #tpu.memory_space<vmem>>
      %dma_start3A_148 = tpu.memref_squeeze %dma_start3A_147 : memref<1x128xi32, #tpu.memory_space<vmem>> -> memref<128xi32, #tpu.memory_space<vmem>>
      %dma_start3A_149 = arith.constant 0 : i32
      %dma_start3A_150 = arith.constant 0 : i32
      %dma_start3A_151 = tpu.memref_slice %arg2[%dma_start3A_149, %dma_start3A_150] : memref<10240x64xf32, #tpu.memory_space<hbm>> -> memref<10240x64xf32, #tpu.memory_space<hbm>>
      tpu.enqueue_indirect_dma source(%dma_start3A_151 : memref<10240x64xf32, #tpu.memory_space<hbm>>) target(%dma_start3A_145 : memref<128x64xf32, #tpu.memory_space<vmem>>) offsets(%dma_start3A_148 : memref<128xi32, #tpu.memory_space<vmem>>) semaphore(%arg13 : memref<!tpu.dma_semaphore, #tpu.memory_space<semaphore_mem>>)
      %add3A_152 = arith.constant 4 : i32
      %add3A_153 = arith.addi %mul3A_64, %add3A_152 : i32
      %add3A_154 = arith.constant 3 : i32
      %add3A_155 = arith.addi %add3A_153, %add3A_154 : i32
      %dma_start3A_156 = arith.constant 384 : i32
      %dma_start3A_157 = arith.constant 0 : i32
      %dma_start3A_158 = tpu.memref_slice %arg10[%dma_start3A_156, %dma_start3A_157] : memref<512x64xf32, #tpu.memory_space<vmem>> -> memref<128x64xf32, #tpu.memory_space<vmem>>
      %dma_start3A_159 = arith.constant 0 : i32
      %dma_start3A_160 = tpu.memref_slice %arg7[%add3A_155, %dma_start3A_159] : memref<112x128xi32, #tpu.memory_space<vmem>> -> memref<1x128xi32, #tpu.memory_space<vmem>>
      %dma_start3A_161 = tpu.memref_squeeze %dma_start3A_160 : memref<1x128xi32, #tpu.memory_space<vmem>> -> memref<128xi32, #tpu.memory_space<vmem>>
      %dma_start3A_162 = arith.constant 0 : i32
      %dma_start3A_163 = arith.constant 0 : i32
      %dma_start3A_164 = tpu.memref_slice %arg2[%dma_start3A_162, %dma_start3A_163] : memref<10240x64xf32, #tpu.memory_space<hbm>> -> memref<10240x64xf32, #tpu.memory_space<hbm>>
      tpu.enqueue_indirect_dma source(%dma_start3A_164 : memref<10240x64xf32, #tpu.memory_space<hbm>>) target(%dma_start3A_158 : memref<128x64xf32, #tpu.memory_space<vmem>>) offsets(%dma_start3A_161 : memref<128xi32, #tpu.memory_space<vmem>>) semaphore(%arg13 : memref<!tpu.dma_semaphore, #tpu.memory_space<semaphore_mem>>)
      %dma_wait3A = arith.constant 0 : i32
      %dma_wait3A_165 = arith.constant 0 : i32
      %dma_wait3A_166 = tpu.memref_slice %arg9[%dma_wait3A, %dma_wait3A_165] : memref<512x64xf32, #tpu.memory_space<vmem>> -> memref<128x64xf32, #tpu.memory_space<vmem>>
      %dma_wait3A_167 = arith.constant 0 : i32
      %dma_wait3A_168 = tpu.memref_slice %arg7[%add3A_70, %dma_wait3A_167] : memref<112x128xi32, #tpu.memory_space<vmem>> -> memref<1x128xi32, #tpu.memory_space<vmem>>
      %dma_wait3A_169 = tpu.memref_squeeze %dma_wait3A_168 : memref<1x128xi32, #tpu.memory_space<vmem>> -> memref<128xi32, #tpu.memory_space<vmem>>
      %dma_wait3A_170 = arith.constant 0 : i32
      %dma_wait3A_171 = arith.constant 0 : i32
      %dma_wait3A_172 = tpu.memref_slice %arg2[%dma_wait3A_170, %dma_wait3A_171] : memref<10240x64xf32, #tpu.memory_space<hbm>> -> memref<10240x64xf32, #tpu.memory_space<hbm>>
      tpu.wait_indirect_dma semaphore(%arg12 : memref<!tpu.dma_semaphore, #tpu.memory_space<semaphore_mem>>) src(%dma_wait3A_172 : memref<10240x64xf32, #tpu.memory_space<hbm>>) dst(%dma_wait3A_166 : memref<128x64xf32, #tpu.memory_space<vmem>>)
      %dma_wait3A_173 = arith.constant 128 : i32
      %dma_wait3A_174 = arith.constant 0 : i32
      %dma_wait3A_175 = tpu.memref_slice %arg9[%dma_wait3A_173, %dma_wait3A_174] : memref<512x64xf32, #tpu.memory_space<vmem>> -> memref<128x64xf32, #tpu.memory_space<vmem>>
      %dma_wait3A_176 = arith.constant 0 : i32
      %dma_wait3A_177 = tpu.memref_slice %arg7[%add3A_81, %dma_wait3A_176] : memref<112x128xi32, #tpu.memory_space<vmem>> -> memref<1x128xi32, #tpu.memory_space<vmem>>
      %dma_wait3A_178 = tpu.memref_squeeze %dma_wait3A_177 : memref<1x128xi32, #tpu.memory_space<vmem>> -> memref<128xi32, #tpu.memory_space<vmem>>
      %dma_wait3A_179 = arith.constant 0 : i32
      %dma_wait3A_180 = arith.constant 0 : i32
      %dma_wait3A_181 = tpu.memref_slice %arg2[%dma_wait3A_179, %dma_wait3A_180] : memref<10240x64xf32, #tpu.memory_space<hbm>> -> memref<10240x64xf32, #tpu.memory_space<hbm>>
      tpu.wait_indirect_dma semaphore(%arg12 : memref<!tpu.dma_semaphore, #tpu.memory_space<semaphore_mem>>) src(%dma_wait3A_181 : memref<10240x64xf32, #tpu.memory_space<hbm>>) dst(%dma_wait3A_175 : memref<128x64xf32, #tpu.memory_space<vmem>>)
      %dma_wait3A_182 = arith.constant 256 : i32
      %dma_wait3A_183 = arith.constant 0 : i32
      %dma_wait3A_184 = tpu.memref_slice %arg9[%dma_wait3A_182, %dma_wait3A_183] : memref<512x64xf32, #tpu.memory_space<vmem>> -> memref<128x64xf32, #tpu.memory_space<vmem>>
      %dma_wait3A_185 = arith.constant 0 : i32
      %dma_wait3A_186 = tpu.memref_slice %arg7[%add3A_92, %dma_wait3A_185] : memref<112x128xi32, #tpu.memory_space<vmem>> -> memref<1x128xi32, #tpu.memory_space<vmem>>
      %dma_wait3A_187 = tpu.memref_squeeze %dma_wait3A_186 : memref<1x128xi32, #tpu.memory_space<vmem>> -> memref<128xi32, #tpu.memory_space<vmem>>
      %dma_wait3A_188 = arith.constant 0 : i32
      %dma_wait3A_189 = arith.constant 0 : i32
      %dma_wait3A_190 = tpu.memref_slice %arg2[%dma_wait3A_188, %dma_wait3A_189] : memref<10240x64xf32, #tpu.memory_space<hbm>> -> memref<10240x64xf32, #tpu.memory_space<hbm>>
      tpu.wait_indirect_dma semaphore(%arg12 : memref<!tpu.dma_semaphore, #tpu.memory_space<semaphore_mem>>) src(%dma_wait3A_190 : memref<10240x64xf32, #tpu.memory_space<hbm>>) dst(%dma_wait3A_184 : memref<128x64xf32, #tpu.memory_space<vmem>>)
      %dma_wait3A_191 = arith.constant 384 : i32
      %dma_wait3A_192 = arith.constant 0 : i32
      %dma_wait3A_193 = tpu.memref_slice %arg9[%dma_wait3A_191, %dma_wait3A_192] : memref<512x64xf32, #tpu.memory_space<vmem>> -> memref<128x64xf32, #tpu.memory_space<vmem>>
      %dma_wait3A_194 = arith.constant 0 : i32
      %dma_wait3A_195 = tpu.memref_slice %arg7[%add3A_103, %dma_wait3A_194] : memref<112x128xi32, #tpu.memory_space<vmem>> -> memref<1x128xi32, #tpu.memory_space<vmem>>
      %dma_wait3A_196 = tpu.memref_squeeze %dma_wait3A_195 : memref<1x128xi32, #tpu.memory_space<vmem>> -> memref<128xi32, #tpu.memory_space<vmem>>
      %dma_wait3A_197 = arith.constant 0 : i32
      %dma_wait3A_198 = arith.constant 0 : i32
      %dma_wait3A_199 = tpu.memref_slice %arg2[%dma_wait3A_197, %dma_wait3A_198] : memref<10240x64xf32, #tpu.memory_space<hbm>> -> memref<10240x64xf32, #tpu.memory_space<hbm>>
      tpu.wait_indirect_dma semaphore(%arg12 : memref<!tpu.dma_semaphore, #tpu.memory_space<semaphore_mem>>) src(%dma_wait3A_199 : memref<10240x64xf32, #tpu.memory_space<hbm>>) dst(%dma_wait3A_193 : memref<128x64xf32, #tpu.memory_space<vmem>>)
      %dma_wait3A_200 = arith.constant 0 : i32
      %dma_wait3A_201 = tpu.memref_slice %arg4[%add3A_65, %dma_wait3A_200] : memref<2560x128xi32, #tpu.memory_space<hbm>> -> memref<8x128xi32, #tpu.memory_space<hbm>>
      %dma_wait3A_202 = arith.constant 0 : i32
      %dma_wait3A_203 = tpu.memref_slice %arg4[%add3A_65, %dma_wait3A_202] : memref<2560x128xi32, #tpu.memory_space<hbm>> -> memref<8x128xi32, #tpu.memory_space<hbm>>
      tpu.wait_dma2 semaphore(%arg16 : memref<!tpu.dma_semaphore, #tpu.memory_space<semaphore_mem>>) src(%dma_wait3A_203 : memref<8x128xi32, #tpu.memory_space<hbm>>) dst(%arg8 : memref<8x128xi32, #tpu.memory_space<vmem>>)
      %dma_start3A_204 = arith.constant 0 : i32
      %dma_start3A_205 = arith.constant 0 : i32
      %dma_start3A_206 = arith.constant 0 : i32
      %dma_start3A_207 = tpu.memref_slice %arg9[%dma_start3A_205, %dma_start3A_206] : memref<512x64xf32, #tpu.memory_space<vmem>> -> memref<128x64xf32, #tpu.memory_space<vmem>>
      %dma_start3A_208 = arith.constant 0 : i32
      %dma_start3A_209 = tpu.memref_slice %arg8[%dma_start3A_204, %dma_start3A_208] : memref<8x128xi32, #tpu.memory_space<vmem>> -> memref<1x128xi32, #tpu.memory_space<vmem>>
      %dma_start3A_210 = tpu.memref_squeeze %dma_start3A_209 : memref<1x128xi32, #tpu.memory_space<vmem>> -> memref<128xi32, #tpu.memory_space<vmem>>
      %dma_start3A_211 = arith.constant 0 : i32
      %dma_start3A_212 = arith.constant 0 : i32
      %dma_start3A_213 = tpu.memref_slice %arg11[%dma_start3A_211, %dma_start3A_212] : memref<10240x64xf32, #tpu.memory_space<vmem_shared>> -> memref<10240x64xf32, #tpu.memory_space<vmem_shared>>
      tpu.enqueue_indirect_dma source(%dma_start3A_207 : memref<128x64xf32, #tpu.memory_space<vmem>>) target(%dma_start3A_213 : memref<10240x64xf32, #tpu.memory_space<vmem_shared>>) offsets(%dma_start3A_210 : memref<128xi32, #tpu.memory_space<vmem>>) semaphore(%arg14 : memref<!tpu.dma_semaphore, #tpu.memory_space<semaphore_mem>>) {add = true}
      %dma_start3A_214 = arith.constant 1 : i32
      %dma_start3A_215 = arith.constant 128 : i32
      %dma_start3A_216 = arith.constant 0 : i32
      %dma_start3A_217 = tpu.memref_slice %arg9[%dma_start3A_215, %dma_start3A_216] : memref<512x64xf32, #tpu.memory_space<vmem>> -> memref<128x64xf32, #tpu.memory_space<vmem>>
      %dma_start3A_218 = arith.constant 0 : i32
      %dma_start3A_219 = tpu.memref_slice %arg8[%dma_start3A_214, %dma_start3A_218] : memref<8x128xi32, #tpu.memory_space<vmem>> -> memref<1x128xi32, #tpu.memory_space<vmem>>
      %dma_start3A_220 = tpu.memref_squeeze %dma_start3A_219 : memref<1x128xi32, #tpu.memory_space<vmem>> -> memref<128xi32, #tpu.memory_space<vmem>>
      %dma_start3A_221 = arith.constant 0 : i32
      %dma_start3A_222 = arith.constant 0 : i32
      %dma_start3A_223 = tpu.memref_slice %arg11[%dma_start3A_221, %dma_start3A_222] : memref<10240x64xf32, #tpu.memory_space<vmem_shared>> -> memref<10240x64xf32, #tpu.memory_space<vmem_shared>>
      tpu.enqueue_indirect_dma source(%dma_start3A_217 : memref<128x64xf32, #tpu.memory_space<vmem>>) target(%dma_start3A_223 : memref<10240x64xf32, #tpu.memory_space<vmem_shared>>) offsets(%dma_start3A_220 : memref<128xi32, #tpu.memory_space<vmem>>) semaphore(%arg14 : memref<!tpu.dma_semaphore, #tpu.memory_space<semaphore_mem>>) {add = true}
      %dma_start3A_224 = arith.constant 2 : i32
      %dma_start3A_225 = arith.constant 256 : i32
      %dma_start3A_226 = arith.constant 0 : i32
      %dma_start3A_227 = tpu.memref_slice %arg9[%dma_start3A_225, %dma_start3A_226] : memref<512x64xf32, #tpu.memory_space<vmem>> -> memref<128x64xf32, #tpu.memory_space<vmem>>
      %dma_start3A_228 = arith.constant 0 : i32
      %dma_start3A_229 = tpu.memref_slice %arg8[%dma_start3A_224, %dma_start3A_228] : memref<8x128xi32, #tpu.memory_space<vmem>> -> memref<1x128xi32, #tpu.memory_space<vmem>>
      %dma_start3A_230 = tpu.memref_squeeze %dma_start3A_229 : memref<1x128xi32, #tpu.memory_space<vmem>> -> memref<128xi32, #tpu.memory_space<vmem>>
      %dma_start3A_231 = arith.constant 0 : i32
      %dma_start3A_232 = arith.constant 0 : i32
      %dma_start3A_233 = tpu.memref_slice %arg11[%dma_start3A_231, %dma_start3A_232] : memref<10240x64xf32, #tpu.memory_space<vmem_shared>> -> memref<10240x64xf32, #tpu.memory_space<vmem_shared>>
      tpu.enqueue_indirect_dma source(%dma_start3A_227 : memref<128x64xf32, #tpu.memory_space<vmem>>) target(%dma_start3A_233 : memref<10240x64xf32, #tpu.memory_space<vmem_shared>>) offsets(%dma_start3A_230 : memref<128xi32, #tpu.memory_space<vmem>>) semaphore(%arg14 : memref<!tpu.dma_semaphore, #tpu.memory_space<semaphore_mem>>) {add = true}
      %dma_start3A_234 = arith.constant 3 : i32
      %dma_start3A_235 = arith.constant 384 : i32
      %dma_start3A_236 = arith.constant 0 : i32
      %dma_start3A_237 = tpu.memref_slice %arg9[%dma_start3A_235, %dma_start3A_236] : memref<512x64xf32, #tpu.memory_space<vmem>> -> memref<128x64xf32, #tpu.memory_space<vmem>>
      %dma_start3A_238 = arith.constant 0 : i32
      %dma_start3A_239 = tpu.memref_slice %arg8[%dma_start3A_234, %dma_start3A_238] : memref<8x128xi32, #tpu.memory_space<vmem>> -> memref<1x128xi32, #tpu.memory_space<vmem>>
      %dma_start3A_240 = tpu.memref_squeeze %dma_start3A_239 : memref<1x128xi32, #tpu.memory_space<vmem>> -> memref<128xi32, #tpu.memory_space<vmem>>
      %dma_start3A_241 = arith.constant 0 : i32
      %dma_start3A_242 = arith.constant 0 : i32
      %dma_start3A_243 = tpu.memref_slice %arg11[%dma_start3A_241, %dma_start3A_242] : memref<10240x64xf32, #tpu.memory_space<vmem_shared>> -> memref<10240x64xf32, #tpu.memory_space<vmem_shared>>
      tpu.enqueue_indirect_dma source(%dma_start3A_237 : memref<128x64xf32, #tpu.memory_space<vmem>>) target(%dma_start3A_243 : memref<10240x64xf32, #tpu.memory_space<vmem_shared>>) offsets(%dma_start3A_240 : memref<128xi32, #tpu.memory_space<vmem>>) semaphore(%arg14 : memref<!tpu.dma_semaphore, #tpu.memory_space<semaphore_mem>>) {add = true}
      %dma_wait3A_244 = arith.constant 0 : i32
      %dma_wait3A_245 = arith.constant 0 : i32
      %dma_wait3A_246 = tpu.memref_slice %arg10[%dma_wait3A_244, %dma_wait3A_245] : memref<512x64xf32, #tpu.memory_space<vmem>> -> memref<128x64xf32, #tpu.memory_space<vmem>>
      %dma_wait3A_247 = arith.constant 0 : i32
      %dma_wait3A_248 = tpu.memref_slice %arg7[%add3A_116, %dma_wait3A_247] : memref<112x128xi32, #tpu.memory_space<vmem>> -> memref<1x128xi32, #tpu.memory_space<vmem>>
      %dma_wait3A_249 = tpu.memref_squeeze %dma_wait3A_248 : memref<1x128xi32, #tpu.memory_space<vmem>> -> memref<128xi32, #tpu.memory_space<vmem>>
      %dma_wait3A_250 = arith.constant 0 : i32
      %dma_wait3A_251 = arith.constant 0 : i32
      %dma_wait3A_252 = tpu.memref_slice %arg2[%dma_wait3A_250, %dma_wait3A_251] : memref<10240x64xf32, #tpu.memory_space<hbm>> -> memref<10240x64xf32, #tpu.memory_space<hbm>>
      tpu.wait_indirect_dma semaphore(%arg13 : memref<!tpu.dma_semaphore, #tpu.memory_space<semaphore_mem>>) src(%dma_wait3A_252 : memref<10240x64xf32, #tpu.memory_space<hbm>>) dst(%dma_wait3A_246 : memref<128x64xf32, #tpu.memory_space<vmem>>)
      %dma_wait3A_253 = arith.constant 128 : i32
      %dma_wait3A_254 = arith.constant 0 : i32
      %dma_wait3A_255 = tpu.memref_slice %arg10[%dma_wait3A_253, %dma_wait3A_254] : memref<512x64xf32, #tpu.memory_space<vmem>> -> memref<128x64xf32, #tpu.memory_space<vmem>>
      %dma_wait3A_256 = arith.constant 0 : i32
      %dma_wait3A_257 = tpu.memref_slice %arg7[%add3A_129, %dma_wait3A_256] : memref<112x128xi32, #tpu.memory_space<vmem>> -> memref<1x128xi32, #tpu.memory_space<vmem>>
      %dma_wait3A_258 = tpu.memref_squeeze %dma_wait3A_257 : memref<1x128xi32, #tpu.memory_space<vmem>> -> memref<128xi32, #tpu.memory_space<vmem>>
      %dma_wait3A_259 = arith.constant 0 : i32
      %dma_wait3A_260 = arith.constant 0 : i32
      %dma_wait3A_261 = tpu.memref_slice %arg2[%dma_wait3A_259, %dma_wait3A_260] : memref<10240x64xf32, #tpu.memory_space<hbm>> -> memref<10240x64xf32, #tpu.memory_space<hbm>>
      tpu.wait_indirect_dma semaphore(%arg13 : memref<!tpu.dma_semaphore, #tpu.memory_space<semaphore_mem>>) src(%dma_wait3A_261 : memref<10240x64xf32, #tpu.memory_space<hbm>>) dst(%dma_wait3A_255 : memref<128x64xf32, #tpu.memory_space<vmem>>)
      %dma_wait3A_262 = arith.constant 256 : i32
      %dma_wait3A_263 = arith.constant 0 : i32
      %dma_wait3A_264 = tpu.memref_slice %arg10[%dma_wait3A_262, %dma_wait3A_263] : memref<512x64xf32, #tpu.memory_space<vmem>> -> memref<128x64xf32, #tpu.memory_space<vmem>>
      %dma_wait3A_265 = arith.constant 0 : i32
      %dma_wait3A_266 = tpu.memref_slice %arg7[%add3A_142, %dma_wait3A_265] : memref<112x128xi32, #tpu.memory_space<vmem>> -> memref<1x128xi32, #tpu.memory_space<vmem>>
      %dma_wait3A_267 = tpu.memref_squeeze %dma_wait3A_266 : memref<1x128xi32, #tpu.memory_space<vmem>> -> memref<128xi32, #tpu.memory_space<vmem>>
      %dma_wait3A_268 = arith.constant 0 : i32
      %dma_wait3A_269 = arith.constant 0 : i32
      %dma_wait3A_270 = tpu.memref_slice %arg2[%dma_wait3A_268, %dma_wait3A_269] : memref<10240x64xf32, #tpu.memory_space<hbm>> -> memref<10240x64xf32, #tpu.memory_space<hbm>>
      tpu.wait_indirect_dma semaphore(%arg13 : memref<!tpu.dma_semaphore, #tpu.memory_space<semaphore_mem>>) src(%dma_wait3A_270 : memref<10240x64xf32, #tpu.memory_space<hbm>>) dst(%dma_wait3A_264 : memref<128x64xf32, #tpu.memory_space<vmem>>)
      %dma_wait3A_271 = arith.constant 384 : i32
      %dma_wait3A_272 = arith.constant 0 : i32
      %dma_wait3A_273 = tpu.memref_slice %arg10[%dma_wait3A_271, %dma_wait3A_272] : memref<512x64xf32, #tpu.memory_space<vmem>> -> memref<128x64xf32, #tpu.memory_space<vmem>>
      %dma_wait3A_274 = arith.constant 0 : i32
      %dma_wait3A_275 = tpu.memref_slice %arg7[%add3A_155, %dma_wait3A_274] : memref<112x128xi32, #tpu.memory_space<vmem>> -> memref<1x128xi32, #tpu.memory_space<vmem>>
      %dma_wait3A_276 = tpu.memref_squeeze %dma_wait3A_275 : memref<1x128xi32, #tpu.memory_space<vmem>> -> memref<128xi32, #tpu.memory_space<vmem>>
      %dma_wait3A_277 = arith.constant 0 : i32
      %dma_wait3A_278 = arith.constant 0 : i32
      %dma_wait3A_279 = tpu.memref_slice %arg2[%dma_wait3A_277, %dma_wait3A_278] : memref<10240x64xf32, #tpu.memory_space<hbm>> -> memref<10240x64xf32, #tpu.memory_space<hbm>>
      tpu.wait_indirect_dma semaphore(%arg13 : memref<!tpu.dma_semaphore, #tpu.memory_space<semaphore_mem>>) src(%dma_wait3A_279 : memref<10240x64xf32, #tpu.memory_space<hbm>>) dst(%dma_wait3A_273 : memref<128x64xf32, #tpu.memory_space<vmem>>)
      %dma_start3A_280 = arith.constant 4 : i32
      %dma_start3A_281 = arith.constant 0 : i32
      %dma_start3A_282 = arith.constant 0 : i32
      %dma_start3A_283 = tpu.memref_slice %arg10[%dma_start3A_281, %dma_start3A_282] : memref<512x64xf32, #tpu.memory_space<vmem>> -> memref<128x64xf32, #tpu.memory_space<vmem>>
      %dma_start3A_284 = arith.constant 0 : i32
      %dma_start3A_285 = tpu.memref_slice %arg8[%dma_start3A_280, %dma_start3A_284] : memref<8x128xi32, #tpu.memory_space<vmem>> -> memref<1x128xi32, #tpu.memory_space<vmem>>
      %dma_start3A_286 = tpu.memref_squeeze %dma_start3A_285 : memref<1x128xi32, #tpu.memory_space<vmem>> -> memref<128xi32, #tpu.memory_space<vmem>>
      %dma_start3A_287 = arith.constant 0 : i32
      %dma_start3A_288 = arith.constant 0 : i32
      %dma_start3A_289 = tpu.memref_slice %arg11[%dma_start3A_287, %dma_start3A_288] : memref<10240x64xf32, #tpu.memory_space<vmem_shared>> -> memref<10240x64xf32, #tpu.memory_space<vmem_shared>>
      tpu.enqueue_indirect_dma source(%dma_start3A_283 : memref<128x64xf32, #tpu.memory_space<vmem>>) target(%dma_start3A_289 : memref<10240x64xf32, #tpu.memory_space<vmem_shared>>) offsets(%dma_start3A_286 : memref<128xi32, #tpu.memory_space<vmem>>) semaphore(%arg15 : memref<!tpu.dma_semaphore, #tpu.memory_space<semaphore_mem>>) {add = true}
      %dma_start3A_290 = arith.constant 5 : i32
      %dma_start3A_291 = arith.constant 128 : i32
      %dma_start3A_292 = arith.constant 0 : i32
      %dma_start3A_293 = tpu.memref_slice %arg10[%dma_start3A_291, %dma_start3A_292] : memref<512x64xf32, #tpu.memory_space<vmem>> -> memref<128x64xf32, #tpu.memory_space<vmem>>
      %dma_start3A_294 = arith.constant 0 : i32
      %dma_start3A_295 = tpu.memref_slice %arg8[%dma_start3A_290, %dma_start3A_294] : memref<8x128xi32, #tpu.memory_space<vmem>> -> memref<1x128xi32, #tpu.memory_space<vmem>>
      %dma_start3A_296 = tpu.memref_squeeze %dma_start3A_295 : memref<1x128xi32, #tpu.memory_space<vmem>> -> memref<128xi32, #tpu.memory_space<vmem>>
      %dma_start3A_297 = arith.constant 0 : i32
      %dma_start3A_298 = arith.constant 0 : i32
      %dma_start3A_299 = tpu.memref_slice %arg11[%dma_start3A_297, %dma_start3A_298] : memref<10240x64xf32, #tpu.memory_space<vmem_shared>> -> memref<10240x64xf32, #tpu.memory_space<vmem_shared>>
      tpu.enqueue_indirect_dma source(%dma_start3A_293 : memref<128x64xf32, #tpu.memory_space<vmem>>) target(%dma_start3A_299 : memref<10240x64xf32, #tpu.memory_space<vmem_shared>>) offsets(%dma_start3A_296 : memref<128xi32, #tpu.memory_space<vmem>>) semaphore(%arg15 : memref<!tpu.dma_semaphore, #tpu.memory_space<semaphore_mem>>) {add = true}
      %dma_start3A_300 = arith.constant 6 : i32
      %dma_start3A_301 = arith.constant 256 : i32
      %dma_start3A_302 = arith.constant 0 : i32
      %dma_start3A_303 = tpu.memref_slice %arg10[%dma_start3A_301, %dma_start3A_302] : memref<512x64xf32, #tpu.memory_space<vmem>> -> memref<128x64xf32, #tpu.memory_space<vmem>>
      %dma_start3A_304 = arith.constant 0 : i32
      %dma_start3A_305 = tpu.memref_slice %arg8[%dma_start3A_300, %dma_start3A_304] : memref<8x128xi32, #tpu.memory_space<vmem>> -> memref<1x128xi32, #tpu.memory_space<vmem>>
      %dma_start3A_306 = tpu.memref_squeeze %dma_start3A_305 : memref<1x128xi32, #tpu.memory_space<vmem>> -> memref<128xi32, #tpu.memory_space<vmem>>
      %dma_start3A_307 = arith.constant 0 : i32
      %dma_start3A_308 = arith.constant 0 : i32
      %dma_start3A_309 = tpu.memref_slice %arg11[%dma_start3A_307, %dma_start3A_308] : memref<10240x64xf32, #tpu.memory_space<vmem_shared>> -> memref<10240x64xf32, #tpu.memory_space<vmem_shared>>
      tpu.enqueue_indirect_dma source(%dma_start3A_303 : memref<128x64xf32, #tpu.memory_space<vmem>>) target(%dma_start3A_309 : memref<10240x64xf32, #tpu.memory_space<vmem_shared>>) offsets(%dma_start3A_306 : memref<128xi32, #tpu.memory_space<vmem>>) semaphore(%arg15 : memref<!tpu.dma_semaphore, #tpu.memory_space<semaphore_mem>>) {add = true}
      %dma_start3A_310 = arith.constant 7 : i32
      %dma_start3A_311 = arith.constant 384 : i32
      %dma_start3A_312 = arith.constant 0 : i32
      %dma_start3A_313 = tpu.memref_slice %arg10[%dma_start3A_311, %dma_start3A_312] : memref<512x64xf32, #tpu.memory_space<vmem>> -> memref<128x64xf32, #tpu.memory_space<vmem>>
      %dma_start3A_314 = arith.constant 0 : i32
      %dma_start3A_315 = tpu.memref_slice %arg8[%dma_start3A_310, %dma_start3A_314] : memref<8x128xi32, #tpu.memory_space<vmem>> -> memref<1x128xi32, #tpu.memory_space<vmem>>
      %dma_start3A_316 = tpu.memref_squeeze %dma_start3A_315 : memref<1x128xi32, #tpu.memory_space<vmem>> -> memref<128xi32, #tpu.memory_space<vmem>>
      %dma_start3A_317 = arith.constant 0 : i32
      %dma_start3A_318 = arith.constant 0 : i32
      %dma_start3A_319 = tpu.memref_slice %arg11[%dma_start3A_317, %dma_start3A_318] : memref<10240x64xf32, #tpu.memory_space<vmem_shared>> -> memref<10240x64xf32, #tpu.memory_space<vmem_shared>>
      tpu.enqueue_indirect_dma source(%dma_start3A_313 : memref<128x64xf32, #tpu.memory_space<vmem>>) target(%dma_start3A_319 : memref<10240x64xf32, #tpu.memory_space<vmem_shared>>) offsets(%dma_start3A_316 : memref<128xi32, #tpu.memory_space<vmem>>) semaphore(%arg15 : memref<!tpu.dma_semaphore, #tpu.memory_space<semaphore_mem>>) {add = true}
      %dma_wait3A_320 = arith.constant 0 : i32
      %dma_wait3A_321 = arith.constant 0 : i32
      %dma_wait3A_322 = arith.constant 0 : i32
      %dma_wait3A_323 = tpu.memref_slice %arg9[%dma_wait3A_321, %dma_wait3A_322] : memref<512x64xf32, #tpu.memory_space<vmem>> -> memref<128x64xf32, #tpu.memory_space<vmem>>
      %dma_wait3A_324 = arith.constant 0 : i32
      %dma_wait3A_325 = tpu.memref_slice %arg8[%dma_wait3A_320, %dma_wait3A_324] : memref<8x128xi32, #tpu.memory_space<vmem>> -> memref<1x128xi32, #tpu.memory_space<vmem>>
      %dma_wait3A_326 = tpu.memref_squeeze %dma_wait3A_325 : memref<1x128xi32, #tpu.memory_space<vmem>> -> memref<128xi32, #tpu.memory_space<vmem>>
      %dma_wait3A_327 = arith.constant 0 : i32
      %dma_wait3A_328 = arith.constant 0 : i32
      %dma_wait3A_329 = tpu.memref_slice %arg11[%dma_wait3A_327, %dma_wait3A_328] : memref<10240x64xf32, #tpu.memory_space<vmem_shared>> -> memref<10240x64xf32, #tpu.memory_space<vmem_shared>>
      tpu.wait_indirect_dma semaphore(%arg14 : memref<!tpu.dma_semaphore, #tpu.memory_space<semaphore_mem>>) src(%dma_wait3A_323 : memref<128x64xf32, #tpu.memory_space<vmem>>) dst(%dma_wait3A_329 : memref<10240x64xf32, #tpu.memory_space<vmem_shared>>)
      %dma_wait3A_330 = arith.constant 1 : i32
      %dma_wait3A_331 = arith.constant 128 : i32
      %dma_wait3A_332 = arith.constant 0 : i32
      %dma_wait3A_333 = tpu.memref_slice %arg9[%dma_wait3A_331, %dma_wait3A_332] : memref<512x64xf32, #tpu.memory_space<vmem>> -> memref<128x64xf32, #tpu.memory_space<vmem>>
      %dma_wait3A_334 = arith.constant 0 : i32
      %dma_wait3A_335 = tpu.memref_slice %arg8[%dma_wait3A_330, %dma_wait3A_334] : memref<8x128xi32, #tpu.memory_space<vmem>> -> memref<1x128xi32, #tpu.memory_space<vmem>>
      %dma_wait3A_336 = tpu.memref_squeeze %dma_wait3A_335 : memref<1x128xi32, #tpu.memory_space<vmem>> -> memref<128xi32, #tpu.memory_space<vmem>>
      %dma_wait3A_337 = arith.constant 0 : i32
      %dma_wait3A_338 = arith.constant 0 : i32
      %dma_wait3A_339 = tpu.memref_slice %arg11[%dma_wait3A_337, %dma_wait3A_338] : memref<10240x64xf32, #tpu.memory_space<vmem_shared>> -> memref<10240x64xf32, #tpu.memory_space<vmem_shared>>
      tpu.wait_indirect_dma semaphore(%arg14 : memref<!tpu.dma_semaphore, #tpu.memory_space<semaphore_mem>>) src(%dma_wait3A_333 : memref<128x64xf32, #tpu.memory_space<vmem>>) dst(%dma_wait3A_339 : memref<10240x64xf32, #tpu.memory_space<vmem_shared>>)
      %dma_wait3A_340 = arith.constant 2 : i32
      %dma_wait3A_341 = arith.constant 256 : i32
      %dma_wait3A_342 = arith.constant 0 : i32
      %dma_wait3A_343 = tpu.memref_slice %arg9[%dma_wait3A_341, %dma_wait3A_342] : memref<512x64xf32, #tpu.memory_space<vmem>> -> memref<128x64xf32, #tpu.memory_space<vmem>>
      %dma_wait3A_344 = arith.constant 0 : i32
      %dma_wait3A_345 = tpu.memref_slice %arg8[%dma_wait3A_340, %dma_wait3A_344] : memref<8x128xi32, #tpu.memory_space<vmem>> -> memref<1x128xi32, #tpu.memory_space<vmem>>
      %dma_wait3A_346 = tpu.memref_squeeze %dma_wait3A_345 : memref<1x128xi32, #tpu.memory_space<vmem>> -> memref<128xi32, #tpu.memory_space<vmem>>
      %dma_wait3A_347 = arith.constant 0 : i32
      %dma_wait3A_348 = arith.constant 0 : i32
      %dma_wait3A_349 = tpu.memref_slice %arg11[%dma_wait3A_347, %dma_wait3A_348] : memref<10240x64xf32, #tpu.memory_space<vmem_shared>> -> memref<10240x64xf32, #tpu.memory_space<vmem_shared>>
      tpu.wait_indirect_dma semaphore(%arg14 : memref<!tpu.dma_semaphore, #tpu.memory_space<semaphore_mem>>) src(%dma_wait3A_343 : memref<128x64xf32, #tpu.memory_space<vmem>>) dst(%dma_wait3A_349 : memref<10240x64xf32, #tpu.memory_space<vmem_shared>>)
      %dma_wait3A_350 = arith.constant 3 : i32
      %dma_wait3A_351 = arith.constant 384 : i32
      %dma_wait3A_352 = arith.constant 0 : i32
      %dma_wait3A_353 = tpu.memref_slice %arg9[%dma_wait3A_351, %dma_wait3A_352] : memref<512x64xf32, #tpu.memory_space<vmem>> -> memref<128x64xf32, #tpu.memory_space<vmem>>
      %dma_wait3A_354 = arith.constant 0 : i32
      %dma_wait3A_355 = tpu.memref_slice %arg8[%dma_wait3A_350, %dma_wait3A_354] : memref<8x128xi32, #tpu.memory_space<vmem>> -> memref<1x128xi32, #tpu.memory_space<vmem>>
      %dma_wait3A_356 = tpu.memref_squeeze %dma_wait3A_355 : memref<1x128xi32, #tpu.memory_space<vmem>> -> memref<128xi32, #tpu.memory_space<vmem>>
      %dma_wait3A_357 = arith.constant 0 : i32
      %dma_wait3A_358 = arith.constant 0 : i32
      %dma_wait3A_359 = tpu.memref_slice %arg11[%dma_wait3A_357, %dma_wait3A_358] : memref<10240x64xf32, #tpu.memory_space<vmem_shared>> -> memref<10240x64xf32, #tpu.memory_space<vmem_shared>>
      tpu.wait_indirect_dma semaphore(%arg14 : memref<!tpu.dma_semaphore, #tpu.memory_space<semaphore_mem>>) src(%dma_wait3A_353 : memref<128x64xf32, #tpu.memory_space<vmem>>) dst(%dma_wait3A_359 : memref<10240x64xf32, #tpu.memory_space<vmem_shared>>)
      %dma_wait3A_360 = arith.constant 4 : i32
      %dma_wait3A_361 = arith.constant 0 : i32
      %dma_wait3A_362 = arith.constant 0 : i32
      %dma_wait3A_363 = tpu.memref_slice %arg10[%dma_wait3A_361, %dma_wait3A_362] : memref<512x64xf32, #tpu.memory_space<vmem>> -> memref<128x64xf32, #tpu.memory_space<vmem>>
      %dma_wait3A_364 = arith.constant 0 : i32
      %dma_wait3A_365 = tpu.memref_slice %arg8[%dma_wait3A_360, %dma_wait3A_364] : memref<8x128xi32, #tpu.memory_space<vmem>> -> memref<1x128xi32, #tpu.memory_space<vmem>>
      %dma_wait3A_366 = tpu.memref_squeeze %dma_wait3A_365 : memref<1x128xi32, #tpu.memory_space<vmem>> -> memref<128xi32, #tpu.memory_space<vmem>>
      %dma_wait3A_367 = arith.constant 0 : i32
      %dma_wait3A_368 = arith.constant 0 : i32
      %dma_wait3A_369 = tpu.memref_slice %arg11[%dma_wait3A_367, %dma_wait3A_368] : memref<10240x64xf32, #tpu.memory_space<vmem_shared>> -> memref<10240x64xf32, #tpu.memory_space<vmem_shared>>
      tpu.wait_indirect_dma semaphore(%arg15 : memref<!tpu.dma_semaphore, #tpu.memory_space<semaphore_mem>>) src(%dma_wait3A_363 : memref<128x64xf32, #tpu.memory_space<vmem>>) dst(%dma_wait3A_369 : memref<10240x64xf32, #tpu.memory_space<vmem_shared>>)
      %dma_wait3A_370 = arith.constant 5 : i32
      %dma_wait3A_371 = arith.constant 128 : i32
      %dma_wait3A_372 = arith.constant 0 : i32
      %dma_wait3A_373 = tpu.memref_slice %arg10[%dma_wait3A_371, %dma_wait3A_372] : memref<512x64xf32, #tpu.memory_space<vmem>> -> memref<128x64xf32, #tpu.memory_space<vmem>>
      %dma_wait3A_374 = arith.constant 0 : i32
      %dma_wait3A_375 = tpu.memref_slice %arg8[%dma_wait3A_370, %dma_wait3A_374] : memref<8x128xi32, #tpu.memory_space<vmem>> -> memref<1x128xi32, #tpu.memory_space<vmem>>
      %dma_wait3A_376 = tpu.memref_squeeze %dma_wait3A_375 : memref<1x128xi32, #tpu.memory_space<vmem>> -> memref<128xi32, #tpu.memory_space<vmem>>
      %dma_wait3A_377 = arith.constant 0 : i32
      %dma_wait3A_378 = arith.constant 0 : i32
      %dma_wait3A_379 = tpu.memref_slice %arg11[%dma_wait3A_377, %dma_wait3A_378] : memref<10240x64xf32, #tpu.memory_space<vmem_shared>> -> memref<10240x64xf32, #tpu.memory_space<vmem_shared>>
      tpu.wait_indirect_dma semaphore(%arg15 : memref<!tpu.dma_semaphore, #tpu.memory_space<semaphore_mem>>) src(%dma_wait3A_373 : memref<128x64xf32, #tpu.memory_space<vmem>>) dst(%dma_wait3A_379 : memref<10240x64xf32, #tpu.memory_space<vmem_shared>>)
      %dma_wait3A_380 = arith.constant 6 : i32
      %dma_wait3A_381 = arith.constant 256 : i32
      %dma_wait3A_382 = arith.constant 0 : i32
      %dma_wait3A_383 = tpu.memref_slice %arg10[%dma_wait3A_381, %dma_wait3A_382] : memref<512x64xf32, #tpu.memory_space<vmem>> -> memref<128x64xf32, #tpu.memory_space<vmem>>
      %dma_wait3A_384 = arith.constant 0 : i32
      %dma_wait3A_385 = tpu.memref_slice %arg8[%dma_wait3A_380, %dma_wait3A_384] : memref<8x128xi32, #tpu.memory_space<vmem>> -> memref<1x128xi32, #tpu.memory_space<vmem>>
      %dma_wait3A_386 = tpu.memref_squeeze %dma_wait3A_385 : memref<1x128xi32, #tpu.memory_space<vmem>> -> memref<128xi32, #tpu.memory_space<vmem>>
      %dma_wait3A_387 = arith.constant 0 : i32
      %dma_wait3A_388 = arith.constant 0 : i32
      %dma_wait3A_389 = tpu.memref_slice %arg11[%dma_wait3A_387, %dma_wait3A_388] : memref<10240x64xf32, #tpu.memory_space<vmem_shared>> -> memref<10240x64xf32, #tpu.memory_space<vmem_shared>>
      tpu.wait_indirect_dma semaphore(%arg15 : memref<!tpu.dma_semaphore, #tpu.memory_space<semaphore_mem>>) src(%dma_wait3A_383 : memref<128x64xf32, #tpu.memory_space<vmem>>) dst(%dma_wait3A_389 : memref<10240x64xf32, #tpu.memory_space<vmem_shared>>)
      %dma_wait3A_390 = arith.constant 7 : i32
      %dma_wait3A_391 = arith.constant 384 : i32
      %dma_wait3A_392 = arith.constant 0 : i32
      %dma_wait3A_393 = tpu.memref_slice %arg10[%dma_wait3A_391, %dma_wait3A_392] : memref<512x64xf32, #tpu.memory_space<vmem>> -> memref<128x64xf32, #tpu.memory_space<vmem>>
      %dma_wait3A_394 = arith.constant 0 : i32
      %dma_wait3A_395 = tpu.memref_slice %arg8[%dma_wait3A_390, %dma_wait3A_394] : memref<8x128xi32, #tpu.memory_space<vmem>> -> memref<1x128xi32, #tpu.memory_space<vmem>>
      %dma_wait3A_396 = tpu.memref_squeeze %dma_wait3A_395 : memref<1x128xi32, #tpu.memory_space<vmem>> -> memref<128xi32, #tpu.memory_space<vmem>>
      %dma_wait3A_397 = arith.constant 0 : i32
      %dma_wait3A_398 = arith.constant 0 : i32
      %dma_wait3A_399 = tpu.memref_slice %arg11[%dma_wait3A_397, %dma_wait3A_398] : memref<10240x64xf32, #tpu.memory_space<vmem_shared>> -> memref<10240x64xf32, #tpu.memory_space<vmem_shared>>
      tpu.wait_indirect_dma semaphore(%arg15 : memref<!tpu.dma_semaphore, #tpu.memory_space<semaphore_mem>>) src(%dma_wait3A_393 : memref<128x64xf32, #tpu.memory_space<vmem>>) dst(%dma_wait3A_399 : memref<10240x64xf32, #tpu.memory_space<vmem_shared>>)
    }
    %while3A_40 = arith.constant 1 : i32
    scf.for %while3A_58 = %while3A_38 to %while3A_34 step %while3A_40  : i32 {
      %mul3A_59 = arith.muli %while3A_58, %while3A : i32
      %add3A_60 = arith.addi %while3A_31, %mul3A_59 : i32
      %mul3A_61 = arith.constant 2 : i32
      %mul3A_62 = arith.muli %add3A_60, %mul3A_61 : i32
      %mul3A_63 = arith.constant 4 : i32
      %mul3A_64 = arith.muli %mul3A_62, %mul3A_63 : i32
      %add3A_65 = arith.addi %select_n3A, %mul3A_64 : i32
      %dma_start3A = arith.constant 0 : i32
      %dma_start3A_66 = tpu.memref_slice %arg4[%add3A_65, %dma_start3A] : memref<2560x128xi32, #tpu.memory_space<hbm>> -> memref<8x128xi32, #tpu.memory_space<hbm>>
      %dma_start3A_67 = arith.constant 0 : i32
      %dma_start3A_68 = tpu.memref_slice %arg4[%add3A_65, %dma_start3A_67] : memref<2560x128xi32, #tpu.memory_space<hbm>> -> memref<8x128xi32, #tpu.memory_space<hbm>>
      tpu.enqueue_dma source(%dma_start3A_68 : memref<8x128xi32, #tpu.memory_space<hbm>>) target(%arg8 : memref<8x128xi32, #tpu.memory_space<vmem>>) target_semaphore(%arg16 : memref<!tpu.dma_semaphore, #tpu.memory_space<semaphore_mem>>)
      %add3A_69 = arith.constant 0 : i32
      %add3A_70 = arith.addi %mul3A_64, %add3A_69 : i32
      %dma_start3A_71 = arith.constant 0 : i32
      %dma_start3A_72 = arith.constant 0 : i32
      %dma_start3A_73 = tpu.memref_slice %arg9[%dma_start3A_71, %dma_start3A_72] : memref<512x64xf32, #tpu.memory_space<vmem>> -> memref<128x64xf32, #tpu.memory_space<vmem>>
      %dma_start3A_74 = arith.constant 0 : i32
      %dma_start3A_75 = tpu.memref_slice %arg7[%add3A_70, %dma_start3A_74] : memref<112x128xi32, #tpu.memory_space<vmem>> -> memref<1x128xi32, #tpu.memory_space<vmem>>
      %dma_start3A_76 = tpu.memref_squeeze %dma_start3A_75 : memref<1x128xi32, #tpu.memory_space<vmem>> -> memref<128xi32, #tpu.memory_space<vmem>>
      %dma_start3A_77 = arith.constant 0 : i32
      %dma_start3A_78 = arith.constant 0 : i32
      %dma_start3A_79 = tpu.memref_slice %arg2[%dma_start3A_77, %dma_start3A_78] : memref<10240x64xf32, #tpu.memory_space<hbm>> -> memref<10240x64xf32, #tpu.memory_space<hbm>>
      tpu.enqueue_indirect_dma source(%dma_start3A_79 : memref<10240x64xf32, #tpu.memory_space<hbm>>) target(%dma_start3A_73 : memref<128x64xf32, #tpu.memory_space<vmem>>) offsets(%dma_start3A_76 : memref<128xi32, #tpu.memory_space<vmem>>) semaphore(%arg12 : memref<!tpu.dma_semaphore, #tpu.memory_space<semaphore_mem>>)
      %add3A_80 = arith.constant 1 : i32
      %add3A_81 = arith.addi %mul3A_64, %add3A_80 : i32
      %dma_start3A_82 = arith.constant 128 : i32
      %dma_start3A_83 = arith.constant 0 : i32
      %dma_start3A_84 = tpu.memref_slice %arg9[%dma_start3A_82, %dma_start3A_83] : memref<512x64xf32, #tpu.memory_space<vmem>> -> memref<128x64xf32, #tpu.memory_space<vmem>>
      %dma_start3A_85 = arith.constant 0 : i32
      %dma_start3A_86 = tpu.memref_slice %arg7[%add3A_81, %dma_start3A_85] : memref<112x128xi32, #tpu.memory_space<vmem>> -> memref<1x128xi32, #tpu.memory_space<vmem>>
      %dma_start3A_87 = tpu.memref_squeeze %dma_start3A_86 : memref<1x128xi32, #tpu.memory_space<vmem>> -> memref<128xi32, #tpu.memory_space<vmem>>
      %dma_start3A_88 = arith.constant 0 : i32
      %dma_start3A_89 = arith.constant 0 : i32
      %dma_start3A_90 = tpu.memref_slice %arg2[%dma_start3A_88, %dma_start3A_89] : memref<10240x64xf32, #tpu.memory_space<hbm>> -> memref<10240x64xf32, #tpu.memory_space<hbm>>
      tpu.enqueue_indirect_dma source(%dma_start3A_90 : memref<10240x64xf32, #tpu.memory_space<hbm>>) target(%dma_start3A_84 : memref<128x64xf32, #tpu.memory_space<vmem>>) offsets(%dma_start3A_87 : memref<128xi32, #tpu.memory_space<vmem>>) semaphore(%arg12 : memref<!tpu.dma_semaphore, #tpu.memory_space<semaphore_mem>>)
      %add3A_91 = arith.constant 2 : i32
      %add3A_92 = arith.addi %mul3A_64, %add3A_91 : i32
      %dma_start3A_93 = arith.constant 256 : i32
      %dma_start3A_94 = arith.constant 0 : i32
      %dma_start3A_95 = tpu.memref_slice %arg9[%dma_start3A_93, %dma_start3A_94] : memref<512x64xf32, #tpu.memory_space<vmem>> -> memref<128x64xf32, #tpu.memory_space<vmem>>
      %dma_start3A_96 = arith.constant 0 : i32
      %dma_start3A_97 = tpu.memref_slice %arg7[%add3A_92, %dma_start3A_96] : memref<112x128xi32, #tpu.memory_space<vmem>> -> memref<1x128xi32, #tpu.memory_space<vmem>>
      %dma_start3A_98 = tpu.memref_squeeze %dma_start3A_97 : memref<1x128xi32, #tpu.memory_space<vmem>> -> memref<128xi32, #tpu.memory_space<vmem>>
      %dma_start3A_99 = arith.constant 0 : i32
      %dma_start3A_100 = arith.constant 0 : i32
      %dma_start3A_101 = tpu.memref_slice %arg2[%dma_start3A_99, %dma_start3A_100] : memref<10240x64xf32, #tpu.memory_space<hbm>> -> memref<10240x64xf32, #tpu.memory_space<hbm>>
      tpu.enqueue_indirect_dma source(%dma_start3A_101 : memref<10240x64xf32, #tpu.memory_space<hbm>>) target(%dma_start3A_95 : memref<128x64xf32, #tpu.memory_space<vmem>>) offsets(%dma_start3A_98 : memref<128xi32, #tpu.memory_space<vmem>>) semaphore(%arg12 : memref<!tpu.dma_semaphore, #tpu.memory_space<semaphore_mem>>)
      %add3A_102 = arith.constant 3 : i32
      %add3A_103 = arith.addi %mul3A_64, %add3A_102 : i32
      %dma_start3A_104 = arith.constant 384 : i32
      %dma_start3A_105 = arith.constant 0 : i32
      %dma_start3A_106 = tpu.memref_slice %arg9[%dma_start3A_104, %dma_start3A_105] : memref<512x64xf32, #tpu.memory_space<vmem>> -> memref<128x64xf32, #tpu.memory_space<vmem>>
      %dma_start3A_107 = arith.constant 0 : i32
      %dma_start3A_108 = tpu.memref_slice %arg7[%add3A_103, %dma_start3A_107] : memref<112x128xi32, #tpu.memory_space<vmem>> -> memref<1x128xi32, #tpu.memory_space<vmem>>
      %dma_start3A_109 = tpu.memref_squeeze %dma_start3A_108 : memref<1x128xi32, #tpu.memory_space<vmem>> -> memref<128xi32, #tpu.memory_space<vmem>>
      %dma_start3A_110 = arith.constant 0 : i32
      %dma_start3A_111 = arith.constant 0 : i32
      %dma_start3A_112 = tpu.memref_slice %arg2[%dma_start3A_110, %dma_start3A_111] : memref<10240x64xf32, #tpu.memory_space<hbm>> -> memref<10240x64xf32, #tpu.memory_space<hbm>>
      tpu.enqueue_indirect_dma source(%dma_start3A_112 : memref<10240x64xf32, #tpu.memory_space<hbm>>) target(%dma_start3A_106 : memref<128x64xf32, #tpu.memory_space<vmem>>) offsets(%dma_start3A_109 : memref<128xi32, #tpu.memory_space<vmem>>) semaphore(%arg12 : memref<!tpu.dma_semaphore, #tpu.memory_space<semaphore_mem>>)
      %add3A_113 = arith.constant 4 : i32
      %add3A_114 = arith.addi %mul3A_64, %add3A_113 : i32
      %add3A_115 = arith.constant 0 : i32
      %add3A_116 = arith.addi %add3A_114, %add3A_115 : i32
      %dma_start3A_117 = arith.constant 0 : i32
      %dma_start3A_118 = arith.constant 0 : i32
      %dma_start3A_119 = tpu.memref_slice %arg10[%dma_start3A_117, %dma_start3A_118] : memref<512x64xf32, #tpu.memory_space<vmem>> -> memref<128x64xf32, #tpu.memory_space<vmem>>
      %dma_start3A_120 = arith.constant 0 : i32
      %dma_start3A_121 = tpu.memref_slice %arg7[%add3A_116, %dma_start3A_120] : memref<112x128xi32, #tpu.memory_space<vmem>> -> memref<1x128xi32, #tpu.memory_space<vmem>>
      %dma_start3A_122 = tpu.memref_squeeze %dma_start3A_121 : memref<1x128xi32, #tpu.memory_space<vmem>> -> memref<128xi32, #tpu.memory_space<vmem>>
      %dma_start3A_123 = arith.constant 0 : i32
      %dma_start3A_124 = arith.constant 0 : i32
      %dma_start3A_125 = tpu.memref_slice %arg2[%dma_start3A_123, %dma_start3A_124] : memref<10240x64xf32, #tpu.memory_space<hbm>> -> memref<10240x64xf32, #tpu.memory_space<hbm>>
      tpu.enqueue_indirect_dma source(%dma_start3A_125 : memref<10240x64xf32, #tpu.memory_space<hbm>>) target(%dma_start3A_119 : memref<128x64xf32, #tpu.memory_space<vmem>>) offsets(%dma_start3A_122 : memref<128xi32, #tpu.memory_space<vmem>>) semaphore(%arg13 : memref<!tpu.dma_semaphore, #tpu.memory_space<semaphore_mem>>)
      %add3A_126 = arith.constant 4 : i32
      %add3A_127 = arith.addi %mul3A_64, %add3A_126 : i32
      %add3A_128 = arith.constant 1 : i32
      %add3A_129 = arith.addi %add3A_127, %add3A_128 : i32
      %dma_start3A_130 = arith.constant 128 : i32
      %dma_start3A_131 = arith.constant 0 : i32
      %dma_start3A_132 = tpu.memref_slice %arg10[%dma_start3A_130, %dma_start3A_131] : memref<512x64xf32, #tpu.memory_space<vmem>> -> memref<128x64xf32, #tpu.memory_space<vmem>>
      %dma_start3A_133 = arith.constant 0 : i32
      %dma_start3A_134 = tpu.memref_slice %arg7[%add3A_129, %dma_start3A_133] : memref<112x128xi32, #tpu.memory_space<vmem>> -> memref<1x128xi32, #tpu.memory_space<vmem>>
      %dma_start3A_135 = tpu.memref_squeeze %dma_start3A_134 : memref<1x128xi32, #tpu.memory_space<vmem>> -> memref<128xi32, #tpu.memory_space<vmem>>
      %dma_start3A_136 = arith.constant 0 : i32
      %dma_start3A_137 = arith.constant 0 : i32
      %dma_start3A_138 = tpu.memref_slice %arg2[%dma_start3A_136, %dma_start3A_137] : memref<10240x64xf32, #tpu.memory_space<hbm>> -> memref<10240x64xf32, #tpu.memory_space<hbm>>
      tpu.enqueue_indirect_dma source(%dma_start3A_138 : memref<10240x64xf32, #tpu.memory_space<hbm>>) target(%dma_start3A_132 : memref<128x64xf32, #tpu.memory_space<vmem>>) offsets(%dma_start3A_135 : memref<128xi32, #tpu.memory_space<vmem>>) semaphore(%arg13 : memref<!tpu.dma_semaphore, #tpu.memory_space<semaphore_mem>>)
      %add3A_139 = arith.constant 4 : i32
      %add3A_140 = arith.addi %mul3A_64, %add3A_139 : i32
      %add3A_141 = arith.constant 2 : i32
      %add3A_142 = arith.addi %add3A_140, %add3A_141 : i32
      %dma_start3A_143 = arith.constant 256 : i32
      %dma_start3A_144 = arith.constant 0 : i32
      %dma_start3A_145 = tpu.memref_slice %arg10[%dma_start3A_143, %dma_start3A_144] : memref<512x64xf32, #tpu.memory_space<vmem>> -> memref<128x64xf32, #tpu.memory_space<vmem>>
      %dma_start3A_146 = arith.constant 0 : i32
      %dma_start3A_147 = tpu.memref_slice %arg7[%add3A_142, %dma_start3A_146] : memref<112x128xi32, #tpu.memory_space<vmem>> -> memref<1x128xi32, #tpu.memory_space<vmem>>
      %dma_start3A_148 = tpu.memref_squeeze %dma_start3A_147 : memref<1x128xi32, #tpu.memory_space<vmem>> -> memref<128xi32, #tpu.memory_space<vmem>>
      %dma_start3A_149 = arith.constant 0 : i32
      %dma_start3A_150 = arith.constant 0 : i32
      %dma_start3A_151 = tpu.memref_slice %arg2[%dma_start3A_149, %dma_start3A_150] : memref<10240x64xf32, #tpu.memory_space<hbm>> -> memref<10240x64xf32, #tpu.memory_space<hbm>>
      tpu.enqueue_indirect_dma source(%dma_start3A_151 : memref<10240x64xf32, #tpu.memory_space<hbm>>) target(%dma_start3A_145 : memref<128x64xf32, #tpu.memory_space<vmem>>) offsets(%dma_start3A_148 : memref<128xi32, #tpu.memory_space<vmem>>) semaphore(%arg13 : memref<!tpu.dma_semaphore, #tpu.memory_space<semaphore_mem>>)
      %add3A_152 = arith.constant 4 : i32
      %add3A_153 = arith.addi %mul3A_64, %add3A_152 : i32
      %add3A_154 = arith.constant 3 : i32
      %add3A_155 = arith.addi %add3A_153, %add3A_154 : i32
      %dma_start3A_156 = arith.constant 384 : i32
      %dma_start3A_157 = arith.constant 0 : i32
      %dma_start3A_158 = tpu.memref_slice %arg10[%dma_start3A_156, %dma_start3A_157] : memref<512x64xf32, #tpu.memory_space<vmem>> -> memref<128x64xf32, #tpu.memory_space<vmem>>
      %dma_start3A_159 = arith.constant 0 : i32
      %dma_start3A_160 = tpu.memref_slice %arg7[%add3A_155, %dma_start3A_159] : memref<112x128xi32, #tpu.memory_space<vmem>> -> memref<1x128xi32, #tpu.memory_space<vmem>>
      %dma_start3A_161 = tpu.memref_squeeze %dma_start3A_160 : memref<1x128xi32, #tpu.memory_space<vmem>> -> memref<128xi32, #tpu.memory_space<vmem>>
      %dma_start3A_162 = arith.constant 0 : i32
      %dma_start3A_163 = arith.constant 0 : i32
      %dma_start3A_164 = tpu.memref_slice %arg2[%dma_start3A_162, %dma_start3A_163] : memref<10240x64xf32, #tpu.memory_space<hbm>> -> memref<10240x64xf32, #tpu.memory_space<hbm>>
      tpu.enqueue_indirect_dma source(%dma_start3A_164 : memref<10240x64xf32, #tpu.memory_space<hbm>>) target(%dma_start3A_158 : memref<128x64xf32, #tpu.memory_space<vmem>>) offsets(%dma_start3A_161 : memref<128xi32, #tpu.memory_space<vmem>>) semaphore(%arg13 : memref<!tpu.dma_semaphore, #tpu.memory_space<semaphore_mem>>)
      %dma_wait3A = arith.constant 0 : i32
      %dma_wait3A_165 = arith.constant 0 : i32
      %dma_wait3A_166 = tpu.memref_slice %arg9[%dma_wait3A, %dma_wait3A_165] : memref<512x64xf32, #tpu.memory_space<vmem>> -> memref<128x64xf32, #tpu.memory_space<vmem>>
      %dma_wait3A_167 = arith.constant 0 : i32
      %dma_wait3A_168 = tpu.memref_slice %arg7[%add3A_70, %dma_wait3A_167] : memref<112x128xi32, #tpu.memory_space<vmem>> -> memref<1x128xi32, #tpu.memory_space<vmem>>
      %dma_wait3A_169 = tpu.memref_squeeze %dma_wait3A_168 : memref<1x128xi32, #tpu.memory_space<vmem>> -> memref<128xi32, #tpu.memory_space<vmem>>
      %dma_wait3A_170 = arith.constant 0 : i32
      %dma_wait3A_171 = arith.constant 0 : i32
      %dma_wait3A_172 = tpu.memref_slice %arg2[%dma_wait3A_170, %dma_wait3A_171] : memref<10240x64xf32, #tpu.memory_space<hbm>> -> memref<10240x64xf32, #tpu.memory_space<hbm>>
      tpu.wait_indirect_dma semaphore(%arg12 : memref<!tpu.dma_semaphore, #tpu.memory_space<semaphore_mem>>) src(%dma_wait3A_172 : memref<10240x64xf32, #tpu.memory_space<hbm>>) dst(%dma_wait3A_166 : memref<128x64xf32, #tpu.memory_space<vmem>>)
      %dma_wait3A_173 = arith.constant 128 : i32
      %dma_wait3A_174 = arith.constant 0 : i32
      %dma_wait3A_175 = tpu.memref_slice %arg9[%dma_wait3A_173, %dma_wait3A_174] : memref<512x64xf32, #tpu.memory_space<vmem>> -> memref<128x64xf32, #tpu.memory_space<vmem>>
      %dma_wait3A_176 = arith.constant 0 : i32
      %dma_wait3A_177 = tpu.memref_slice %arg7[%add3A_81, %dma_wait3A_176] : memref<112x128xi32, #tpu.memory_space<vmem>> -> memref<1x128xi32, #tpu.memory_space<vmem>>
      %dma_wait3A_178 = tpu.memref_squeeze %dma_wait3A_177 : memref<1x128xi32, #tpu.memory_space<vmem>> -> memref<128xi32, #tpu.memory_space<vmem>>
      %dma_wait3A_179 = arith.constant 0 : i32
      %dma_wait3A_180 = arith.constant 0 : i32
      %dma_wait3A_181 = tpu.memref_slice %arg2[%dma_wait3A_179, %dma_wait3A_180] : memref<10240x64xf32, #tpu.memory_space<hbm>> -> memref<10240x64xf32, #tpu.memory_space<hbm>>
      tpu.wait_indirect_dma semaphore(%arg12 : memref<!tpu.dma_semaphore, #tpu.memory_space<semaphore_mem>>) src(%dma_wait3A_181 : memref<10240x64xf32, #tpu.memory_space<hbm>>) dst(%dma_wait3A_175 : memref<128x64xf32, #tpu.memory_space<vmem>>)
      %dma_wait3A_182 = arith.constant 256 : i32
      %dma_wait3A_183 = arith.constant 0 : i32
      %dma_wait3A_184 = tpu.memref_slice %arg9[%dma_wait3A_182, %dma_wait3A_183] : memref<512x64xf32, #tpu.memory_space<vmem>> -> memref<128x64xf32, #tpu.memory_space<vmem>>
      %dma_wait3A_185 = arith.constant 0 : i32
      %dma_wait3A_186 = tpu.memref_slice %arg7[%add3A_92, %dma_wait3A_185] : memref<112x128xi32, #tpu.memory_space<vmem>> -> memref<1x128xi32, #tpu.memory_space<vmem>>
      %dma_wait3A_187 = tpu.memref_squeeze %dma_wait3A_186 : memref<1x128xi32, #tpu.memory_space<vmem>> -> memref<128xi32, #tpu.memory_space<vmem>>
      %dma_wait3A_188 = arith.constant 0 : i32
      %dma_wait3A_189 = arith.constant 0 : i32
      %dma_wait3A_190 = tpu.memref_slice %arg2[%dma_wait3A_188, %dma_wait3A_189] : memref<10240x64xf32, #tpu.memory_space<hbm>> -> memref<10240x64xf32, #tpu.memory_space<hbm>>
      tpu.wait_indirect_dma semaphore(%arg12 : memref<!tpu.dma_semaphore, #tpu.memory_space<semaphore_mem>>) src(%dma_wait3A_190 : memref<10240x64xf32, #tpu.memory_space<hbm>>) dst(%dma_wait3A_184 : memref<128x64xf32, #tpu.memory_space<vmem>>)
      %dma_wait3A_191 = arith.constant 384 : i32
      %dma_wait3A_192 = arith.constant 0 : i32
      %dma_wait3A_193 = tpu.memref_slice %arg9[%dma_wait3A_191, %dma_wait3A_192] : memref<512x64xf32, #tpu.memory_space<vmem>> -> memref<128x64xf32, #tpu.memory_space<vmem>>
      %dma_wait3A_194 = arith.constant 0 : i32
      %dma_wait3A_195 = tpu.memref_slice %arg7[%add3A_103, %dma_wait3A_194] : memref<112x128xi32, #tpu.memory_space<vmem>> -> memref<1x128xi32, #tpu.memory_space<vmem>>
      %dma_wait3A_196 = tpu.memref_squeeze %dma_wait3A_195 : memref<1x128xi32, #tpu.memory_space<vmem>> -> memref<128xi32, #tpu.memory_space<vmem>>
      %dma_wait3A_197 = arith.constant 0 : i32
      %dma_wait3A_198 = arith.constant 0 : i32
      %dma_wait3A_199 = tpu.memref_slice %arg2[%dma_wait3A_197, %dma_wait3A_198] : memref<10240x64xf32, #tpu.memory_space<hbm>> -> memref<10240x64xf32, #tpu.memory_space<hbm>>
      tpu.wait_indirect_dma semaphore(%arg12 : memref<!tpu.dma_semaphore, #tpu.memory_space<semaphore_mem>>) src(%dma_wait3A_199 : memref<10240x64xf32, #tpu.memory_space<hbm>>) dst(%dma_wait3A_193 : memref<128x64xf32, #tpu.memory_space<vmem>>)
      %dma_wait3A_200 = arith.constant 0 : i32
      %dma_wait3A_201 = tpu.memref_slice %arg4[%add3A_65, %dma_wait3A_200] : memref<2560x128xi32, #tpu.memory_space<hbm>> -> memref<8x128xi32, #tpu.memory_space<hbm>>
      %dma_wait3A_202 = arith.constant 0 : i32
      %dma_wait3A_203 = tpu.memref_slice %arg4[%add3A_65, %dma_wait3A_202] : memref<2560x128xi32, #tpu.memory_space<hbm>> -> memref<8x128xi32, #tpu.memory_space<hbm>>
      tpu.wait_dma2 semaphore(%arg16 : memref<!tpu.dma_semaphore, #tpu.memory_space<semaphore_mem>>) src(%dma_wait3A_203 : memref<8x128xi32, #tpu.memory_space<hbm>>) dst(%arg8 : memref<8x128xi32, #tpu.memory_space<vmem>>)
      %dma_start3A_204 = arith.constant 0 : i32
      %dma_start3A_205 = arith.constant 0 : i32
      %dma_start3A_206 = arith.constant 0 : i32
      %dma_start3A_207 = tpu.memref_slice %arg9[%dma_start3A_205, %dma_start3A_206] : memref<512x64xf32, #tpu.memory_space<vmem>> -> memref<128x64xf32, #tpu.memory_space<vmem>>
      %dma_start3A_208 = arith.constant 0 : i32
      %dma_start3A_209 = tpu.memref_slice %arg8[%dma_start3A_204, %dma_start3A_208] : memref<8x128xi32, #tpu.memory_space<vmem>> -> memref<1x128xi32, #tpu.memory_space<vmem>>
      %dma_start3A_210 = tpu.memref_squeeze %dma_start3A_209 : memref<1x128xi32, #tpu.memory_space<vmem>> -> memref<128xi32, #tpu.memory_space<vmem>>
      %dma_start3A_211 = arith.constant 0 : i32
      %dma_start3A_212 = arith.constant 0 : i32
      %dma_start3A_213 = tpu.memref_slice %arg11[%dma_start3A_211, %dma_start3A_212] : memref<10240x64xf32, #tpu.memory_space<vmem_shared>> -> memref<10240x64xf32, #tpu.memory_space<vmem_shared>>
      tpu.enqueue_indirect_dma source(%dma_start3A_207 : memref<128x64xf32, #tpu.memory_space<vmem>>) target(%dma_start3A_213 : memref<10240x64xf32, #tpu.memory_space<vmem_shared>>) offsets(%dma_start3A_210 : memref<128xi32, #tpu.memory_space<vmem>>) semaphore(%arg14 : memref<!tpu.dma_semaphore, #tpu.memory_space<semaphore_mem>>) {add = true}
      %dma_start3A_214 = arith.constant 1 : i32
      %dma_start3A_215 = arith.constant 128 : i32
      %dma_start3A_216 = arith.constant 0 : i32
      %dma_start3A_217 = tpu.memref_slice %arg9[%dma_start3A_215, %dma_start3A_216] : memref<512x64xf32, #tpu.memory_space<vmem>> -> memref<128x64xf32, #tpu.memory_space<vmem>>
      %dma_start3A_218 = arith.constant 0 : i32
      %dma_start3A_219 = tpu.memref_slice %arg8[%dma_start3A_214, %dma_start3A_218] : memref<8x128xi32, #tpu.memory_space<vmem>> -> memref<1x128xi32, #tpu.memory_space<vmem>>
      %dma_start3A_220 = tpu.memref_squeeze %dma_start3A_219 : memref<1x128xi32, #tpu.memory_space<vmem>> -> memref<128xi32, #tpu.memory_space<vmem>>
      %dma_start3A_221 = arith.constant 0 : i32
      %dma_start3A_222 = arith.constant 0 : i32
      %dma_start3A_223 = tpu.memref_slice %arg11[%dma_start3A_221, %dma_start3A_222] : memref<10240x64xf32, #tpu.memory_space<vmem_shared>> -> memref<10240x64xf32, #tpu.memory_space<vmem_shared>>
      tpu.enqueue_indirect_dma source(%dma_start3A_217 : memref<128x64xf32, #tpu.memory_space<vmem>>) target(%dma_start3A_223 : memref<10240x64xf32, #tpu.memory_space<vmem_shared>>) offsets(%dma_start3A_220 : memref<128xi32, #tpu.memory_space<vmem>>) semaphore(%arg14 : memref<!tpu.dma_semaphore, #tpu.memory_space<semaphore_mem>>) {add = true}
      %dma_start3A_224 = arith.constant 2 : i32
      %dma_start3A_225 = arith.constant 256 : i32
      %dma_start3A_226 = arith.constant 0 : i32
      %dma_start3A_227 = tpu.memref_slice %arg9[%dma_start3A_225, %dma_start3A_226] : memref<512x64xf32, #tpu.memory_space<vmem>> -> memref<128x64xf32, #tpu.memory_space<vmem>>
      %dma_start3A_228 = arith.constant 0 : i32
      %dma_start3A_229 = tpu.memref_slice %arg8[%dma_start3A_224, %dma_start3A_228] : memref<8x128xi32, #tpu.memory_space<vmem>> -> memref<1x128xi32, #tpu.memory_space<vmem>>
      %dma_start3A_230 = tpu.memref_squeeze %dma_start3A_229 : memref<1x128xi32, #tpu.memory_space<vmem>> -> memref<128xi32, #tpu.memory_space<vmem>>
      %dma_start3A_231 = arith.constant 0 : i32
      %dma_start3A_232 = arith.constant 0 : i32
      %dma_start3A_233 = tpu.memref_slice %arg11[%dma_start3A_231, %dma_start3A_232] : memref<10240x64xf32, #tpu.memory_space<vmem_shared>> -> memref<10240x64xf32, #tpu.memory_space<vmem_shared>>
      tpu.enqueue_indirect_dma source(%dma_start3A_227 : memref<128x64xf32, #tpu.memory_space<vmem>>) target(%dma_start3A_233 : memref<10240x64xf32, #tpu.memory_space<vmem_shared>>) offsets(%dma_start3A_230 : memref<128xi32, #tpu.memory_space<vmem>>) semaphore(%arg14 : memref<!tpu.dma_semaphore, #tpu.memory_space<semaphore_mem>>) {add = true}
      %dma_start3A_234 = arith.constant 3 : i32
      %dma_start3A_235 = arith.constant 384 : i32
      %dma_start3A_236 = arith.constant 0 : i32
      %dma_start3A_237 = tpu.memref_slice %arg9[%dma_start3A_235, %dma_start3A_236] : memref<512x64xf32, #tpu.memory_space<vmem>> -> memref<128x64xf32, #tpu.memory_space<vmem>>
      %dma_start3A_238 = arith.constant 0 : i32
      %dma_start3A_239 = tpu.memref_slice %arg8[%dma_start3A_234, %dma_start3A_238] : memref<8x128xi32, #tpu.memory_space<vmem>> -> memref<1x128xi32, #tpu.memory_space<vmem>>
      %dma_start3A_240 = tpu.memref_squeeze %dma_start3A_239 : memref<1x128xi32, #tpu.memory_space<vmem>> -> memref<128xi32, #tpu.memory_space<vmem>>
      %dma_start3A_241 = arith.constant 0 : i32
      %dma_start3A_242 = arith.constant 0 : i32
      %dma_start3A_243 = tpu.memref_slice %arg11[%dma_start3A_241, %dma_start3A_242] : memref<10240x64xf32, #tpu.memory_space<vmem_shared>> -> memref<10240x64xf32, #tpu.memory_space<vmem_shared>>
      tpu.enqueue_indirect_dma source(%dma_start3A_237 : memref<128x64xf32, #tpu.memory_space<vmem>>) target(%dma_start3A_243 : memref<10240x64xf32, #tpu.memory_space<vmem_shared>>) offsets(%dma_start3A_240 : memref<128xi32, #tpu.memory_space<vmem>>) semaphore(%arg14 : memref<!tpu.dma_semaphore, #tpu.memory_space<semaphore_mem>>) {add = true}
      %dma_wait3A_244 = arith.constant 0 : i32
      %dma_wait3A_245 = arith.constant 0 : i32
      %dma_wait3A_246 = tpu.memref_slice %arg10[%dma_wait3A_244, %dma_wait3A_245] : memref<512x64xf32, #tpu.memory_space<vmem>> -> memref<128x64xf32, #tpu.memory_space<vmem>>
      %dma_wait3A_247 = arith.constant 0 : i32
      %dma_wait3A_248 = tpu.memref_slice %arg7[%add3A_116, %dma_wait3A_247] : memref<112x128xi32, #tpu.memory_space<vmem>> -> memref<1x128xi32, #tpu.memory_space<vmem>>
      %dma_wait3A_249 = tpu.memref_squeeze %dma_wait3A_248 : memref<1x128xi32, #tpu.memory_space<vmem>> -> memref<128xi32, #tpu.memory_space<vmem>>
      %dma_wait3A_250 = arith.constant 0 : i32
      %dma_wait3A_251 = arith.constant 0 : i32
      %dma_wait3A_252 = tpu.memref_slice %arg2[%dma_wait3A_250, %dma_wait3A_251] : memref<10240x64xf32, #tpu.memory_space<hbm>> -> memref<10240x64xf32, #tpu.memory_space<hbm>>
      tpu.wait_indirect_dma semaphore(%arg13 : memref<!tpu.dma_semaphore, #tpu.memory_space<semaphore_mem>>) src(%dma_wait3A_252 : memref<10240x64xf32, #tpu.memory_space<hbm>>) dst(%dma_wait3A_246 : memref<128x64xf32, #tpu.memory_space<vmem>>)
      %dma_wait3A_253 = arith.constant 128 : i32
      %dma_wait3A_254 = arith.constant 0 : i32
      %dma_wait3A_255 = tpu.memref_slice %arg10[%dma_wait3A_253, %dma_wait3A_254] : memref<512x64xf32, #tpu.memory_space<vmem>> -> memref<128x64xf32, #tpu.memory_space<vmem>>
      %dma_wait3A_256 = arith.constant 0 : i32
      %dma_wait3A_257 = tpu.memref_slice %arg7[%add3A_129, %dma_wait3A_256] : memref<112x128xi32, #tpu.memory_space<vmem>> -> memref<1x128xi32, #tpu.memory_space<vmem>>
      %dma_wait3A_258 = tpu.memref_squeeze %dma_wait3A_257 : memref<1x128xi32, #tpu.memory_space<vmem>> -> memref<128xi32, #tpu.memory_space<vmem>>
      %dma_wait3A_259 = arith.constant 0 : i32
      %dma_wait3A_260 = arith.constant 0 : i32
      %dma_wait3A_261 = tpu.memref_slice %arg2[%dma_wait3A_259, %dma_wait3A_260] : memref<10240x64xf32, #tpu.memory_space<hbm>> -> memref<10240x64xf32, #tpu.memory_space<hbm>>
      tpu.wait_indirect_dma semaphore(%arg13 : memref<!tpu.dma_semaphore, #tpu.memory_space<semaphore_mem>>) src(%dma_wait3A_261 : memref<10240x64xf32, #tpu.memory_space<hbm>>) dst(%dma_wait3A_255 : memref<128x64xf32, #tpu.memory_space<vmem>>)
      %dma_wait3A_262 = arith.constant 256 : i32
      %dma_wait3A_263 = arith.constant 0 : i32
      %dma_wait3A_264 = tpu.memref_slice %arg10[%dma_wait3A_262, %dma_wait3A_263] : memref<512x64xf32, #tpu.memory_space<vmem>> -> memref<128x64xf32, #tpu.memory_space<vmem>>
      %dma_wait3A_265 = arith.constant 0 : i32
      %dma_wait3A_266 = tpu.memref_slice %arg7[%add3A_142, %dma_wait3A_265] : memref<112x128xi32, #tpu.memory_space<vmem>> -> memref<1x128xi32, #tpu.memory_space<vmem>>
      %dma_wait3A_267 = tpu.memref_squeeze %dma_wait3A_266 : memref<1x128xi32, #tpu.memory_space<vmem>> -> memref<128xi32, #tpu.memory_space<vmem>>
      %dma_wait3A_268 = arith.constant 0 : i32
      %dma_wait3A_269 = arith.constant 0 : i32
      %dma_wait3A_270 = tpu.memref_slice %arg2[%dma_wait3A_268, %dma_wait3A_269] : memref<10240x64xf32, #tpu.memory_space<hbm>> -> memref<10240x64xf32, #tpu.memory_space<hbm>>
      tpu.wait_indirect_dma semaphore(%arg13 : memref<!tpu.dma_semaphore, #tpu.memory_space<semaphore_mem>>) src(%dma_wait3A_270 : memref<10240x64xf32, #tpu.memory_space<hbm>>) dst(%dma_wait3A_264 : memref<128x64xf32, #tpu.memory_space<vmem>>)
      %dma_wait3A_271 = arith.constant 384 : i32
      %dma_wait3A_272 = arith.constant 0 : i32
      %dma_wait3A_273 = tpu.memref_slice %arg10[%dma_wait3A_271, %dma_wait3A_272] : memref<512x64xf32, #tpu.memory_space<vmem>> -> memref<128x64xf32, #tpu.memory_space<vmem>>
      %dma_wait3A_274 = arith.constant 0 : i32
      %dma_wait3A_275 = tpu.memref_slice %arg7[%add3A_155, %dma_wait3A_274] : memref<112x128xi32, #tpu.memory_space<vmem>> -> memref<1x128xi32, #tpu.memory_space<vmem>>
      %dma_wait3A_276 = tpu.memref_squeeze %dma_wait3A_275 : memref<1x128xi32, #tpu.memory_space<vmem>> -> memref<128xi32, #tpu.memory_space<vmem>>
      %dma_wait3A_277 = arith.constant 0 : i32
      %dma_wait3A_278 = arith.constant 0 : i32
      %dma_wait3A_279 = tpu.memref_slice %arg2[%dma_wait3A_277, %dma_wait3A_278] : memref<10240x64xf32, #tpu.memory_space<hbm>> -> memref<10240x64xf32, #tpu.memory_space<hbm>>
      tpu.wait_indirect_dma semaphore(%arg13 : memref<!tpu.dma_semaphore, #tpu.memory_space<semaphore_mem>>) src(%dma_wait3A_279 : memref<10240x64xf32, #tpu.memory_space<hbm>>) dst(%dma_wait3A_273 : memref<128x64xf32, #tpu.memory_space<vmem>>)
      %dma_start3A_280 = arith.constant 4 : i32
      %dma_start3A_281 = arith.constant 0 : i32
      %dma_start3A_282 = arith.constant 0 : i32
      %dma_start3A_283 = tpu.memref_slice %arg10[%dma_start3A_281, %dma_start3A_282] : memref<512x64xf32, #tpu.memory_space<vmem>> -> memref<128x64xf32, #tpu.memory_space<vmem>>
      %dma_start3A_284 = arith.constant 0 : i32
      %dma_start3A_285 = tpu.memref_slice %arg8[%dma_start3A_280, %dma_start3A_284] : memref<8x128xi32, #tpu.memory_space<vmem>> -> memref<1x128xi32, #tpu.memory_space<vmem>>
      %dma_start3A_286 = tpu.memref_squeeze %dma_start3A_285 : memref<1x128xi32, #tpu.memory_space<vmem>> -> memref<128xi32, #tpu.memory_space<vmem>>
      %dma_start3A_287 = arith.constant 0 : i32
      %dma_start3A_288 = arith.constant 0 : i32
      %dma_start3A_289 = tpu.memref_slice %arg11[%dma_start3A_287, %dma_start3A_288] : memref<10240x64xf32, #tpu.memory_space<vmem_shared>> -> memref<10240x64xf32, #tpu.memory_space<vmem_shared>>
      tpu.enqueue_indirect_dma source(%dma_start3A_283 : memref<128x64xf32, #tpu.memory_space<vmem>>) target(%dma_start3A_289 : memref<10240x64xf32, #tpu.memory_space<vmem_shared>>) offsets(%dma_start3A_286 : memref<128xi32, #tpu.memory_space<vmem>>) semaphore(%arg15 : memref<!tpu.dma_semaphore, #tpu.memory_space<semaphore_mem>>) {add = true}
      %dma_start3A_290 = arith.constant 5 : i32
      %dma_start3A_291 = arith.constant 128 : i32
      %dma_start3A_292 = arith.constant 0 : i32
      %dma_start3A_293 = tpu.memref_slice %arg10[%dma_start3A_291, %dma_start3A_292] : memref<512x64xf32, #tpu.memory_space<vmem>> -> memref<128x64xf32, #tpu.memory_space<vmem>>
      %dma_start3A_294 = arith.constant 0 : i32
      %dma_start3A_295 = tpu.memref_slice %arg8[%dma_start3A_290, %dma_start3A_294] : memref<8x128xi32, #tpu.memory_space<vmem>> -> memref<1x128xi32, #tpu.memory_space<vmem>>
      %dma_start3A_296 = tpu.memref_squeeze %dma_start3A_295 : memref<1x128xi32, #tpu.memory_space<vmem>> -> memref<128xi32, #tpu.memory_space<vmem>>
      %dma_start3A_297 = arith.constant 0 : i32
      %dma_start3A_298 = arith.constant 0 : i32
      %dma_start3A_299 = tpu.memref_slice %arg11[%dma_start3A_297, %dma_start3A_298] : memref<10240x64xf32, #tpu.memory_space<vmem_shared>> -> memref<10240x64xf32, #tpu.memory_space<vmem_shared>>
      tpu.enqueue_indirect_dma source(%dma_start3A_293 : memref<128x64xf32, #tpu.memory_space<vmem>>) target(%dma_start3A_299 : memref<10240x64xf32, #tpu.memory_space<vmem_shared>>) offsets(%dma_start3A_296 : memref<128xi32, #tpu.memory_space<vmem>>) semaphore(%arg15 : memref<!tpu.dma_semaphore, #tpu.memory_space<semaphore_mem>>) {add = true}
      %dma_start3A_300 = arith.constant 6 : i32
      %dma_start3A_301 = arith.constant 256 : i32
      %dma_start3A_302 = arith.constant 0 : i32
      %dma_start3A_303 = tpu.memref_slice %arg10[%dma_start3A_301, %dma_start3A_302] : memref<512x64xf32, #tpu.memory_space<vmem>> -> memref<128x64xf32, #tpu.memory_space<vmem>>
      %dma_start3A_304 = arith.constant 0 : i32
      %dma_start3A_305 = tpu.memref_slice %arg8[%dma_start3A_300, %dma_start3A_304] : memref<8x128xi32, #tpu.memory_space<vmem>> -> memref<1x128xi32, #tpu.memory_space<vmem>>
      %dma_start3A_306 = tpu.memref_squeeze %dma_start3A_305 : memref<1x128xi32, #tpu.memory_space<vmem>> -> memref<128xi32, #tpu.memory_space<vmem>>
      %dma_start3A_307 = arith.constant 0 : i32
      %dma_start3A_308 = arith.constant 0 : i32
      %dma_start3A_309 = tpu.memref_slice %arg11[%dma_start3A_307, %dma_start3A_308] : memref<10240x64xf32, #tpu.memory_space<vmem_shared>> -> memref<10240x64xf32, #tpu.memory_space<vmem_shared>>
      tpu.enqueue_indirect_dma source(%dma_start3A_303 : memref<128x64xf32, #tpu.memory_space<vmem>>) target(%dma_start3A_309 : memref<10240x64xf32, #tpu.memory_space<vmem_shared>>) offsets(%dma_start3A_306 : memref<128xi32, #tpu.memory_space<vmem>>) semaphore(%arg15 : memref<!tpu.dma_semaphore, #tpu.memory_space<semaphore_mem>>) {add = true}
      %dma_start3A_310 = arith.constant 7 : i32
      %dma_start3A_311 = arith.constant 384 : i32
      %dma_start3A_312 = arith.constant 0 : i32
      %dma_start3A_313 = tpu.memref_slice %arg10[%dma_start3A_311, %dma_start3A_312] : memref<512x64xf32, #tpu.memory_space<vmem>> -> memref<128x64xf32, #tpu.memory_space<vmem>>
      %dma_start3A_314 = arith.constant 0 : i32
      %dma_start3A_315 = tpu.memref_slice %arg8[%dma_start3A_310, %dma_start3A_314] : memref<8x128xi32, #tpu.memory_space<vmem>> -> memref<1x128xi32, #tpu.memory_space<vmem>>
      %dma_start3A_316 = tpu.memref_squeeze %dma_start3A_315 : memref<1x128xi32, #tpu.memory_space<vmem>> -> memref<128xi32, #tpu.memory_space<vmem>>
      %dma_start3A_317 = arith.constant 0 : i32
      %dma_start3A_318 = arith.constant 0 : i32
      %dma_start3A_319 = tpu.memref_slice %arg11[%dma_start3A_317, %dma_start3A_318] : memref<10240x64xf32, #tpu.memory_space<vmem_shared>> -> memref<10240x64xf32, #tpu.memory_space<vmem_shared>>
      tpu.enqueue_indirect_dma source(%dma_start3A_313 : memref<128x64xf32, #tpu.memory_space<vmem>>) target(%dma_start3A_319 : memref<10240x64xf32, #tpu.memory_space<vmem_shared>>) offsets(%dma_start3A_316 : memref<128xi32, #tpu.memory_space<vmem>>) semaphore(%arg15 : memref<!tpu.dma_semaphore, #tpu.memory_space<semaphore_mem>>) {add = true}
      %dma_wait3A_320 = arith.constant 0 : i32
      %dma_wait3A_321 = arith.constant 0 : i32
      %dma_wait3A_322 = arith.constant 0 : i32
      %dma_wait3A_323 = tpu.memref_slice %arg9[%dma_wait3A_321, %dma_wait3A_322] : memref<512x64xf32, #tpu.memory_space<vmem>> -> memref<128x64xf32, #tpu.memory_space<vmem>>
      %dma_wait3A_324 = arith.constant 0 : i32
      %dma_wait3A_325 = tpu.memref_slice %arg8[%dma_wait3A_320, %dma_wait3A_324] : memref<8x128xi32, #tpu.memory_space<vmem>> -> memref<1x128xi32, #tpu.memory_space<vmem>>
      %dma_wait3A_326 = tpu.memref_squeeze %dma_wait3A_325 : memref<1x128xi32, #tpu.memory_space<vmem>> -> memref<128xi32, #tpu.memory_space<vmem>>
      %dma_wait3A_327 = arith.constant 0 : i32
      %dma_wait3A_328 = arith.constant 0 : i32
      %dma_wait3A_329 = tpu.memref_slice %arg11[%dma_wait3A_327, %dma_wait3A_328] : memref<10240x64xf32, #tpu.memory_space<vmem_shared>> -> memref<10240x64xf32, #tpu.memory_space<vmem_shared>>
      tpu.wait_indirect_dma semaphore(%arg14 : memref<!tpu.dma_semaphore, #tpu.memory_space<semaphore_mem>>) src(%dma_wait3A_323 : memref<128x64xf32, #tpu.memory_space<vmem>>) dst(%dma_wait3A_329 : memref<10240x64xf32, #tpu.memory_space<vmem_shared>>)
      %dma_wait3A_330 = arith.constant 1 : i32
      %dma_wait3A_331 = arith.constant 128 : i32
      %dma_wait3A_332 = arith.constant 0 : i32
      %dma_wait3A_333 = tpu.memref_slice %arg9[%dma_wait3A_331, %dma_wait3A_332] : memref<512x64xf32, #tpu.memory_space<vmem>> -> memref<128x64xf32, #tpu.memory_space<vmem>>
      %dma_wait3A_334 = arith.constant 0 : i32
      %dma_wait3A_335 = tpu.memref_slice %arg8[%dma_wait3A_330, %dma_wait3A_334] : memref<8x128xi32, #tpu.memory_space<vmem>> -> memref<1x128xi32, #tpu.memory_space<vmem>>
      %dma_wait3A_336 = tpu.memref_squeeze %dma_wait3A_335 : memref<1x128xi32, #tpu.memory_space<vmem>> -> memref<128xi32, #tpu.memory_space<vmem>>
      %dma_wait3A_337 = arith.constant 0 : i32
      %dma_wait3A_338 = arith.constant 0 : i32
      %dma_wait3A_339 = tpu.memref_slice %arg11[%dma_wait3A_337, %dma_wait3A_338] : memref<10240x64xf32, #tpu.memory_space<vmem_shared>> -> memref<10240x64xf32, #tpu.memory_space<vmem_shared>>
      tpu.wait_indirect_dma semaphore(%arg14 : memref<!tpu.dma_semaphore, #tpu.memory_space<semaphore_mem>>) src(%dma_wait3A_333 : memref<128x64xf32, #tpu.memory_space<vmem>>) dst(%dma_wait3A_339 : memref<10240x64xf32, #tpu.memory_space<vmem_shared>>)
      %dma_wait3A_340 = arith.constant 2 : i32
      %dma_wait3A_341 = arith.constant 256 : i32
      %dma_wait3A_342 = arith.constant 0 : i32
      %dma_wait3A_343 = tpu.memref_slice %arg9[%dma_wait3A_341, %dma_wait3A_342] : memref<512x64xf32, #tpu.memory_space<vmem>> -> memref<128x64xf32, #tpu.memory_space<vmem>>
      %dma_wait3A_344 = arith.constant 0 : i32
      %dma_wait3A_345 = tpu.memref_slice %arg8[%dma_wait3A_340, %dma_wait3A_344] : memref<8x128xi32, #tpu.memory_space<vmem>> -> memref<1x128xi32, #tpu.memory_space<vmem>>
      %dma_wait3A_346 = tpu.memref_squeeze %dma_wait3A_345 : memref<1x128xi32, #tpu.memory_space<vmem>> -> memref<128xi32, #tpu.memory_space<vmem>>
      %dma_wait3A_347 = arith.constant 0 : i32
      %dma_wait3A_348 = arith.constant 0 : i32
      %dma_wait3A_349 = tpu.memref_slice %arg11[%dma_wait3A_347, %dma_wait3A_348] : memref<10240x64xf32, #tpu.memory_space<vmem_shared>> -> memref<10240x64xf32, #tpu.memory_space<vmem_shared>>
      tpu.wait_indirect_dma semaphore(%arg14 : memref<!tpu.dma_semaphore, #tpu.memory_space<semaphore_mem>>) src(%dma_wait3A_343 : memref<128x64xf32, #tpu.memory_space<vmem>>) dst(%dma_wait3A_349 : memref<10240x64xf32, #tpu.memory_space<vmem_shared>>)
      %dma_wait3A_350 = arith.constant 3 : i32
      %dma_wait3A_351 = arith.constant 384 : i32
      %dma_wait3A_352 = arith.constant 0 : i32
      %dma_wait3A_353 = tpu.memref_slice %arg9[%dma_wait3A_351, %dma_wait3A_352] : memref<512x64xf32, #tpu.memory_space<vmem>> -> memref<128x64xf32, #tpu.memory_space<vmem>>
      %dma_wait3A_354 = arith.constant 0 : i32
      %dma_wait3A_355 = tpu.memref_slice %arg8[%dma_wait3A_350, %dma_wait3A_354] : memref<8x128xi32, #tpu.memory_space<vmem>> -> memref<1x128xi32, #tpu.memory_space<vmem>>
      %dma_wait3A_356 = tpu.memref_squeeze %dma_wait3A_355 : memref<1x128xi32, #tpu.memory_space<vmem>> -> memref<128xi32, #tpu.memory_space<vmem>>
      %dma_wait3A_357 = arith.constant 0 : i32
      %dma_wait3A_358 = arith.constant 0 : i32
      %dma_wait3A_359 = tpu.memref_slice %arg11[%dma_wait3A_357, %dma_wait3A_358] : memref<10240x64xf32, #tpu.memory_space<vmem_shared>> -> memref<10240x64xf32, #tpu.memory_space<vmem_shared>>
      tpu.wait_indirect_dma semaphore(%arg14 : memref<!tpu.dma_semaphore, #tpu.memory_space<semaphore_mem>>) src(%dma_wait3A_353 : memref<128x64xf32, #tpu.memory_space<vmem>>) dst(%dma_wait3A_359 : memref<10240x64xf32, #tpu.memory_space<vmem_shared>>)
      %dma_wait3A_360 = arith.constant 4 : i32
      %dma_wait3A_361 = arith.constant 0 : i32
      %dma_wait3A_362 = arith.constant 0 : i32
      %dma_wait3A_363 = tpu.memref_slice %arg10[%dma_wait3A_361, %dma_wait3A_362] : memref<512x64xf32, #tpu.memory_space<vmem>> -> memref<128x64xf32, #tpu.memory_space<vmem>>
      %dma_wait3A_364 = arith.constant 0 : i32
      %dma_wait3A_365 = tpu.memref_slice %arg8[%dma_wait3A_360, %dma_wait3A_364] : memref<8x128xi32, #tpu.memory_space<vmem>> -> memref<1x128xi32, #tpu.memory_space<vmem>>
      %dma_wait3A_366 = tpu.memref_squeeze %dma_wait3A_365 : memref<1x128xi32, #tpu.memory_space<vmem>> -> memref<128xi32, #tpu.memory_space<vmem>>
      %dma_wait3A_367 = arith.constant 0 : i32
      %dma_wait3A_368 = arith.constant 0 : i32
      %dma_wait3A_369 = tpu.memref_slice %arg11[%dma_wait3A_367, %dma_wait3A_368] : memref<10240x64xf32, #tpu.memory_space<vmem_shared>> -> memref<10240x64xf32, #tpu.memory_space<vmem_shared>>
      tpu.wait_indirect_dma semaphore(%arg15 : memref<!tpu.dma_semaphore, #tpu.memory_space<semaphore_mem>>) src(%dma_wait3A_363 : memref<128x64xf32, #tpu.memory_space<vmem>>) dst(%dma_wait3A_369 : memref<10240x64xf32, #tpu.memory_space<vmem_shared>>)
      %dma_wait3A_370 = arith.constant 5 : i32
      %dma_wait3A_371 = arith.constant 128 : i32
      %dma_wait3A_372 = arith.constant 0 : i32
      %dma_wait3A_373 = tpu.memref_slice %arg10[%dma_wait3A_371, %dma_wait3A_372] : memref<512x64xf32, #tpu.memory_space<vmem>> -> memref<128x64xf32, #tpu.memory_space<vmem>>
      %dma_wait3A_374 = arith.constant 0 : i32
      %dma_wait3A_375 = tpu.memref_slice %arg8[%dma_wait3A_370, %dma_wait3A_374] : memref<8x128xi32, #tpu.memory_space<vmem>> -> memref<1x128xi32, #tpu.memory_space<vmem>>
      %dma_wait3A_376 = tpu.memref_squeeze %dma_wait3A_375 : memref<1x128xi32, #tpu.memory_space<vmem>> -> memref<128xi32, #tpu.memory_space<vmem>>
      %dma_wait3A_377 = arith.constant 0 : i32
      %dma_wait3A_378 = arith.constant 0 : i32
      %dma_wait3A_379 = tpu.memref_slice %arg11[%dma_wait3A_377, %dma_wait3A_378] : memref<10240x64xf32, #tpu.memory_space<vmem_shared>> -> memref<10240x64xf32, #tpu.memory_space<vmem_shared>>
      tpu.wait_indirect_dma semaphore(%arg15 : memref<!tpu.dma_semaphore, #tpu.memory_space<semaphore_mem>>) src(%dma_wait3A_373 : memref<128x64xf32, #tpu.memory_space<vmem>>) dst(%dma_wait3A_379 : memref<10240x64xf32, #tpu.memory_space<vmem_shared>>)
      %dma_wait3A_380 = arith.constant 6 : i32
      %dma_wait3A_381 = arith.constant 256 : i32
      %dma_wait3A_382 = arith.constant 0 : i32
      %dma_wait3A_383 = tpu.memref_slice %arg10[%dma_wait3A_381, %dma_wait3A_382] : memref<512x64xf32, #tpu.memory_space<vmem>> -> memref<128x64xf32, #tpu.memory_space<vmem>>
      %dma_wait3A_384 = arith.constant 0 : i32
      %dma_wait3A_385 = tpu.memref_slice %arg8[%dma_wait3A_380, %dma_wait3A_384] : memref<8x128xi32, #tpu.memory_space<vmem>> -> memref<1x128xi32, #tpu.memory_space<vmem>>
      %dma_wait3A_386 = tpu.memref_squeeze %dma_wait3A_385 : memref<1x128xi32, #tpu.memory_space<vmem>> -> memref<128xi32, #tpu.memory_space<vmem>>
      %dma_wait3A_387 = arith.constant 0 : i32
      %dma_wait3A_388 = arith.constant 0 : i32
      %dma_wait3A_389 = tpu.memref_slice %arg11[%dma_wait3A_387, %dma_wait3A_388] : memref<10240x64xf32, #tpu.memory_space<vmem_shared>> -> memref<10240x64xf32, #tpu.memory_space<vmem_shared>>
      tpu.wait_indirect_dma semaphore(%arg15 : memref<!tpu.dma_semaphore, #tpu.memory_space<semaphore_mem>>) src(%dma_wait3A_383 : memref<128x64xf32, #tpu.memory_space<vmem>>) dst(%dma_wait3A_389 : memref<10240x64xf32, #tpu.memory_space<vmem_shared>>)
      %dma_wait3A_390 = arith.constant 7 : i32
      %dma_wait3A_391 = arith.constant 384 : i32
      %dma_wait3A_392 = arith.constant 0 : i32
      %dma_wait3A_393 = tpu.memref_slice %arg10[%dma_wait3A_391, %dma_wait3A_392] : memref<512x64xf32, #tpu.memory_space<vmem>> -> memref<128x64xf32, #tpu.memory_space<vmem>>
      %dma_wait3A_394 = arith.constant 0 : i32
      %dma_wait3A_395 = tpu.memref_slice %arg8[%dma_wait3A_390, %dma_wait3A_394] : memref<8x128xi32, #tpu.memory_space<vmem>> -> memref<1x128xi32, #tpu.memory_space<vmem>>
      %dma_wait3A_396 = tpu.memref_squeeze %dma_wait3A_395 : memref<1x128xi32, #tpu.memory_space<vmem>> -> memref<128xi32, #tpu.memory_space<vmem>>
      %dma_wait3A_397 = arith.constant 0 : i32
      %dma_wait3A_398 = arith.constant 0 : i32
      %dma_wait3A_399 = tpu.memref_slice %arg11[%dma_wait3A_397, %dma_wait3A_398] : memref<10240x64xf32, #tpu.memory_space<vmem_shared>> -> memref<10240x64xf32, #tpu.memory_space<vmem_shared>>
      tpu.wait_indirect_dma semaphore(%arg15 : memref<!tpu.dma_semaphore, #tpu.memory_space<semaphore_mem>>) src(%dma_wait3A_393 : memref<128x64xf32, #tpu.memory_space<vmem>>) dst(%dma_wait3A_399 : memref<10240x64xf32, #tpu.memory_space<vmem_shared>>)
    }
    %barrier3A_41 = arith.constant 0 : index
    tpu.barrier barrier_id(%barrier3A_41)
    %mul3A_42 = arith.constant 640 : i32
    %mul3A_43 = arith.muli %arg1, %mul3A_42 : i32
    %add3A_44 = arith.constant 0 : i32
    %add3A_45 = arith.addi %mul3A_43, %add3A_44 : i32
    "tpu.region"() ({
      %run_scoped3A = tpu.sem_alloc : memref<!tpu.dma_semaphore, #tpu.memory_space<semaphore_mem>>
      %dma_start3A = arith.constant 0 : i32
      %dma_start3A_58 = arith.constant 0 : i32
      %dma_start3A_59 = tpu.memref_slice %arg9[%dma_start3A, %dma_start3A_58] : memref<512x64xf32, #tpu.memory_space<vmem>> -> memref<320x64xf32, #tpu.memory_space<vmem>>
      %dma_start3A_60 = arith.constant 0 : i32
      %dma_start3A_61 = tpu.memref_slice %arg11[%add3A_45, %dma_start3A_60] : memref<10240x64xf32, #tpu.memory_space<vmem_shared>> -> memref<320x64xf32, #tpu.memory_space<vmem_shared>>
      %dma_start3A_62 = arith.constant 0 : i32
      %dma_start3A_63 = arith.constant 0 : i32
      %dma_start3A_64 = tpu.memref_slice %arg9[%dma_start3A_62, %dma_start3A_63] : memref<512x64xf32, #tpu.memory_space<vmem>> -> memref<320x64xf32, #tpu.memory_space<vmem>>
      %dma_start3A_65 = arith.constant 0 : i32
      %dma_start3A_66 = tpu.memref_slice %arg11[%add3A_45, %dma_start3A_65] : memref<10240x64xf32, #tpu.memory_space<vmem_shared>> -> memref<320x64xf32, #tpu.memory_space<vmem_shared>>
      tpu.enqueue_dma source(%dma_start3A_66 : memref<320x64xf32, #tpu.memory_space<vmem_shared>>) target(%dma_start3A_64 : memref<320x64xf32, #tpu.memory_space<vmem>>) target_semaphore(%run_scoped3A : memref<!tpu.dma_semaphore, #tpu.memory_space<semaphore_mem>>)
      %dma_wait3A = arith.constant 0 : i32
      %dma_wait3A_67 = arith.constant 0 : i32
      %dma_wait3A_68 = tpu.memref_slice %arg9[%dma_wait3A, %dma_wait3A_67] : memref<512x64xf32, #tpu.memory_space<vmem>> -> memref<320x64xf32, #tpu.memory_space<vmem>>
      %dma_wait3A_69 = arith.constant 0 : i32
      %dma_wait3A_70 = tpu.memref_slice %arg11[%add3A_45, %dma_wait3A_69] : memref<10240x64xf32, #tpu.memory_space<vmem_shared>> -> memref<320x64xf32, #tpu.memory_space<vmem_shared>>
      %dma_wait3A_71 = arith.constant 0 : i32
      %dma_wait3A_72 = arith.constant 0 : i32
      %dma_wait3A_73 = tpu.memref_slice %arg9[%dma_wait3A_71, %dma_wait3A_72] : memref<512x64xf32, #tpu.memory_space<vmem>> -> memref<320x64xf32, #tpu.memory_space<vmem>>
      %dma_wait3A_74 = arith.constant 0 : i32
      %dma_wait3A_75 = tpu.memref_slice %arg11[%add3A_45, %dma_wait3A_74] : memref<10240x64xf32, #tpu.memory_space<vmem_shared>> -> memref<320x64xf32, #tpu.memory_space<vmem_shared>>
      tpu.wait_dma2 semaphore(%run_scoped3A : memref<!tpu.dma_semaphore, #tpu.memory_space<semaphore_mem>>) src(%dma_wait3A_75 : memref<320x64xf32, #tpu.memory_space<vmem_shared>>) dst(%dma_wait3A_73 : memref<320x64xf32, #tpu.memory_space<vmem>>)
      tpu.yield
    }) : () -> ()
    %mul3A_46 = arith.constant 640 : i32
    %mul3A_47 = arith.muli %arg1, %mul3A_46 : i32
    %add3A_48 = arith.constant 0 : i32
    %add3A_49 = arith.addi %mul3A_47, %add3A_48 : i32
    "tpu.region"() ({
      %run_scoped3A = tpu.sem_alloc : memref<!tpu.dma_semaphore, #tpu.memory_space<semaphore_mem>>
      %dma_start3A = arith.constant 0 : i32
      %dma_start3A_58 = arith.constant 0 : i32
      %dma_start3A_59 = tpu.memref_slice %arg9[%dma_start3A, %dma_start3A_58] : memref<512x64xf32, #tpu.memory_space<vmem>> -> memref<320x64xf32, #tpu.memory_space<vmem>>
      %dma_start3A_60 = arith.constant 0 : i32
      %dma_start3A_61 = arith.constant 0 : i32
      %dma_start3A_62 = tpu.memref_slice %arg6[%arg0, %dma_start3A_60, %dma_start3A_61] : memref<2x10240x64xf32, #tpu.memory_space<hbm>> -> memref<1x10240x64xf32, #tpu.memory_space<hbm>>
      %dma_start3A_63 = tpu.memref_squeeze %dma_start3A_62 : memref<1x10240x64xf32, #tpu.memory_space<hbm>> -> memref<10240x64xf32, #tpu.memory_space<hbm>>
      %dma_start3A_64 = arith.constant 0 : i32
      %dma_start3A_65 = tpu.memref_slice %dma_start3A_63[%add3A_49, %dma_start3A_64] : memref<10240x64xf32, #tpu.memory_space<hbm>> -> memref<320x64xf32, #tpu.memory_space<hbm>>
      %dma_start3A_66 = arith.constant 0 : i32
      %dma_start3A_67 = arith.constant 0 : i32
      %dma_start3A_68 = tpu.memref_slice %arg6[%arg0, %dma_start3A_66, %dma_start3A_67] : memref<2x10240x64xf32, #tpu.memory_space<hbm>> -> memref<1x10240x64xf32, #tpu.memory_space<hbm>>
      %dma_start3A_69 = tpu.memref_squeeze %dma_start3A_68 : memref<1x10240x64xf32, #tpu.memory_space<hbm>> -> memref<10240x64xf32, #tpu.memory_space<hbm>>
      %dma_start3A_70 = arith.constant 0 : i32
      %dma_start3A_71 = tpu.memref_slice %dma_start3A_69[%add3A_49, %dma_start3A_70] : memref<10240x64xf32, #tpu.memory_space<hbm>> -> memref<320x64xf32, #tpu.memory_space<hbm>>
      %dma_start3A_72 = arith.constant 0 : i32
      %dma_start3A_73 = arith.constant 0 : i32
      %dma_start3A_74 = tpu.memref_slice %arg9[%dma_start3A_72, %dma_start3A_73] : memref<512x64xf32, #tpu.memory_space<vmem>> -> memref<320x64xf32, #tpu.memory_space<vmem>>
      tpu.enqueue_dma source(%dma_start3A_74 : memref<320x64xf32, #tpu.memory_space<vmem>>) target(%dma_start3A_71 : memref<320x64xf32, #tpu.memory_space<hbm>>) target_semaphore(%run_scoped3A : memref<!tpu.dma_semaphore, #tpu.memory_space<semaphore_mem>>)
      %dma_wait3A = arith.constant 0 : i32
      %dma_wait3A_75 = arith.constant 0 : i32
      %dma_wait3A_76 = tpu.memref_slice %arg9[%dma_wait3A, %dma_wait3A_75] : memref<512x64xf32, #tpu.memory_space<vmem>> -> memref<320x64xf32, #tpu.memory_space<vmem>>
      %dma_wait3A_77 = arith.constant 0 : i32
      %dma_wait3A_78 = arith.constant 0 : i32
      %dma_wait3A_79 = tpu.memref_slice %arg6[%arg0, %dma_wait3A_77, %dma_wait3A_78] : memref<2x10240x64xf32, #tpu.memory_space<hbm>> -> memref<1x10240x64xf32, #tpu.memory_space<hbm>>
      %dma_wait3A_80 = tpu.memref_squeeze %dma_wait3A_79 : memref<1x10240x64xf32, #tpu.memory_space<hbm>> -> memref<10240x64xf32, #tpu.memory_space<hbm>>
      %dma_wait3A_81 = arith.constant 0 : i32
      %dma_wait3A_82 = tpu.memref_slice %dma_wait3A_80[%add3A_49, %dma_wait3A_81] : memref<10240x64xf32, #tpu.memory_space<hbm>> -> memref<320x64xf32, #tpu.memory_space<hbm>>
      %dma_wait3A_83 = arith.constant 0 : i32
      %dma_wait3A_84 = arith.constant 0 : i32
      %dma_wait3A_85 = tpu.memref_slice %arg6[%arg0, %dma_wait3A_83, %dma_wait3A_84] : memref<2x10240x64xf32, #tpu.memory_space<hbm>> -> memref<1x10240x64xf32, #tpu.memory_space<hbm>>
      %dma_wait3A_86 = tpu.memref_squeeze %dma_wait3A_85 : memref<1x10240x64xf32, #tpu.memory_space<hbm>> -> memref<10240x64xf32, #tpu.memory_space<hbm>>
      %dma_wait3A_87 = arith.constant 0 : i32
      %dma_wait3A_88 = tpu.memref_slice %dma_wait3A_86[%add3A_49, %dma_wait3A_87] : memref<10240x64xf32, #tpu.memory_space<hbm>> -> memref<320x64xf32, #tpu.memory_space<hbm>>
      %dma_wait3A_89 = arith.constant 0 : i32
      %dma_wait3A_90 = arith.constant 0 : i32
      %dma_wait3A_91 = tpu.memref_slice %arg9[%dma_wait3A_89, %dma_wait3A_90] : memref<512x64xf32, #tpu.memory_space<vmem>> -> memref<320x64xf32, #tpu.memory_space<vmem>>
      tpu.wait_dma2 semaphore(%run_scoped3A : memref<!tpu.dma_semaphore, #tpu.memory_space<semaphore_mem>>) src(%dma_wait3A_91 : memref<320x64xf32, #tpu.memory_space<vmem>>) dst(%dma_wait3A_88 : memref<320x64xf32, #tpu.memory_space<hbm>>)
      tpu.yield
    }) : () -> ()
    %mul3A_50 = arith.constant 640 : i32
    %mul3A_51 = arith.muli %arg1, %mul3A_50 : i32
    %add3A_52 = arith.constant 320 : i32
    %add3A_53 = arith.addi %mul3A_51, %add3A_52 : i32
    "tpu.region"() ({
      %run_scoped3A = tpu.sem_alloc : memref<!tpu.dma_semaphore, #tpu.memory_space<semaphore_mem>>
      %dma_start3A = arith.constant 0 : i32
      %dma_start3A_58 = arith.constant 0 : i32
      %dma_start3A_59 = tpu.memref_slice %arg9[%dma_start3A, %dma_start3A_58] : memref<512x64xf32, #tpu.memory_space<vmem>> -> memref<320x64xf32, #tpu.memory_space<vmem>>
      %dma_start3A_60 = arith.constant 0 : i32
      %dma_start3A_61 = tpu.memref_slice %arg11[%add3A_53, %dma_start3A_60] : memref<10240x64xf32, #tpu.memory_space<vmem_shared>> -> memref<320x64xf32, #tpu.memory_space<vmem_shared>>
      %dma_start3A_62 = arith.constant 0 : i32
      %dma_start3A_63 = arith.constant 0 : i32
      %dma_start3A_64 = tpu.memref_slice %arg9[%dma_start3A_62, %dma_start3A_63] : memref<512x64xf32, #tpu.memory_space<vmem>> -> memref<320x64xf32, #tpu.memory_space<vmem>>
      %dma_start3A_65 = arith.constant 0 : i32
      %dma_start3A_66 = tpu.memref_slice %arg11[%add3A_53, %dma_start3A_65] : memref<10240x64xf32, #tpu.memory_space<vmem_shared>> -> memref<320x64xf32, #tpu.memory_space<vmem_shared>>
      tpu.enqueue_dma source(%dma_start3A_66 : memref<320x64xf32, #tpu.memory_space<vmem_shared>>) target(%dma_start3A_64 : memref<320x64xf32, #tpu.memory_space<vmem>>) target_semaphore(%run_scoped3A : memref<!tpu.dma_semaphore, #tpu.memory_space<semaphore_mem>>)
      %dma_wait3A = arith.constant 0 : i32
      %dma_wait3A_67 = arith.constant 0 : i32
      %dma_wait3A_68 = tpu.memref_slice %arg9[%dma_wait3A, %dma_wait3A_67] : memref<512x64xf32, #tpu.memory_space<vmem>> -> memref<320x64xf32, #tpu.memory_space<vmem>>
      %dma_wait3A_69 = arith.constant 0 : i32
      %dma_wait3A_70 = tpu.memref_slice %arg11[%add3A_53, %dma_wait3A_69] : memref<10240x64xf32, #tpu.memory_space<vmem_shared>> -> memref<320x64xf32, #tpu.memory_space<vmem_shared>>
      %dma_wait3A_71 = arith.constant 0 : i32
      %dma_wait3A_72 = arith.constant 0 : i32
      %dma_wait3A_73 = tpu.memref_slice %arg9[%dma_wait3A_71, %dma_wait3A_72] : memref<512x64xf32, #tpu.memory_space<vmem>> -> memref<320x64xf32, #tpu.memory_space<vmem>>
      %dma_wait3A_74 = arith.constant 0 : i32
      %dma_wait3A_75 = tpu.memref_slice %arg11[%add3A_53, %dma_wait3A_74] : memref<10240x64xf32, #tpu.memory_space<vmem_shared>> -> memref<320x64xf32, #tpu.memory_space<vmem_shared>>
      tpu.wait_dma2 semaphore(%run_scoped3A : memref<!tpu.dma_semaphore, #tpu.memory_space<semaphore_mem>>) src(%dma_wait3A_75 : memref<320x64xf32, #tpu.memory_space<vmem_shared>>) dst(%dma_wait3A_73 : memref<320x64xf32, #tpu.memory_space<vmem>>)
      tpu.yield
    }) : () -> ()
    %mul3A_54 = arith.constant 640 : i32
    %mul3A_55 = arith.muli %arg1, %mul3A_54 : i32
    %add3A_56 = arith.constant 320 : i32
    %add3A_57 = arith.addi %mul3A_55, %add3A_56 : i32
    "tpu.region"() ({
      %run_scoped3A = tpu.sem_alloc : memref<!tpu.dma_semaphore, #tpu.memory_space<semaphore_mem>>
      %dma_start3A = arith.constant 0 : i32
      %dma_start3A_58 = arith.constant 0 : i32
      %dma_start3A_59 = tpu.memref_slice %arg9[%dma_start3A, %dma_start3A_58] : memref<512x64xf32, #tpu.memory_space<vmem>> -> memref<320x64xf32, #tpu.memory_space<vmem>>
      %dma_start3A_60 = arith.constant 0 : i32
      %dma_start3A_61 = arith.constant 0 : i32
      %dma_start3A_62 = tpu.memref_slice %arg6[%arg0, %dma_start3A_60, %dma_start3A_61] : memref<2x10240x64xf32, #tpu.memory_space<hbm>> -> memref<1x10240x64xf32, #tpu.memory_space<hbm>>
      %dma_start3A_63 = tpu.memref_squeeze %dma_start3A_62 : memref<1x10240x64xf32, #tpu.memory_space<hbm>> -> memref<10240x64xf32, #tpu.memory_space<hbm>>
      %dma_start3A_64 = arith.constant 0 : i32
      %dma_start3A_65 = tpu.memref_slice %dma_start3A_63[%add3A_57, %dma_start3A_64] : memref<10240x64xf32, #tpu.memory_space<hbm>> -> memref<320x64xf32, #tpu.memory_space<hbm>>
      %dma_start3A_66 = arith.constant 0 : i32
      %dma_start3A_67 = arith.constant 0 : i32
      %dma_start3A_68 = tpu.memref_slice %arg6[%arg0, %dma_start3A_66, %dma_start3A_67] : memref<2x10240x64xf32, #tpu.memory_space<hbm>> -> memref<1x10240x64xf32, #tpu.memory_space<hbm>>
      %dma_start3A_69 = tpu.memref_squeeze %dma_start3A_68 : memref<1x10240x64xf32, #tpu.memory_space<hbm>> -> memref<10240x64xf32, #tpu.memory_space<hbm>>
      %dma_start3A_70 = arith.constant 0 : i32
      %dma_start3A_71 = tpu.memref_slice %dma_start3A_69[%add3A_57, %dma_start3A_70] : memref<10240x64xf32, #tpu.memory_space<hbm>> -> memref<320x64xf32, #tpu.memory_space<hbm>>
      %dma_start3A_72 = arith.constant 0 : i32
      %dma_start3A_73 = arith.constant 0 : i32
      %dma_start3A_74 = tpu.memref_slice %arg9[%dma_start3A_72, %dma_start3A_73] : memref<512x64xf32, #tpu.memory_space<vmem>> -> memref<320x64xf32, #tpu.memory_space<vmem>>
      tpu.enqueue_dma source(%dma_start3A_74 : memref<320x64xf32, #tpu.memory_space<vmem>>) target(%dma_start3A_71 : memref<320x64xf32, #tpu.memory_space<hbm>>) target_semaphore(%run_scoped3A : memref<!tpu.dma_semaphore, #tpu.memory_space<semaphore_mem>>)
      %dma_wait3A = arith.constant 0 : i32
      %dma_wait3A_75 = arith.constant 0 : i32
      %dma_wait3A_76 = tpu.memref_slice %arg9[%dma_wait3A, %dma_wait3A_75] : memref<512x64xf32, #tpu.memory_space<vmem>> -> memref<320x64xf32, #tpu.memory_space<vmem>>
      %dma_wait3A_77 = arith.constant 0 : i32
      %dma_wait3A_78 = arith.constant 0 : i32
      %dma_wait3A_79 = tpu.memref_slice %arg6[%arg0, %dma_wait3A_77, %dma_wait3A_78] : memref<2x10240x64xf32, #tpu.memory_space<hbm>> -> memref<1x10240x64xf32, #tpu.memory_space<hbm>>
      %dma_wait3A_80 = tpu.memref_squeeze %dma_wait3A_79 : memref<1x10240x64xf32, #tpu.memory_space<hbm>> -> memref<10240x64xf32, #tpu.memory_space<hbm>>
      %dma_wait3A_81 = arith.constant 0 : i32
      %dma_wait3A_82 = tpu.memref_slice %dma_wait3A_80[%add3A_57, %dma_wait3A_81] : memref<10240x64xf32, #tpu.memory_space<hbm>> -> memref<320x64xf32, #tpu.memory_space<hbm>>
      %dma_wait3A_83 = arith.constant 0 : i32
      %dma_wait3A_84 = arith.constant 0 : i32
      %dma_wait3A_85 = tpu.memref_slice %arg6[%arg0, %dma_wait3A_83, %dma_wait3A_84] : memref<2x10240x64xf32, #tpu.memory_space<hbm>> -> memref<1x10240x64xf32, #tpu.memory_space<hbm>>
      %dma_wait3A_86 = tpu.memref_squeeze %dma_wait3A_85 : memref<1x10240x64xf32, #tpu.memory_space<hbm>> -> memref<10240x64xf32, #tpu.memory_space<hbm>>
      %dma_wait3A_87 = arith.constant 0 : i32
      %dma_wait3A_88 = tpu.memref_slice %dma_wait3A_86[%add3A_57, %dma_wait3A_87] : memref<10240x64xf32, #tpu.memory_space<hbm>> -> memref<320x64xf32, #tpu.memory_space<hbm>>
      %dma_wait3A_89 = arith.constant 0 : i32
      %dma_wait3A_90 = arith.constant 0 : i32
      %dma_wait3A_91 = tpu.memref_slice %arg9[%dma_wait3A_89, %dma_wait3A_90] : memref<512x64xf32, #tpu.memory_space<vmem>> -> memref<320x64xf32, #tpu.memory_space<vmem>>
      tpu.wait_dma2 semaphore(%run_scoped3A : memref<!tpu.dma_semaphore, #tpu.memory_space<semaphore_mem>>) src(%dma_wait3A_91 : memref<320x64xf32, #tpu.memory_space<vmem>>) dst(%dma_wait3A_88 : memref<320x64xf32, #tpu.memory_space<hbm>>)
      tpu.yield
    }) : () -> ()
    return
  }
}

#map = affine_map<(d0, d1) -> (0, 0)>
#map1 = affine_map<(d0, d1) -> (0, 0, 0)>
module attributes {stable_mosaic.version = 14 : i64} {
  func.func @_sc_degree(%arg0: i32, %arg1: i32, %arg2: memref<2560x128xi32, #tpu.memory_space<hbm>>, %arg3: memref<128x16xf32, #tpu.memory_space<hbm>>, %arg4: memref<640x16xf32, #tpu.memory_space<hbm>>, %arg5: memref<2x10240x16xf32, #tpu.memory_space<hbm>>, %arg6: memref<80x128xi32, #tpu.memory_space<vmem>>, %arg7: memref<128x16xf32, #tpu.memory_space<vmem>>, %arg8: memref<640x16xf32, #tpu.memory_space<vmem>>, %arg9: memref<10240x16xf32, #tpu.memory_space<vmem_shared>>, %arg10: memref<!tpu.dma_semaphore, #tpu.memory_space<semaphore_mem>>) attributes {dimension_semantics = [#tpu.dimension_semantics<core_parallel>, #tpu.dimension_semantics<subcore_parallel>], iteration_bounds = array<i64: 2, 16>, scalar_prefetch = 0 : i64, scratch_operands = 5 : i64, tpu.core_type = #tpu.core_type<sc_vector_subcore>, window_params = [{transform_indices = #map}, {transform_indices = #map}, {transform_indices = #map}, {transform_indices = #map1}]} {
    %mul3A = arith.constant 2 : i32
    %mul3A_0 = arith.muli %arg1, %mul3A : i32
    %add3A = arith.addi %mul3A_0, %arg0 : i32
    %mul3A_1 = arith.constant 80 : i32
    %mul3A_2 = arith.muli %add3A, %mul3A_1 : i32
    "tpu.region"() ({
      %run_scoped3A = tpu.sem_alloc : memref<!tpu.dma_semaphore, #tpu.memory_space<semaphore_mem>>
      %dma_start3A = arith.constant 0 : i32
      %dma_start3A_61 = tpu.memref_slice %arg2[%mul3A_2, %dma_start3A] : memref<2560x128xi32, #tpu.memory_space<hbm>> -> memref<80x128xi32, #tpu.memory_space<hbm>>
      %dma_start3A_62 = arith.constant 0 : i32
      %dma_start3A_63 = tpu.memref_slice %arg2[%mul3A_2, %dma_start3A_62] : memref<2560x128xi32, #tpu.memory_space<hbm>> -> memref<80x128xi32, #tpu.memory_space<hbm>>
      tpu.enqueue_dma source(%dma_start3A_63 : memref<80x128xi32, #tpu.memory_space<hbm>>) target(%arg6 : memref<80x128xi32, #tpu.memory_space<vmem>>) target_semaphore(%run_scoped3A : memref<!tpu.dma_semaphore, #tpu.memory_space<semaphore_mem>>)
      %dma_wait3A_64 = arith.constant 0 : i32
      %dma_wait3A_65 = tpu.memref_slice %arg2[%mul3A_2, %dma_wait3A_64] : memref<2560x128xi32, #tpu.memory_space<hbm>> -> memref<80x128xi32, #tpu.memory_space<hbm>>
      %dma_wait3A_66 = arith.constant 0 : i32
      %dma_wait3A_67 = tpu.memref_slice %arg2[%mul3A_2, %dma_wait3A_66] : memref<2560x128xi32, #tpu.memory_space<hbm>> -> memref<80x128xi32, #tpu.memory_space<hbm>>
      tpu.wait_dma2 semaphore(%run_scoped3A : memref<!tpu.dma_semaphore, #tpu.memory_space<semaphore_mem>>) src(%dma_wait3A_67 : memref<80x128xi32, #tpu.memory_space<hbm>>) dst(%arg6 : memref<80x128xi32, #tpu.memory_space<vmem>>)
      tpu.yield
    }) : () -> ()
    "tpu.region"() ({
      %run_scoped3A = tpu.sem_alloc : memref<!tpu.dma_semaphore, #tpu.memory_space<semaphore_mem>>
      tpu.enqueue_dma source(%arg3 : memref<128x16xf32, #tpu.memory_space<hbm>>) target(%arg7 : memref<128x16xf32, #tpu.memory_space<vmem>>) target_semaphore(%run_scoped3A : memref<!tpu.dma_semaphore, #tpu.memory_space<semaphore_mem>>)
      tpu.wait_dma2 semaphore(%run_scoped3A : memref<!tpu.dma_semaphore, #tpu.memory_space<semaphore_mem>>) src(%arg3 : memref<128x16xf32, #tpu.memory_space<hbm>>) dst(%arg7 : memref<128x16xf32, #tpu.memory_space<vmem>>)
      tpu.yield
    }) : () -> ()
    "tpu.region"() ({
      %run_scoped3A = tpu.sem_alloc : memref<!tpu.dma_semaphore, #tpu.memory_space<semaphore_mem>>
      tpu.enqueue_dma source(%arg4 : memref<640x16xf32, #tpu.memory_space<hbm>>) target(%arg8 : memref<640x16xf32, #tpu.memory_space<vmem>>) target_semaphore(%run_scoped3A : memref<!tpu.dma_semaphore, #tpu.memory_space<semaphore_mem>>)
      tpu.wait_dma2 semaphore(%run_scoped3A : memref<!tpu.dma_semaphore, #tpu.memory_space<semaphore_mem>>) src(%arg4 : memref<640x16xf32, #tpu.memory_space<hbm>>) dst(%arg8 : memref<640x16xf32, #tpu.memory_space<vmem>>)
      tpu.yield
    }) : () -> ()
    %mul3A_3 = arith.constant 640 : i32
    %mul3A_4 = arith.muli %arg1, %mul3A_3 : i32
    "tpu.region"() ({
      %run_scoped3A = tpu.sem_alloc : memref<!tpu.dma_semaphore, #tpu.memory_space<semaphore_mem>>
      %dma_start3A = arith.constant 0 : i32
      %dma_start3A_61 = tpu.memref_slice %arg9[%mul3A_4, %dma_start3A] : memref<10240x16xf32, #tpu.memory_space<vmem_shared>> -> memref<640x16xf32, #tpu.memory_space<vmem_shared>>
      %dma_start3A_62 = arith.constant 0 : i32
      %dma_start3A_63 = tpu.memref_slice %arg9[%mul3A_4, %dma_start3A_62] : memref<10240x16xf32, #tpu.memory_space<vmem_shared>> -> memref<640x16xf32, #tpu.memory_space<vmem_shared>>
      tpu.enqueue_dma source(%arg8 : memref<640x16xf32, #tpu.memory_space<vmem>>) target(%dma_start3A_63 : memref<640x16xf32, #tpu.memory_space<vmem_shared>>) target_semaphore(%run_scoped3A : memref<!tpu.dma_semaphore, #tpu.memory_space<semaphore_mem>>)
      %dma_wait3A_64 = arith.constant 0 : i32
      %dma_wait3A_65 = tpu.memref_slice %arg9[%mul3A_4, %dma_wait3A_64] : memref<10240x16xf32, #tpu.memory_space<vmem_shared>> -> memref<640x16xf32, #tpu.memory_space<vmem_shared>>
      %dma_wait3A_66 = arith.constant 0 : i32
      %dma_wait3A_67 = tpu.memref_slice %arg9[%mul3A_4, %dma_wait3A_66] : memref<10240x16xf32, #tpu.memory_space<vmem_shared>> -> memref<640x16xf32, #tpu.memory_space<vmem_shared>>
      tpu.wait_dma2 semaphore(%run_scoped3A : memref<!tpu.dma_semaphore, #tpu.memory_space<semaphore_mem>>) src(%arg8 : memref<640x16xf32, #tpu.memory_space<vmem>>) dst(%dma_wait3A_67 : memref<640x16xf32, #tpu.memory_space<vmem_shared>>)
      tpu.yield
    }) : () -> ()
    %barrier3A = arith.constant 0 : index
    tpu.barrier barrier_id(%barrier3A)
    %scan3A = arith.constant 0 : i32
    %scan3A_5 = arith.constant 10 : i32
    %scan3A_6 = arith.addi %scan3A, %scan3A_5 : i32
    %scan3A_7 = arith.constant 1 : i32
    scf.for %scan3A_61 = %scan3A to %scan3A_6 step %scan3A_7  : i32 {
      %mul3A_62 = arith.constant 1 : i32
      %mul3A_63 = arith.muli %scan3A_61, %mul3A_62 : i32
      %add3A_64 = arith.constant 0 : i32
      %add3A_65 = arith.addi %add3A_64, %mul3A_63 : i32
      %mul3A_66 = arith.constant 2 : i32
      %mul3A_67 = arith.muli %add3A_65, %mul3A_66 : i32
      %mul3A_68 = arith.constant 4 : i32
      %mul3A_69 = arith.muli %mul3A_67, %mul3A_68 : i32
      %gt3A = arith.constant 0 : i32
      %gt3A_70 = arith.cmpi sgt, %add3A_65, %gt3A : i32
      %convert_element_type3A = arith.extui %gt3A_70 : i1 to i32
      %cond3A = arith.constant 0 : i32
      %cond3A_71 = arith.cmpi ne, %convert_element_type3A, %cond3A : i32
      scf.if %cond3A_71 {
        %dma_wait3A_135 = arith.constant 0 : i32
        %dma_wait3A_136 = arith.constant 0 : i32
        %dma_wait3A_137 = tpu.memref_slice %arg4[%dma_wait3A_135, %dma_wait3A_136] : memref<640x16xf32, #tpu.memory_space<hbm>> -> memref<128x16xf32, #tpu.memory_space<hbm>>
        %dma_wait3A_138 = arith.constant 0 : i32
        %dma_wait3A_139 = arith.constant 0 : i32
        %dma_wait3A_140 = tpu.memref_slice %arg4[%dma_wait3A_138, %dma_wait3A_139] : memref<640x16xf32, #tpu.memory_space<hbm>> -> memref<128x16xf32, #tpu.memory_space<hbm>>
        tpu.wait_dma2 semaphore(%arg10 : memref<!tpu.dma_semaphore, #tpu.memory_space<semaphore_mem>>) src(%dma_wait3A_140 : memref<128x16xf32, #tpu.memory_space<hbm>>) dst(%arg7 : memref<128x16xf32, #tpu.memory_space<vmem>>)
        %dma_wait3A_141 = arith.constant 0 : i32
        %dma_wait3A_142 = arith.constant 0 : i32
        %dma_wait3A_143 = tpu.memref_slice %arg4[%dma_wait3A_141, %dma_wait3A_142] : memref<640x16xf32, #tpu.memory_space<hbm>> -> memref<128x16xf32, #tpu.memory_space<hbm>>
        %dma_wait3A_144 = arith.constant 0 : i32
        %dma_wait3A_145 = arith.constant 0 : i32
        %dma_wait3A_146 = tpu.memref_slice %arg4[%dma_wait3A_144, %dma_wait3A_145] : memref<640x16xf32, #tpu.memory_space<hbm>> -> memref<128x16xf32, #tpu.memory_space<hbm>>
        tpu.wait_dma2 semaphore(%arg10 : memref<!tpu.dma_semaphore, #tpu.memory_space<semaphore_mem>>) src(%dma_wait3A_146 : memref<128x16xf32, #tpu.memory_space<hbm>>) dst(%arg7 : memref<128x16xf32, #tpu.memory_space<vmem>>)
        %dma_wait3A_147 = arith.constant 0 : i32
        %dma_wait3A_148 = arith.constant 0 : i32
        %dma_wait3A_149 = tpu.memref_slice %arg4[%dma_wait3A_147, %dma_wait3A_148] : memref<640x16xf32, #tpu.memory_space<hbm>> -> memref<128x16xf32, #tpu.memory_space<hbm>>
        %dma_wait3A_150 = arith.constant 0 : i32
        %dma_wait3A_151 = arith.constant 0 : i32
        %dma_wait3A_152 = tpu.memref_slice %arg4[%dma_wait3A_150, %dma_wait3A_151] : memref<640x16xf32, #tpu.memory_space<hbm>> -> memref<128x16xf32, #tpu.memory_space<hbm>>
        tpu.wait_dma2 semaphore(%arg10 : memref<!tpu.dma_semaphore, #tpu.memory_space<semaphore_mem>>) src(%dma_wait3A_152 : memref<128x16xf32, #tpu.memory_space<hbm>>) dst(%arg7 : memref<128x16xf32, #tpu.memory_space<vmem>>)
        %dma_wait3A_153 = arith.constant 0 : i32
        %dma_wait3A_154 = arith.constant 0 : i32
        %dma_wait3A_155 = tpu.memref_slice %arg4[%dma_wait3A_153, %dma_wait3A_154] : memref<640x16xf32, #tpu.memory_space<hbm>> -> memref<128x16xf32, #tpu.memory_space<hbm>>
        %dma_wait3A_156 = arith.constant 0 : i32
        %dma_wait3A_157 = arith.constant 0 : i32
        %dma_wait3A_158 = tpu.memref_slice %arg4[%dma_wait3A_156, %dma_wait3A_157] : memref<640x16xf32, #tpu.memory_space<hbm>> -> memref<128x16xf32, #tpu.memory_space<hbm>>
        tpu.wait_dma2 semaphore(%arg10 : memref<!tpu.dma_semaphore, #tpu.memory_space<semaphore_mem>>) src(%dma_wait3A_158 : memref<128x16xf32, #tpu.memory_space<hbm>>) dst(%arg7 : memref<128x16xf32, #tpu.memory_space<vmem>>)
        %dma_wait3A_159 = arith.constant 0 : i32
        %dma_wait3A_160 = arith.constant 0 : i32
        %dma_wait3A_161 = tpu.memref_slice %arg4[%dma_wait3A_159, %dma_wait3A_160] : memref<640x16xf32, #tpu.memory_space<hbm>> -> memref<128x16xf32, #tpu.memory_space<hbm>>
        %dma_wait3A_162 = arith.constant 0 : i32
        %dma_wait3A_163 = arith.constant 0 : i32
        %dma_wait3A_164 = tpu.memref_slice %arg4[%dma_wait3A_162, %dma_wait3A_163] : memref<640x16xf32, #tpu.memory_space<hbm>> -> memref<128x16xf32, #tpu.memory_space<hbm>>
        tpu.wait_dma2 semaphore(%arg10 : memref<!tpu.dma_semaphore, #tpu.memory_space<semaphore_mem>>) src(%dma_wait3A_164 : memref<128x16xf32, #tpu.memory_space<hbm>>) dst(%arg7 : memref<128x16xf32, #tpu.memory_space<vmem>>)
        %dma_wait3A_165 = arith.constant 0 : i32
        %dma_wait3A_166 = arith.constant 0 : i32
        %dma_wait3A_167 = tpu.memref_slice %arg4[%dma_wait3A_165, %dma_wait3A_166] : memref<640x16xf32, #tpu.memory_space<hbm>> -> memref<128x16xf32, #tpu.memory_space<hbm>>
        %dma_wait3A_168 = arith.constant 0 : i32
        %dma_wait3A_169 = arith.constant 0 : i32
        %dma_wait3A_170 = tpu.memref_slice %arg4[%dma_wait3A_168, %dma_wait3A_169] : memref<640x16xf32, #tpu.memory_space<hbm>> -> memref<128x16xf32, #tpu.memory_space<hbm>>
        tpu.wait_dma2 semaphore(%arg10 : memref<!tpu.dma_semaphore, #tpu.memory_space<semaphore_mem>>) src(%dma_wait3A_170 : memref<128x16xf32, #tpu.memory_space<hbm>>) dst(%arg7 : memref<128x16xf32, #tpu.memory_space<vmem>>)
        %dma_wait3A_171 = arith.constant 0 : i32
        %dma_wait3A_172 = arith.constant 0 : i32
        %dma_wait3A_173 = tpu.memref_slice %arg4[%dma_wait3A_171, %dma_wait3A_172] : memref<640x16xf32, #tpu.memory_space<hbm>> -> memref<128x16xf32, #tpu.memory_space<hbm>>
        %dma_wait3A_174 = arith.constant 0 : i32
        %dma_wait3A_175 = arith.constant 0 : i32
        %dma_wait3A_176 = tpu.memref_slice %arg4[%dma_wait3A_174, %dma_wait3A_175] : memref<640x16xf32, #tpu.memory_space<hbm>> -> memref<128x16xf32, #tpu.memory_space<hbm>>
        tpu.wait_dma2 semaphore(%arg10 : memref<!tpu.dma_semaphore, #tpu.memory_space<semaphore_mem>>) src(%dma_wait3A_176 : memref<128x16xf32, #tpu.memory_space<hbm>>) dst(%arg7 : memref<128x16xf32, #tpu.memory_space<vmem>>)
        %dma_wait3A_177 = arith.constant 0 : i32
        %dma_wait3A_178 = arith.constant 0 : i32
        %dma_wait3A_179 = tpu.memref_slice %arg4[%dma_wait3A_177, %dma_wait3A_178] : memref<640x16xf32, #tpu.memory_space<hbm>> -> memref<128x16xf32, #tpu.memory_space<hbm>>
        %dma_wait3A_180 = arith.constant 0 : i32
        %dma_wait3A_181 = arith.constant 0 : i32
        %dma_wait3A_182 = tpu.memref_slice %arg4[%dma_wait3A_180, %dma_wait3A_181] : memref<640x16xf32, #tpu.memory_space<hbm>> -> memref<128x16xf32, #tpu.memory_space<hbm>>
        tpu.wait_dma2 semaphore(%arg10 : memref<!tpu.dma_semaphore, #tpu.memory_space<semaphore_mem>>) src(%dma_wait3A_182 : memref<128x16xf32, #tpu.memory_space<hbm>>) dst(%arg7 : memref<128x16xf32, #tpu.memory_space<vmem>>)
      } else {
      }
      %add3A_72 = arith.constant 0 : i32
      %add3A_73 = arith.addi %mul3A_69, %add3A_72 : i32
      %dma_start3A = arith.constant 0 : i32
      %dma_start3A_74 = tpu.memref_slice %arg6[%add3A_73, %dma_start3A] : memref<80x128xi32, #tpu.memory_space<vmem>> -> memref<1x128xi32, #tpu.memory_space<vmem>>
      %dma_start3A_75 = tpu.memref_squeeze %dma_start3A_74 : memref<1x128xi32, #tpu.memory_space<vmem>> -> memref<128xi32, #tpu.memory_space<vmem>>
      %dma_start3A_76 = arith.constant 0 : i32
      %dma_start3A_77 = arith.constant 0 : i32
      %dma_start3A_78 = tpu.memref_slice %arg9[%dma_start3A_76, %dma_start3A_77] : memref<10240x16xf32, #tpu.memory_space<vmem_shared>> -> memref<10240x16xf32, #tpu.memory_space<vmem_shared>>
      tpu.enqueue_indirect_dma source(%arg7 : memref<128x16xf32, #tpu.memory_space<vmem>>) target(%dma_start3A_78 : memref<10240x16xf32, #tpu.memory_space<vmem_shared>>) offsets(%dma_start3A_75 : memref<128xi32, #tpu.memory_space<vmem>>) semaphore(%arg10 : memref<!tpu.dma_semaphore, #tpu.memory_space<semaphore_mem>>) {add = true}
      %add3A_79 = arith.constant 1 : i32
      %add3A_80 = arith.addi %mul3A_69, %add3A_79 : i32
      %dma_start3A_81 = arith.constant 0 : i32
      %dma_start3A_82 = tpu.memref_slice %arg6[%add3A_80, %dma_start3A_81] : memref<80x128xi32, #tpu.memory_space<vmem>> -> memref<1x128xi32, #tpu.memory_space<vmem>>
      %dma_start3A_83 = tpu.memref_squeeze %dma_start3A_82 : memref<1x128xi32, #tpu.memory_space<vmem>> -> memref<128xi32, #tpu.memory_space<vmem>>
      %dma_start3A_84 = arith.constant 0 : i32
      %dma_start3A_85 = arith.constant 0 : i32
      %dma_start3A_86 = tpu.memref_slice %arg9[%dma_start3A_84, %dma_start3A_85] : memref<10240x16xf32, #tpu.memory_space<vmem_shared>> -> memref<10240x16xf32, #tpu.memory_space<vmem_shared>>
      tpu.enqueue_indirect_dma source(%arg7 : memref<128x16xf32, #tpu.memory_space<vmem>>) target(%dma_start3A_86 : memref<10240x16xf32, #tpu.memory_space<vmem_shared>>) offsets(%dma_start3A_83 : memref<128xi32, #tpu.memory_space<vmem>>) semaphore(%arg10 : memref<!tpu.dma_semaphore, #tpu.memory_space<semaphore_mem>>) {add = true}
      %add3A_87 = arith.constant 2 : i32
      %add3A_88 = arith.addi %mul3A_69, %add3A_87 : i32
      %dma_start3A_89 = arith.constant 0 : i32
      %dma_start3A_90 = tpu.memref_slice %arg6[%add3A_88, %dma_start3A_89] : memref<80x128xi32, #tpu.memory_space<vmem>> -> memref<1x128xi32, #tpu.memory_space<vmem>>
      %dma_start3A_91 = tpu.memref_squeeze %dma_start3A_90 : memref<1x128xi32, #tpu.memory_space<vmem>> -> memref<128xi32, #tpu.memory_space<vmem>>
      %dma_start3A_92 = arith.constant 0 : i32
      %dma_start3A_93 = arith.constant 0 : i32
      %dma_start3A_94 = tpu.memref_slice %arg9[%dma_start3A_92, %dma_start3A_93] : memref<10240x16xf32, #tpu.memory_space<vmem_shared>> -> memref<10240x16xf32, #tpu.memory_space<vmem_shared>>
      tpu.enqueue_indirect_dma source(%arg7 : memref<128x16xf32, #tpu.memory_space<vmem>>) target(%dma_start3A_94 : memref<10240x16xf32, #tpu.memory_space<vmem_shared>>) offsets(%dma_start3A_91 : memref<128xi32, #tpu.memory_space<vmem>>) semaphore(%arg10 : memref<!tpu.dma_semaphore, #tpu.memory_space<semaphore_mem>>) {add = true}
      %add3A_95 = arith.constant 3 : i32
      %add3A_96 = arith.addi %mul3A_69, %add3A_95 : i32
      %dma_start3A_97 = arith.constant 0 : i32
      %dma_start3A_98 = tpu.memref_slice %arg6[%add3A_96, %dma_start3A_97] : memref<80x128xi32, #tpu.memory_space<vmem>> -> memref<1x128xi32, #tpu.memory_space<vmem>>
      %dma_start3A_99 = tpu.memref_squeeze %dma_start3A_98 : memref<1x128xi32, #tpu.memory_space<vmem>> -> memref<128xi32, #tpu.memory_space<vmem>>
      %dma_start3A_100 = arith.constant 0 : i32
      %dma_start3A_101 = arith.constant 0 : i32
      %dma_start3A_102 = tpu.memref_slice %arg9[%dma_start3A_100, %dma_start3A_101] : memref<10240x16xf32, #tpu.memory_space<vmem_shared>> -> memref<10240x16xf32, #tpu.memory_space<vmem_shared>>
      tpu.enqueue_indirect_dma source(%arg7 : memref<128x16xf32, #tpu.memory_space<vmem>>) target(%dma_start3A_102 : memref<10240x16xf32, #tpu.memory_space<vmem_shared>>) offsets(%dma_start3A_99 : memref<128xi32, #tpu.memory_space<vmem>>) semaphore(%arg10 : memref<!tpu.dma_semaphore, #tpu.memory_space<semaphore_mem>>) {add = true}
      %add3A_103 = arith.constant 4 : i32
      %add3A_104 = arith.addi %mul3A_69, %add3A_103 : i32
      %dma_start3A_105 = arith.constant 0 : i32
      %dma_start3A_106 = tpu.memref_slice %arg6[%add3A_104, %dma_start3A_105] : memref<80x128xi32, #tpu.memory_space<vmem>> -> memref<1x128xi32, #tpu.memory_space<vmem>>
      %dma_start3A_107 = tpu.memref_squeeze %dma_start3A_106 : memref<1x128xi32, #tpu.memory_space<vmem>> -> memref<128xi32, #tpu.memory_space<vmem>>
      %dma_start3A_108 = arith.constant 0 : i32
      %dma_start3A_109 = arith.constant 0 : i32
      %dma_start3A_110 = tpu.memref_slice %arg9[%dma_start3A_108, %dma_start3A_109] : memref<10240x16xf32, #tpu.memory_space<vmem_shared>> -> memref<10240x16xf32, #tpu.memory_space<vmem_shared>>
      tpu.enqueue_indirect_dma source(%arg7 : memref<128x16xf32, #tpu.memory_space<vmem>>) target(%dma_start3A_110 : memref<10240x16xf32, #tpu.memory_space<vmem_shared>>) offsets(%dma_start3A_107 : memref<128xi32, #tpu.memory_space<vmem>>) semaphore(%arg10 : memref<!tpu.dma_semaphore, #tpu.memory_space<semaphore_mem>>) {add = true}
      %add3A_111 = arith.constant 5 : i32
      %add3A_112 = arith.addi %mul3A_69, %add3A_111 : i32
      %dma_start3A_113 = arith.constant 0 : i32
      %dma_start3A_114 = tpu.memref_slice %arg6[%add3A_112, %dma_start3A_113] : memref<80x128xi32, #tpu.memory_space<vmem>> -> memref<1x128xi32, #tpu.memory_space<vmem>>
      %dma_start3A_115 = tpu.memref_squeeze %dma_start3A_114 : memref<1x128xi32, #tpu.memory_space<vmem>> -> memref<128xi32, #tpu.memory_space<vmem>>
      %dma_start3A_116 = arith.constant 0 : i32
      %dma_start3A_117 = arith.constant 0 : i32
      %dma_start3A_118 = tpu.memref_slice %arg9[%dma_start3A_116, %dma_start3A_117] : memref<10240x16xf32, #tpu.memory_space<vmem_shared>> -> memref<10240x16xf32, #tpu.memory_space<vmem_shared>>
      tpu.enqueue_indirect_dma source(%arg7 : memref<128x16xf32, #tpu.memory_space<vmem>>) target(%dma_start3A_118 : memref<10240x16xf32, #tpu.memory_space<vmem_shared>>) offsets(%dma_start3A_115 : memref<128xi32, #tpu.memory_space<vmem>>) semaphore(%arg10 : memref<!tpu.dma_semaphore, #tpu.memory_space<semaphore_mem>>) {add = true}
      %add3A_119 = arith.constant 6 : i32
      %add3A_120 = arith.addi %mul3A_69, %add3A_119 : i32
      %dma_start3A_121 = arith.constant 0 : i32
      %dma_start3A_122 = tpu.memref_slice %arg6[%add3A_120, %dma_start3A_121] : memref<80x128xi32, #tpu.memory_space<vmem>> -> memref<1x128xi32, #tpu.memory_space<vmem>>
      %dma_start3A_123 = tpu.memref_squeeze %dma_start3A_122 : memref<1x128xi32, #tpu.memory_space<vmem>> -> memref<128xi32, #tpu.memory_space<vmem>>
      %dma_start3A_124 = arith.constant 0 : i32
      %dma_start3A_125 = arith.constant 0 : i32
      %dma_start3A_126 = tpu.memref_slice %arg9[%dma_start3A_124, %dma_start3A_125] : memref<10240x16xf32, #tpu.memory_space<vmem_shared>> -> memref<10240x16xf32, #tpu.memory_space<vmem_shared>>
      tpu.enqueue_indirect_dma source(%arg7 : memref<128x16xf32, #tpu.memory_space<vmem>>) target(%dma_start3A_126 : memref<10240x16xf32, #tpu.memory_space<vmem_shared>>) offsets(%dma_start3A_123 : memref<128xi32, #tpu.memory_space<vmem>>) semaphore(%arg10 : memref<!tpu.dma_semaphore, #tpu.memory_space<semaphore_mem>>) {add = true}
      %add3A_127 = arith.constant 7 : i32
      %add3A_128 = arith.addi %mul3A_69, %add3A_127 : i32
      %dma_start3A_129 = arith.constant 0 : i32
      %dma_start3A_130 = tpu.memref_slice %arg6[%add3A_128, %dma_start3A_129] : memref<80x128xi32, #tpu.memory_space<vmem>> -> memref<1x128xi32, #tpu.memory_space<vmem>>
      %dma_start3A_131 = tpu.memref_squeeze %dma_start3A_130 : memref<1x128xi32, #tpu.memory_space<vmem>> -> memref<128xi32, #tpu.memory_space<vmem>>
      %dma_start3A_132 = arith.constant 0 : i32
      %dma_start3A_133 = arith.constant 0 : i32
      %dma_start3A_134 = tpu.memref_slice %arg9[%dma_start3A_132, %dma_start3A_133] : memref<10240x16xf32, #tpu.memory_space<vmem_shared>> -> memref<10240x16xf32, #tpu.memory_space<vmem_shared>>
      tpu.enqueue_indirect_dma source(%arg7 : memref<128x16xf32, #tpu.memory_space<vmem>>) target(%dma_start3A_134 : memref<10240x16xf32, #tpu.memory_space<vmem_shared>>) offsets(%dma_start3A_131 : memref<128xi32, #tpu.memory_space<vmem>>) semaphore(%arg10 : memref<!tpu.dma_semaphore, #tpu.memory_space<semaphore_mem>>) {add = true}
    }
    %scan3A_8 = arith.constant 10 : i32
    %dma_wait3A = arith.constant 0 : i32
    %dma_wait3A_9 = arith.constant 0 : i32
    %dma_wait3A_10 = tpu.memref_slice %arg4[%dma_wait3A, %dma_wait3A_9] : memref<640x16xf32, #tpu.memory_space<hbm>> -> memref<128x16xf32, #tpu.memory_space<hbm>>
    %dma_wait3A_11 = arith.constant 0 : i32
    %dma_wait3A_12 = arith.constant 0 : i32
    %dma_wait3A_13 = tpu.memref_slice %arg4[%dma_wait3A_11, %dma_wait3A_12] : memref<640x16xf32, #tpu.memory_space<hbm>> -> memref<128x16xf32, #tpu.memory_space<hbm>>
    tpu.wait_dma2 semaphore(%arg10 : memref<!tpu.dma_semaphore, #tpu.memory_space<semaphore_mem>>) src(%dma_wait3A_13 : memref<128x16xf32, #tpu.memory_space<hbm>>) dst(%arg7 : memref<128x16xf32, #tpu.memory_space<vmem>>)
    %dma_wait3A_14 = arith.constant 0 : i32
    %dma_wait3A_15 = arith.constant 0 : i32
    %dma_wait3A_16 = tpu.memref_slice %arg4[%dma_wait3A_14, %dma_wait3A_15] : memref<640x16xf32, #tpu.memory_space<hbm>> -> memref<128x16xf32, #tpu.memory_space<hbm>>
    %dma_wait3A_17 = arith.constant 0 : i32
    %dma_wait3A_18 = arith.constant 0 : i32
    %dma_wait3A_19 = tpu.memref_slice %arg4[%dma_wait3A_17, %dma_wait3A_18] : memref<640x16xf32, #tpu.memory_space<hbm>> -> memref<128x16xf32, #tpu.memory_space<hbm>>
    tpu.wait_dma2 semaphore(%arg10 : memref<!tpu.dma_semaphore, #tpu.memory_space<semaphore_mem>>) src(%dma_wait3A_19 : memref<128x16xf32, #tpu.memory_space<hbm>>) dst(%arg7 : memref<128x16xf32, #tpu.memory_space<vmem>>)
    %dma_wait3A_20 = arith.constant 0 : i32
    %dma_wait3A_21 = arith.constant 0 : i32
    %dma_wait3A_22 = tpu.memref_slice %arg4[%dma_wait3A_20, %dma_wait3A_21] : memref<640x16xf32, #tpu.memory_space<hbm>> -> memref<128x16xf32, #tpu.memory_space<hbm>>
    %dma_wait3A_23 = arith.constant 0 : i32
    %dma_wait3A_24 = arith.constant 0 : i32
    %dma_wait3A_25 = tpu.memref_slice %arg4[%dma_wait3A_23, %dma_wait3A_24] : memref<640x16xf32, #tpu.memory_space<hbm>> -> memref<128x16xf32, #tpu.memory_space<hbm>>
    tpu.wait_dma2 semaphore(%arg10 : memref<!tpu.dma_semaphore, #tpu.memory_space<semaphore_mem>>) src(%dma_wait3A_25 : memref<128x16xf32, #tpu.memory_space<hbm>>) dst(%arg7 : memref<128x16xf32, #tpu.memory_space<vmem>>)
    %dma_wait3A_26 = arith.constant 0 : i32
    %dma_wait3A_27 = arith.constant 0 : i32
    %dma_wait3A_28 = tpu.memref_slice %arg4[%dma_wait3A_26, %dma_wait3A_27] : memref<640x16xf32, #tpu.memory_space<hbm>> -> memref<128x16xf32, #tpu.memory_space<hbm>>
    %dma_wait3A_29 = arith.constant 0 : i32
    %dma_wait3A_30 = arith.constant 0 : i32
    %dma_wait3A_31 = tpu.memref_slice %arg4[%dma_wait3A_29, %dma_wait3A_30] : memref<640x16xf32, #tpu.memory_space<hbm>> -> memref<128x16xf32, #tpu.memory_space<hbm>>
    tpu.wait_dma2 semaphore(%arg10 : memref<!tpu.dma_semaphore, #tpu.memory_space<semaphore_mem>>) src(%dma_wait3A_31 : memref<128x16xf32, #tpu.memory_space<hbm>>) dst(%arg7 : memref<128x16xf32, #tpu.memory_space<vmem>>)
    %dma_wait3A_32 = arith.constant 0 : i32
    %dma_wait3A_33 = arith.constant 0 : i32
    %dma_wait3A_34 = tpu.memref_slice %arg4[%dma_wait3A_32, %dma_wait3A_33] : memref<640x16xf32, #tpu.memory_space<hbm>> -> memref<128x16xf32, #tpu.memory_space<hbm>>
    %dma_wait3A_35 = arith.constant 0 : i32
    %dma_wait3A_36 = arith.constant 0 : i32
    %dma_wait3A_37 = tpu.memref_slice %arg4[%dma_wait3A_35, %dma_wait3A_36] : memref<640x16xf32, #tpu.memory_space<hbm>> -> memref<128x16xf32, #tpu.memory_space<hbm>>
    tpu.wait_dma2 semaphore(%arg10 : memref<!tpu.dma_semaphore, #tpu.memory_space<semaphore_mem>>) src(%dma_wait3A_37 : memref<128x16xf32, #tpu.memory_space<hbm>>) dst(%arg7 : memref<128x16xf32, #tpu.memory_space<vmem>>)
    %dma_wait3A_38 = arith.constant 0 : i32
    %dma_wait3A_39 = arith.constant 0 : i32
    %dma_wait3A_40 = tpu.memref_slice %arg4[%dma_wait3A_38, %dma_wait3A_39] : memref<640x16xf32, #tpu.memory_space<hbm>> -> memref<128x16xf32, #tpu.memory_space<hbm>>
    %dma_wait3A_41 = arith.constant 0 : i32
    %dma_wait3A_42 = arith.constant 0 : i32
    %dma_wait3A_43 = tpu.memref_slice %arg4[%dma_wait3A_41, %dma_wait3A_42] : memref<640x16xf32, #tpu.memory_space<hbm>> -> memref<128x16xf32, #tpu.memory_space<hbm>>
    tpu.wait_dma2 semaphore(%arg10 : memref<!tpu.dma_semaphore, #tpu.memory_space<semaphore_mem>>) src(%dma_wait3A_43 : memref<128x16xf32, #tpu.memory_space<hbm>>) dst(%arg7 : memref<128x16xf32, #tpu.memory_space<vmem>>)
    %dma_wait3A_44 = arith.constant 0 : i32
    %dma_wait3A_45 = arith.constant 0 : i32
    %dma_wait3A_46 = tpu.memref_slice %arg4[%dma_wait3A_44, %dma_wait3A_45] : memref<640x16xf32, #tpu.memory_space<hbm>> -> memref<128x16xf32, #tpu.memory_space<hbm>>
    %dma_wait3A_47 = arith.constant 0 : i32
    %dma_wait3A_48 = arith.constant 0 : i32
    %dma_wait3A_49 = tpu.memref_slice %arg4[%dma_wait3A_47, %dma_wait3A_48] : memref<640x16xf32, #tpu.memory_space<hbm>> -> memref<128x16xf32, #tpu.memory_space<hbm>>
    tpu.wait_dma2 semaphore(%arg10 : memref<!tpu.dma_semaphore, #tpu.memory_space<semaphore_mem>>) src(%dma_wait3A_49 : memref<128x16xf32, #tpu.memory_space<hbm>>) dst(%arg7 : memref<128x16xf32, #tpu.memory_space<vmem>>)
    %dma_wait3A_50 = arith.constant 0 : i32
    %dma_wait3A_51 = arith.constant 0 : i32
    %dma_wait3A_52 = tpu.memref_slice %arg4[%dma_wait3A_50, %dma_wait3A_51] : memref<640x16xf32, #tpu.memory_space<hbm>> -> memref<128x16xf32, #tpu.memory_space<hbm>>
    %dma_wait3A_53 = arith.constant 0 : i32
    %dma_wait3A_54 = arith.constant 0 : i32
    %dma_wait3A_55 = tpu.memref_slice %arg4[%dma_wait3A_53, %dma_wait3A_54] : memref<640x16xf32, #tpu.memory_space<hbm>> -> memref<128x16xf32, #tpu.memory_space<hbm>>
    tpu.wait_dma2 semaphore(%arg10 : memref<!tpu.dma_semaphore, #tpu.memory_space<semaphore_mem>>) src(%dma_wait3A_55 : memref<128x16xf32, #tpu.memory_space<hbm>>) dst(%arg7 : memref<128x16xf32, #tpu.memory_space<vmem>>)
    %barrier3A_56 = arith.constant 0 : index
    tpu.barrier barrier_id(%barrier3A_56)
    %mul3A_57 = arith.constant 640 : i32
    %mul3A_58 = arith.muli %arg1, %mul3A_57 : i32
    "tpu.region"() ({
      %run_scoped3A = tpu.sem_alloc : memref<!tpu.dma_semaphore, #tpu.memory_space<semaphore_mem>>
      %dma_start3A = arith.constant 0 : i32
      %dma_start3A_61 = tpu.memref_slice %arg9[%mul3A_58, %dma_start3A] : memref<10240x16xf32, #tpu.memory_space<vmem_shared>> -> memref<640x16xf32, #tpu.memory_space<vmem_shared>>
      %dma_start3A_62 = arith.constant 0 : i32
      %dma_start3A_63 = tpu.memref_slice %arg9[%mul3A_58, %dma_start3A_62] : memref<10240x16xf32, #tpu.memory_space<vmem_shared>> -> memref<640x16xf32, #tpu.memory_space<vmem_shared>>
      tpu.enqueue_dma source(%dma_start3A_63 : memref<640x16xf32, #tpu.memory_space<vmem_shared>>) target(%arg8 : memref<640x16xf32, #tpu.memory_space<vmem>>) target_semaphore(%run_scoped3A : memref<!tpu.dma_semaphore, #tpu.memory_space<semaphore_mem>>)
      %dma_wait3A_64 = arith.constant 0 : i32
      %dma_wait3A_65 = tpu.memref_slice %arg9[%mul3A_58, %dma_wait3A_64] : memref<10240x16xf32, #tpu.memory_space<vmem_shared>> -> memref<640x16xf32, #tpu.memory_space<vmem_shared>>
      %dma_wait3A_66 = arith.constant 0 : i32
      %dma_wait3A_67 = tpu.memref_slice %arg9[%mul3A_58, %dma_wait3A_66] : memref<10240x16xf32, #tpu.memory_space<vmem_shared>> -> memref<640x16xf32, #tpu.memory_space<vmem_shared>>
      tpu.wait_dma2 semaphore(%run_scoped3A : memref<!tpu.dma_semaphore, #tpu.memory_space<semaphore_mem>>) src(%dma_wait3A_67 : memref<640x16xf32, #tpu.memory_space<vmem_shared>>) dst(%arg8 : memref<640x16xf32, #tpu.memory_space<vmem>>)
      tpu.yield
    }) : () -> ()
    %mul3A_59 = arith.constant 640 : i32
    %mul3A_60 = arith.muli %arg1, %mul3A_59 : i32
    "tpu.region"() ({
      %run_scoped3A = tpu.sem_alloc : memref<!tpu.dma_semaphore, #tpu.memory_space<semaphore_mem>>
      %dma_start3A = arith.constant 0 : i32
      %dma_start3A_61 = arith.constant 0 : i32
      %dma_start3A_62 = tpu.memref_slice %arg5[%arg0, %dma_start3A, %dma_start3A_61] : memref<2x10240x16xf32, #tpu.memory_space<hbm>> -> memref<1x10240x16xf32, #tpu.memory_space<hbm>>
      %dma_start3A_63 = tpu.memref_squeeze %dma_start3A_62 : memref<1x10240x16xf32, #tpu.memory_space<hbm>> -> memref<10240x16xf32, #tpu.memory_space<hbm>>
      %dma_start3A_64 = arith.constant 0 : i32
      %dma_start3A_65 = tpu.memref_slice %dma_start3A_63[%mul3A_60, %dma_start3A_64] : memref<10240x16xf32, #tpu.memory_space<hbm>> -> memref<640x16xf32, #tpu.memory_space<hbm>>
      %dma_start3A_66 = arith.constant 0 : i32
      %dma_start3A_67 = arith.constant 0 : i32
      %dma_start3A_68 = tpu.memref_slice %arg5[%arg0, %dma_start3A_66, %dma_start3A_67] : memref<2x10240x16xf32, #tpu.memory_space<hbm>> -> memref<1x10240x16xf32, #tpu.memory_space<hbm>>
      %dma_start3A_69 = tpu.memref_squeeze %dma_start3A_68 : memref<1x10240x16xf32, #tpu.memory_space<hbm>> -> memref<10240x16xf32, #tpu.memory_space<hbm>>
      %dma_start3A_70 = arith.constant 0 : i32
      %dma_start3A_71 = tpu.memref_slice %dma_start3A_69[%mul3A_60, %dma_start3A_70] : memref<10240x16xf32, #tpu.memory_space<hbm>> -> memref<640x16xf32, #tpu.memory_space<hbm>>
      tpu.enqueue_dma source(%arg8 : memref<640x16xf32, #tpu.memory_space<vmem>>) target(%dma_start3A_71 : memref<640x16xf32, #tpu.memory_space<hbm>>) target_semaphore(%run_scoped3A : memref<!tpu.dma_semaphore, #tpu.memory_space<semaphore_mem>>)
      %dma_wait3A_72 = arith.constant 0 : i32
      %dma_wait3A_73 = arith.constant 0 : i32
      %dma_wait3A_74 = tpu.memref_slice %arg5[%arg0, %dma_wait3A_72, %dma_wait3A_73] : memref<2x10240x16xf32, #tpu.memory_space<hbm>> -> memref<1x10240x16xf32, #tpu.memory_space<hbm>>
      %dma_wait3A_75 = tpu.memref_squeeze %dma_wait3A_74 : memref<1x10240x16xf32, #tpu.memory_space<hbm>> -> memref<10240x16xf32, #tpu.memory_space<hbm>>
      %dma_wait3A_76 = arith.constant 0 : i32
      %dma_wait3A_77 = tpu.memref_slice %dma_wait3A_75[%mul3A_60, %dma_wait3A_76] : memref<10240x16xf32, #tpu.memory_space<hbm>> -> memref<640x16xf32, #tpu.memory_space<hbm>>
      %dma_wait3A_78 = arith.constant 0 : i32
      %dma_wait3A_79 = arith.constant 0 : i32
      %dma_wait3A_80 = tpu.memref_slice %arg5[%arg0, %dma_wait3A_78, %dma_wait3A_79] : memref<2x10240x16xf32, #tpu.memory_space<hbm>> -> memref<1x10240x16xf32, #tpu.memory_space<hbm>>
      %dma_wait3A_81 = tpu.memref_squeeze %dma_wait3A_80 : memref<1x10240x16xf32, #tpu.memory_space<hbm>> -> memref<10240x16xf32, #tpu.memory_space<hbm>>
      %dma_wait3A_82 = arith.constant 0 : i32
      %dma_wait3A_83 = tpu.memref_slice %dma_wait3A_81[%mul3A_60, %dma_wait3A_82] : memref<10240x16xf32, #tpu.memory_space<hbm>> -> memref<640x16xf32, #tpu.memory_space<hbm>>
      tpu.wait_dma2 semaphore(%run_scoped3A : memref<!tpu.dma_semaphore, #tpu.memory_space<semaphore_mem>>) src(%arg8 : memref<640x16xf32, #tpu.memory_space<vmem>>) dst(%dma_wait3A_83 : memref<640x16xf32, #tpu.memory_space<hbm>>)
      tpu.yield
    }) : () -> ()
    return
  }
}

#map = affine_map<(d0, d1) -> (0, 0)>
#map1 = affine_map<(d0, d1) -> (0, 0, 0)>
module attributes {stable_mosaic.version = 14 : i64} {
  func.func @_sc_propagate(%arg0: i32, %arg1: i32, %arg2: memref<10240x64xf32, #tpu.memory_space<hbm>>, %arg3: memref<2560x128xi32, #tpu.memory_space<hbm>>, %arg4: memref<2560x128xi32, #tpu.memory_space<hbm>>, %arg5: memref<320x64xf32, #tpu.memory_space<hbm>>, %arg6: memref<2x10240x64xf32, #tpu.memory_space<hbm>>, %arg7: memref<112x128xi32, #tpu.memory_space<vmem>>, %arg8: memref<8x128xi32, #tpu.memory_space<vmem>>, %arg9: memref<512x64xf32, #tpu.memory_space<vmem>>, %arg10: memref<512x64xf32, #tpu.memory_space<vmem>>, %arg11: memref<10240x64xf32, #tpu.memory_space<vmem_shared>>, %arg12: memref<!tpu.dma_semaphore, #tpu.memory_space<semaphore_mem>>, %arg13: memref<!tpu.dma_semaphore, #tpu.memory_space<semaphore_mem>>, %arg14: memref<!tpu.dma_semaphore, #tpu.memory_space<semaphore_mem>>, %arg15: memref<!tpu.dma_semaphore, #tpu.memory_space<semaphore_mem>>, %arg16: memref<!tpu.dma_semaphore, #tpu.memory_space<semaphore_mem>>) attributes {dimension_semantics = [#tpu.dimension_semantics<core_parallel>, #tpu.dimension_semantics<subcore_parallel>], iteration_bounds = array<i64: 2, 16>, scalar_prefetch = 0 : i64, scratch_operands = 10 : i64, tpu.core_type = #tpu.core_type<sc_vector_subcore>, window_params = [{transform_indices = #map}, {transform_indices = #map}, {transform_indices = #map}, {transform_indices = #map}, {transform_indices = #map1}]} {
    %eq3A = arith.constant 0 : i32
    %eq3A_0 = arith.cmpi eq, %arg0, %eq3A : i32
    %mul3A = arith.constant 112 : i32
    %mul3A_1 = arith.muli %arg1, %mul3A : i32
    %mul3A_2 = arith.constant 48 : i32
    %mul3A_3 = arith.muli %arg1, %mul3A_2 : i32
    %add3A = arith.constant 1792 : i32
    %add3A_4 = arith.addi %add3A, %mul3A_3 : i32
    %select_n3A = arith.select %eq3A_0, %mul3A_1, %add3A_4 : i32
    %eq3A_5 = arith.constant 0 : i32
    %eq3A_6 = arith.cmpi eq, %arg0, %eq3A_5 : i32
    %convert_element_type3A = arith.extui %eq3A_6 : i1 to i32
    %cond3A = arith.constant 0 : i32
    %cond3A_7 = arith.cmpi ne, %convert_element_type3A, %cond3A : i32
    scf.if %cond3A_7 {
      "tpu.region"() ({
        %run_scoped3A = tpu.sem_alloc : memref<!tpu.dma_semaphore, #tpu.memory_space<semaphore_mem>>
        %dma_start3A = arith.constant 0 : i32
        %dma_start3A_58 = arith.constant 0 : i32
        %dma_start3A_59 = tpu.memref_slice %arg7[%dma_start3A, %dma_start3A_58] : memref<112x128xi32, #tpu.memory_space<vmem>> -> memref<112x128xi32, #tpu.memory_space<vmem>>
        %dma_start3A_60 = arith.constant 0 : i32
        %dma_start3A_61 = tpu.memref_slice %arg3[%select_n3A, %dma_start3A_60] : memref<2560x128xi32, #tpu.memory_space<hbm>> -> memref<112x128xi32, #tpu.memory_space<hbm>>
        %dma_start3A_62 = arith.constant 0 : i32
        %dma_start3A_63 = arith.constant 0 : i32
        %dma_start3A_64 = tpu.memref_slice %arg7[%dma_start3A_62, %dma_start3A_63] : memref<112x128xi32, #tpu.memory_space<vmem>> -> memref<112x128xi32, #tpu.memory_space<vmem>>
        %dma_start3A_65 = arith.constant 0 : i32
        %dma_start3A_66 = tpu.memref_slice %arg3[%select_n3A, %dma_start3A_65] : memref<2560x128xi32, #tpu.memory_space<hbm>> -> memref<112x128xi32, #tpu.memory_space<hbm>>
        tpu.enqueue_dma source(%dma_start3A_66 : memref<112x128xi32, #tpu.memory_space<hbm>>) target(%dma_start3A_64 : memref<112x128xi32, #tpu.memory_space<vmem>>) target_semaphore(%run_scoped3A : memref<!tpu.dma_semaphore, #tpu.memory_space<semaphore_mem>>)
        %dma_wait3A = arith.constant 0 : i32
        %dma_wait3A_67 = arith.constant 0 : i32
        %dma_wait3A_68 = tpu.memref_slice %arg7[%dma_wait3A, %dma_wait3A_67] : memref<112x128xi32, #tpu.memory_space<vmem>> -> memref<112x128xi32, #tpu.memory_space<vmem>>
        %dma_wait3A_69 = arith.constant 0 : i32
        %dma_wait3A_70 = tpu.memref_slice %arg3[%select_n3A, %dma_wait3A_69] : memref<2560x128xi32, #tpu.memory_space<hbm>> -> memref<112x128xi32, #tpu.memory_space<hbm>>
        %dma_wait3A_71 = arith.constant 0 : i32
        %dma_wait3A_72 = arith.constant 0 : i32
        %dma_wait3A_73 = tpu.memref_slice %arg7[%dma_wait3A_71, %dma_wait3A_72] : memref<112x128xi32, #tpu.memory_space<vmem>> -> memref<112x128xi32, #tpu.memory_space<vmem>>
        %dma_wait3A_74 = arith.constant 0 : i32
        %dma_wait3A_75 = tpu.memref_slice %arg3[%select_n3A, %dma_wait3A_74] : memref<2560x128xi32, #tpu.memory_space<hbm>> -> memref<112x128xi32, #tpu.memory_space<hbm>>
        tpu.wait_dma2 semaphore(%run_scoped3A : memref<!tpu.dma_semaphore, #tpu.memory_space<semaphore_mem>>) src(%dma_wait3A_75 : memref<112x128xi32, #tpu.memory_space<hbm>>) dst(%dma_wait3A_73 : memref<112x128xi32, #tpu.memory_space<vmem>>)
        tpu.yield
      }) : () -> ()
    } else {
    }
    %eq3A_8 = arith.constant 1 : i32
    %eq3A_9 = arith.cmpi eq, %arg0, %eq3A_8 : i32
    %convert_element_type3A_10 = arith.extui %eq3A_9 : i1 to i32
    %cond3A_11 = arith.constant 0 : i32
    %cond3A_12 = arith.cmpi ne, %convert_element_type3A_10, %cond3A_11 : i32
    scf.if %cond3A_12 {
      "tpu.region"() ({
        %run_scoped3A = tpu.sem_alloc : memref<!tpu.dma_semaphore, #tpu.memory_space<semaphore_mem>>
        %dma_start3A = arith.constant 0 : i32
        %dma_start3A_58 = arith.constant 0 : i32
        %dma_start3A_59 = tpu.memref_slice %arg7[%dma_start3A, %dma_start3A_58] : memref<112x128xi32, #tpu.memory_space<vmem>> -> memref<48x128xi32, #tpu.memory_space<vmem>>
        %dma_start3A_60 = arith.constant 0 : i32
        %dma_start3A_61 = tpu.memref_slice %arg3[%select_n3A, %dma_start3A_60] : memref<2560x128xi32, #tpu.memory_space<hbm>> -> memref<48x128xi32, #tpu.memory_space<hbm>>
        %dma_start3A_62 = arith.constant 0 : i32
        %dma_start3A_63 = arith.constant 0 : i32
        %dma_start3A_64 = tpu.memref_slice %arg7[%dma_start3A_62, %dma_start3A_63] : memref<112x128xi32, #tpu.memory_space<vmem>> -> memref<48x128xi32, #tpu.memory_space<vmem>>
        %dma_start3A_65 = arith.constant 0 : i32
        %dma_start3A_66 = tpu.memref_slice %arg3[%select_n3A, %dma_start3A_65] : memref<2560x128xi32, #tpu.memory_space<hbm>> -> memref<48x128xi32, #tpu.memory_space<hbm>>
        tpu.enqueue_dma source(%dma_start3A_66 : memref<48x128xi32, #tpu.memory_space<hbm>>) target(%dma_start3A_64 : memref<48x128xi32, #tpu.memory_space<vmem>>) target_semaphore(%run_scoped3A : memref<!tpu.dma_semaphore, #tpu.memory_space<semaphore_mem>>)
        %dma_wait3A = arith.constant 0 : i32
        %dma_wait3A_67 = arith.constant 0 : i32
        %dma_wait3A_68 = tpu.memref_slice %arg7[%dma_wait3A, %dma_wait3A_67] : memref<112x128xi32, #tpu.memory_space<vmem>> -> memref<48x128xi32, #tpu.memory_space<vmem>>
        %dma_wait3A_69 = arith.constant 0 : i32
        %dma_wait3A_70 = tpu.memref_slice %arg3[%select_n3A, %dma_wait3A_69] : memref<2560x128xi32, #tpu.memory_space<hbm>> -> memref<48x128xi32, #tpu.memory_space<hbm>>
        %dma_wait3A_71 = arith.constant 0 : i32
        %dma_wait3A_72 = arith.constant 0 : i32
        %dma_wait3A_73 = tpu.memref_slice %arg7[%dma_wait3A_71, %dma_wait3A_72] : memref<112x128xi32, #tpu.memory_space<vmem>> -> memref<48x128xi32, #tpu.memory_space<vmem>>
        %dma_wait3A_74 = arith.constant 0 : i32
        %dma_wait3A_75 = tpu.memref_slice %arg3[%select_n3A, %dma_wait3A_74] : memref<2560x128xi32, #tpu.memory_space<hbm>> -> memref<48x128xi32, #tpu.memory_space<hbm>>
        tpu.wait_dma2 semaphore(%run_scoped3A : memref<!tpu.dma_semaphore, #tpu.memory_space<semaphore_mem>>) src(%dma_wait3A_75 : memref<48x128xi32, #tpu.memory_space<hbm>>) dst(%dma_wait3A_73 : memref<48x128xi32, #tpu.memory_space<vmem>>)
        tpu.yield
      }) : () -> ()
    } else {
    }
    %eq3A_13 = arith.constant 0 : i32
    %eq3A_14 = arith.cmpi eq, %arg0, %eq3A_13 : i32
    %jit3A = arith.constant 14 : i32
    %jit3A_15 = arith.constant 6 : i32
    %select_n3A_16 = arith.select %eq3A_14, %jit3A, %jit3A_15 : i32
    "tpu.region"() ({
      %run_scoped3A = tpu.sem_alloc : memref<!tpu.dma_semaphore, #tpu.memory_space<semaphore_mem>>
      %dma_start3A = arith.constant 0 : i32
      %dma_start3A_58 = arith.constant 0 : i32
      %dma_start3A_59 = tpu.memref_slice %arg9[%dma_start3A, %dma_start3A_58] : memref<512x64xf32, #tpu.memory_space<vmem>> -> memref<320x64xf32, #tpu.memory_space<vmem>>
      %dma_start3A_60 = arith.constant 0 : i32
      %dma_start3A_61 = arith.constant 0 : i32
      %dma_start3A_62 = tpu.memref_slice %arg9[%dma_start3A_60, %dma_start3A_61] : memref<512x64xf32, #tpu.memory_space<vmem>> -> memref<320x64xf32, #tpu.memory_space<vmem>>
      tpu.enqueue_dma source(%arg5 : memref<320x64xf32, #tpu.memory_space<hbm>>) target(%dma_start3A_62 : memref<320x64xf32, #tpu.memory_space<vmem>>) target_semaphore(%run_scoped3A : memref<!tpu.dma_semaphore, #tpu.memory_space<semaphore_mem>>)
      %dma_wait3A = arith.constant 0 : i32
      %dma_wait3A_63 = arith.constant 0 : i32
      %dma_wait3A_64 = tpu.memref_slice %arg9[%dma_wait3A, %dma_wait3A_63] : memref<512x64xf32, #tpu.memory_space<vmem>> -> memref<320x64xf32, #tpu.memory_space<vmem>>
      %dma_wait3A_65 = arith.constant 0 : i32
      %dma_wait3A_66 = arith.constant 0 : i32
      %dma_wait3A_67 = tpu.memref_slice %arg9[%dma_wait3A_65, %dma_wait3A_66] : memref<512x64xf32, #tpu.memory_space<vmem>> -> memref<320x64xf32, #tpu.memory_space<vmem>>
      tpu.wait_dma2 semaphore(%run_scoped3A : memref<!tpu.dma_semaphore, #tpu.memory_space<semaphore_mem>>) src(%arg5 : memref<320x64xf32, #tpu.memory_space<hbm>>) dst(%dma_wait3A_67 : memref<320x64xf32, #tpu.memory_space<vmem>>)
      tpu.yield
    }) : () -> ()
    %mul3A_17 = arith.constant 640 : i32
    %mul3A_18 = arith.muli %arg1, %mul3A_17 : i32
    %add3A_19 = arith.constant 0 : i32
    %add3A_20 = arith.addi %mul3A_18, %add3A_19 : i32
    "tpu.region"() ({
      %run_scoped3A = tpu.sem_alloc : memref<!tpu.dma_semaphore, #tpu.memory_space<semaphore_mem>>
      %dma_start3A = arith.constant 0 : i32
      %dma_start3A_58 = arith.constant 0 : i32
      %dma_start3A_59 = tpu.memref_slice %arg9[%dma_start3A, %dma_start3A_58] : memref<512x64xf32, #tpu.memory_space<vmem>> -> memref<320x64xf32, #tpu.memory_space<vmem>>
      %dma_start3A_60 = arith.constant 0 : i32
      %dma_start3A_61 = tpu.memref_slice %arg11[%add3A_20, %dma_start3A_60] : memref<10240x64xf32, #tpu.memory_space<vmem_shared>> -> memref<320x64xf32, #tpu.memory_space<vmem_shared>>
      %dma_start3A_62 = arith.constant 0 : i32
      %dma_start3A_63 = tpu.memref_slice %arg11[%add3A_20, %dma_start3A_62] : memref<10240x64xf32, #tpu.memory_space<vmem_shared>> -> memref<320x64xf32, #tpu.memory_space<vmem_shared>>
      %dma_start3A_64 = arith.constant 0 : i32
      %dma_start3A_65 = arith.constant 0 : i32
      %dma_start3A_66 = tpu.memref_slice %arg9[%dma_start3A_64, %dma_start3A_65] : memref<512x64xf32, #tpu.memory_space<vmem>> -> memref<320x64xf32, #tpu.memory_space<vmem>>
      tpu.enqueue_dma source(%dma_start3A_66 : memref<320x64xf32, #tpu.memory_space<vmem>>) target(%dma_start3A_63 : memref<320x64xf32, #tpu.memory_space<vmem_shared>>) target_semaphore(%run_scoped3A : memref<!tpu.dma_semaphore, #tpu.memory_space<semaphore_mem>>)
      %dma_wait3A = arith.constant 0 : i32
      %dma_wait3A_67 = arith.constant 0 : i32
      %dma_wait3A_68 = tpu.memref_slice %arg9[%dma_wait3A, %dma_wait3A_67] : memref<512x64xf32, #tpu.memory_space<vmem>> -> memref<320x64xf32, #tpu.memory_space<vmem>>
      %dma_wait3A_69 = arith.constant 0 : i32
      %dma_wait3A_70 = tpu.memref_slice %arg11[%add3A_20, %dma_wait3A_69] : memref<10240x64xf32, #tpu.memory_space<vmem_shared>> -> memref<320x64xf32, #tpu.memory_space<vmem_shared>>
      %dma_wait3A_71 = arith.constant 0 : i32
      %dma_wait3A_72 = tpu.memref_slice %arg11[%add3A_20, %dma_wait3A_71] : memref<10240x64xf32, #tpu.memory_space<vmem_shared>> -> memref<320x64xf32, #tpu.memory_space<vmem_shared>>
      %dma_wait3A_73 = arith.constant 0 : i32
      %dma_wait3A_74 = arith.constant 0 : i32
      %dma_wait3A_75 = tpu.memref_slice %arg9[%dma_wait3A_73, %dma_wait3A_74] : memref<512x64xf32, #tpu.memory_space<vmem>> -> memref<320x64xf32, #tpu.memory_space<vmem>>
      tpu.wait_dma2 semaphore(%run_scoped3A : memref<!tpu.dma_semaphore, #tpu.memory_space<semaphore_mem>>) src(%dma_wait3A_75 : memref<320x64xf32, #tpu.memory_space<vmem>>) dst(%dma_wait3A_72 : memref<320x64xf32, #tpu.memory_space<vmem_shared>>)
      tpu.yield
    }) : () -> ()
    %mul3A_21 = arith.constant 640 : i32
    %mul3A_22 = arith.muli %arg1, %mul3A_21 : i32
    %add3A_23 = arith.constant 320 : i32
    %add3A_24 = arith.addi %mul3A_22, %add3A_23 : i32
    "tpu.region"() ({
      %run_scoped3A = tpu.sem_alloc : memref<!tpu.dma_semaphore, #tpu.memory_space<semaphore_mem>>
      %dma_start3A = arith.constant 0 : i32
      %dma_start3A_58 = arith.constant 0 : i32
      %dma_start3A_59 = tpu.memref_slice %arg9[%dma_start3A, %dma_start3A_58] : memref<512x64xf32, #tpu.memory_space<vmem>> -> memref<320x64xf32, #tpu.memory_space<vmem>>
      %dma_start3A_60 = arith.constant 0 : i32
      %dma_start3A_61 = tpu.memref_slice %arg11[%add3A_24, %dma_start3A_60] : memref<10240x64xf32, #tpu.memory_space<vmem_shared>> -> memref<320x64xf32, #tpu.memory_space<vmem_shared>>
      %dma_start3A_62 = arith.constant 0 : i32
      %dma_start3A_63 = tpu.memref_slice %arg11[%add3A_24, %dma_start3A_62] : memref<10240x64xf32, #tpu.memory_space<vmem_shared>> -> memref<320x64xf32, #tpu.memory_space<vmem_shared>>
      %dma_start3A_64 = arith.constant 0 : i32
      %dma_start3A_65 = arith.constant 0 : i32
      %dma_start3A_66 = tpu.memref_slice %arg9[%dma_start3A_64, %dma_start3A_65] : memref<512x64xf32, #tpu.memory_space<vmem>> -> memref<320x64xf32, #tpu.memory_space<vmem>>
      tpu.enqueue_dma source(%dma_start3A_66 : memref<320x64xf32, #tpu.memory_space<vmem>>) target(%dma_start3A_63 : memref<320x64xf32, #tpu.memory_space<vmem_shared>>) target_semaphore(%run_scoped3A : memref<!tpu.dma_semaphore, #tpu.memory_space<semaphore_mem>>)
      %dma_wait3A = arith.constant 0 : i32
      %dma_wait3A_67 = arith.constant 0 : i32
      %dma_wait3A_68 = tpu.memref_slice %arg9[%dma_wait3A, %dma_wait3A_67] : memref<512x64xf32, #tpu.memory_space<vmem>> -> memref<320x64xf32, #tpu.memory_space<vmem>>
      %dma_wait3A_69 = arith.constant 0 : i32
      %dma_wait3A_70 = tpu.memref_slice %arg11[%add3A_24, %dma_wait3A_69] : memref<10240x64xf32, #tpu.memory_space<vmem_shared>> -> memref<320x64xf32, #tpu.memory_space<vmem_shared>>
      %dma_wait3A_71 = arith.constant 0 : i32
      %dma_wait3A_72 = tpu.memref_slice %arg11[%add3A_24, %dma_wait3A_71] : memref<10240x64xf32, #tpu.memory_space<vmem_shared>> -> memref<320x64xf32, #tpu.memory_space<vmem_shared>>
      %dma_wait3A_73 = arith.constant 0 : i32
      %dma_wait3A_74 = arith.constant 0 : i32
      %dma_wait3A_75 = tpu.memref_slice %arg9[%dma_wait3A_73, %dma_wait3A_74] : memref<512x64xf32, #tpu.memory_space<vmem>> -> memref<320x64xf32, #tpu.memory_space<vmem>>
      tpu.wait_dma2 semaphore(%run_scoped3A : memref<!tpu.dma_semaphore, #tpu.memory_space<semaphore_mem>>) src(%dma_wait3A_75 : memref<320x64xf32, #tpu.memory_space<vmem>>) dst(%dma_wait3A_72 : memref<320x64xf32, #tpu.memory_space<vmem_shared>>)
      tpu.yield
    }) : () -> ()
    %barrier3A = arith.constant 0 : index
    tpu.barrier barrier_id(%barrier3A)
    %sub3A = arith.constant 0 : i32
    %sub3A_25 = arith.subi %select_n3A_16, %sub3A : i32
    %sub3A_26 = arith.constant 1 : i32
    %sub3A_27 = arith.constant 1 : i32
    %sub3A_28 = arith.subi %sub3A_26, %sub3A_27 : i32
    %add3A_29 = arith.addi %sub3A_25, %sub3A_28 : i32
    %div3A = arith.constant 1 : i32
    %div3A_30 = arith.divsi %add3A_29, %div3A : i32
    %while3A = arith.constant 1 : i32
    %while3A_31 = arith.constant 0 : i32
    %while3A_32 = arith.constant 0 : i32
    %while3A_33 = arith.subi %div3A_30, %while3A_32 : i32
    %while3A_34 = arith.addi %while3A_32, %while3A_33 : i32
    %while3A_35 = arith.constant 1 : i32
    %while3A_36 = arith.divsi %while3A_33, %while3A_35 : i32
    %while3A_37 = arith.muli %while3A_36, %while3A_35 : i32
    %while3A_38 = arith.addi %while3A_32, %while3A_37 : i32
    %while3A_39 = arith.constant 1 : i32
    scf.for %while3A_58 = %while3A_32 to %while3A_38 step %while3A_39  : i32 {
      %mul3A_59 = arith.muli %while3A_58, %while3A : i32
      %add3A_60 = arith.addi %while3A_31, %mul3A_59 : i32
      %mul3A_61 = arith.constant 2 : i32
      %mul3A_62 = arith.muli %add3A_60, %mul3A_61 : i32
      %mul3A_63 = arith.constant 4 : i32
      %mul3A_64 = arith.muli %mul3A_62, %mul3A_63 : i32
      %add3A_65 = arith.addi %select_n3A, %mul3A_64 : i32
      %dma_start3A = arith.constant 0 : i32
      %dma_start3A_66 = tpu.memref_slice %arg4[%add3A_65, %dma_start3A] : memref<2560x128xi32, #tpu.memory_space<hbm>> -> memref<8x128xi32, #tpu.memory_space<hbm>>
      %dma_start3A_67 = arith.constant 0 : i32
      %dma_start3A_68 = tpu.memref_slice %arg4[%add3A_65, %dma_start3A_67] : memref<2560x128xi32, #tpu.memory_space<hbm>> -> memref<8x128xi32, #tpu.memory_space<hbm>>
      tpu.enqueue_dma source(%dma_start3A_68 : memref<8x128xi32, #tpu.memory_space<hbm>>) target(%arg8 : memref<8x128xi32, #tpu.memory_space<vmem>>) target_semaphore(%arg16 : memref<!tpu.dma_semaphore, #tpu.memory_space<semaphore_mem>>)
      %add3A_69 = arith.constant 0 : i32
      %add3A_70 = arith.addi %mul3A_64, %add3A_69 : i32
      %dma_start3A_71 = arith.constant 0 : i32
      %dma_start3A_72 = arith.constant 0 : i32
      %dma_start3A_73 = tpu.memref_slice %arg9[%dma_start3A_71, %dma_start3A_72] : memref<512x64xf32, #tpu.memory_space<vmem>> -> memref<128x64xf32, #tpu.memory_space<vmem>>
      %dma_start3A_74 = arith.constant 0 : i32
      %dma_start3A_75 = tpu.memref_slice %arg7[%add3A_70, %dma_start3A_74] : memref<112x128xi32, #tpu.memory_space<vmem>> -> memref<1x128xi32, #tpu.memory_space<vmem>>
      %dma_start3A_76 = tpu.memref_squeeze %dma_start3A_75 : memref<1x128xi32, #tpu.memory_space<vmem>> -> memref<128xi32, #tpu.memory_space<vmem>>
      %dma_start3A_77 = arith.constant 0 : i32
      %dma_start3A_78 = arith.constant 0 : i32
      %dma_start3A_79 = tpu.memref_slice %arg2[%dma_start3A_77, %dma_start3A_78] : memref<10240x64xf32, #tpu.memory_space<hbm>> -> memref<10240x64xf32, #tpu.memory_space<hbm>>
      tpu.enqueue_indirect_dma source(%dma_start3A_79 : memref<10240x64xf32, #tpu.memory_space<hbm>>) target(%dma_start3A_73 : memref<128x64xf32, #tpu.memory_space<vmem>>) offsets(%dma_start3A_76 : memref<128xi32, #tpu.memory_space<vmem>>) semaphore(%arg12 : memref<!tpu.dma_semaphore, #tpu.memory_space<semaphore_mem>>)
      %add3A_80 = arith.constant 1 : i32
      %add3A_81 = arith.addi %mul3A_64, %add3A_80 : i32
      %dma_start3A_82 = arith.constant 128 : i32
      %dma_start3A_83 = arith.constant 0 : i32
      %dma_start3A_84 = tpu.memref_slice %arg9[%dma_start3A_82, %dma_start3A_83] : memref<512x64xf32, #tpu.memory_space<vmem>> -> memref<128x64xf32, #tpu.memory_space<vmem>>
      %dma_start3A_85 = arith.constant 0 : i32
      %dma_start3A_86 = tpu.memref_slice %arg7[%add3A_81, %dma_start3A_85] : memref<112x128xi32, #tpu.memory_space<vmem>> -> memref<1x128xi32, #tpu.memory_space<vmem>>
      %dma_start3A_87 = tpu.memref_squeeze %dma_start3A_86 : memref<1x128xi32, #tpu.memory_space<vmem>> -> memref<128xi32, #tpu.memory_space<vmem>>
      %dma_start3A_88 = arith.constant 0 : i32
      %dma_start3A_89 = arith.constant 0 : i32
      %dma_start3A_90 = tpu.memref_slice %arg2[%dma_start3A_88, %dma_start3A_89] : memref<10240x64xf32, #tpu.memory_space<hbm>> -> memref<10240x64xf32, #tpu.memory_space<hbm>>
      tpu.enqueue_indirect_dma source(%dma_start3A_90 : memref<10240x64xf32, #tpu.memory_space<hbm>>) target(%dma_start3A_84 : memref<128x64xf32, #tpu.memory_space<vmem>>) offsets(%dma_start3A_87 : memref<128xi32, #tpu.memory_space<vmem>>) semaphore(%arg12 : memref<!tpu.dma_semaphore, #tpu.memory_space<semaphore_mem>>)
      %add3A_91 = arith.constant 2 : i32
      %add3A_92 = arith.addi %mul3A_64, %add3A_91 : i32
      %dma_start3A_93 = arith.constant 256 : i32
      %dma_start3A_94 = arith.constant 0 : i32
      %dma_start3A_95 = tpu.memref_slice %arg9[%dma_start3A_93, %dma_start3A_94] : memref<512x64xf32, #tpu.memory_space<vmem>> -> memref<128x64xf32, #tpu.memory_space<vmem>>
      %dma_start3A_96 = arith.constant 0 : i32
      %dma_start3A_97 = tpu.memref_slice %arg7[%add3A_92, %dma_start3A_96] : memref<112x128xi32, #tpu.memory_space<vmem>> -> memref<1x128xi32, #tpu.memory_space<vmem>>
      %dma_start3A_98 = tpu.memref_squeeze %dma_start3A_97 : memref<1x128xi32, #tpu.memory_space<vmem>> -> memref<128xi32, #tpu.memory_space<vmem>>
      %dma_start3A_99 = arith.constant 0 : i32
      %dma_start3A_100 = arith.constant 0 : i32
      %dma_start3A_101 = tpu.memref_slice %arg2[%dma_start3A_99, %dma_start3A_100] : memref<10240x64xf32, #tpu.memory_space<hbm>> -> memref<10240x64xf32, #tpu.memory_space<hbm>>
      tpu.enqueue_indirect_dma source(%dma_start3A_101 : memref<10240x64xf32, #tpu.memory_space<hbm>>) target(%dma_start3A_95 : memref<128x64xf32, #tpu.memory_space<vmem>>) offsets(%dma_start3A_98 : memref<128xi32, #tpu.memory_space<vmem>>) semaphore(%arg12 : memref<!tpu.dma_semaphore, #tpu.memory_space<semaphore_mem>>)
      %add3A_102 = arith.constant 3 : i32
      %add3A_103 = arith.addi %mul3A_64, %add3A_102 : i32
      %dma_start3A_104 = arith.constant 384 : i32
      %dma_start3A_105 = arith.constant 0 : i32
      %dma_start3A_106 = tpu.memref_slice %arg9[%dma_start3A_104, %dma_start3A_105] : memref<512x64xf32, #tpu.memory_space<vmem>> -> memref<128x64xf32, #tpu.memory_space<vmem>>
      %dma_start3A_107 = arith.constant 0 : i32
      %dma_start3A_108 = tpu.memref_slice %arg7[%add3A_103, %dma_start3A_107] : memref<112x128xi32, #tpu.memory_space<vmem>> -> memref<1x128xi32, #tpu.memory_space<vmem>>
      %dma_start3A_109 = tpu.memref_squeeze %dma_start3A_108 : memref<1x128xi32, #tpu.memory_space<vmem>> -> memref<128xi32, #tpu.memory_space<vmem>>
      %dma_start3A_110 = arith.constant 0 : i32
      %dma_start3A_111 = arith.constant 0 : i32
      %dma_start3A_112 = tpu.memref_slice %arg2[%dma_start3A_110, %dma_start3A_111] : memref<10240x64xf32, #tpu.memory_space<hbm>> -> memref<10240x64xf32, #tpu.memory_space<hbm>>
      tpu.enqueue_indirect_dma source(%dma_start3A_112 : memref<10240x64xf32, #tpu.memory_space<hbm>>) target(%dma_start3A_106 : memref<128x64xf32, #tpu.memory_space<vmem>>) offsets(%dma_start3A_109 : memref<128xi32, #tpu.memory_space<vmem>>) semaphore(%arg12 : memref<!tpu.dma_semaphore, #tpu.memory_space<semaphore_mem>>)
      %add3A_113 = arith.constant 4 : i32
      %add3A_114 = arith.addi %mul3A_64, %add3A_113 : i32
      %add3A_115 = arith.constant 0 : i32
      %add3A_116 = arith.addi %add3A_114, %add3A_115 : i32
      %dma_start3A_117 = arith.constant 0 : i32
      %dma_start3A_118 = arith.constant 0 : i32
      %dma_start3A_119 = tpu.memref_slice %arg10[%dma_start3A_117, %dma_start3A_118] : memref<512x64xf32, #tpu.memory_space<vmem>> -> memref<128x64xf32, #tpu.memory_space<vmem>>
      %dma_start3A_120 = arith.constant 0 : i32
      %dma_start3A_121 = tpu.memref_slice %arg7[%add3A_116, %dma_start3A_120] : memref<112x128xi32, #tpu.memory_space<vmem>> -> memref<1x128xi32, #tpu.memory_space<vmem>>
      %dma_start3A_122 = tpu.memref_squeeze %dma_start3A_121 : memref<1x128xi32, #tpu.memory_space<vmem>> -> memref<128xi32, #tpu.memory_space<vmem>>
      %dma_start3A_123 = arith.constant 0 : i32
      %dma_start3A_124 = arith.constant 0 : i32
      %dma_start3A_125 = tpu.memref_slice %arg2[%dma_start3A_123, %dma_start3A_124] : memref<10240x64xf32, #tpu.memory_space<hbm>> -> memref<10240x64xf32, #tpu.memory_space<hbm>>
      tpu.enqueue_indirect_dma source(%dma_start3A_125 : memref<10240x64xf32, #tpu.memory_space<hbm>>) target(%dma_start3A_119 : memref<128x64xf32, #tpu.memory_space<vmem>>) offsets(%dma_start3A_122 : memref<128xi32, #tpu.memory_space<vmem>>) semaphore(%arg13 : memref<!tpu.dma_semaphore, #tpu.memory_space<semaphore_mem>>)
      %add3A_126 = arith.constant 4 : i32
      %add3A_127 = arith.addi %mul3A_64, %add3A_126 : i32
      %add3A_128 = arith.constant 1 : i32
      %add3A_129 = arith.addi %add3A_127, %add3A_128 : i32
      %dma_start3A_130 = arith.constant 128 : i32
      %dma_start3A_131 = arith.constant 0 : i32
      %dma_start3A_132 = tpu.memref_slice %arg10[%dma_start3A_130, %dma_start3A_131] : memref<512x64xf32, #tpu.memory_space<vmem>> -> memref<128x64xf32, #tpu.memory_space<vmem>>
      %dma_start3A_133 = arith.constant 0 : i32
      %dma_start3A_134 = tpu.memref_slice %arg7[%add3A_129, %dma_start3A_133] : memref<112x128xi32, #tpu.memory_space<vmem>> -> memref<1x128xi32, #tpu.memory_space<vmem>>
      %dma_start3A_135 = tpu.memref_squeeze %dma_start3A_134 : memref<1x128xi32, #tpu.memory_space<vmem>> -> memref<128xi32, #tpu.memory_space<vmem>>
      %dma_start3A_136 = arith.constant 0 : i32
      %dma_start3A_137 = arith.constant 0 : i32
      %dma_start3A_138 = tpu.memref_slice %arg2[%dma_start3A_136, %dma_start3A_137] : memref<10240x64xf32, #tpu.memory_space<hbm>> -> memref<10240x64xf32, #tpu.memory_space<hbm>>
      tpu.enqueue_indirect_dma source(%dma_start3A_138 : memref<10240x64xf32, #tpu.memory_space<hbm>>) target(%dma_start3A_132 : memref<128x64xf32, #tpu.memory_space<vmem>>) offsets(%dma_start3A_135 : memref<128xi32, #tpu.memory_space<vmem>>) semaphore(%arg13 : memref<!tpu.dma_semaphore, #tpu.memory_space<semaphore_mem>>)
      %add3A_139 = arith.constant 4 : i32
      %add3A_140 = arith.addi %mul3A_64, %add3A_139 : i32
      %add3A_141 = arith.constant 2 : i32
      %add3A_142 = arith.addi %add3A_140, %add3A_141 : i32
      %dma_start3A_143 = arith.constant 256 : i32
      %dma_start3A_144 = arith.constant 0 : i32
      %dma_start3A_145 = tpu.memref_slice %arg10[%dma_start3A_143, %dma_start3A_144] : memref<512x64xf32, #tpu.memory_space<vmem>> -> memref<128x64xf32, #tpu.memory_space<vmem>>
      %dma_start3A_146 = arith.constant 0 : i32
      %dma_start3A_147 = tpu.memref_slice %arg7[%add3A_142, %dma_start3A_146] : memref<112x128xi32, #tpu.memory_space<vmem>> -> memref<1x128xi32, #tpu.memory_space<vmem>>
      %dma_start3A_148 = tpu.memref_squeeze %dma_start3A_147 : memref<1x128xi32, #tpu.memory_space<vmem>> -> memref<128xi32, #tpu.memory_space<vmem>>
      %dma_start3A_149 = arith.constant 0 : i32
      %dma_start3A_150 = arith.constant 0 : i32
      %dma_start3A_151 = tpu.memref_slice %arg2[%dma_start3A_149, %dma_start3A_150] : memref<10240x64xf32, #tpu.memory_space<hbm>> -> memref<10240x64xf32, #tpu.memory_space<hbm>>
      tpu.enqueue_indirect_dma source(%dma_start3A_151 : memref<10240x64xf32, #tpu.memory_space<hbm>>) target(%dma_start3A_145 : memref<128x64xf32, #tpu.memory_space<vmem>>) offsets(%dma_start3A_148 : memref<128xi32, #tpu.memory_space<vmem>>) semaphore(%arg13 : memref<!tpu.dma_semaphore, #tpu.memory_space<semaphore_mem>>)
      %add3A_152 = arith.constant 4 : i32
      %add3A_153 = arith.addi %mul3A_64, %add3A_152 : i32
      %add3A_154 = arith.constant 3 : i32
      %add3A_155 = arith.addi %add3A_153, %add3A_154 : i32
      %dma_start3A_156 = arith.constant 384 : i32
      %dma_start3A_157 = arith.constant 0 : i32
      %dma_start3A_158 = tpu.memref_slice %arg10[%dma_start3A_156, %dma_start3A_157] : memref<512x64xf32, #tpu.memory_space<vmem>> -> memref<128x64xf32, #tpu.memory_space<vmem>>
      %dma_start3A_159 = arith.constant 0 : i32
      %dma_start3A_160 = tpu.memref_slice %arg7[%add3A_155, %dma_start3A_159] : memref<112x128xi32, #tpu.memory_space<vmem>> -> memref<1x128xi32, #tpu.memory_space<vmem>>
      %dma_start3A_161 = tpu.memref_squeeze %dma_start3A_160 : memref<1x128xi32, #tpu.memory_space<vmem>> -> memref<128xi32, #tpu.memory_space<vmem>>
      %dma_start3A_162 = arith.constant 0 : i32
      %dma_start3A_163 = arith.constant 0 : i32
      %dma_start3A_164 = tpu.memref_slice %arg2[%dma_start3A_162, %dma_start3A_163] : memref<10240x64xf32, #tpu.memory_space<hbm>> -> memref<10240x64xf32, #tpu.memory_space<hbm>>
      tpu.enqueue_indirect_dma source(%dma_start3A_164 : memref<10240x64xf32, #tpu.memory_space<hbm>>) target(%dma_start3A_158 : memref<128x64xf32, #tpu.memory_space<vmem>>) offsets(%dma_start3A_161 : memref<128xi32, #tpu.memory_space<vmem>>) semaphore(%arg13 : memref<!tpu.dma_semaphore, #tpu.memory_space<semaphore_mem>>)
      %dma_wait3A = arith.constant 0 : i32
      %dma_wait3A_165 = arith.constant 0 : i32
      %dma_wait3A_166 = tpu.memref_slice %arg9[%dma_wait3A, %dma_wait3A_165] : memref<512x64xf32, #tpu.memory_space<vmem>> -> memref<128x64xf32, #tpu.memory_space<vmem>>
      %dma_wait3A_167 = arith.constant 0 : i32
      %dma_wait3A_168 = tpu.memref_slice %arg7[%add3A_70, %dma_wait3A_167] : memref<112x128xi32, #tpu.memory_space<vmem>> -> memref<1x128xi32, #tpu.memory_space<vmem>>
      %dma_wait3A_169 = tpu.memref_squeeze %dma_wait3A_168 : memref<1x128xi32, #tpu.memory_space<vmem>> -> memref<128xi32, #tpu.memory_space<vmem>>
      %dma_wait3A_170 = arith.constant 0 : i32
      %dma_wait3A_171 = arith.constant 0 : i32
      %dma_wait3A_172 = tpu.memref_slice %arg2[%dma_wait3A_170, %dma_wait3A_171] : memref<10240x64xf32, #tpu.memory_space<hbm>> -> memref<10240x64xf32, #tpu.memory_space<hbm>>
      tpu.wait_indirect_dma semaphore(%arg12 : memref<!tpu.dma_semaphore, #tpu.memory_space<semaphore_mem>>) src(%dma_wait3A_172 : memref<10240x64xf32, #tpu.memory_space<hbm>>) dst(%dma_wait3A_166 : memref<128x64xf32, #tpu.memory_space<vmem>>)
      %dma_wait3A_173 = arith.constant 128 : i32
      %dma_wait3A_174 = arith.constant 0 : i32
      %dma_wait3A_175 = tpu.memref_slice %arg9[%dma_wait3A_173, %dma_wait3A_174] : memref<512x64xf32, #tpu.memory_space<vmem>> -> memref<128x64xf32, #tpu.memory_space<vmem>>
      %dma_wait3A_176 = arith.constant 0 : i32
      %dma_wait3A_177 = tpu.memref_slice %arg7[%add3A_81, %dma_wait3A_176] : memref<112x128xi32, #tpu.memory_space<vmem>> -> memref<1x128xi32, #tpu.memory_space<vmem>>
      %dma_wait3A_178 = tpu.memref_squeeze %dma_wait3A_177 : memref<1x128xi32, #tpu.memory_space<vmem>> -> memref<128xi32, #tpu.memory_space<vmem>>
      %dma_wait3A_179 = arith.constant 0 : i32
      %dma_wait3A_180 = arith.constant 0 : i32
      %dma_wait3A_181 = tpu.memref_slice %arg2[%dma_wait3A_179, %dma_wait3A_180] : memref<10240x64xf32, #tpu.memory_space<hbm>> -> memref<10240x64xf32, #tpu.memory_space<hbm>>
      tpu.wait_indirect_dma semaphore(%arg12 : memref<!tpu.dma_semaphore, #tpu.memory_space<semaphore_mem>>) src(%dma_wait3A_181 : memref<10240x64xf32, #tpu.memory_space<hbm>>) dst(%dma_wait3A_175 : memref<128x64xf32, #tpu.memory_space<vmem>>)
      %dma_wait3A_182 = arith.constant 256 : i32
      %dma_wait3A_183 = arith.constant 0 : i32
      %dma_wait3A_184 = tpu.memref_slice %arg9[%dma_wait3A_182, %dma_wait3A_183] : memref<512x64xf32, #tpu.memory_space<vmem>> -> memref<128x64xf32, #tpu.memory_space<vmem>>
      %dma_wait3A_185 = arith.constant 0 : i32
      %dma_wait3A_186 = tpu.memref_slice %arg7[%add3A_92, %dma_wait3A_185] : memref<112x128xi32, #tpu.memory_space<vmem>> -> memref<1x128xi32, #tpu.memory_space<vmem>>
      %dma_wait3A_187 = tpu.memref_squeeze %dma_wait3A_186 : memref<1x128xi32, #tpu.memory_space<vmem>> -> memref<128xi32, #tpu.memory_space<vmem>>
      %dma_wait3A_188 = arith.constant 0 : i32
      %dma_wait3A_189 = arith.constant 0 : i32
      %dma_wait3A_190 = tpu.memref_slice %arg2[%dma_wait3A_188, %dma_wait3A_189] : memref<10240x64xf32, #tpu.memory_space<hbm>> -> memref<10240x64xf32, #tpu.memory_space<hbm>>
      tpu.wait_indirect_dma semaphore(%arg12 : memref<!tpu.dma_semaphore, #tpu.memory_space<semaphore_mem>>) src(%dma_wait3A_190 : memref<10240x64xf32, #tpu.memory_space<hbm>>) dst(%dma_wait3A_184 : memref<128x64xf32, #tpu.memory_space<vmem>>)
      %dma_wait3A_191 = arith.constant 384 : i32
      %dma_wait3A_192 = arith.constant 0 : i32
      %dma_wait3A_193 = tpu.memref_slice %arg9[%dma_wait3A_191, %dma_wait3A_192] : memref<512x64xf32, #tpu.memory_space<vmem>> -> memref<128x64xf32, #tpu.memory_space<vmem>>
      %dma_wait3A_194 = arith.constant 0 : i32
      %dma_wait3A_195 = tpu.memref_slice %arg7[%add3A_103, %dma_wait3A_194] : memref<112x128xi32, #tpu.memory_space<vmem>> -> memref<1x128xi32, #tpu.memory_space<vmem>>
      %dma_wait3A_196 = tpu.memref_squeeze %dma_wait3A_195 : memref<1x128xi32, #tpu.memory_space<vmem>> -> memref<128xi32, #tpu.memory_space<vmem>>
      %dma_wait3A_197 = arith.constant 0 : i32
      %dma_wait3A_198 = arith.constant 0 : i32
      %dma_wait3A_199 = tpu.memref_slice %arg2[%dma_wait3A_197, %dma_wait3A_198] : memref<10240x64xf32, #tpu.memory_space<hbm>> -> memref<10240x64xf32, #tpu.memory_space<hbm>>
      tpu.wait_indirect_dma semaphore(%arg12 : memref<!tpu.dma_semaphore, #tpu.memory_space<semaphore_mem>>) src(%dma_wait3A_199 : memref<10240x64xf32, #tpu.memory_space<hbm>>) dst(%dma_wait3A_193 : memref<128x64xf32, #tpu.memory_space<vmem>>)
      %dma_wait3A_200 = arith.constant 0 : i32
      %dma_wait3A_201 = tpu.memref_slice %arg4[%add3A_65, %dma_wait3A_200] : memref<2560x128xi32, #tpu.memory_space<hbm>> -> memref<8x128xi32, #tpu.memory_space<hbm>>
      %dma_wait3A_202 = arith.constant 0 : i32
      %dma_wait3A_203 = tpu.memref_slice %arg4[%add3A_65, %dma_wait3A_202] : memref<2560x128xi32, #tpu.memory_space<hbm>> -> memref<8x128xi32, #tpu.memory_space<hbm>>
      tpu.wait_dma2 semaphore(%arg16 : memref<!tpu.dma_semaphore, #tpu.memory_space<semaphore_mem>>) src(%dma_wait3A_203 : memref<8x128xi32, #tpu.memory_space<hbm>>) dst(%arg8 : memref<8x128xi32, #tpu.memory_space<vmem>>)
      %dma_start3A_204 = arith.constant 0 : i32
      %dma_start3A_205 = arith.constant 0 : i32
      %dma_start3A_206 = arith.constant 0 : i32
      %dma_start3A_207 = tpu.memref_slice %arg9[%dma_start3A_205, %dma_start3A_206] : memref<512x64xf32, #tpu.memory_space<vmem>> -> memref<128x64xf32, #tpu.memory_space<vmem>>
      %dma_start3A_208 = arith.constant 0 : i32
      %dma_start3A_209 = tpu.memref_slice %arg8[%dma_start3A_204, %dma_start3A_208] : memref<8x128xi32, #tpu.memory_space<vmem>> -> memref<1x128xi32, #tpu.memory_space<vmem>>
      %dma_start3A_210 = tpu.memref_squeeze %dma_start3A_209 : memref<1x128xi32, #tpu.memory_space<vmem>> -> memref<128xi32, #tpu.memory_space<vmem>>
      %dma_start3A_211 = arith.constant 0 : i32
      %dma_start3A_212 = arith.constant 0 : i32
      %dma_start3A_213 = tpu.memref_slice %arg11[%dma_start3A_211, %dma_start3A_212] : memref<10240x64xf32, #tpu.memory_space<vmem_shared>> -> memref<10240x64xf32, #tpu.memory_space<vmem_shared>>
      tpu.enqueue_indirect_dma source(%dma_start3A_207 : memref<128x64xf32, #tpu.memory_space<vmem>>) target(%dma_start3A_213 : memref<10240x64xf32, #tpu.memory_space<vmem_shared>>) offsets(%dma_start3A_210 : memref<128xi32, #tpu.memory_space<vmem>>) semaphore(%arg14 : memref<!tpu.dma_semaphore, #tpu.memory_space<semaphore_mem>>) {add = true}
      %dma_start3A_214 = arith.constant 1 : i32
      %dma_start3A_215 = arith.constant 128 : i32
      %dma_start3A_216 = arith.constant 0 : i32
      %dma_start3A_217 = tpu.memref_slice %arg9[%dma_start3A_215, %dma_start3A_216] : memref<512x64xf32, #tpu.memory_space<vmem>> -> memref<128x64xf32, #tpu.memory_space<vmem>>
      %dma_start3A_218 = arith.constant 0 : i32
      %dma_start3A_219 = tpu.memref_slice %arg8[%dma_start3A_214, %dma_start3A_218] : memref<8x128xi32, #tpu.memory_space<vmem>> -> memref<1x128xi32, #tpu.memory_space<vmem>>
      %dma_start3A_220 = tpu.memref_squeeze %dma_start3A_219 : memref<1x128xi32, #tpu.memory_space<vmem>> -> memref<128xi32, #tpu.memory_space<vmem>>
      %dma_start3A_221 = arith.constant 0 : i32
      %dma_start3A_222 = arith.constant 0 : i32
      %dma_start3A_223 = tpu.memref_slice %arg11[%dma_start3A_221, %dma_start3A_222] : memref<10240x64xf32, #tpu.memory_space<vmem_shared>> -> memref<10240x64xf32, #tpu.memory_space<vmem_shared>>
      tpu.enqueue_indirect_dma source(%dma_start3A_217 : memref<128x64xf32, #tpu.memory_space<vmem>>) target(%dma_start3A_223 : memref<10240x64xf32, #tpu.memory_space<vmem_shared>>) offsets(%dma_start3A_220 : memref<128xi32, #tpu.memory_space<vmem>>) semaphore(%arg14 : memref<!tpu.dma_semaphore, #tpu.memory_space<semaphore_mem>>) {add = true}
      %dma_start3A_224 = arith.constant 2 : i32
      %dma_start3A_225 = arith.constant 256 : i32
      %dma_start3A_226 = arith.constant 0 : i32
      %dma_start3A_227 = tpu.memref_slice %arg9[%dma_start3A_225, %dma_start3A_226] : memref<512x64xf32, #tpu.memory_space<vmem>> -> memref<128x64xf32, #tpu.memory_space<vmem>>
      %dma_start3A_228 = arith.constant 0 : i32
      %dma_start3A_229 = tpu.memref_slice %arg8[%dma_start3A_224, %dma_start3A_228] : memref<8x128xi32, #tpu.memory_space<vmem>> -> memref<1x128xi32, #tpu.memory_space<vmem>>
      %dma_start3A_230 = tpu.memref_squeeze %dma_start3A_229 : memref<1x128xi32, #tpu.memory_space<vmem>> -> memref<128xi32, #tpu.memory_space<vmem>>
      %dma_start3A_231 = arith.constant 0 : i32
      %dma_start3A_232 = arith.constant 0 : i32
      %dma_start3A_233 = tpu.memref_slice %arg11[%dma_start3A_231, %dma_start3A_232] : memref<10240x64xf32, #tpu.memory_space<vmem_shared>> -> memref<10240x64xf32, #tpu.memory_space<vmem_shared>>
      tpu.enqueue_indirect_dma source(%dma_start3A_227 : memref<128x64xf32, #tpu.memory_space<vmem>>) target(%dma_start3A_233 : memref<10240x64xf32, #tpu.memory_space<vmem_shared>>) offsets(%dma_start3A_230 : memref<128xi32, #tpu.memory_space<vmem>>) semaphore(%arg14 : memref<!tpu.dma_semaphore, #tpu.memory_space<semaphore_mem>>) {add = true}
      %dma_start3A_234 = arith.constant 3 : i32
      %dma_start3A_235 = arith.constant 384 : i32
      %dma_start3A_236 = arith.constant 0 : i32
      %dma_start3A_237 = tpu.memref_slice %arg9[%dma_start3A_235, %dma_start3A_236] : memref<512x64xf32, #tpu.memory_space<vmem>> -> memref<128x64xf32, #tpu.memory_space<vmem>>
      %dma_start3A_238 = arith.constant 0 : i32
      %dma_start3A_239 = tpu.memref_slice %arg8[%dma_start3A_234, %dma_start3A_238] : memref<8x128xi32, #tpu.memory_space<vmem>> -> memref<1x128xi32, #tpu.memory_space<vmem>>
      %dma_start3A_240 = tpu.memref_squeeze %dma_start3A_239 : memref<1x128xi32, #tpu.memory_space<vmem>> -> memref<128xi32, #tpu.memory_space<vmem>>
      %dma_start3A_241 = arith.constant 0 : i32
      %dma_start3A_242 = arith.constant 0 : i32
      %dma_start3A_243 = tpu.memref_slice %arg11[%dma_start3A_241, %dma_start3A_242] : memref<10240x64xf32, #tpu.memory_space<vmem_shared>> -> memref<10240x64xf32, #tpu.memory_space<vmem_shared>>
      tpu.enqueue_indirect_dma source(%dma_start3A_237 : memref<128x64xf32, #tpu.memory_space<vmem>>) target(%dma_start3A_243 : memref<10240x64xf32, #tpu.memory_space<vmem_shared>>) offsets(%dma_start3A_240 : memref<128xi32, #tpu.memory_space<vmem>>) semaphore(%arg14 : memref<!tpu.dma_semaphore, #tpu.memory_space<semaphore_mem>>) {add = true}
      %dma_wait3A_244 = arith.constant 0 : i32
      %dma_wait3A_245 = arith.constant 0 : i32
      %dma_wait3A_246 = tpu.memref_slice %arg10[%dma_wait3A_244, %dma_wait3A_245] : memref<512x64xf32, #tpu.memory_space<vmem>> -> memref<128x64xf32, #tpu.memory_space<vmem>>
      %dma_wait3A_247 = arith.constant 0 : i32
      %dma_wait3A_248 = tpu.memref_slice %arg7[%add3A_116, %dma_wait3A_247] : memref<112x128xi32, #tpu.memory_space<vmem>> -> memref<1x128xi32, #tpu.memory_space<vmem>>
      %dma_wait3A_249 = tpu.memref_squeeze %dma_wait3A_248 : memref<1x128xi32, #tpu.memory_space<vmem>> -> memref<128xi32, #tpu.memory_space<vmem>>
      %dma_wait3A_250 = arith.constant 0 : i32
      %dma_wait3A_251 = arith.constant 0 : i32
      %dma_wait3A_252 = tpu.memref_slice %arg2[%dma_wait3A_250, %dma_wait3A_251] : memref<10240x64xf32, #tpu.memory_space<hbm>> -> memref<10240x64xf32, #tpu.memory_space<hbm>>
      tpu.wait_indirect_dma semaphore(%arg13 : memref<!tpu.dma_semaphore, #tpu.memory_space<semaphore_mem>>) src(%dma_wait3A_252 : memref<10240x64xf32, #tpu.memory_space<hbm>>) dst(%dma_wait3A_246 : memref<128x64xf32, #tpu.memory_space<vmem>>)
      %dma_wait3A_253 = arith.constant 128 : i32
      %dma_wait3A_254 = arith.constant 0 : i32
      %dma_wait3A_255 = tpu.memref_slice %arg10[%dma_wait3A_253, %dma_wait3A_254] : memref<512x64xf32, #tpu.memory_space<vmem>> -> memref<128x64xf32, #tpu.memory_space<vmem>>
      %dma_wait3A_256 = arith.constant 0 : i32
      %dma_wait3A_257 = tpu.memref_slice %arg7[%add3A_129, %dma_wait3A_256] : memref<112x128xi32, #tpu.memory_space<vmem>> -> memref<1x128xi32, #tpu.memory_space<vmem>>
      %dma_wait3A_258 = tpu.memref_squeeze %dma_wait3A_257 : memref<1x128xi32, #tpu.memory_space<vmem>> -> memref<128xi32, #tpu.memory_space<vmem>>
      %dma_wait3A_259 = arith.constant 0 : i32
      %dma_wait3A_260 = arith.constant 0 : i32
      %dma_wait3A_261 = tpu.memref_slice %arg2[%dma_wait3A_259, %dma_wait3A_260] : memref<10240x64xf32, #tpu.memory_space<hbm>> -> memref<10240x64xf32, #tpu.memory_space<hbm>>
      tpu.wait_indirect_dma semaphore(%arg13 : memref<!tpu.dma_semaphore, #tpu.memory_space<semaphore_mem>>) src(%dma_wait3A_261 : memref<10240x64xf32, #tpu.memory_space<hbm>>) dst(%dma_wait3A_255 : memref<128x64xf32, #tpu.memory_space<vmem>>)
      %dma_wait3A_262 = arith.constant 256 : i32
      %dma_wait3A_263 = arith.constant 0 : i32
      %dma_wait3A_264 = tpu.memref_slice %arg10[%dma_wait3A_262, %dma_wait3A_263] : memref<512x64xf32, #tpu.memory_space<vmem>> -> memref<128x64xf32, #tpu.memory_space<vmem>>
      %dma_wait3A_265 = arith.constant 0 : i32
      %dma_wait3A_266 = tpu.memref_slice %arg7[%add3A_142, %dma_wait3A_265] : memref<112x128xi32, #tpu.memory_space<vmem>> -> memref<1x128xi32, #tpu.memory_space<vmem>>
      %dma_wait3A_267 = tpu.memref_squeeze %dma_wait3A_266 : memref<1x128xi32, #tpu.memory_space<vmem>> -> memref<128xi32, #tpu.memory_space<vmem>>
      %dma_wait3A_268 = arith.constant 0 : i32
      %dma_wait3A_269 = arith.constant 0 : i32
      %dma_wait3A_270 = tpu.memref_slice %arg2[%dma_wait3A_268, %dma_wait3A_269] : memref<10240x64xf32, #tpu.memory_space<hbm>> -> memref<10240x64xf32, #tpu.memory_space<hbm>>
      tpu.wait_indirect_dma semaphore(%arg13 : memref<!tpu.dma_semaphore, #tpu.memory_space<semaphore_mem>>) src(%dma_wait3A_270 : memref<10240x64xf32, #tpu.memory_space<hbm>>) dst(%dma_wait3A_264 : memref<128x64xf32, #tpu.memory_space<vmem>>)
      %dma_wait3A_271 = arith.constant 384 : i32
      %dma_wait3A_272 = arith.constant 0 : i32
      %dma_wait3A_273 = tpu.memref_slice %arg10[%dma_wait3A_271, %dma_wait3A_272] : memref<512x64xf32, #tpu.memory_space<vmem>> -> memref<128x64xf32, #tpu.memory_space<vmem>>
      %dma_wait3A_274 = arith.constant 0 : i32
      %dma_wait3A_275 = tpu.memref_slice %arg7[%add3A_155, %dma_wait3A_274] : memref<112x128xi32, #tpu.memory_space<vmem>> -> memref<1x128xi32, #tpu.memory_space<vmem>>
      %dma_wait3A_276 = tpu.memref_squeeze %dma_wait3A_275 : memref<1x128xi32, #tpu.memory_space<vmem>> -> memref<128xi32, #tpu.memory_space<vmem>>
      %dma_wait3A_277 = arith.constant 0 : i32
      %dma_wait3A_278 = arith.constant 0 : i32
      %dma_wait3A_279 = tpu.memref_slice %arg2[%dma_wait3A_277, %dma_wait3A_278] : memref<10240x64xf32, #tpu.memory_space<hbm>> -> memref<10240x64xf32, #tpu.memory_space<hbm>>
      tpu.wait_indirect_dma semaphore(%arg13 : memref<!tpu.dma_semaphore, #tpu.memory_space<semaphore_mem>>) src(%dma_wait3A_279 : memref<10240x64xf32, #tpu.memory_space<hbm>>) dst(%dma_wait3A_273 : memref<128x64xf32, #tpu.memory_space<vmem>>)
      %dma_start3A_280 = arith.constant 4 : i32
      %dma_start3A_281 = arith.constant 0 : i32
      %dma_start3A_282 = arith.constant 0 : i32
      %dma_start3A_283 = tpu.memref_slice %arg10[%dma_start3A_281, %dma_start3A_282] : memref<512x64xf32, #tpu.memory_space<vmem>> -> memref<128x64xf32, #tpu.memory_space<vmem>>
      %dma_start3A_284 = arith.constant 0 : i32
      %dma_start3A_285 = tpu.memref_slice %arg8[%dma_start3A_280, %dma_start3A_284] : memref<8x128xi32, #tpu.memory_space<vmem>> -> memref<1x128xi32, #tpu.memory_space<vmem>>
      %dma_start3A_286 = tpu.memref_squeeze %dma_start3A_285 : memref<1x128xi32, #tpu.memory_space<vmem>> -> memref<128xi32, #tpu.memory_space<vmem>>
      %dma_start3A_287 = arith.constant 0 : i32
      %dma_start3A_288 = arith.constant 0 : i32
      %dma_start3A_289 = tpu.memref_slice %arg11[%dma_start3A_287, %dma_start3A_288] : memref<10240x64xf32, #tpu.memory_space<vmem_shared>> -> memref<10240x64xf32, #tpu.memory_space<vmem_shared>>
      tpu.enqueue_indirect_dma source(%dma_start3A_283 : memref<128x64xf32, #tpu.memory_space<vmem>>) target(%dma_start3A_289 : memref<10240x64xf32, #tpu.memory_space<vmem_shared>>) offsets(%dma_start3A_286 : memref<128xi32, #tpu.memory_space<vmem>>) semaphore(%arg15 : memref<!tpu.dma_semaphore, #tpu.memory_space<semaphore_mem>>) {add = true}
      %dma_start3A_290 = arith.constant 5 : i32
      %dma_start3A_291 = arith.constant 128 : i32
      %dma_start3A_292 = arith.constant 0 : i32
      %dma_start3A_293 = tpu.memref_slice %arg10[%dma_start3A_291, %dma_start3A_292] : memref<512x64xf32, #tpu.memory_space<vmem>> -> memref<128x64xf32, #tpu.memory_space<vmem>>
      %dma_start3A_294 = arith.constant 0 : i32
      %dma_start3A_295 = tpu.memref_slice %arg8[%dma_start3A_290, %dma_start3A_294] : memref<8x128xi32, #tpu.memory_space<vmem>> -> memref<1x128xi32, #tpu.memory_space<vmem>>
      %dma_start3A_296 = tpu.memref_squeeze %dma_start3A_295 : memref<1x128xi32, #tpu.memory_space<vmem>> -> memref<128xi32, #tpu.memory_space<vmem>>
      %dma_start3A_297 = arith.constant 0 : i32
      %dma_start3A_298 = arith.constant 0 : i32
      %dma_start3A_299 = tpu.memref_slice %arg11[%dma_start3A_297, %dma_start3A_298] : memref<10240x64xf32, #tpu.memory_space<vmem_shared>> -> memref<10240x64xf32, #tpu.memory_space<vmem_shared>>
      tpu.enqueue_indirect_dma source(%dma_start3A_293 : memref<128x64xf32, #tpu.memory_space<vmem>>) target(%dma_start3A_299 : memref<10240x64xf32, #tpu.memory_space<vmem_shared>>) offsets(%dma_start3A_296 : memref<128xi32, #tpu.memory_space<vmem>>) semaphore(%arg15 : memref<!tpu.dma_semaphore, #tpu.memory_space<semaphore_mem>>) {add = true}
      %dma_start3A_300 = arith.constant 6 : i32
      %dma_start3A_301 = arith.constant 256 : i32
      %dma_start3A_302 = arith.constant 0 : i32
      %dma_start3A_303 = tpu.memref_slice %arg10[%dma_start3A_301, %dma_start3A_302] : memref<512x64xf32, #tpu.memory_space<vmem>> -> memref<128x64xf32, #tpu.memory_space<vmem>>
      %dma_start3A_304 = arith.constant 0 : i32
      %dma_start3A_305 = tpu.memref_slice %arg8[%dma_start3A_300, %dma_start3A_304] : memref<8x128xi32, #tpu.memory_space<vmem>> -> memref<1x128xi32, #tpu.memory_space<vmem>>
      %dma_start3A_306 = tpu.memref_squeeze %dma_start3A_305 : memref<1x128xi32, #tpu.memory_space<vmem>> -> memref<128xi32, #tpu.memory_space<vmem>>
      %dma_start3A_307 = arith.constant 0 : i32
      %dma_start3A_308 = arith.constant 0 : i32
      %dma_start3A_309 = tpu.memref_slice %arg11[%dma_start3A_307, %dma_start3A_308] : memref<10240x64xf32, #tpu.memory_space<vmem_shared>> -> memref<10240x64xf32, #tpu.memory_space<vmem_shared>>
      tpu.enqueue_indirect_dma source(%dma_start3A_303 : memref<128x64xf32, #tpu.memory_space<vmem>>) target(%dma_start3A_309 : memref<10240x64xf32, #tpu.memory_space<vmem_shared>>) offsets(%dma_start3A_306 : memref<128xi32, #tpu.memory_space<vmem>>) semaphore(%arg15 : memref<!tpu.dma_semaphore, #tpu.memory_space<semaphore_mem>>) {add = true}
      %dma_start3A_310 = arith.constant 7 : i32
      %dma_start3A_311 = arith.constant 384 : i32
      %dma_start3A_312 = arith.constant 0 : i32
      %dma_start3A_313 = tpu.memref_slice %arg10[%dma_start3A_311, %dma_start3A_312] : memref<512x64xf32, #tpu.memory_space<vmem>> -> memref<128x64xf32, #tpu.memory_space<vmem>>
      %dma_start3A_314 = arith.constant 0 : i32
      %dma_start3A_315 = tpu.memref_slice %arg8[%dma_start3A_310, %dma_start3A_314] : memref<8x128xi32, #tpu.memory_space<vmem>> -> memref<1x128xi32, #tpu.memory_space<vmem>>
      %dma_start3A_316 = tpu.memref_squeeze %dma_start3A_315 : memref<1x128xi32, #tpu.memory_space<vmem>> -> memref<128xi32, #tpu.memory_space<vmem>>
      %dma_start3A_317 = arith.constant 0 : i32
      %dma_start3A_318 = arith.constant 0 : i32
      %dma_start3A_319 = tpu.memref_slice %arg11[%dma_start3A_317, %dma_start3A_318] : memref<10240x64xf32, #tpu.memory_space<vmem_shared>> -> memref<10240x64xf32, #tpu.memory_space<vmem_shared>>
      tpu.enqueue_indirect_dma source(%dma_start3A_313 : memref<128x64xf32, #tpu.memory_space<vmem>>) target(%dma_start3A_319 : memref<10240x64xf32, #tpu.memory_space<vmem_shared>>) offsets(%dma_start3A_316 : memref<128xi32, #tpu.memory_space<vmem>>) semaphore(%arg15 : memref<!tpu.dma_semaphore, #tpu.memory_space<semaphore_mem>>) {add = true}
      %dma_wait3A_320 = arith.constant 0 : i32
      %dma_wait3A_321 = arith.constant 0 : i32
      %dma_wait3A_322 = arith.constant 0 : i32
      %dma_wait3A_323 = tpu.memref_slice %arg9[%dma_wait3A_321, %dma_wait3A_322] : memref<512x64xf32, #tpu.memory_space<vmem>> -> memref<128x64xf32, #tpu.memory_space<vmem>>
      %dma_wait3A_324 = arith.constant 0 : i32
      %dma_wait3A_325 = tpu.memref_slice %arg8[%dma_wait3A_320, %dma_wait3A_324] : memref<8x128xi32, #tpu.memory_space<vmem>> -> memref<1x128xi32, #tpu.memory_space<vmem>>
      %dma_wait3A_326 = tpu.memref_squeeze %dma_wait3A_325 : memref<1x128xi32, #tpu.memory_space<vmem>> -> memref<128xi32, #tpu.memory_space<vmem>>
      %dma_wait3A_327 = arith.constant 0 : i32
      %dma_wait3A_328 = arith.constant 0 : i32
      %dma_wait3A_329 = tpu.memref_slice %arg11[%dma_wait3A_327, %dma_wait3A_328] : memref<10240x64xf32, #tpu.memory_space<vmem_shared>> -> memref<10240x64xf32, #tpu.memory_space<vmem_shared>>
      tpu.wait_indirect_dma semaphore(%arg14 : memref<!tpu.dma_semaphore, #tpu.memory_space<semaphore_mem>>) src(%dma_wait3A_323 : memref<128x64xf32, #tpu.memory_space<vmem>>) dst(%dma_wait3A_329 : memref<10240x64xf32, #tpu.memory_space<vmem_shared>>)
      %dma_wait3A_330 = arith.constant 1 : i32
      %dma_wait3A_331 = arith.constant 128 : i32
      %dma_wait3A_332 = arith.constant 0 : i32
      %dma_wait3A_333 = tpu.memref_slice %arg9[%dma_wait3A_331, %dma_wait3A_332] : memref<512x64xf32, #tpu.memory_space<vmem>> -> memref<128x64xf32, #tpu.memory_space<vmem>>
      %dma_wait3A_334 = arith.constant 0 : i32
      %dma_wait3A_335 = tpu.memref_slice %arg8[%dma_wait3A_330, %dma_wait3A_334] : memref<8x128xi32, #tpu.memory_space<vmem>> -> memref<1x128xi32, #tpu.memory_space<vmem>>
      %dma_wait3A_336 = tpu.memref_squeeze %dma_wait3A_335 : memref<1x128xi32, #tpu.memory_space<vmem>> -> memref<128xi32, #tpu.memory_space<vmem>>
      %dma_wait3A_337 = arith.constant 0 : i32
      %dma_wait3A_338 = arith.constant 0 : i32
      %dma_wait3A_339 = tpu.memref_slice %arg11[%dma_wait3A_337, %dma_wait3A_338] : memref<10240x64xf32, #tpu.memory_space<vmem_shared>> -> memref<10240x64xf32, #tpu.memory_space<vmem_shared>>
      tpu.wait_indirect_dma semaphore(%arg14 : memref<!tpu.dma_semaphore, #tpu.memory_space<semaphore_mem>>) src(%dma_wait3A_333 : memref<128x64xf32, #tpu.memory_space<vmem>>) dst(%dma_wait3A_339 : memref<10240x64xf32, #tpu.memory_space<vmem_shared>>)
      %dma_wait3A_340 = arith.constant 2 : i32
      %dma_wait3A_341 = arith.constant 256 : i32
      %dma_wait3A_342 = arith.constant 0 : i32
      %dma_wait3A_343 = tpu.memref_slice %arg9[%dma_wait3A_341, %dma_wait3A_342] : memref<512x64xf32, #tpu.memory_space<vmem>> -> memref<128x64xf32, #tpu.memory_space<vmem>>
      %dma_wait3A_344 = arith.constant 0 : i32
      %dma_wait3A_345 = tpu.memref_slice %arg8[%dma_wait3A_340, %dma_wait3A_344] : memref<8x128xi32, #tpu.memory_space<vmem>> -> memref<1x128xi32, #tpu.memory_space<vmem>>
      %dma_wait3A_346 = tpu.memref_squeeze %dma_wait3A_345 : memref<1x128xi32, #tpu.memory_space<vmem>> -> memref<128xi32, #tpu.memory_space<vmem>>
      %dma_wait3A_347 = arith.constant 0 : i32
      %dma_wait3A_348 = arith.constant 0 : i32
      %dma_wait3A_349 = tpu.memref_slice %arg11[%dma_wait3A_347, %dma_wait3A_348] : memref<10240x64xf32, #tpu.memory_space<vmem_shared>> -> memref<10240x64xf32, #tpu.memory_space<vmem_shared>>
      tpu.wait_indirect_dma semaphore(%arg14 : memref<!tpu.dma_semaphore, #tpu.memory_space<semaphore_mem>>) src(%dma_wait3A_343 : memref<128x64xf32, #tpu.memory_space<vmem>>) dst(%dma_wait3A_349 : memref<10240x64xf32, #tpu.memory_space<vmem_shared>>)
      %dma_wait3A_350 = arith.constant 3 : i32
      %dma_wait3A_351 = arith.constant 384 : i32
      %dma_wait3A_352 = arith.constant 0 : i32
      %dma_wait3A_353 = tpu.memref_slice %arg9[%dma_wait3A_351, %dma_wait3A_352] : memref<512x64xf32, #tpu.memory_space<vmem>> -> memref<128x64xf32, #tpu.memory_space<vmem>>
      %dma_wait3A_354 = arith.constant 0 : i32
      %dma_wait3A_355 = tpu.memref_slice %arg8[%dma_wait3A_350, %dma_wait3A_354] : memref<8x128xi32, #tpu.memory_space<vmem>> -> memref<1x128xi32, #tpu.memory_space<vmem>>
      %dma_wait3A_356 = tpu.memref_squeeze %dma_wait3A_355 : memref<1x128xi32, #tpu.memory_space<vmem>> -> memref<128xi32, #tpu.memory_space<vmem>>
      %dma_wait3A_357 = arith.constant 0 : i32
      %dma_wait3A_358 = arith.constant 0 : i32
      %dma_wait3A_359 = tpu.memref_slice %arg11[%dma_wait3A_357, %dma_wait3A_358] : memref<10240x64xf32, #tpu.memory_space<vmem_shared>> -> memref<10240x64xf32, #tpu.memory_space<vmem_shared>>
      tpu.wait_indirect_dma semaphore(%arg14 : memref<!tpu.dma_semaphore, #tpu.memory_space<semaphore_mem>>) src(%dma_wait3A_353 : memref<128x64xf32, #tpu.memory_space<vmem>>) dst(%dma_wait3A_359 : memref<10240x64xf32, #tpu.memory_space<vmem_shared>>)
      %dma_wait3A_360 = arith.constant 4 : i32
      %dma_wait3A_361 = arith.constant 0 : i32
      %dma_wait3A_362 = arith.constant 0 : i32
      %dma_wait3A_363 = tpu.memref_slice %arg10[%dma_wait3A_361, %dma_wait3A_362] : memref<512x64xf32, #tpu.memory_space<vmem>> -> memref<128x64xf32, #tpu.memory_space<vmem>>
      %dma_wait3A_364 = arith.constant 0 : i32
      %dma_wait3A_365 = tpu.memref_slice %arg8[%dma_wait3A_360, %dma_wait3A_364] : memref<8x128xi32, #tpu.memory_space<vmem>> -> memref<1x128xi32, #tpu.memory_space<vmem>>
      %dma_wait3A_366 = tpu.memref_squeeze %dma_wait3A_365 : memref<1x128xi32, #tpu.memory_space<vmem>> -> memref<128xi32, #tpu.memory_space<vmem>>
      %dma_wait3A_367 = arith.constant 0 : i32
      %dma_wait3A_368 = arith.constant 0 : i32
      %dma_wait3A_369 = tpu.memref_slice %arg11[%dma_wait3A_367, %dma_wait3A_368] : memref<10240x64xf32, #tpu.memory_space<vmem_shared>> -> memref<10240x64xf32, #tpu.memory_space<vmem_shared>>
      tpu.wait_indirect_dma semaphore(%arg15 : memref<!tpu.dma_semaphore, #tpu.memory_space<semaphore_mem>>) src(%dma_wait3A_363 : memref<128x64xf32, #tpu.memory_space<vmem>>) dst(%dma_wait3A_369 : memref<10240x64xf32, #tpu.memory_space<vmem_shared>>)
      %dma_wait3A_370 = arith.constant 5 : i32
      %dma_wait3A_371 = arith.constant 128 : i32
      %dma_wait3A_372 = arith.constant 0 : i32
      %dma_wait3A_373 = tpu.memref_slice %arg10[%dma_wait3A_371, %dma_wait3A_372] : memref<512x64xf32, #tpu.memory_space<vmem>> -> memref<128x64xf32, #tpu.memory_space<vmem>>
      %dma_wait3A_374 = arith.constant 0 : i32
      %dma_wait3A_375 = tpu.memref_slice %arg8[%dma_wait3A_370, %dma_wait3A_374] : memref<8x128xi32, #tpu.memory_space<vmem>> -> memref<1x128xi32, #tpu.memory_space<vmem>>
      %dma_wait3A_376 = tpu.memref_squeeze %dma_wait3A_375 : memref<1x128xi32, #tpu.memory_space<vmem>> -> memref<128xi32, #tpu.memory_space<vmem>>
      %dma_wait3A_377 = arith.constant 0 : i32
      %dma_wait3A_378 = arith.constant 0 : i32
      %dma_wait3A_379 = tpu.memref_slice %arg11[%dma_wait3A_377, %dma_wait3A_378] : memref<10240x64xf32, #tpu.memory_space<vmem_shared>> -> memref<10240x64xf32, #tpu.memory_space<vmem_shared>>
      tpu.wait_indirect_dma semaphore(%arg15 : memref<!tpu.dma_semaphore, #tpu.memory_space<semaphore_mem>>) src(%dma_wait3A_373 : memref<128x64xf32, #tpu.memory_space<vmem>>) dst(%dma_wait3A_379 : memref<10240x64xf32, #tpu.memory_space<vmem_shared>>)
      %dma_wait3A_380 = arith.constant 6 : i32
      %dma_wait3A_381 = arith.constant 256 : i32
      %dma_wait3A_382 = arith.constant 0 : i32
      %dma_wait3A_383 = tpu.memref_slice %arg10[%dma_wait3A_381, %dma_wait3A_382] : memref<512x64xf32, #tpu.memory_space<vmem>> -> memref<128x64xf32, #tpu.memory_space<vmem>>
      %dma_wait3A_384 = arith.constant 0 : i32
      %dma_wait3A_385 = tpu.memref_slice %arg8[%dma_wait3A_380, %dma_wait3A_384] : memref<8x128xi32, #tpu.memory_space<vmem>> -> memref<1x128xi32, #tpu.memory_space<vmem>>
      %dma_wait3A_386 = tpu.memref_squeeze %dma_wait3A_385 : memref<1x128xi32, #tpu.memory_space<vmem>> -> memref<128xi32, #tpu.memory_space<vmem>>
      %dma_wait3A_387 = arith.constant 0 : i32
      %dma_wait3A_388 = arith.constant 0 : i32
      %dma_wait3A_389 = tpu.memref_slice %arg11[%dma_wait3A_387, %dma_wait3A_388] : memref<10240x64xf32, #tpu.memory_space<vmem_shared>> -> memref<10240x64xf32, #tpu.memory_space<vmem_shared>>
      tpu.wait_indirect_dma semaphore(%arg15 : memref<!tpu.dma_semaphore, #tpu.memory_space<semaphore_mem>>) src(%dma_wait3A_383 : memref<128x64xf32, #tpu.memory_space<vmem>>) dst(%dma_wait3A_389 : memref<10240x64xf32, #tpu.memory_space<vmem_shared>>)
      %dma_wait3A_390 = arith.constant 7 : i32
      %dma_wait3A_391 = arith.constant 384 : i32
      %dma_wait3A_392 = arith.constant 0 : i32
      %dma_wait3A_393 = tpu.memref_slice %arg10[%dma_wait3A_391, %dma_wait3A_392] : memref<512x64xf32, #tpu.memory_space<vmem>> -> memref<128x64xf32, #tpu.memory_space<vmem>>
      %dma_wait3A_394 = arith.constant 0 : i32
      %dma_wait3A_395 = tpu.memref_slice %arg8[%dma_wait3A_390, %dma_wait3A_394] : memref<8x128xi32, #tpu.memory_space<vmem>> -> memref<1x128xi32, #tpu.memory_space<vmem>>
      %dma_wait3A_396 = tpu.memref_squeeze %dma_wait3A_395 : memref<1x128xi32, #tpu.memory_space<vmem>> -> memref<128xi32, #tpu.memory_space<vmem>>
      %dma_wait3A_397 = arith.constant 0 : i32
      %dma_wait3A_398 = arith.constant 0 : i32
      %dma_wait3A_399 = tpu.memref_slice %arg11[%dma_wait3A_397, %dma_wait3A_398] : memref<10240x64xf32, #tpu.memory_space<vmem_shared>> -> memref<10240x64xf32, #tpu.memory_space<vmem_shared>>
      tpu.wait_indirect_dma semaphore(%arg15 : memref<!tpu.dma_semaphore, #tpu.memory_space<semaphore_mem>>) src(%dma_wait3A_393 : memref<128x64xf32, #tpu.memory_space<vmem>>) dst(%dma_wait3A_399 : memref<10240x64xf32, #tpu.memory_space<vmem_shared>>)
    }
    %while3A_40 = arith.constant 1 : i32
    scf.for %while3A_58 = %while3A_38 to %while3A_34 step %while3A_40  : i32 {
      %mul3A_59 = arith.muli %while3A_58, %while3A : i32
      %add3A_60 = arith.addi %while3A_31, %mul3A_59 : i32
      %mul3A_61 = arith.constant 2 : i32
      %mul3A_62 = arith.muli %add3A_60, %mul3A_61 : i32
      %mul3A_63 = arith.constant 4 : i32
      %mul3A_64 = arith.muli %mul3A_62, %mul3A_63 : i32
      %add3A_65 = arith.addi %select_n3A, %mul3A_64 : i32
      %dma_start3A = arith.constant 0 : i32
      %dma_start3A_66 = tpu.memref_slice %arg4[%add3A_65, %dma_start3A] : memref<2560x128xi32, #tpu.memory_space<hbm>> -> memref<8x128xi32, #tpu.memory_space<hbm>>
      %dma_start3A_67 = arith.constant 0 : i32
      %dma_start3A_68 = tpu.memref_slice %arg4[%add3A_65, %dma_start3A_67] : memref<2560x128xi32, #tpu.memory_space<hbm>> -> memref<8x128xi32, #tpu.memory_space<hbm>>
      tpu.enqueue_dma source(%dma_start3A_68 : memref<8x128xi32, #tpu.memory_space<hbm>>) target(%arg8 : memref<8x128xi32, #tpu.memory_space<vmem>>) target_semaphore(%arg16 : memref<!tpu.dma_semaphore, #tpu.memory_space<semaphore_mem>>)
      %add3A_69 = arith.constant 0 : i32
      %add3A_70 = arith.addi %mul3A_64, %add3A_69 : i32
      %dma_start3A_71 = arith.constant 0 : i32
      %dma_start3A_72 = arith.constant 0 : i32
      %dma_start3A_73 = tpu.memref_slice %arg9[%dma_start3A_71, %dma_start3A_72] : memref<512x64xf32, #tpu.memory_space<vmem>> -> memref<128x64xf32, #tpu.memory_space<vmem>>
      %dma_start3A_74 = arith.constant 0 : i32
      %dma_start3A_75 = tpu.memref_slice %arg7[%add3A_70, %dma_start3A_74] : memref<112x128xi32, #tpu.memory_space<vmem>> -> memref<1x128xi32, #tpu.memory_space<vmem>>
      %dma_start3A_76 = tpu.memref_squeeze %dma_start3A_75 : memref<1x128xi32, #tpu.memory_space<vmem>> -> memref<128xi32, #tpu.memory_space<vmem>>
      %dma_start3A_77 = arith.constant 0 : i32
      %dma_start3A_78 = arith.constant 0 : i32
      %dma_start3A_79 = tpu.memref_slice %arg2[%dma_start3A_77, %dma_start3A_78] : memref<10240x64xf32, #tpu.memory_space<hbm>> -> memref<10240x64xf32, #tpu.memory_space<hbm>>
      tpu.enqueue_indirect_dma source(%dma_start3A_79 : memref<10240x64xf32, #tpu.memory_space<hbm>>) target(%dma_start3A_73 : memref<128x64xf32, #tpu.memory_space<vmem>>) offsets(%dma_start3A_76 : memref<128xi32, #tpu.memory_space<vmem>>) semaphore(%arg12 : memref<!tpu.dma_semaphore, #tpu.memory_space<semaphore_mem>>)
      %add3A_80 = arith.constant 1 : i32
      %add3A_81 = arith.addi %mul3A_64, %add3A_80 : i32
      %dma_start3A_82 = arith.constant 128 : i32
      %dma_start3A_83 = arith.constant 0 : i32
      %dma_start3A_84 = tpu.memref_slice %arg9[%dma_start3A_82, %dma_start3A_83] : memref<512x64xf32, #tpu.memory_space<vmem>> -> memref<128x64xf32, #tpu.memory_space<vmem>>
      %dma_start3A_85 = arith.constant 0 : i32
      %dma_start3A_86 = tpu.memref_slice %arg7[%add3A_81, %dma_start3A_85] : memref<112x128xi32, #tpu.memory_space<vmem>> -> memref<1x128xi32, #tpu.memory_space<vmem>>
      %dma_start3A_87 = tpu.memref_squeeze %dma_start3A_86 : memref<1x128xi32, #tpu.memory_space<vmem>> -> memref<128xi32, #tpu.memory_space<vmem>>
      %dma_start3A_88 = arith.constant 0 : i32
      %dma_start3A_89 = arith.constant 0 : i32
      %dma_start3A_90 = tpu.memref_slice %arg2[%dma_start3A_88, %dma_start3A_89] : memref<10240x64xf32, #tpu.memory_space<hbm>> -> memref<10240x64xf32, #tpu.memory_space<hbm>>
      tpu.enqueue_indirect_dma source(%dma_start3A_90 : memref<10240x64xf32, #tpu.memory_space<hbm>>) target(%dma_start3A_84 : memref<128x64xf32, #tpu.memory_space<vmem>>) offsets(%dma_start3A_87 : memref<128xi32, #tpu.memory_space<vmem>>) semaphore(%arg12 : memref<!tpu.dma_semaphore, #tpu.memory_space<semaphore_mem>>)
      %add3A_91 = arith.constant 2 : i32
      %add3A_92 = arith.addi %mul3A_64, %add3A_91 : i32
      %dma_start3A_93 = arith.constant 256 : i32
      %dma_start3A_94 = arith.constant 0 : i32
      %dma_start3A_95 = tpu.memref_slice %arg9[%dma_start3A_93, %dma_start3A_94] : memref<512x64xf32, #tpu.memory_space<vmem>> -> memref<128x64xf32, #tpu.memory_space<vmem>>
      %dma_start3A_96 = arith.constant 0 : i32
      %dma_start3A_97 = tpu.memref_slice %arg7[%add3A_92, %dma_start3A_96] : memref<112x128xi32, #tpu.memory_space<vmem>> -> memref<1x128xi32, #tpu.memory_space<vmem>>
      %dma_start3A_98 = tpu.memref_squeeze %dma_start3A_97 : memref<1x128xi32, #tpu.memory_space<vmem>> -> memref<128xi32, #tpu.memory_space<vmem>>
      %dma_start3A_99 = arith.constant 0 : i32
      %dma_start3A_100 = arith.constant 0 : i32
      %dma_start3A_101 = tpu.memref_slice %arg2[%dma_start3A_99, %dma_start3A_100] : memref<10240x64xf32, #tpu.memory_space<hbm>> -> memref<10240x64xf32, #tpu.memory_space<hbm>>
      tpu.enqueue_indirect_dma source(%dma_start3A_101 : memref<10240x64xf32, #tpu.memory_space<hbm>>) target(%dma_start3A_95 : memref<128x64xf32, #tpu.memory_space<vmem>>) offsets(%dma_start3A_98 : memref<128xi32, #tpu.memory_space<vmem>>) semaphore(%arg12 : memref<!tpu.dma_semaphore, #tpu.memory_space<semaphore_mem>>)
      %add3A_102 = arith.constant 3 : i32
      %add3A_103 = arith.addi %mul3A_64, %add3A_102 : i32
      %dma_start3A_104 = arith.constant 384 : i32
      %dma_start3A_105 = arith.constant 0 : i32
      %dma_start3A_106 = tpu.memref_slice %arg9[%dma_start3A_104, %dma_start3A_105] : memref<512x64xf32, #tpu.memory_space<vmem>> -> memref<128x64xf32, #tpu.memory_space<vmem>>
      %dma_start3A_107 = arith.constant 0 : i32
      %dma_start3A_108 = tpu.memref_slice %arg7[%add3A_103, %dma_start3A_107] : memref<112x128xi32, #tpu.memory_space<vmem>> -> memref<1x128xi32, #tpu.memory_space<vmem>>
      %dma_start3A_109 = tpu.memref_squeeze %dma_start3A_108 : memref<1x128xi32, #tpu.memory_space<vmem>> -> memref<128xi32, #tpu.memory_space<vmem>>
      %dma_start3A_110 = arith.constant 0 : i32
      %dma_start3A_111 = arith.constant 0 : i32
      %dma_start3A_112 = tpu.memref_slice %arg2[%dma_start3A_110, %dma_start3A_111] : memref<10240x64xf32, #tpu.memory_space<hbm>> -> memref<10240x64xf32, #tpu.memory_space<hbm>>
      tpu.enqueue_indirect_dma source(%dma_start3A_112 : memref<10240x64xf32, #tpu.memory_space<hbm>>) target(%dma_start3A_106 : memref<128x64xf32, #tpu.memory_space<vmem>>) offsets(%dma_start3A_109 : memref<128xi32, #tpu.memory_space<vmem>>) semaphore(%arg12 : memref<!tpu.dma_semaphore, #tpu.memory_space<semaphore_mem>>)
      %add3A_113 = arith.constant 4 : i32
      %add3A_114 = arith.addi %mul3A_64, %add3A_113 : i32
      %add3A_115 = arith.constant 0 : i32
      %add3A_116 = arith.addi %add3A_114, %add3A_115 : i32
      %dma_start3A_117 = arith.constant 0 : i32
      %dma_start3A_118 = arith.constant 0 : i32
      %dma_start3A_119 = tpu.memref_slice %arg10[%dma_start3A_117, %dma_start3A_118] : memref<512x64xf32, #tpu.memory_space<vmem>> -> memref<128x64xf32, #tpu.memory_space<vmem>>
      %dma_start3A_120 = arith.constant 0 : i32
      %dma_start3A_121 = tpu.memref_slice %arg7[%add3A_116, %dma_start3A_120] : memref<112x128xi32, #tpu.memory_space<vmem>> -> memref<1x128xi32, #tpu.memory_space<vmem>>
      %dma_start3A_122 = tpu.memref_squeeze %dma_start3A_121 : memref<1x128xi32, #tpu.memory_space<vmem>> -> memref<128xi32, #tpu.memory_space<vmem>>
      %dma_start3A_123 = arith.constant 0 : i32
      %dma_start3A_124 = arith.constant 0 : i32
      %dma_start3A_125 = tpu.memref_slice %arg2[%dma_start3A_123, %dma_start3A_124] : memref<10240x64xf32, #tpu.memory_space<hbm>> -> memref<10240x64xf32, #tpu.memory_space<hbm>>
      tpu.enqueue_indirect_dma source(%dma_start3A_125 : memref<10240x64xf32, #tpu.memory_space<hbm>>) target(%dma_start3A_119 : memref<128x64xf32, #tpu.memory_space<vmem>>) offsets(%dma_start3A_122 : memref<128xi32, #tpu.memory_space<vmem>>) semaphore(%arg13 : memref<!tpu.dma_semaphore, #tpu.memory_space<semaphore_mem>>)
      %add3A_126 = arith.constant 4 : i32
      %add3A_127 = arith.addi %mul3A_64, %add3A_126 : i32
      %add3A_128 = arith.constant 1 : i32
      %add3A_129 = arith.addi %add3A_127, %add3A_128 : i32
      %dma_start3A_130 = arith.constant 128 : i32
      %dma_start3A_131 = arith.constant 0 : i32
      %dma_start3A_132 = tpu.memref_slice %arg10[%dma_start3A_130, %dma_start3A_131] : memref<512x64xf32, #tpu.memory_space<vmem>> -> memref<128x64xf32, #tpu.memory_space<vmem>>
      %dma_start3A_133 = arith.constant 0 : i32
      %dma_start3A_134 = tpu.memref_slice %arg7[%add3A_129, %dma_start3A_133] : memref<112x128xi32, #tpu.memory_space<vmem>> -> memref<1x128xi32, #tpu.memory_space<vmem>>
      %dma_start3A_135 = tpu.memref_squeeze %dma_start3A_134 : memref<1x128xi32, #tpu.memory_space<vmem>> -> memref<128xi32, #tpu.memory_space<vmem>>
      %dma_start3A_136 = arith.constant 0 : i32
      %dma_start3A_137 = arith.constant 0 : i32
      %dma_start3A_138 = tpu.memref_slice %arg2[%dma_start3A_136, %dma_start3A_137] : memref<10240x64xf32, #tpu.memory_space<hbm>> -> memref<10240x64xf32, #tpu.memory_space<hbm>>
      tpu.enqueue_indirect_dma source(%dma_start3A_138 : memref<10240x64xf32, #tpu.memory_space<hbm>>) target(%dma_start3A_132 : memref<128x64xf32, #tpu.memory_space<vmem>>) offsets(%dma_start3A_135 : memref<128xi32, #tpu.memory_space<vmem>>) semaphore(%arg13 : memref<!tpu.dma_semaphore, #tpu.memory_space<semaphore_mem>>)
      %add3A_139 = arith.constant 4 : i32
      %add3A_140 = arith.addi %mul3A_64, %add3A_139 : i32
      %add3A_141 = arith.constant 2 : i32
      %add3A_142 = arith.addi %add3A_140, %add3A_141 : i32
      %dma_start3A_143 = arith.constant 256 : i32
      %dma_start3A_144 = arith.constant 0 : i32
      %dma_start3A_145 = tpu.memref_slice %arg10[%dma_start3A_143, %dma_start3A_144] : memref<512x64xf32, #tpu.memory_space<vmem>> -> memref<128x64xf32, #tpu.memory_space<vmem>>
      %dma_start3A_146 = arith.constant 0 : i32
      %dma_start3A_147 = tpu.memref_slice %arg7[%add3A_142, %dma_start3A_146] : memref<112x128xi32, #tpu.memory_space<vmem>> -> memref<1x128xi32, #tpu.memory_space<vmem>>
      %dma_start3A_148 = tpu.memref_squeeze %dma_start3A_147 : memref<1x128xi32, #tpu.memory_space<vmem>> -> memref<128xi32, #tpu.memory_space<vmem>>
      %dma_start3A_149 = arith.constant 0 : i32
      %dma_start3A_150 = arith.constant 0 : i32
      %dma_start3A_151 = tpu.memref_slice %arg2[%dma_start3A_149, %dma_start3A_150] : memref<10240x64xf32, #tpu.memory_space<hbm>> -> memref<10240x64xf32, #tpu.memory_space<hbm>>
      tpu.enqueue_indirect_dma source(%dma_start3A_151 : memref<10240x64xf32, #tpu.memory_space<hbm>>) target(%dma_start3A_145 : memref<128x64xf32, #tpu.memory_space<vmem>>) offsets(%dma_start3A_148 : memref<128xi32, #tpu.memory_space<vmem>>) semaphore(%arg13 : memref<!tpu.dma_semaphore, #tpu.memory_space<semaphore_mem>>)
      %add3A_152 = arith.constant 4 : i32
      %add3A_153 = arith.addi %mul3A_64, %add3A_152 : i32
      %add3A_154 = arith.constant 3 : i32
      %add3A_155 = arith.addi %add3A_153, %add3A_154 : i32
      %dma_start3A_156 = arith.constant 384 : i32
      %dma_start3A_157 = arith.constant 0 : i32
      %dma_start3A_158 = tpu.memref_slice %arg10[%dma_start3A_156, %dma_start3A_157] : memref<512x64xf32, #tpu.memory_space<vmem>> -> memref<128x64xf32, #tpu.memory_space<vmem>>
      %dma_start3A_159 = arith.constant 0 : i32
      %dma_start3A_160 = tpu.memref_slice %arg7[%add3A_155, %dma_start3A_159] : memref<112x128xi32, #tpu.memory_space<vmem>> -> memref<1x128xi32, #tpu.memory_space<vmem>>
      %dma_start3A_161 = tpu.memref_squeeze %dma_start3A_160 : memref<1x128xi32, #tpu.memory_space<vmem>> -> memref<128xi32, #tpu.memory_space<vmem>>
      %dma_start3A_162 = arith.constant 0 : i32
      %dma_start3A_163 = arith.constant 0 : i32
      %dma_start3A_164 = tpu.memref_slice %arg2[%dma_start3A_162, %dma_start3A_163] : memref<10240x64xf32, #tpu.memory_space<hbm>> -> memref<10240x64xf32, #tpu.memory_space<hbm>>
      tpu.enqueue_indirect_dma source(%dma_start3A_164 : memref<10240x64xf32, #tpu.memory_space<hbm>>) target(%dma_start3A_158 : memref<128x64xf32, #tpu.memory_space<vmem>>) offsets(%dma_start3A_161 : memref<128xi32, #tpu.memory_space<vmem>>) semaphore(%arg13 : memref<!tpu.dma_semaphore, #tpu.memory_space<semaphore_mem>>)
      %dma_wait3A = arith.constant 0 : i32
      %dma_wait3A_165 = arith.constant 0 : i32
      %dma_wait3A_166 = tpu.memref_slice %arg9[%dma_wait3A, %dma_wait3A_165] : memref<512x64xf32, #tpu.memory_space<vmem>> -> memref<128x64xf32, #tpu.memory_space<vmem>>
      %dma_wait3A_167 = arith.constant 0 : i32
      %dma_wait3A_168 = tpu.memref_slice %arg7[%add3A_70, %dma_wait3A_167] : memref<112x128xi32, #tpu.memory_space<vmem>> -> memref<1x128xi32, #tpu.memory_space<vmem>>
      %dma_wait3A_169 = tpu.memref_squeeze %dma_wait3A_168 : memref<1x128xi32, #tpu.memory_space<vmem>> -> memref<128xi32, #tpu.memory_space<vmem>>
      %dma_wait3A_170 = arith.constant 0 : i32
      %dma_wait3A_171 = arith.constant 0 : i32
      %dma_wait3A_172 = tpu.memref_slice %arg2[%dma_wait3A_170, %dma_wait3A_171] : memref<10240x64xf32, #tpu.memory_space<hbm>> -> memref<10240x64xf32, #tpu.memory_space<hbm>>
      tpu.wait_indirect_dma semaphore(%arg12 : memref<!tpu.dma_semaphore, #tpu.memory_space<semaphore_mem>>) src(%dma_wait3A_172 : memref<10240x64xf32, #tpu.memory_space<hbm>>) dst(%dma_wait3A_166 : memref<128x64xf32, #tpu.memory_space<vmem>>)
      %dma_wait3A_173 = arith.constant 128 : i32
      %dma_wait3A_174 = arith.constant 0 : i32
      %dma_wait3A_175 = tpu.memref_slice %arg9[%dma_wait3A_173, %dma_wait3A_174] : memref<512x64xf32, #tpu.memory_space<vmem>> -> memref<128x64xf32, #tpu.memory_space<vmem>>
      %dma_wait3A_176 = arith.constant 0 : i32
      %dma_wait3A_177 = tpu.memref_slice %arg7[%add3A_81, %dma_wait3A_176] : memref<112x128xi32, #tpu.memory_space<vmem>> -> memref<1x128xi32, #tpu.memory_space<vmem>>
      %dma_wait3A_178 = tpu.memref_squeeze %dma_wait3A_177 : memref<1x128xi32, #tpu.memory_space<vmem>> -> memref<128xi32, #tpu.memory_space<vmem>>
      %dma_wait3A_179 = arith.constant 0 : i32
      %dma_wait3A_180 = arith.constant 0 : i32
      %dma_wait3A_181 = tpu.memref_slice %arg2[%dma_wait3A_179, %dma_wait3A_180] : memref<10240x64xf32, #tpu.memory_space<hbm>> -> memref<10240x64xf32, #tpu.memory_space<hbm>>
      tpu.wait_indirect_dma semaphore(%arg12 : memref<!tpu.dma_semaphore, #tpu.memory_space<semaphore_mem>>) src(%dma_wait3A_181 : memref<10240x64xf32, #tpu.memory_space<hbm>>) dst(%dma_wait3A_175 : memref<128x64xf32, #tpu.memory_space<vmem>>)
      %dma_wait3A_182 = arith.constant 256 : i32
      %dma_wait3A_183 = arith.constant 0 : i32
      %dma_wait3A_184 = tpu.memref_slice %arg9[%dma_wait3A_182, %dma_wait3A_183] : memref<512x64xf32, #tpu.memory_space<vmem>> -> memref<128x64xf32, #tpu.memory_space<vmem>>
      %dma_wait3A_185 = arith.constant 0 : i32
      %dma_wait3A_186 = tpu.memref_slice %arg7[%add3A_92, %dma_wait3A_185] : memref<112x128xi32, #tpu.memory_space<vmem>> -> memref<1x128xi32, #tpu.memory_space<vmem>>
      %dma_wait3A_187 = tpu.memref_squeeze %dma_wait3A_186 : memref<1x128xi32, #tpu.memory_space<vmem>> -> memref<128xi32, #tpu.memory_space<vmem>>
      %dma_wait3A_188 = arith.constant 0 : i32
      %dma_wait3A_189 = arith.constant 0 : i32
      %dma_wait3A_190 = tpu.memref_slice %arg2[%dma_wait3A_188, %dma_wait3A_189] : memref<10240x64xf32, #tpu.memory_space<hbm>> -> memref<10240x64xf32, #tpu.memory_space<hbm>>
      tpu.wait_indirect_dma semaphore(%arg12 : memref<!tpu.dma_semaphore, #tpu.memory_space<semaphore_mem>>) src(%dma_wait3A_190 : memref<10240x64xf32, #tpu.memory_space<hbm>>) dst(%dma_wait3A_184 : memref<128x64xf32, #tpu.memory_space<vmem>>)
      %dma_wait3A_191 = arith.constant 384 : i32
      %dma_wait3A_192 = arith.constant 0 : i32
      %dma_wait3A_193 = tpu.memref_slice %arg9[%dma_wait3A_191, %dma_wait3A_192] : memref<512x64xf32, #tpu.memory_space<vmem>> -> memref<128x64xf32, #tpu.memory_space<vmem>>
      %dma_wait3A_194 = arith.constant 0 : i32
      %dma_wait3A_195 = tpu.memref_slice %arg7[%add3A_103, %dma_wait3A_194] : memref<112x128xi32, #tpu.memory_space<vmem>> -> memref<1x128xi32, #tpu.memory_space<vmem>>
      %dma_wait3A_196 = tpu.memref_squeeze %dma_wait3A_195 : memref<1x128xi32, #tpu.memory_space<vmem>> -> memref<128xi32, #tpu.memory_space<vmem>>
      %dma_wait3A_197 = arith.constant 0 : i32
      %dma_wait3A_198 = arith.constant 0 : i32
      %dma_wait3A_199 = tpu.memref_slice %arg2[%dma_wait3A_197, %dma_wait3A_198] : memref<10240x64xf32, #tpu.memory_space<hbm>> -> memref<10240x64xf32, #tpu.memory_space<hbm>>
      tpu.wait_indirect_dma semaphore(%arg12 : memref<!tpu.dma_semaphore, #tpu.memory_space<semaphore_mem>>) src(%dma_wait3A_199 : memref<10240x64xf32, #tpu.memory_space<hbm>>) dst(%dma_wait3A_193 : memref<128x64xf32, #tpu.memory_space<vmem>>)
      %dma_wait3A_200 = arith.constant 0 : i32
      %dma_wait3A_201 = tpu.memref_slice %arg4[%add3A_65, %dma_wait3A_200] : memref<2560x128xi32, #tpu.memory_space<hbm>> -> memref<8x128xi32, #tpu.memory_space<hbm>>
      %dma_wait3A_202 = arith.constant 0 : i32
      %dma_wait3A_203 = tpu.memref_slice %arg4[%add3A_65, %dma_wait3A_202] : memref<2560x128xi32, #tpu.memory_space<hbm>> -> memref<8x128xi32, #tpu.memory_space<hbm>>
      tpu.wait_dma2 semaphore(%arg16 : memref<!tpu.dma_semaphore, #tpu.memory_space<semaphore_mem>>) src(%dma_wait3A_203 : memref<8x128xi32, #tpu.memory_space<hbm>>) dst(%arg8 : memref<8x128xi32, #tpu.memory_space<vmem>>)
      %dma_start3A_204 = arith.constant 0 : i32
      %dma_start3A_205 = arith.constant 0 : i32
      %dma_start3A_206 = arith.constant 0 : i32
      %dma_start3A_207 = tpu.memref_slice %arg9[%dma_start3A_205, %dma_start3A_206] : memref<512x64xf32, #tpu.memory_space<vmem>> -> memref<128x64xf32, #tpu.memory_space<vmem>>
      %dma_start3A_208 = arith.constant 0 : i32
      %dma_start3A_209 = tpu.memref_slice %arg8[%dma_start3A_204, %dma_start3A_208] : memref<8x128xi32, #tpu.memory_space<vmem>> -> memref<1x128xi32, #tpu.memory_space<vmem>>
      %dma_start3A_210 = tpu.memref_squeeze %dma_start3A_209 : memref<1x128xi32, #tpu.memory_space<vmem>> -> memref<128xi32, #tpu.memory_space<vmem>>
      %dma_start3A_211 = arith.constant 0 : i32
      %dma_start3A_212 = arith.constant 0 : i32
      %dma_start3A_213 = tpu.memref_slice %arg11[%dma_start3A_211, %dma_start3A_212] : memref<10240x64xf32, #tpu.memory_space<vmem_shared>> -> memref<10240x64xf32, #tpu.memory_space<vmem_shared>>
      tpu.enqueue_indirect_dma source(%dma_start3A_207 : memref<128x64xf32, #tpu.memory_space<vmem>>) target(%dma_start3A_213 : memref<10240x64xf32, #tpu.memory_space<vmem_shared>>) offsets(%dma_start3A_210 : memref<128xi32, #tpu.memory_space<vmem>>) semaphore(%arg14 : memref<!tpu.dma_semaphore, #tpu.memory_space<semaphore_mem>>) {add = true}
      %dma_start3A_214 = arith.constant 1 : i32
      %dma_start3A_215 = arith.constant 128 : i32
      %dma_start3A_216 = arith.constant 0 : i32
      %dma_start3A_217 = tpu.memref_slice %arg9[%dma_start3A_215, %dma_start3A_216] : memref<512x64xf32, #tpu.memory_space<vmem>> -> memref<128x64xf32, #tpu.memory_space<vmem>>
      %dma_start3A_218 = arith.constant 0 : i32
      %dma_start3A_219 = tpu.memref_slice %arg8[%dma_start3A_214, %dma_start3A_218] : memref<8x128xi32, #tpu.memory_space<vmem>> -> memref<1x128xi32, #tpu.memory_space<vmem>>
      %dma_start3A_220 = tpu.memref_squeeze %dma_start3A_219 : memref<1x128xi32, #tpu.memory_space<vmem>> -> memref<128xi32, #tpu.memory_space<vmem>>
      %dma_start3A_221 = arith.constant 0 : i32
      %dma_start3A_222 = arith.constant 0 : i32
      %dma_start3A_223 = tpu.memref_slice %arg11[%dma_start3A_221, %dma_start3A_222] : memref<10240x64xf32, #tpu.memory_space<vmem_shared>> -> memref<10240x64xf32, #tpu.memory_space<vmem_shared>>
      tpu.enqueue_indirect_dma source(%dma_start3A_217 : memref<128x64xf32, #tpu.memory_space<vmem>>) target(%dma_start3A_223 : memref<10240x64xf32, #tpu.memory_space<vmem_shared>>) offsets(%dma_start3A_220 : memref<128xi32, #tpu.memory_space<vmem>>) semaphore(%arg14 : memref<!tpu.dma_semaphore, #tpu.memory_space<semaphore_mem>>) {add = true}
      %dma_start3A_224 = arith.constant 2 : i32
      %dma_start3A_225 = arith.constant 256 : i32
      %dma_start3A_226 = arith.constant 0 : i32
      %dma_start3A_227 = tpu.memref_slice %arg9[%dma_start3A_225, %dma_start3A_226] : memref<512x64xf32, #tpu.memory_space<vmem>> -> memref<128x64xf32, #tpu.memory_space<vmem>>
      %dma_start3A_228 = arith.constant 0 : i32
      %dma_start3A_229 = tpu.memref_slice %arg8[%dma_start3A_224, %dma_start3A_228] : memref<8x128xi32, #tpu.memory_space<vmem>> -> memref<1x128xi32, #tpu.memory_space<vmem>>
      %dma_start3A_230 = tpu.memref_squeeze %dma_start3A_229 : memref<1x128xi32, #tpu.memory_space<vmem>> -> memref<128xi32, #tpu.memory_space<vmem>>
      %dma_start3A_231 = arith.constant 0 : i32
      %dma_start3A_232 = arith.constant 0 : i32
      %dma_start3A_233 = tpu.memref_slice %arg11[%dma_start3A_231, %dma_start3A_232] : memref<10240x64xf32, #tpu.memory_space<vmem_shared>> -> memref<10240x64xf32, #tpu.memory_space<vmem_shared>>
      tpu.enqueue_indirect_dma source(%dma_start3A_227 : memref<128x64xf32, #tpu.memory_space<vmem>>) target(%dma_start3A_233 : memref<10240x64xf32, #tpu.memory_space<vmem_shared>>) offsets(%dma_start3A_230 : memref<128xi32, #tpu.memory_space<vmem>>) semaphore(%arg14 : memref<!tpu.dma_semaphore, #tpu.memory_space<semaphore_mem>>) {add = true}
      %dma_start3A_234 = arith.constant 3 : i32
      %dma_start3A_235 = arith.constant 384 : i32
      %dma_start3A_236 = arith.constant 0 : i32
      %dma_start3A_237 = tpu.memref_slice %arg9[%dma_start3A_235, %dma_start3A_236] : memref<512x64xf32, #tpu.memory_space<vmem>> -> memref<128x64xf32, #tpu.memory_space<vmem>>
      %dma_start3A_238 = arith.constant 0 : i32
      %dma_start3A_239 = tpu.memref_slice %arg8[%dma_start3A_234, %dma_start3A_238] : memref<8x128xi32, #tpu.memory_space<vmem>> -> memref<1x128xi32, #tpu.memory_space<vmem>>
      %dma_start3A_240 = tpu.memref_squeeze %dma_start3A_239 : memref<1x128xi32, #tpu.memory_space<vmem>> -> memref<128xi32, #tpu.memory_space<vmem>>
      %dma_start3A_241 = arith.constant 0 : i32
      %dma_start3A_242 = arith.constant 0 : i32
      %dma_start3A_243 = tpu.memref_slice %arg11[%dma_start3A_241, %dma_start3A_242] : memref<10240x64xf32, #tpu.memory_space<vmem_shared>> -> memref<10240x64xf32, #tpu.memory_space<vmem_shared>>
      tpu.enqueue_indirect_dma source(%dma_start3A_237 : memref<128x64xf32, #tpu.memory_space<vmem>>) target(%dma_start3A_243 : memref<10240x64xf32, #tpu.memory_space<vmem_shared>>) offsets(%dma_start3A_240 : memref<128xi32, #tpu.memory_space<vmem>>) semaphore(%arg14 : memref<!tpu.dma_semaphore, #tpu.memory_space<semaphore_mem>>) {add = true}
      %dma_wait3A_244 = arith.constant 0 : i32
      %dma_wait3A_245 = arith.constant 0 : i32
      %dma_wait3A_246 = tpu.memref_slice %arg10[%dma_wait3A_244, %dma_wait3A_245] : memref<512x64xf32, #tpu.memory_space<vmem>> -> memref<128x64xf32, #tpu.memory_space<vmem>>
      %dma_wait3A_247 = arith.constant 0 : i32
      %dma_wait3A_248 = tpu.memref_slice %arg7[%add3A_116, %dma_wait3A_247] : memref<112x128xi32, #tpu.memory_space<vmem>> -> memref<1x128xi32, #tpu.memory_space<vmem>>
      %dma_wait3A_249 = tpu.memref_squeeze %dma_wait3A_248 : memref<1x128xi32, #tpu.memory_space<vmem>> -> memref<128xi32, #tpu.memory_space<vmem>>
      %dma_wait3A_250 = arith.constant 0 : i32
      %dma_wait3A_251 = arith.constant 0 : i32
      %dma_wait3A_252 = tpu.memref_slice %arg2[%dma_wait3A_250, %dma_wait3A_251] : memref<10240x64xf32, #tpu.memory_space<hbm>> -> memref<10240x64xf32, #tpu.memory_space<hbm>>
      tpu.wait_indirect_dma semaphore(%arg13 : memref<!tpu.dma_semaphore, #tpu.memory_space<semaphore_mem>>) src(%dma_wait3A_252 : memref<10240x64xf32, #tpu.memory_space<hbm>>) dst(%dma_wait3A_246 : memref<128x64xf32, #tpu.memory_space<vmem>>)
      %dma_wait3A_253 = arith.constant 128 : i32
      %dma_wait3A_254 = arith.constant 0 : i32
      %dma_wait3A_255 = tpu.memref_slice %arg10[%dma_wait3A_253, %dma_wait3A_254] : memref<512x64xf32, #tpu.memory_space<vmem>> -> memref<128x64xf32, #tpu.memory_space<vmem>>
      %dma_wait3A_256 = arith.constant 0 : i32
      %dma_wait3A_257 = tpu.memref_slice %arg7[%add3A_129, %dma_wait3A_256] : memref<112x128xi32, #tpu.memory_space<vmem>> -> memref<1x128xi32, #tpu.memory_space<vmem>>
      %dma_wait3A_258 = tpu.memref_squeeze %dma_wait3A_257 : memref<1x128xi32, #tpu.memory_space<vmem>> -> memref<128xi32, #tpu.memory_space<vmem>>
      %dma_wait3A_259 = arith.constant 0 : i32
      %dma_wait3A_260 = arith.constant 0 : i32
      %dma_wait3A_261 = tpu.memref_slice %arg2[%dma_wait3A_259, %dma_wait3A_260] : memref<10240x64xf32, #tpu.memory_space<hbm>> -> memref<10240x64xf32, #tpu.memory_space<hbm>>
      tpu.wait_indirect_dma semaphore(%arg13 : memref<!tpu.dma_semaphore, #tpu.memory_space<semaphore_mem>>) src(%dma_wait3A_261 : memref<10240x64xf32, #tpu.memory_space<hbm>>) dst(%dma_wait3A_255 : memref<128x64xf32, #tpu.memory_space<vmem>>)
      %dma_wait3A_262 = arith.constant 256 : i32
      %dma_wait3A_263 = arith.constant 0 : i32
      %dma_wait3A_264 = tpu.memref_slice %arg10[%dma_wait3A_262, %dma_wait3A_263] : memref<512x64xf32, #tpu.memory_space<vmem>> -> memref<128x64xf32, #tpu.memory_space<vmem>>
      %dma_wait3A_265 = arith.constant 0 : i32
      %dma_wait3A_266 = tpu.memref_slice %arg7[%add3A_142, %dma_wait3A_265] : memref<112x128xi32, #tpu.memory_space<vmem>> -> memref<1x128xi32, #tpu.memory_space<vmem>>
      %dma_wait3A_267 = tpu.memref_squeeze %dma_wait3A_266 : memref<1x128xi32, #tpu.memory_space<vmem>> -> memref<128xi32, #tpu.memory_space<vmem>>
      %dma_wait3A_268 = arith.constant 0 : i32
      %dma_wait3A_269 = arith.constant 0 : i32
      %dma_wait3A_270 = tpu.memref_slice %arg2[%dma_wait3A_268, %dma_wait3A_269] : memref<10240x64xf32, #tpu.memory_space<hbm>> -> memref<10240x64xf32, #tpu.memory_space<hbm>>
      tpu.wait_indirect_dma semaphore(%arg13 : memref<!tpu.dma_semaphore, #tpu.memory_space<semaphore_mem>>) src(%dma_wait3A_270 : memref<10240x64xf32, #tpu.memory_space<hbm>>) dst(%dma_wait3A_264 : memref<128x64xf32, #tpu.memory_space<vmem>>)
      %dma_wait3A_271 = arith.constant 384 : i32
      %dma_wait3A_272 = arith.constant 0 : i32
      %dma_wait3A_273 = tpu.memref_slice %arg10[%dma_wait3A_271, %dma_wait3A_272] : memref<512x64xf32, #tpu.memory_space<vmem>> -> memref<128x64xf32, #tpu.memory_space<vmem>>
      %dma_wait3A_274 = arith.constant 0 : i32
      %dma_wait3A_275 = tpu.memref_slice %arg7[%add3A_155, %dma_wait3A_274] : memref<112x128xi32, #tpu.memory_space<vmem>> -> memref<1x128xi32, #tpu.memory_space<vmem>>
      %dma_wait3A_276 = tpu.memref_squeeze %dma_wait3A_275 : memref<1x128xi32, #tpu.memory_space<vmem>> -> memref<128xi32, #tpu.memory_space<vmem>>
      %dma_wait3A_277 = arith.constant 0 : i32
      %dma_wait3A_278 = arith.constant 0 : i32
      %dma_wait3A_279 = tpu.memref_slice %arg2[%dma_wait3A_277, %dma_wait3A_278] : memref<10240x64xf32, #tpu.memory_space<hbm>> -> memref<10240x64xf32, #tpu.memory_space<hbm>>
      tpu.wait_indirect_dma semaphore(%arg13 : memref<!tpu.dma_semaphore, #tpu.memory_space<semaphore_mem>>) src(%dma_wait3A_279 : memref<10240x64xf32, #tpu.memory_space<hbm>>) dst(%dma_wait3A_273 : memref<128x64xf32, #tpu.memory_space<vmem>>)
      %dma_start3A_280 = arith.constant 4 : i32
      %dma_start3A_281 = arith.constant 0 : i32
      %dma_start3A_282 = arith.constant 0 : i32
      %dma_start3A_283 = tpu.memref_slice %arg10[%dma_start3A_281, %dma_start3A_282] : memref<512x64xf32, #tpu.memory_space<vmem>> -> memref<128x64xf32, #tpu.memory_space<vmem>>
      %dma_start3A_284 = arith.constant 0 : i32
      %dma_start3A_285 = tpu.memref_slice %arg8[%dma_start3A_280, %dma_start3A_284] : memref<8x128xi32, #tpu.memory_space<vmem>> -> memref<1x128xi32, #tpu.memory_space<vmem>>
      %dma_start3A_286 = tpu.memref_squeeze %dma_start3A_285 : memref<1x128xi32, #tpu.memory_space<vmem>> -> memref<128xi32, #tpu.memory_space<vmem>>
      %dma_start3A_287 = arith.constant 0 : i32
      %dma_start3A_288 = arith.constant 0 : i32
      %dma_start3A_289 = tpu.memref_slice %arg11[%dma_start3A_287, %dma_start3A_288] : memref<10240x64xf32, #tpu.memory_space<vmem_shared>> -> memref<10240x64xf32, #tpu.memory_space<vmem_shared>>
      tpu.enqueue_indirect_dma source(%dma_start3A_283 : memref<128x64xf32, #tpu.memory_space<vmem>>) target(%dma_start3A_289 : memref<10240x64xf32, #tpu.memory_space<vmem_shared>>) offsets(%dma_start3A_286 : memref<128xi32, #tpu.memory_space<vmem>>) semaphore(%arg15 : memref<!tpu.dma_semaphore, #tpu.memory_space<semaphore_mem>>) {add = true}
      %dma_start3A_290 = arith.constant 5 : i32
      %dma_start3A_291 = arith.constant 128 : i32
      %dma_start3A_292 = arith.constant 0 : i32
      %dma_start3A_293 = tpu.memref_slice %arg10[%dma_start3A_291, %dma_start3A_292] : memref<512x64xf32, #tpu.memory_space<vmem>> -> memref<128x64xf32, #tpu.memory_space<vmem>>
      %dma_start3A_294 = arith.constant 0 : i32
      %dma_start3A_295 = tpu.memref_slice %arg8[%dma_start3A_290, %dma_start3A_294] : memref<8x128xi32, #tpu.memory_space<vmem>> -> memref<1x128xi32, #tpu.memory_space<vmem>>
      %dma_start3A_296 = tpu.memref_squeeze %dma_start3A_295 : memref<1x128xi32, #tpu.memory_space<vmem>> -> memref<128xi32, #tpu.memory_space<vmem>>
      %dma_start3A_297 = arith.constant 0 : i32
      %dma_start3A_298 = arith.constant 0 : i32
      %dma_start3A_299 = tpu.memref_slice %arg11[%dma_start3A_297, %dma_start3A_298] : memref<10240x64xf32, #tpu.memory_space<vmem_shared>> -> memref<10240x64xf32, #tpu.memory_space<vmem_shared>>
      tpu.enqueue_indirect_dma source(%dma_start3A_293 : memref<128x64xf32, #tpu.memory_space<vmem>>) target(%dma_start3A_299 : memref<10240x64xf32, #tpu.memory_space<vmem_shared>>) offsets(%dma_start3A_296 : memref<128xi32, #tpu.memory_space<vmem>>) semaphore(%arg15 : memref<!tpu.dma_semaphore, #tpu.memory_space<semaphore_mem>>) {add = true}
      %dma_start3A_300 = arith.constant 6 : i32
      %dma_start3A_301 = arith.constant 256 : i32
      %dma_start3A_302 = arith.constant 0 : i32
      %dma_start3A_303 = tpu.memref_slice %arg10[%dma_start3A_301, %dma_start3A_302] : memref<512x64xf32, #tpu.memory_space<vmem>> -> memref<128x64xf32, #tpu.memory_space<vmem>>
      %dma_start3A_304 = arith.constant 0 : i32
      %dma_start3A_305 = tpu.memref_slice %arg8[%dma_start3A_300, %dma_start3A_304] : memref<8x128xi32, #tpu.memory_space<vmem>> -> memref<1x128xi32, #tpu.memory_space<vmem>>
      %dma_start3A_306 = tpu.memref_squeeze %dma_start3A_305 : memref<1x128xi32, #tpu.memory_space<vmem>> -> memref<128xi32, #tpu.memory_space<vmem>>
      %dma_start3A_307 = arith.constant 0 : i32
      %dma_start3A_308 = arith.constant 0 : i32
      %dma_start3A_309 = tpu.memref_slice %arg11[%dma_start3A_307, %dma_start3A_308] : memref<10240x64xf32, #tpu.memory_space<vmem_shared>> -> memref<10240x64xf32, #tpu.memory_space<vmem_shared>>
      tpu.enqueue_indirect_dma source(%dma_start3A_303 : memref<128x64xf32, #tpu.memory_space<vmem>>) target(%dma_start3A_309 : memref<10240x64xf32, #tpu.memory_space<vmem_shared>>) offsets(%dma_start3A_306 : memref<128xi32, #tpu.memory_space<vmem>>) semaphore(%arg15 : memref<!tpu.dma_semaphore, #tpu.memory_space<semaphore_mem>>) {add = true}
      %dma_start3A_310 = arith.constant 7 : i32
      %dma_start3A_311 = arith.constant 384 : i32
      %dma_start3A_312 = arith.constant 0 : i32
      %dma_start3A_313 = tpu.memref_slice %arg10[%dma_start3A_311, %dma_start3A_312] : memref<512x64xf32, #tpu.memory_space<vmem>> -> memref<128x64xf32, #tpu.memory_space<vmem>>
      %dma_start3A_314 = arith.constant 0 : i32
      %dma_start3A_315 = tpu.memref_slice %arg8[%dma_start3A_310, %dma_start3A_314] : memref<8x128xi32, #tpu.memory_space<vmem>> -> memref<1x128xi32, #tpu.memory_space<vmem>>
      %dma_start3A_316 = tpu.memref_squeeze %dma_start3A_315 : memref<1x128xi32, #tpu.memory_space<vmem>> -> memref<128xi32, #tpu.memory_space<vmem>>
      %dma_start3A_317 = arith.constant 0 : i32
      %dma_start3A_318 = arith.constant 0 : i32
      %dma_start3A_319 = tpu.memref_slice %arg11[%dma_start3A_317, %dma_start3A_318] : memref<10240x64xf32, #tpu.memory_space<vmem_shared>> -> memref<10240x64xf32, #tpu.memory_space<vmem_shared>>
      tpu.enqueue_indirect_dma source(%dma_start3A_313 : memref<128x64xf32, #tpu.memory_space<vmem>>) target(%dma_start3A_319 : memref<10240x64xf32, #tpu.memory_space<vmem_shared>>) offsets(%dma_start3A_316 : memref<128xi32, #tpu.memory_space<vmem>>) semaphore(%arg15 : memref<!tpu.dma_semaphore, #tpu.memory_space<semaphore_mem>>) {add = true}
      %dma_wait3A_320 = arith.constant 0 : i32
      %dma_wait3A_321 = arith.constant 0 : i32
      %dma_wait3A_322 = arith.constant 0 : i32
      %dma_wait3A_323 = tpu.memref_slice %arg9[%dma_wait3A_321, %dma_wait3A_322] : memref<512x64xf32, #tpu.memory_space<vmem>> -> memref<128x64xf32, #tpu.memory_space<vmem>>
      %dma_wait3A_324 = arith.constant 0 : i32
      %dma_wait3A_325 = tpu.memref_slice %arg8[%dma_wait3A_320, %dma_wait3A_324] : memref<8x128xi32, #tpu.memory_space<vmem>> -> memref<1x128xi32, #tpu.memory_space<vmem>>
      %dma_wait3A_326 = tpu.memref_squeeze %dma_wait3A_325 : memref<1x128xi32, #tpu.memory_space<vmem>> -> memref<128xi32, #tpu.memory_space<vmem>>
      %dma_wait3A_327 = arith.constant 0 : i32
      %dma_wait3A_328 = arith.constant 0 : i32
      %dma_wait3A_329 = tpu.memref_slice %arg11[%dma_wait3A_327, %dma_wait3A_328] : memref<10240x64xf32, #tpu.memory_space<vmem_shared>> -> memref<10240x64xf32, #tpu.memory_space<vmem_shared>>
      tpu.wait_indirect_dma semaphore(%arg14 : memref<!tpu.dma_semaphore, #tpu.memory_space<semaphore_mem>>) src(%dma_wait3A_323 : memref<128x64xf32, #tpu.memory_space<vmem>>) dst(%dma_wait3A_329 : memref<10240x64xf32, #tpu.memory_space<vmem_shared>>)
      %dma_wait3A_330 = arith.constant 1 : i32
      %dma_wait3A_331 = arith.constant 128 : i32
      %dma_wait3A_332 = arith.constant 0 : i32
      %dma_wait3A_333 = tpu.memref_slice %arg9[%dma_wait3A_331, %dma_wait3A_332] : memref<512x64xf32, #tpu.memory_space<vmem>> -> memref<128x64xf32, #tpu.memory_space<vmem>>
      %dma_wait3A_334 = arith.constant 0 : i32
      %dma_wait3A_335 = tpu.memref_slice %arg8[%dma_wait3A_330, %dma_wait3A_334] : memref<8x128xi32, #tpu.memory_space<vmem>> -> memref<1x128xi32, #tpu.memory_space<vmem>>
      %dma_wait3A_336 = tpu.memref_squeeze %dma_wait3A_335 : memref<1x128xi32, #tpu.memory_space<vmem>> -> memref<128xi32, #tpu.memory_space<vmem>>
      %dma_wait3A_337 = arith.constant 0 : i32
      %dma_wait3A_338 = arith.constant 0 : i32
      %dma_wait3A_339 = tpu.memref_slice %arg11[%dma_wait3A_337, %dma_wait3A_338] : memref<10240x64xf32, #tpu.memory_space<vmem_shared>> -> memref<10240x64xf32, #tpu.memory_space<vmem_shared>>
      tpu.wait_indirect_dma semaphore(%arg14 : memref<!tpu.dma_semaphore, #tpu.memory_space<semaphore_mem>>) src(%dma_wait3A_333 : memref<128x64xf32, #tpu.memory_space<vmem>>) dst(%dma_wait3A_339 : memref<10240x64xf32, #tpu.memory_space<vmem_shared>>)
      %dma_wait3A_340 = arith.constant 2 : i32
      %dma_wait3A_341 = arith.constant 256 : i32
      %dma_wait3A_342 = arith.constant 0 : i32
      %dma_wait3A_343 = tpu.memref_slice %arg9[%dma_wait3A_341, %dma_wait3A_342] : memref<512x64xf32, #tpu.memory_space<vmem>> -> memref<128x64xf32, #tpu.memory_space<vmem>>
      %dma_wait3A_344 = arith.constant 0 : i32
      %dma_wait3A_345 = tpu.memref_slice %arg8[%dma_wait3A_340, %dma_wait3A_344] : memref<8x128xi32, #tpu.memory_space<vmem>> -> memref<1x128xi32, #tpu.memory_space<vmem>>
      %dma_wait3A_346 = tpu.memref_squeeze %dma_wait3A_345 : memref<1x128xi32, #tpu.memory_space<vmem>> -> memref<128xi32, #tpu.memory_space<vmem>>
      %dma_wait3A_347 = arith.constant 0 : i32
      %dma_wait3A_348 = arith.constant 0 : i32
      %dma_wait3A_349 = tpu.memref_slice %arg11[%dma_wait3A_347, %dma_wait3A_348] : memref<10240x64xf32, #tpu.memory_space<vmem_shared>> -> memref<10240x64xf32, #tpu.memory_space<vmem_shared>>
      tpu.wait_indirect_dma semaphore(%arg14 : memref<!tpu.dma_semaphore, #tpu.memory_space<semaphore_mem>>) src(%dma_wait3A_343 : memref<128x64xf32, #tpu.memory_space<vmem>>) dst(%dma_wait3A_349 : memref<10240x64xf32, #tpu.memory_space<vmem_shared>>)
      %dma_wait3A_350 = arith.constant 3 : i32
      %dma_wait3A_351 = arith.constant 384 : i32
      %dma_wait3A_352 = arith.constant 0 : i32
      %dma_wait3A_353 = tpu.memref_slice %arg9[%dma_wait3A_351, %dma_wait3A_352] : memref<512x64xf32, #tpu.memory_space<vmem>> -> memref<128x64xf32, #tpu.memory_space<vmem>>
      %dma_wait3A_354 = arith.constant 0 : i32
      %dma_wait3A_355 = tpu.memref_slice %arg8[%dma_wait3A_350, %dma_wait3A_354] : memref<8x128xi32, #tpu.memory_space<vmem>> -> memref<1x128xi32, #tpu.memory_space<vmem>>
      %dma_wait3A_356 = tpu.memref_squeeze %dma_wait3A_355 : memref<1x128xi32, #tpu.memory_space<vmem>> -> memref<128xi32, #tpu.memory_space<vmem>>
      %dma_wait3A_357 = arith.constant 0 : i32
      %dma_wait3A_358 = arith.constant 0 : i32
      %dma_wait3A_359 = tpu.memref_slice %arg11[%dma_wait3A_357, %dma_wait3A_358] : memref<10240x64xf32, #tpu.memory_space<vmem_shared>> -> memref<10240x64xf32, #tpu.memory_space<vmem_shared>>
      tpu.wait_indirect_dma semaphore(%arg14 : memref<!tpu.dma_semaphore, #tpu.memory_space<semaphore_mem>>) src(%dma_wait3A_353 : memref<128x64xf32, #tpu.memory_space<vmem>>) dst(%dma_wait3A_359 : memref<10240x64xf32, #tpu.memory_space<vmem_shared>>)
      %dma_wait3A_360 = arith.constant 4 : i32
      %dma_wait3A_361 = arith.constant 0 : i32
      %dma_wait3A_362 = arith.constant 0 : i32
      %dma_wait3A_363 = tpu.memref_slice %arg10[%dma_wait3A_361, %dma_wait3A_362] : memref<512x64xf32, #tpu.memory_space<vmem>> -> memref<128x64xf32, #tpu.memory_space<vmem>>
      %dma_wait3A_364 = arith.constant 0 : i32
      %dma_wait3A_365 = tpu.memref_slice %arg8[%dma_wait3A_360, %dma_wait3A_364] : memref<8x128xi32, #tpu.memory_space<vmem>> -> memref<1x128xi32, #tpu.memory_space<vmem>>
      %dma_wait3A_366 = tpu.memref_squeeze %dma_wait3A_365 : memref<1x128xi32, #tpu.memory_space<vmem>> -> memref<128xi32, #tpu.memory_space<vmem>>
      %dma_wait3A_367 = arith.constant 0 : i32
      %dma_wait3A_368 = arith.constant 0 : i32
      %dma_wait3A_369 = tpu.memref_slice %arg11[%dma_wait3A_367, %dma_wait3A_368] : memref<10240x64xf32, #tpu.memory_space<vmem_shared>> -> memref<10240x64xf32, #tpu.memory_space<vmem_shared>>
      tpu.wait_indirect_dma semaphore(%arg15 : memref<!tpu.dma_semaphore, #tpu.memory_space<semaphore_mem>>) src(%dma_wait3A_363 : memref<128x64xf32, #tpu.memory_space<vmem>>) dst(%dma_wait3A_369 : memref<10240x64xf32, #tpu.memory_space<vmem_shared>>)
      %dma_wait3A_370 = arith.constant 5 : i32
      %dma_wait3A_371 = arith.constant 128 : i32
      %dma_wait3A_372 = arith.constant 0 : i32
      %dma_wait3A_373 = tpu.memref_slice %arg10[%dma_wait3A_371, %dma_wait3A_372] : memref<512x64xf32, #tpu.memory_space<vmem>> -> memref<128x64xf32, #tpu.memory_space<vmem>>
      %dma_wait3A_374 = arith.constant 0 : i32
      %dma_wait3A_375 = tpu.memref_slice %arg8[%dma_wait3A_370, %dma_wait3A_374] : memref<8x128xi32, #tpu.memory_space<vmem>> -> memref<1x128xi32, #tpu.memory_space<vmem>>
      %dma_wait3A_376 = tpu.memref_squeeze %dma_wait3A_375 : memref<1x128xi32, #tpu.memory_space<vmem>> -> memref<128xi32, #tpu.memory_space<vmem>>
      %dma_wait3A_377 = arith.constant 0 : i32
      %dma_wait3A_378 = arith.constant 0 : i32
      %dma_wait3A_379 = tpu.memref_slice %arg11[%dma_wait3A_377, %dma_wait3A_378] : memref<10240x64xf32, #tpu.memory_space<vmem_shared>> -> memref<10240x64xf32, #tpu.memory_space<vmem_shared>>
      tpu.wait_indirect_dma semaphore(%arg15 : memref<!tpu.dma_semaphore, #tpu.memory_space<semaphore_mem>>) src(%dma_wait3A_373 : memref<128x64xf32, #tpu.memory_space<vmem>>) dst(%dma_wait3A_379 : memref<10240x64xf32, #tpu.memory_space<vmem_shared>>)
      %dma_wait3A_380 = arith.constant 6 : i32
      %dma_wait3A_381 = arith.constant 256 : i32
      %dma_wait3A_382 = arith.constant 0 : i32
      %dma_wait3A_383 = tpu.memref_slice %arg10[%dma_wait3A_381, %dma_wait3A_382] : memref<512x64xf32, #tpu.memory_space<vmem>> -> memref<128x64xf32, #tpu.memory_space<vmem>>
      %dma_wait3A_384 = arith.constant 0 : i32
      %dma_wait3A_385 = tpu.memref_slice %arg8[%dma_wait3A_380, %dma_wait3A_384] : memref<8x128xi32, #tpu.memory_space<vmem>> -> memref<1x128xi32, #tpu.memory_space<vmem>>
      %dma_wait3A_386 = tpu.memref_squeeze %dma_wait3A_385 : memref<1x128xi32, #tpu.memory_space<vmem>> -> memref<128xi32, #tpu.memory_space<vmem>>
      %dma_wait3A_387 = arith.constant 0 : i32
      %dma_wait3A_388 = arith.constant 0 : i32
      %dma_wait3A_389 = tpu.memref_slice %arg11[%dma_wait3A_387, %dma_wait3A_388] : memref<10240x64xf32, #tpu.memory_space<vmem_shared>> -> memref<10240x64xf32, #tpu.memory_space<vmem_shared>>
      tpu.wait_indirect_dma semaphore(%arg15 : memref<!tpu.dma_semaphore, #tpu.memory_space<semaphore_mem>>) src(%dma_wait3A_383 : memref<128x64xf32, #tpu.memory_space<vmem>>) dst(%dma_wait3A_389 : memref<10240x64xf32, #tpu.memory_space<vmem_shared>>)
      %dma_wait3A_390 = arith.constant 7 : i32
      %dma_wait3A_391 = arith.constant 384 : i32
      %dma_wait3A_392 = arith.constant 0 : i32
      %dma_wait3A_393 = tpu.memref_slice %arg10[%dma_wait3A_391, %dma_wait3A_392] : memref<512x64xf32, #tpu.memory_space<vmem>> -> memref<128x64xf32, #tpu.memory_space<vmem>>
      %dma_wait3A_394 = arith.constant 0 : i32
      %dma_wait3A_395 = tpu.memref_slice %arg8[%dma_wait3A_390, %dma_wait3A_394] : memref<8x128xi32, #tpu.memory_space<vmem>> -> memref<1x128xi32, #tpu.memory_space<vmem>>
      %dma_wait3A_396 = tpu.memref_squeeze %dma_wait3A_395 : memref<1x128xi32, #tpu.memory_space<vmem>> -> memref<128xi32, #tpu.memory_space<vmem>>
      %dma_wait3A_397 = arith.constant 0 : i32
      %dma_wait3A_398 = arith.constant 0 : i32
      %dma_wait3A_399 = tpu.memref_slice %arg11[%dma_wait3A_397, %dma_wait3A_398] : memref<10240x64xf32, #tpu.memory_space<vmem_shared>> -> memref<10240x64xf32, #tpu.memory_space<vmem_shared>>
      tpu.wait_indirect_dma semaphore(%arg15 : memref<!tpu.dma_semaphore, #tpu.memory_space<semaphore_mem>>) src(%dma_wait3A_393 : memref<128x64xf32, #tpu.memory_space<vmem>>) dst(%dma_wait3A_399 : memref<10240x64xf32, #tpu.memory_space<vmem_shared>>)
    }
    %barrier3A_41 = arith.constant 0 : index
    tpu.barrier barrier_id(%barrier3A_41)
    %mul3A_42 = arith.constant 640 : i32
    %mul3A_43 = arith.muli %arg1, %mul3A_42 : i32
    %add3A_44 = arith.constant 0 : i32
    %add3A_45 = arith.addi %mul3A_43, %add3A_44 : i32
    "tpu.region"() ({
      %run_scoped3A = tpu.sem_alloc : memref<!tpu.dma_semaphore, #tpu.memory_space<semaphore_mem>>
      %dma_start3A = arith.constant 0 : i32
      %dma_start3A_58 = arith.constant 0 : i32
      %dma_start3A_59 = tpu.memref_slice %arg9[%dma_start3A, %dma_start3A_58] : memref<512x64xf32, #tpu.memory_space<vmem>> -> memref<320x64xf32, #tpu.memory_space<vmem>>
      %dma_start3A_60 = arith.constant 0 : i32
      %dma_start3A_61 = tpu.memref_slice %arg11[%add3A_45, %dma_start3A_60] : memref<10240x64xf32, #tpu.memory_space<vmem_shared>> -> memref<320x64xf32, #tpu.memory_space<vmem_shared>>
      %dma_start3A_62 = arith.constant 0 : i32
      %dma_start3A_63 = arith.constant 0 : i32
      %dma_start3A_64 = tpu.memref_slice %arg9[%dma_start3A_62, %dma_start3A_63] : memref<512x64xf32, #tpu.memory_space<vmem>> -> memref<320x64xf32, #tpu.memory_space<vmem>>
      %dma_start3A_65 = arith.constant 0 : i32
      %dma_start3A_66 = tpu.memref_slice %arg11[%add3A_45, %dma_start3A_65] : memref<10240x64xf32, #tpu.memory_space<vmem_shared>> -> memref<320x64xf32, #tpu.memory_space<vmem_shared>>
      tpu.enqueue_dma source(%dma_start3A_66 : memref<320x64xf32, #tpu.memory_space<vmem_shared>>) target(%dma_start3A_64 : memref<320x64xf32, #tpu.memory_space<vmem>>) target_semaphore(%run_scoped3A : memref<!tpu.dma_semaphore, #tpu.memory_space<semaphore_mem>>)
      %dma_wait3A = arith.constant 0 : i32
      %dma_wait3A_67 = arith.constant 0 : i32
      %dma_wait3A_68 = tpu.memref_slice %arg9[%dma_wait3A, %dma_wait3A_67] : memref<512x64xf32, #tpu.memory_space<vmem>> -> memref<320x64xf32, #tpu.memory_space<vmem>>
      %dma_wait3A_69 = arith.constant 0 : i32
      %dma_wait3A_70 = tpu.memref_slice %arg11[%add3A_45, %dma_wait3A_69] : memref<10240x64xf32, #tpu.memory_space<vmem_shared>> -> memref<320x64xf32, #tpu.memory_space<vmem_shared>>
      %dma_wait3A_71 = arith.constant 0 : i32
      %dma_wait3A_72 = arith.constant 0 : i32
      %dma_wait3A_73 = tpu.memref_slice %arg9[%dma_wait3A_71, %dma_wait3A_72] : memref<512x64xf32, #tpu.memory_space<vmem>> -> memref<320x64xf32, #tpu.memory_space<vmem>>
      %dma_wait3A_74 = arith.constant 0 : i32
      %dma_wait3A_75 = tpu.memref_slice %arg11[%add3A_45, %dma_wait3A_74] : memref<10240x64xf32, #tpu.memory_space<vmem_shared>> -> memref<320x64xf32, #tpu.memory_space<vmem_shared>>
      tpu.wait_dma2 semaphore(%run_scoped3A : memref<!tpu.dma_semaphore, #tpu.memory_space<semaphore_mem>>) src(%dma_wait3A_75 : memref<320x64xf32, #tpu.memory_space<vmem_shared>>) dst(%dma_wait3A_73 : memref<320x64xf32, #tpu.memory_space<vmem>>)
      tpu.yield
    }) : () -> ()
    %mul3A_46 = arith.constant 640 : i32
    %mul3A_47 = arith.muli %arg1, %mul3A_46 : i32
    %add3A_48 = arith.constant 0 : i32
    %add3A_49 = arith.addi %mul3A_47, %add3A_48 : i32
    "tpu.region"() ({
      %run_scoped3A = tpu.sem_alloc : memref<!tpu.dma_semaphore, #tpu.memory_space<semaphore_mem>>
      %dma_start3A = arith.constant 0 : i32
      %dma_start3A_58 = arith.constant 0 : i32
      %dma_start3A_59 = tpu.memref_slice %arg9[%dma_start3A, %dma_start3A_58] : memref<512x64xf32, #tpu.memory_space<vmem>> -> memref<320x64xf32, #tpu.memory_space<vmem>>
      %dma_start3A_60 = arith.constant 0 : i32
      %dma_start3A_61 = arith.constant 0 : i32
      %dma_start3A_62 = tpu.memref_slice %arg6[%arg0, %dma_start3A_60, %dma_start3A_61] : memref<2x10240x64xf32, #tpu.memory_space<hbm>> -> memref<1x10240x64xf32, #tpu.memory_space<hbm>>
      %dma_start3A_63 = tpu.memref_squeeze %dma_start3A_62 : memref<1x10240x64xf32, #tpu.memory_space<hbm>> -> memref<10240x64xf32, #tpu.memory_space<hbm>>
      %dma_start3A_64 = arith.constant 0 : i32
      %dma_start3A_65 = tpu.memref_slice %dma_start3A_63[%add3A_49, %dma_start3A_64] : memref<10240x64xf32, #tpu.memory_space<hbm>> -> memref<320x64xf32, #tpu.memory_space<hbm>>
      %dma_start3A_66 = arith.constant 0 : i32
      %dma_start3A_67 = arith.constant 0 : i32
      %dma_start3A_68 = tpu.memref_slice %arg6[%arg0, %dma_start3A_66, %dma_start3A_67] : memref<2x10240x64xf32, #tpu.memory_space<hbm>> -> memref<1x10240x64xf32, #tpu.memory_space<hbm>>
      %dma_start3A_69 = tpu.memref_squeeze %dma_start3A_68 : memref<1x10240x64xf32, #tpu.memory_space<hbm>> -> memref<10240x64xf32, #tpu.memory_space<hbm>>
      %dma_start3A_70 = arith.constant 0 : i32
      %dma_start3A_71 = tpu.memref_slice %dma_start3A_69[%add3A_49, %dma_start3A_70] : memref<10240x64xf32, #tpu.memory_space<hbm>> -> memref<320x64xf32, #tpu.memory_space<hbm>>
      %dma_start3A_72 = arith.constant 0 : i32
      %dma_start3A_73 = arith.constant 0 : i32
      %dma_start3A_74 = tpu.memref_slice %arg9[%dma_start3A_72, %dma_start3A_73] : memref<512x64xf32, #tpu.memory_space<vmem>> -> memref<320x64xf32, #tpu.memory_space<vmem>>
      tpu.enqueue_dma source(%dma_start3A_74 : memref<320x64xf32, #tpu.memory_space<vmem>>) target(%dma_start3A_71 : memref<320x64xf32, #tpu.memory_space<hbm>>) target_semaphore(%run_scoped3A : memref<!tpu.dma_semaphore, #tpu.memory_space<semaphore_mem>>)
      %dma_wait3A = arith.constant 0 : i32
      %dma_wait3A_75 = arith.constant 0 : i32
      %dma_wait3A_76 = tpu.memref_slice %arg9[%dma_wait3A, %dma_wait3A_75] : memref<512x64xf32, #tpu.memory_space<vmem>> -> memref<320x64xf32, #tpu.memory_space<vmem>>
      %dma_wait3A_77 = arith.constant 0 : i32
      %dma_wait3A_78 = arith.constant 0 : i32
      %dma_wait3A_79 = tpu.memref_slice %arg6[%arg0, %dma_wait3A_77, %dma_wait3A_78] : memref<2x10240x64xf32, #tpu.memory_space<hbm>> -> memref<1x10240x64xf32, #tpu.memory_space<hbm>>
      %dma_wait3A_80 = tpu.memref_squeeze %dma_wait3A_79 : memref<1x10240x64xf32, #tpu.memory_space<hbm>> -> memref<10240x64xf32, #tpu.memory_space<hbm>>
      %dma_wait3A_81 = arith.constant 0 : i32
      %dma_wait3A_82 = tpu.memref_slice %dma_wait3A_80[%add3A_49, %dma_wait3A_81] : memref<10240x64xf32, #tpu.memory_space<hbm>> -> memref<320x64xf32, #tpu.memory_space<hbm>>
      %dma_wait3A_83 = arith.constant 0 : i32
      %dma_wait3A_84 = arith.constant 0 : i32
      %dma_wait3A_85 = tpu.memref_slice %arg6[%arg0, %dma_wait3A_83, %dma_wait3A_84] : memref<2x10240x64xf32, #tpu.memory_space<hbm>> -> memref<1x10240x64xf32, #tpu.memory_space<hbm>>
      %dma_wait3A_86 = tpu.memref_squeeze %dma_wait3A_85 : memref<1x10240x64xf32, #tpu.memory_space<hbm>> -> memref<10240x64xf32, #tpu.memory_space<hbm>>
      %dma_wait3A_87 = arith.constant 0 : i32
      %dma_wait3A_88 = tpu.memref_slice %dma_wait3A_86[%add3A_49, %dma_wait3A_87] : memref<10240x64xf32, #tpu.memory_space<hbm>> -> memref<320x64xf32, #tpu.memory_space<hbm>>
      %dma_wait3A_89 = arith.constant 0 : i32
      %dma_wait3A_90 = arith.constant 0 : i32
      %dma_wait3A_91 = tpu.memref_slice %arg9[%dma_wait3A_89, %dma_wait3A_90] : memref<512x64xf32, #tpu.memory_space<vmem>> -> memref<320x64xf32, #tpu.memory_space<vmem>>
      tpu.wait_dma2 semaphore(%run_scoped3A : memref<!tpu.dma_semaphore, #tpu.memory_space<semaphore_mem>>) src(%dma_wait3A_91 : memref<320x64xf32, #tpu.memory_space<vmem>>) dst(%dma_wait3A_88 : memref<320x64xf32, #tpu.memory_space<hbm>>)
      tpu.yield
    }) : () -> ()
    %mul3A_50 = arith.constant 640 : i32
    %mul3A_51 = arith.muli %arg1, %mul3A_50 : i32
    %add3A_52 = arith.constant 320 : i32
    %add3A_53 = arith.addi %mul3A_51, %add3A_52 : i32
    "tpu.region"() ({
      %run_scoped3A = tpu.sem_alloc : memref<!tpu.dma_semaphore, #tpu.memory_space<semaphore_mem>>
      %dma_start3A = arith.constant 0 : i32
      %dma_start3A_58 = arith.constant 0 : i32
      %dma_start3A_59 = tpu.memref_slice %arg9[%dma_start3A, %dma_start3A_58] : memref<512x64xf32, #tpu.memory_space<vmem>> -> memref<320x64xf32, #tpu.memory_space<vmem>>
      %dma_start3A_60 = arith.constant 0 : i32
      %dma_start3A_61 = tpu.memref_slice %arg11[%add3A_53, %dma_start3A_60] : memref<10240x64xf32, #tpu.memory_space<vmem_shared>> -> memref<320x64xf32, #tpu.memory_space<vmem_shared>>
      %dma_start3A_62 = arith.constant 0 : i32
      %dma_start3A_63 = arith.constant 0 : i32
      %dma_start3A_64 = tpu.memref_slice %arg9[%dma_start3A_62, %dma_start3A_63] : memref<512x64xf32, #tpu.memory_space<vmem>> -> memref<320x64xf32, #tpu.memory_space<vmem>>
      %dma_start3A_65 = arith.constant 0 : i32
      %dma_start3A_66 = tpu.memref_slice %arg11[%add3A_53, %dma_start3A_65] : memref<10240x64xf32, #tpu.memory_space<vmem_shared>> -> memref<320x64xf32, #tpu.memory_space<vmem_shared>>
      tpu.enqueue_dma source(%dma_start3A_66 : memref<320x64xf32, #tpu.memory_space<vmem_shared>>) target(%dma_start3A_64 : memref<320x64xf32, #tpu.memory_space<vmem>>) target_semaphore(%run_scoped3A : memref<!tpu.dma_semaphore, #tpu.memory_space<semaphore_mem>>)
      %dma_wait3A = arith.constant 0 : i32
      %dma_wait3A_67 = arith.constant 0 : i32
      %dma_wait3A_68 = tpu.memref_slice %arg9[%dma_wait3A, %dma_wait3A_67] : memref<512x64xf32, #tpu.memory_space<vmem>> -> memref<320x64xf32, #tpu.memory_space<vmem>>
      %dma_wait3A_69 = arith.constant 0 : i32
      %dma_wait3A_70 = tpu.memref_slice %arg11[%add3A_53, %dma_wait3A_69] : memref<10240x64xf32, #tpu.memory_space<vmem_shared>> -> memref<320x64xf32, #tpu.memory_space<vmem_shared>>
      %dma_wait3A_71 = arith.constant 0 : i32
      %dma_wait3A_72 = arith.constant 0 : i32
      %dma_wait3A_73 = tpu.memref_slice %arg9[%dma_wait3A_71, %dma_wait3A_72] : memref<512x64xf32, #tpu.memory_space<vmem>> -> memref<320x64xf32, #tpu.memory_space<vmem>>
      %dma_wait3A_74 = arith.constant 0 : i32
      %dma_wait3A_75 = tpu.memref_slice %arg11[%add3A_53, %dma_wait3A_74] : memref<10240x64xf32, #tpu.memory_space<vmem_shared>> -> memref<320x64xf32, #tpu.memory_space<vmem_shared>>
      tpu.wait_dma2 semaphore(%run_scoped3A : memref<!tpu.dma_semaphore, #tpu.memory_space<semaphore_mem>>) src(%dma_wait3A_75 : memref<320x64xf32, #tpu.memory_space<vmem_shared>>) dst(%dma_wait3A_73 : memref<320x64xf32, #tpu.memory_space<vmem>>)
      tpu.yield
    }) : () -> ()
    %mul3A_54 = arith.constant 640 : i32
    %mul3A_55 = arith.muli %arg1, %mul3A_54 : i32
    %add3A_56 = arith.constant 320 : i32
    %add3A_57 = arith.addi %mul3A_55, %add3A_56 : i32
    "tpu.region"() ({
      %run_scoped3A = tpu.sem_alloc : memref<!tpu.dma_semaphore, #tpu.memory_space<semaphore_mem>>
      %dma_start3A = arith.constant 0 : i32
      %dma_start3A_58 = arith.constant 0 : i32
      %dma_start3A_59 = tpu.memref_slice %arg9[%dma_start3A, %dma_start3A_58] : memref<512x64xf32, #tpu.memory_space<vmem>> -> memref<320x64xf32, #tpu.memory_space<vmem>>
      %dma_start3A_60 = arith.constant 0 : i32
      %dma_start3A_61 = arith.constant 0 : i32
      %dma_start3A_62 = tpu.memref_slice %arg6[%arg0, %dma_start3A_60, %dma_start3A_61] : memref<2x10240x64xf32, #tpu.memory_space<hbm>> -> memref<1x10240x64xf32, #tpu.memory_space<hbm>>
      %dma_start3A_63 = tpu.memref_squeeze %dma_start3A_62 : memref<1x10240x64xf32, #tpu.memory_space<hbm>> -> memref<10240x64xf32, #tpu.memory_space<hbm>>
      %dma_start3A_64 = arith.constant 0 : i32
      %dma_start3A_65 = tpu.memref_slice %dma_start3A_63[%add3A_57, %dma_start3A_64] : memref<10240x64xf32, #tpu.memory_space<hbm>> -> memref<320x64xf32, #tpu.memory_space<hbm>>
      %dma_start3A_66 = arith.constant 0 : i32
      %dma_start3A_67 = arith.constant 0 : i32
      %dma_start3A_68 = tpu.memref_slice %arg6[%arg0, %dma_start3A_66, %dma_start3A_67] : memref<2x10240x64xf32, #tpu.memory_space<hbm>> -> memref<1x10240x64xf32, #tpu.memory_space<hbm>>
      %dma_start3A_69 = tpu.memref_squeeze %dma_start3A_68 : memref<1x10240x64xf32, #tpu.memory_space<hbm>> -> memref<10240x64xf32, #tpu.memory_space<hbm>>
      %dma_start3A_70 = arith.constant 0 : i32
      %dma_start3A_71 = tpu.memref_slice %dma_start3A_69[%add3A_57, %dma_start3A_70] : memref<10240x64xf32, #tpu.memory_space<hbm>> -> memref<320x64xf32, #tpu.memory_space<hbm>>
      %dma_start3A_72 = arith.constant 0 : i32
      %dma_start3A_73 = arith.constant 0 : i32
      %dma_start3A_74 = tpu.memref_slice %arg9[%dma_start3A_72, %dma_start3A_73] : memref<512x64xf32, #tpu.memory_space<vmem>> -> memref<320x64xf32, #tpu.memory_space<vmem>>
      tpu.enqueue_dma source(%dma_start3A_74 : memref<320x64xf32, #tpu.memory_space<vmem>>) target(%dma_start3A_71 : memref<320x64xf32, #tpu.memory_space<hbm>>) target_semaphore(%run_scoped3A : memref<!tpu.dma_semaphore, #tpu.memory_space<semaphore_mem>>)
      %dma_wait3A = arith.constant 0 : i32
      %dma_wait3A_75 = arith.constant 0 : i32
      %dma_wait3A_76 = tpu.memref_slice %arg9[%dma_wait3A, %dma_wait3A_75] : memref<512x64xf32, #tpu.memory_space<vmem>> -> memref<320x64xf32, #tpu.memory_space<vmem>>
      %dma_wait3A_77 = arith.constant 0 : i32
      %dma_wait3A_78 = arith.constant 0 : i32
      %dma_wait3A_79 = tpu.memref_slice %arg6[%arg0, %dma_wait3A_77, %dma_wait3A_78] : memref<2x10240x64xf32, #tpu.memory_space<hbm>> -> memref<1x10240x64xf32, #tpu.memory_space<hbm>>
      %dma_wait3A_80 = tpu.memref_squeeze %dma_wait3A_79 : memref<1x10240x64xf32, #tpu.memory_space<hbm>> -> memref<10240x64xf32, #tpu.memory_space<hbm>>
      %dma_wait3A_81 = arith.constant 0 : i32
      %dma_wait3A_82 = tpu.memref_slice %dma_wait3A_80[%add3A_57, %dma_wait3A_81] : memref<10240x64xf32, #tpu.memory_space<hbm>> -> memref<320x64xf32, #tpu.memory_space<hbm>>
      %dma_wait3A_83 = arith.constant 0 : i32
      %dma_wait3A_84 = arith.constant 0 : i32
      %dma_wait3A_85 = tpu.memref_slice %arg6[%arg0, %dma_wait3A_83, %dma_wait3A_84] : memref<2x10240x64xf32, #tpu.memory_space<hbm>> -> memref<1x10240x64xf32, #tpu.memory_space<hbm>>
      %dma_wait3A_86 = tpu.memref_squeeze %dma_wait3A_85 : memref<1x10240x64xf32, #tpu.memory_space<hbm>> -> memref<10240x64xf32, #tpu.memory_space<hbm>>
      %dma_wait3A_87 = arith.constant 0 : i32
      %dma_wait3A_88 = tpu.memref_slice %dma_wait3A_86[%add3A_57, %dma_wait3A_87] : memref<10240x64xf32, #tpu.memory_space<hbm>> -> memref<320x64xf32, #tpu.memory_space<hbm>>
      %dma_wait3A_89 = arith.constant 0 : i32
      %dma_wait3A_90 = arith.constant 0 : i32
      %dma_wait3A_91 = tpu.memref_slice %arg9[%dma_wait3A_89, %dma_wait3A_90] : memref<512x64xf32, #tpu.memory_space<vmem>> -> memref<320x64xf32, #tpu.memory_space<vmem>>
      tpu.wait_dma2 semaphore(%run_scoped3A : memref<!tpu.dma_semaphore, #tpu.memory_space<semaphore_mem>>) src(%dma_wait3A_91 : memref<320x64xf32, #tpu.memory_space<vmem>>) dst(%dma_wait3A_88 : memref<320x64xf32, #tpu.memory_space<hbm>>)
      tpu.yield
    }) : () -> ()
    return
  }
}

#map = affine_map<(d0, d1) -> (0, 0)>
#map1 = affine_map<(d0, d1) -> (0, 0, 0)>
module attributes {stable_mosaic.version = 14 : i64} {
  func.func @_sc_propagate(%arg0: i32, %arg1: i32, %arg2: memref<10240x64xf32, #tpu.memory_space<hbm>>, %arg3: memref<2560x128xi32, #tpu.memory_space<hbm>>, %arg4: memref<2560x128xi32, #tpu.memory_space<hbm>>, %arg5: memref<320x64xf32, #tpu.memory_space<hbm>>, %arg6: memref<2x10240x64xf32, #tpu.memory_space<hbm>>, %arg7: memref<112x128xi32, #tpu.memory_space<vmem>>, %arg8: memref<8x128xi32, #tpu.memory_space<vmem>>, %arg9: memref<512x64xf32, #tpu.memory_space<vmem>>, %arg10: memref<512x64xf32, #tpu.memory_space<vmem>>, %arg11: memref<10240x64xf32, #tpu.memory_space<vmem_shared>>, %arg12: memref<!tpu.dma_semaphore, #tpu.memory_space<semaphore_mem>>, %arg13: memref<!tpu.dma_semaphore, #tpu.memory_space<semaphore_mem>>, %arg14: memref<!tpu.dma_semaphore, #tpu.memory_space<semaphore_mem>>, %arg15: memref<!tpu.dma_semaphore, #tpu.memory_space<semaphore_mem>>, %arg16: memref<!tpu.dma_semaphore, #tpu.memory_space<semaphore_mem>>) attributes {dimension_semantics = [#tpu.dimension_semantics<core_parallel>, #tpu.dimension_semantics<subcore_parallel>], iteration_bounds = array<i64: 2, 16>, scalar_prefetch = 0 : i64, scratch_operands = 10 : i64, tpu.core_type = #tpu.core_type<sc_vector_subcore>, window_params = [{transform_indices = #map}, {transform_indices = #map}, {transform_indices = #map}, {transform_indices = #map}, {transform_indices = #map1}]} {
    %eq3A = arith.constant 0 : i32
    %eq3A_0 = arith.cmpi eq, %arg0, %eq3A : i32
    %mul3A = arith.constant 112 : i32
    %mul3A_1 = arith.muli %arg1, %mul3A : i32
    %mul3A_2 = arith.constant 48 : i32
    %mul3A_3 = arith.muli %arg1, %mul3A_2 : i32
    %add3A = arith.constant 1792 : i32
    %add3A_4 = arith.addi %add3A, %mul3A_3 : i32
    %select_n3A = arith.select %eq3A_0, %mul3A_1, %add3A_4 : i32
    %eq3A_5 = arith.constant 0 : i32
    %eq3A_6 = arith.cmpi eq, %arg0, %eq3A_5 : i32
    %convert_element_type3A = arith.extui %eq3A_6 : i1 to i32
    %cond3A = arith.constant 0 : i32
    %cond3A_7 = arith.cmpi ne, %convert_element_type3A, %cond3A : i32
    scf.if %cond3A_7 {
      "tpu.region"() ({
        %run_scoped3A = tpu.sem_alloc : memref<!tpu.dma_semaphore, #tpu.memory_space<semaphore_mem>>
        %dma_start3A = arith.constant 0 : i32
        %dma_start3A_58 = arith.constant 0 : i32
        %dma_start3A_59 = tpu.memref_slice %arg7[%dma_start3A, %dma_start3A_58] : memref<112x128xi32, #tpu.memory_space<vmem>> -> memref<112x128xi32, #tpu.memory_space<vmem>>
        %dma_start3A_60 = arith.constant 0 : i32
        %dma_start3A_61 = tpu.memref_slice %arg3[%select_n3A, %dma_start3A_60] : memref<2560x128xi32, #tpu.memory_space<hbm>> -> memref<112x128xi32, #tpu.memory_space<hbm>>
        %dma_start3A_62 = arith.constant 0 : i32
        %dma_start3A_63 = arith.constant 0 : i32
        %dma_start3A_64 = tpu.memref_slice %arg7[%dma_start3A_62, %dma_start3A_63] : memref<112x128xi32, #tpu.memory_space<vmem>> -> memref<112x128xi32, #tpu.memory_space<vmem>>
        %dma_start3A_65 = arith.constant 0 : i32
        %dma_start3A_66 = tpu.memref_slice %arg3[%select_n3A, %dma_start3A_65] : memref<2560x128xi32, #tpu.memory_space<hbm>> -> memref<112x128xi32, #tpu.memory_space<hbm>>
        tpu.enqueue_dma source(%dma_start3A_66 : memref<112x128xi32, #tpu.memory_space<hbm>>) target(%dma_start3A_64 : memref<112x128xi32, #tpu.memory_space<vmem>>) target_semaphore(%run_scoped3A : memref<!tpu.dma_semaphore, #tpu.memory_space<semaphore_mem>>)
        %dma_wait3A = arith.constant 0 : i32
        %dma_wait3A_67 = arith.constant 0 : i32
        %dma_wait3A_68 = tpu.memref_slice %arg7[%dma_wait3A, %dma_wait3A_67] : memref<112x128xi32, #tpu.memory_space<vmem>> -> memref<112x128xi32, #tpu.memory_space<vmem>>
        %dma_wait3A_69 = arith.constant 0 : i32
        %dma_wait3A_70 = tpu.memref_slice %arg3[%select_n3A, %dma_wait3A_69] : memref<2560x128xi32, #tpu.memory_space<hbm>> -> memref<112x128xi32, #tpu.memory_space<hbm>>
        %dma_wait3A_71 = arith.constant 0 : i32
        %dma_wait3A_72 = arith.constant 0 : i32
        %dma_wait3A_73 = tpu.memref_slice %arg7[%dma_wait3A_71, %dma_wait3A_72] : memref<112x128xi32, #tpu.memory_space<vmem>> -> memref<112x128xi32, #tpu.memory_space<vmem>>
        %dma_wait3A_74 = arith.constant 0 : i32
        %dma_wait3A_75 = tpu.memref_slice %arg3[%select_n3A, %dma_wait3A_74] : memref<2560x128xi32, #tpu.memory_space<hbm>> -> memref<112x128xi32, #tpu.memory_space<hbm>>
        tpu.wait_dma2 semaphore(%run_scoped3A : memref<!tpu.dma_semaphore, #tpu.memory_space<semaphore_mem>>) src(%dma_wait3A_75 : memref<112x128xi32, #tpu.memory_space<hbm>>) dst(%dma_wait3A_73 : memref<112x128xi32, #tpu.memory_space<vmem>>)
        tpu.yield
      }) : () -> ()
    } else {
    }
    %eq3A_8 = arith.constant 1 : i32
    %eq3A_9 = arith.cmpi eq, %arg0, %eq3A_8 : i32
    %convert_element_type3A_10 = arith.extui %eq3A_9 : i1 to i32
    %cond3A_11 = arith.constant 0 : i32
    %cond3A_12 = arith.cmpi ne, %convert_element_type3A_10, %cond3A_11 : i32
    scf.if %cond3A_12 {
      "tpu.region"() ({
        %run_scoped3A = tpu.sem_alloc : memref<!tpu.dma_semaphore, #tpu.memory_space<semaphore_mem>>
        %dma_start3A = arith.constant 0 : i32
        %dma_start3A_58 = arith.constant 0 : i32
        %dma_start3A_59 = tpu.memref_slice %arg7[%dma_start3A, %dma_start3A_58] : memref<112x128xi32, #tpu.memory_space<vmem>> -> memref<48x128xi32, #tpu.memory_space<vmem>>
        %dma_start3A_60 = arith.constant 0 : i32
        %dma_start3A_61 = tpu.memref_slice %arg3[%select_n3A, %dma_start3A_60] : memref<2560x128xi32, #tpu.memory_space<hbm>> -> memref<48x128xi32, #tpu.memory_space<hbm>>
        %dma_start3A_62 = arith.constant 0 : i32
        %dma_start3A_63 = arith.constant 0 : i32
        %dma_start3A_64 = tpu.memref_slice %arg7[%dma_start3A_62, %dma_start3A_63] : memref<112x128xi32, #tpu.memory_space<vmem>> -> memref<48x128xi32, #tpu.memory_space<vmem>>
        %dma_start3A_65 = arith.constant 0 : i32
        %dma_start3A_66 = tpu.memref_slice %arg3[%select_n3A, %dma_start3A_65] : memref<2560x128xi32, #tpu.memory_space<hbm>> -> memref<48x128xi32, #tpu.memory_space<hbm>>
        tpu.enqueue_dma source(%dma_start3A_66 : memref<48x128xi32, #tpu.memory_space<hbm>>) target(%dma_start3A_64 : memref<48x128xi32, #tpu.memory_space<vmem>>) target_semaphore(%run_scoped3A : memref<!tpu.dma_semaphore, #tpu.memory_space<semaphore_mem>>)
        %dma_wait3A = arith.constant 0 : i32
        %dma_wait3A_67 = arith.constant 0 : i32
        %dma_wait3A_68 = tpu.memref_slice %arg7[%dma_wait3A, %dma_wait3A_67] : memref<112x128xi32, #tpu.memory_space<vmem>> -> memref<48x128xi32, #tpu.memory_space<vmem>>
        %dma_wait3A_69 = arith.constant 0 : i32
        %dma_wait3A_70 = tpu.memref_slice %arg3[%select_n3A, %dma_wait3A_69] : memref<2560x128xi32, #tpu.memory_space<hbm>> -> memref<48x128xi32, #tpu.memory_space<hbm>>
        %dma_wait3A_71 = arith.constant 0 : i32
        %dma_wait3A_72 = arith.constant 0 : i32
        %dma_wait3A_73 = tpu.memref_slice %arg7[%dma_wait3A_71, %dma_wait3A_72] : memref<112x128xi32, #tpu.memory_space<vmem>> -> memref<48x128xi32, #tpu.memory_space<vmem>>
        %dma_wait3A_74 = arith.constant 0 : i32
        %dma_wait3A_75 = tpu.memref_slice %arg3[%select_n3A, %dma_wait3A_74] : memref<2560x128xi32, #tpu.memory_space<hbm>> -> memref<48x128xi32, #tpu.memory_space<hbm>>
        tpu.wait_dma2 semaphore(%run_scoped3A : memref<!tpu.dma_semaphore, #tpu.memory_space<semaphore_mem>>) src(%dma_wait3A_75 : memref<48x128xi32, #tpu.memory_space<hbm>>) dst(%dma_wait3A_73 : memref<48x128xi32, #tpu.memory_space<vmem>>)
        tpu.yield
      }) : () -> ()
    } else {
    }
    %eq3A_13 = arith.constant 0 : i32
    %eq3A_14 = arith.cmpi eq, %arg0, %eq3A_13 : i32
    %jit3A = arith.constant 14 : i32
    %jit3A_15 = arith.constant 6 : i32
    %select_n3A_16 = arith.select %eq3A_14, %jit3A, %jit3A_15 : i32
    "tpu.region"() ({
      %run_scoped3A = tpu.sem_alloc : memref<!tpu.dma_semaphore, #tpu.memory_space<semaphore_mem>>
      %dma_start3A = arith.constant 0 : i32
      %dma_start3A_58 = arith.constant 0 : i32
      %dma_start3A_59 = tpu.memref_slice %arg9[%dma_start3A, %dma_start3A_58] : memref<512x64xf32, #tpu.memory_space<vmem>> -> memref<320x64xf32, #tpu.memory_space<vmem>>
      %dma_start3A_60 = arith.constant 0 : i32
      %dma_start3A_61 = arith.constant 0 : i32
      %dma_start3A_62 = tpu.memref_slice %arg9[%dma_start3A_60, %dma_start3A_61] : memref<512x64xf32, #tpu.memory_space<vmem>> -> memref<320x64xf32, #tpu.memory_space<vmem>>
      tpu.enqueue_dma source(%arg5 : memref<320x64xf32, #tpu.memory_space<hbm>>) target(%dma_start3A_62 : memref<320x64xf32, #tpu.memory_space<vmem>>) target_semaphore(%run_scoped3A : memref<!tpu.dma_semaphore, #tpu.memory_space<semaphore_mem>>)
      %dma_wait3A = arith.constant 0 : i32
      %dma_wait3A_63 = arith.constant 0 : i32
      %dma_wait3A_64 = tpu.memref_slice %arg9[%dma_wait3A, %dma_wait3A_63] : memref<512x64xf32, #tpu.memory_space<vmem>> -> memref<320x64xf32, #tpu.memory_space<vmem>>
      %dma_wait3A_65 = arith.constant 0 : i32
      %dma_wait3A_66 = arith.constant 0 : i32
      %dma_wait3A_67 = tpu.memref_slice %arg9[%dma_wait3A_65, %dma_wait3A_66] : memref<512x64xf32, #tpu.memory_space<vmem>> -> memref<320x64xf32, #tpu.memory_space<vmem>>
      tpu.wait_dma2 semaphore(%run_scoped3A : memref<!tpu.dma_semaphore, #tpu.memory_space<semaphore_mem>>) src(%arg5 : memref<320x64xf32, #tpu.memory_space<hbm>>) dst(%dma_wait3A_67 : memref<320x64xf32, #tpu.memory_space<vmem>>)
      tpu.yield
    }) : () -> ()
    %mul3A_17 = arith.constant 640 : i32
    %mul3A_18 = arith.muli %arg1, %mul3A_17 : i32
    %add3A_19 = arith.constant 0 : i32
    %add3A_20 = arith.addi %mul3A_18, %add3A_19 : i32
    "tpu.region"() ({
      %run_scoped3A = tpu.sem_alloc : memref<!tpu.dma_semaphore, #tpu.memory_space<semaphore_mem>>
      %dma_start3A = arith.constant 0 : i32
      %dma_start3A_58 = arith.constant 0 : i32
      %dma_start3A_59 = tpu.memref_slice %arg9[%dma_start3A, %dma_start3A_58] : memref<512x64xf32, #tpu.memory_space<vmem>> -> memref<320x64xf32, #tpu.memory_space<vmem>>
      %dma_start3A_60 = arith.constant 0 : i32
      %dma_start3A_61 = tpu.memref_slice %arg11[%add3A_20, %dma_start3A_60] : memref<10240x64xf32, #tpu.memory_space<vmem_shared>> -> memref<320x64xf32, #tpu.memory_space<vmem_shared>>
      %dma_start3A_62 = arith.constant 0 : i32
      %dma_start3A_63 = tpu.memref_slice %arg11[%add3A_20, %dma_start3A_62] : memref<10240x64xf32, #tpu.memory_space<vmem_shared>> -> memref<320x64xf32, #tpu.memory_space<vmem_shared>>
      %dma_start3A_64 = arith.constant 0 : i32
      %dma_start3A_65 = arith.constant 0 : i32
      %dma_start3A_66 = tpu.memref_slice %arg9[%dma_start3A_64, %dma_start3A_65] : memref<512x64xf32, #tpu.memory_space<vmem>> -> memref<320x64xf32, #tpu.memory_space<vmem>>
      tpu.enqueue_dma source(%dma_start3A_66 : memref<320x64xf32, #tpu.memory_space<vmem>>) target(%dma_start3A_63 : memref<320x64xf32, #tpu.memory_space<vmem_shared>>) target_semaphore(%run_scoped3A : memref<!tpu.dma_semaphore, #tpu.memory_space<semaphore_mem>>)
      %dma_wait3A = arith.constant 0 : i32
      %dma_wait3A_67 = arith.constant 0 : i32
      %dma_wait3A_68 = tpu.memref_slice %arg9[%dma_wait3A, %dma_wait3A_67] : memref<512x64xf32, #tpu.memory_space<vmem>> -> memref<320x64xf32, #tpu.memory_space<vmem>>
      %dma_wait3A_69 = arith.constant 0 : i32
      %dma_wait3A_70 = tpu.memref_slice %arg11[%add3A_20, %dma_wait3A_69] : memref<10240x64xf32, #tpu.memory_space<vmem_shared>> -> memref<320x64xf32, #tpu.memory_space<vmem_shared>>
      %dma_wait3A_71 = arith.constant 0 : i32
      %dma_wait3A_72 = tpu.memref_slice %arg11[%add3A_20, %dma_wait3A_71] : memref<10240x64xf32, #tpu.memory_space<vmem_shared>> -> memref<320x64xf32, #tpu.memory_space<vmem_shared>>
      %dma_wait3A_73 = arith.constant 0 : i32
      %dma_wait3A_74 = arith.constant 0 : i32
      %dma_wait3A_75 = tpu.memref_slice %arg9[%dma_wait3A_73, %dma_wait3A_74] : memref<512x64xf32, #tpu.memory_space<vmem>> -> memref<320x64xf32, #tpu.memory_space<vmem>>
      tpu.wait_dma2 semaphore(%run_scoped3A : memref<!tpu.dma_semaphore, #tpu.memory_space<semaphore_mem>>) src(%dma_wait3A_75 : memref<320x64xf32, #tpu.memory_space<vmem>>) dst(%dma_wait3A_72 : memref<320x64xf32, #tpu.memory_space<vmem_shared>>)
      tpu.yield
    }) : () -> ()
    %mul3A_21 = arith.constant 640 : i32
    %mul3A_22 = arith.muli %arg1, %mul3A_21 : i32
    %add3A_23 = arith.constant 320 : i32
    %add3A_24 = arith.addi %mul3A_22, %add3A_23 : i32
    "tpu.region"() ({
      %run_scoped3A = tpu.sem_alloc : memref<!tpu.dma_semaphore, #tpu.memory_space<semaphore_mem>>
      %dma_start3A = arith.constant 0 : i32
      %dma_start3A_58 = arith.constant 0 : i32
      %dma_start3A_59 = tpu.memref_slice %arg9[%dma_start3A, %dma_start3A_58] : memref<512x64xf32, #tpu.memory_space<vmem>> -> memref<320x64xf32, #tpu.memory_space<vmem>>
      %dma_start3A_60 = arith.constant 0 : i32
      %dma_start3A_61 = tpu.memref_slice %arg11[%add3A_24, %dma_start3A_60] : memref<10240x64xf32, #tpu.memory_space<vmem_shared>> -> memref<320x64xf32, #tpu.memory_space<vmem_shared>>
      %dma_start3A_62 = arith.constant 0 : i32
      %dma_start3A_63 = tpu.memref_slice %arg11[%add3A_24, %dma_start3A_62] : memref<10240x64xf32, #tpu.memory_space<vmem_shared>> -> memref<320x64xf32, #tpu.memory_space<vmem_shared>>
      %dma_start3A_64 = arith.constant 0 : i32
      %dma_start3A_65 = arith.constant 0 : i32
      %dma_start3A_66 = tpu.memref_slice %arg9[%dma_start3A_64, %dma_start3A_65] : memref<512x64xf32, #tpu.memory_space<vmem>> -> memref<320x64xf32, #tpu.memory_space<vmem>>
      tpu.enqueue_dma source(%dma_start3A_66 : memref<320x64xf32, #tpu.memory_space<vmem>>) target(%dma_start3A_63 : memref<320x64xf32, #tpu.memory_space<vmem_shared>>) target_semaphore(%run_scoped3A : memref<!tpu.dma_semaphore, #tpu.memory_space<semaphore_mem>>)
      %dma_wait3A = arith.constant 0 : i32
      %dma_wait3A_67 = arith.constant 0 : i32
      %dma_wait3A_68 = tpu.memref_slice %arg9[%dma_wait3A, %dma_wait3A_67] : memref<512x64xf32, #tpu.memory_space<vmem>> -> memref<320x64xf32, #tpu.memory_space<vmem>>
      %dma_wait3A_69 = arith.constant 0 : i32
      %dma_wait3A_70 = tpu.memref_slice %arg11[%add3A_24, %dma_wait3A_69] : memref<10240x64xf32, #tpu.memory_space<vmem_shared>> -> memref<320x64xf32, #tpu.memory_space<vmem_shared>>
      %dma_wait3A_71 = arith.constant 0 : i32
      %dma_wait3A_72 = tpu.memref_slice %arg11[%add3A_24, %dma_wait3A_71] : memref<10240x64xf32, #tpu.memory_space<vmem_shared>> -> memref<320x64xf32, #tpu.memory_space<vmem_shared>>
      %dma_wait3A_73 = arith.constant 0 : i32
      %dma_wait3A_74 = arith.constant 0 : i32
      %dma_wait3A_75 = tpu.memref_slice %arg9[%dma_wait3A_73, %dma_wait3A_74] : memref<512x64xf32, #tpu.memory_space<vmem>> -> memref<320x64xf32, #tpu.memory_space<vmem>>
      tpu.wait_dma2 semaphore(%run_scoped3A : memref<!tpu.dma_semaphore, #tpu.memory_space<semaphore_mem>>) src(%dma_wait3A_75 : memref<320x64xf32, #tpu.memory_space<vmem>>) dst(%dma_wait3A_72 : memref<320x64xf32, #tpu.memory_space<vmem_shared>>)
      tpu.yield
    }) : () -> ()
    %barrier3A = arith.constant 0 : index
    tpu.barrier barrier_id(%barrier3A)
    %sub3A = arith.constant 0 : i32
    %sub3A_25 = arith.subi %select_n3A_16, %sub3A : i32
    %sub3A_26 = arith.constant 1 : i32
    %sub3A_27 = arith.constant 1 : i32
    %sub3A_28 = arith.subi %sub3A_26, %sub3A_27 : i32
    %add3A_29 = arith.addi %sub3A_25, %sub3A_28 : i32
    %div3A = arith.constant 1 : i32
    %div3A_30 = arith.divsi %add3A_29, %div3A : i32
    %while3A = arith.constant 1 : i32
    %while3A_31 = arith.constant 0 : i32
    %while3A_32 = arith.constant 0 : i32
    %while3A_33 = arith.subi %div3A_30, %while3A_32 : i32
    %while3A_34 = arith.addi %while3A_32, %while3A_33 : i32
    %while3A_35 = arith.constant 1 : i32
    %while3A_36 = arith.divsi %while3A_33, %while3A_35 : i32
    %while3A_37 = arith.muli %while3A_36, %while3A_35 : i32
    %while3A_38 = arith.addi %while3A_32, %while3A_37 : i32
    %while3A_39 = arith.constant 1 : i32
    scf.for %while3A_58 = %while3A_32 to %while3A_38 step %while3A_39  : i32 {
      %mul3A_59 = arith.muli %while3A_58, %while3A : i32
      %add3A_60 = arith.addi %while3A_31, %mul3A_59 : i32
      %mul3A_61 = arith.constant 2 : i32
      %mul3A_62 = arith.muli %add3A_60, %mul3A_61 : i32
      %mul3A_63 = arith.constant 4 : i32
      %mul3A_64 = arith.muli %mul3A_62, %mul3A_63 : i32
      %add3A_65 = arith.addi %select_n3A, %mul3A_64 : i32
      %dma_start3A = arith.constant 0 : i32
      %dma_start3A_66 = tpu.memref_slice %arg4[%add3A_65, %dma_start3A] : memref<2560x128xi32, #tpu.memory_space<hbm>> -> memref<8x128xi32, #tpu.memory_space<hbm>>
      %dma_start3A_67 = arith.constant 0 : i32
      %dma_start3A_68 = tpu.memref_slice %arg4[%add3A_65, %dma_start3A_67] : memref<2560x128xi32, #tpu.memory_space<hbm>> -> memref<8x128xi32, #tpu.memory_space<hbm>>
      tpu.enqueue_dma source(%dma_start3A_68 : memref<8x128xi32, #tpu.memory_space<hbm>>) target(%arg8 : memref<8x128xi32, #tpu.memory_space<vmem>>) target_semaphore(%arg16 : memref<!tpu.dma_semaphore, #tpu.memory_space<semaphore_mem>>)
      %add3A_69 = arith.constant 0 : i32
      %add3A_70 = arith.addi %mul3A_64, %add3A_69 : i32
      %dma_start3A_71 = arith.constant 0 : i32
      %dma_start3A_72 = arith.constant 0 : i32
      %dma_start3A_73 = tpu.memref_slice %arg9[%dma_start3A_71, %dma_start3A_72] : memref<512x64xf32, #tpu.memory_space<vmem>> -> memref<128x64xf32, #tpu.memory_space<vmem>>
      %dma_start3A_74 = arith.constant 0 : i32
      %dma_start3A_75 = tpu.memref_slice %arg7[%add3A_70, %dma_start3A_74] : memref<112x128xi32, #tpu.memory_space<vmem>> -> memref<1x128xi32, #tpu.memory_space<vmem>>
      %dma_start3A_76 = tpu.memref_squeeze %dma_start3A_75 : memref<1x128xi32, #tpu.memory_space<vmem>> -> memref<128xi32, #tpu.memory_space<vmem>>
      %dma_start3A_77 = arith.constant 0 : i32
      %dma_start3A_78 = arith.constant 0 : i32
      %dma_start3A_79 = tpu.memref_slice %arg2[%dma_start3A_77, %dma_start3A_78] : memref<10240x64xf32, #tpu.memory_space<hbm>> -> memref<10240x64xf32, #tpu.memory_space<hbm>>
      tpu.enqueue_indirect_dma source(%dma_start3A_79 : memref<10240x64xf32, #tpu.memory_space<hbm>>) target(%dma_start3A_73 : memref<128x64xf32, #tpu.memory_space<vmem>>) offsets(%dma_start3A_76 : memref<128xi32, #tpu.memory_space<vmem>>) semaphore(%arg12 : memref<!tpu.dma_semaphore, #tpu.memory_space<semaphore_mem>>)
      %add3A_80 = arith.constant 1 : i32
      %add3A_81 = arith.addi %mul3A_64, %add3A_80 : i32
      %dma_start3A_82 = arith.constant 128 : i32
      %dma_start3A_83 = arith.constant 0 : i32
      %dma_start3A_84 = tpu.memref_slice %arg9[%dma_start3A_82, %dma_start3A_83] : memref<512x64xf32, #tpu.memory_space<vmem>> -> memref<128x64xf32, #tpu.memory_space<vmem>>
      %dma_start3A_85 = arith.constant 0 : i32
      %dma_start3A_86 = tpu.memref_slice %arg7[%add3A_81, %dma_start3A_85] : memref<112x128xi32, #tpu.memory_space<vmem>> -> memref<1x128xi32, #tpu.memory_space<vmem>>
      %dma_start3A_87 = tpu.memref_squeeze %dma_start3A_86 : memref<1x128xi32, #tpu.memory_space<vmem>> -> memref<128xi32, #tpu.memory_space<vmem>>
      %dma_start3A_88 = arith.constant 0 : i32
      %dma_start3A_89 = arith.constant 0 : i32
      %dma_start3A_90 = tpu.memref_slice %arg2[%dma_start3A_88, %dma_start3A_89] : memref<10240x64xf32, #tpu.memory_space<hbm>> -> memref<10240x64xf32, #tpu.memory_space<hbm>>
      tpu.enqueue_indirect_dma source(%dma_start3A_90 : memref<10240x64xf32, #tpu.memory_space<hbm>>) target(%dma_start3A_84 : memref<128x64xf32, #tpu.memory_space<vmem>>) offsets(%dma_start3A_87 : memref<128xi32, #tpu.memory_space<vmem>>) semaphore(%arg12 : memref<!tpu.dma_semaphore, #tpu.memory_space<semaphore_mem>>)
      %add3A_91 = arith.constant 2 : i32
      %add3A_92 = arith.addi %mul3A_64, %add3A_91 : i32
      %dma_start3A_93 = arith.constant 256 : i32
      %dma_start3A_94 = arith.constant 0 : i32
      %dma_start3A_95 = tpu.memref_slice %arg9[%dma_start3A_93, %dma_start3A_94] : memref<512x64xf32, #tpu.memory_space<vmem>> -> memref<128x64xf32, #tpu.memory_space<vmem>>
      %dma_start3A_96 = arith.constant 0 : i32
      %dma_start3A_97 = tpu.memref_slice %arg7[%add3A_92, %dma_start3A_96] : memref<112x128xi32, #tpu.memory_space<vmem>> -> memref<1x128xi32, #tpu.memory_space<vmem>>
      %dma_start3A_98 = tpu.memref_squeeze %dma_start3A_97 : memref<1x128xi32, #tpu.memory_space<vmem>> -> memref<128xi32, #tpu.memory_space<vmem>>
      %dma_start3A_99 = arith.constant 0 : i32
      %dma_start3A_100 = arith.constant 0 : i32
      %dma_start3A_101 = tpu.memref_slice %arg2[%dma_start3A_99, %dma_start3A_100] : memref<10240x64xf32, #tpu.memory_space<hbm>> -> memref<10240x64xf32, #tpu.memory_space<hbm>>
      tpu.enqueue_indirect_dma source(%dma_start3A_101 : memref<10240x64xf32, #tpu.memory_space<hbm>>) target(%dma_start3A_95 : memref<128x64xf32, #tpu.memory_space<vmem>>) offsets(%dma_start3A_98 : memref<128xi32, #tpu.memory_space<vmem>>) semaphore(%arg12 : memref<!tpu.dma_semaphore, #tpu.memory_space<semaphore_mem>>)
      %add3A_102 = arith.constant 3 : i32
      %add3A_103 = arith.addi %mul3A_64, %add3A_102 : i32
      %dma_start3A_104 = arith.constant 384 : i32
      %dma_start3A_105 = arith.constant 0 : i32
      %dma_start3A_106 = tpu.memref_slice %arg9[%dma_start3A_104, %dma_start3A_105] : memref<512x64xf32, #tpu.memory_space<vmem>> -> memref<128x64xf32, #tpu.memory_space<vmem>>
      %dma_start3A_107 = arith.constant 0 : i32
      %dma_start3A_108 = tpu.memref_slice %arg7[%add3A_103, %dma_start3A_107] : memref<112x128xi32, #tpu.memory_space<vmem>> -> memref<1x128xi32, #tpu.memory_space<vmem>>
      %dma_start3A_109 = tpu.memref_squeeze %dma_start3A_108 : memref<1x128xi32, #tpu.memory_space<vmem>> -> memref<128xi32, #tpu.memory_space<vmem>>
      %dma_start3A_110 = arith.constant 0 : i32
      %dma_start3A_111 = arith.constant 0 : i32
      %dma_start3A_112 = tpu.memref_slice %arg2[%dma_start3A_110, %dma_start3A_111] : memref<10240x64xf32, #tpu.memory_space<hbm>> -> memref<10240x64xf32, #tpu.memory_space<hbm>>
      tpu.enqueue_indirect_dma source(%dma_start3A_112 : memref<10240x64xf32, #tpu.memory_space<hbm>>) target(%dma_start3A_106 : memref<128x64xf32, #tpu.memory_space<vmem>>) offsets(%dma_start3A_109 : memref<128xi32, #tpu.memory_space<vmem>>) semaphore(%arg12 : memref<!tpu.dma_semaphore, #tpu.memory_space<semaphore_mem>>)
      %add3A_113 = arith.constant 4 : i32
      %add3A_114 = arith.addi %mul3A_64, %add3A_113 : i32
      %add3A_115 = arith.constant 0 : i32
      %add3A_116 = arith.addi %add3A_114, %add3A_115 : i32
      %dma_start3A_117 = arith.constant 0 : i32
      %dma_start3A_118 = arith.constant 0 : i32
      %dma_start3A_119 = tpu.memref_slice %arg10[%dma_start3A_117, %dma_start3A_118] : memref<512x64xf32, #tpu.memory_space<vmem>> -> memref<128x64xf32, #tpu.memory_space<vmem>>
      %dma_start3A_120 = arith.constant 0 : i32
      %dma_start3A_121 = tpu.memref_slice %arg7[%add3A_116, %dma_start3A_120] : memref<112x128xi32, #tpu.memory_space<vmem>> -> memref<1x128xi32, #tpu.memory_space<vmem>>
      %dma_start3A_122 = tpu.memref_squeeze %dma_start3A_121 : memref<1x128xi32, #tpu.memory_space<vmem>> -> memref<128xi32, #tpu.memory_space<vmem>>
      %dma_start3A_123 = arith.constant 0 : i32
      %dma_start3A_124 = arith.constant 0 : i32
      %dma_start3A_125 = tpu.memref_slice %arg2[%dma_start3A_123, %dma_start3A_124] : memref<10240x64xf32, #tpu.memory_space<hbm>> -> memref<10240x64xf32, #tpu.memory_space<hbm>>
      tpu.enqueue_indirect_dma source(%dma_start3A_125 : memref<10240x64xf32, #tpu.memory_space<hbm>>) target(%dma_start3A_119 : memref<128x64xf32, #tpu.memory_space<vmem>>) offsets(%dma_start3A_122 : memref<128xi32, #tpu.memory_space<vmem>>) semaphore(%arg13 : memref<!tpu.dma_semaphore, #tpu.memory_space<semaphore_mem>>)
      %add3A_126 = arith.constant 4 : i32
      %add3A_127 = arith.addi %mul3A_64, %add3A_126 : i32
      %add3A_128 = arith.constant 1 : i32
      %add3A_129 = arith.addi %add3A_127, %add3A_128 : i32
      %dma_start3A_130 = arith.constant 128 : i32
      %dma_start3A_131 = arith.constant 0 : i32
      %dma_start3A_132 = tpu.memref_slice %arg10[%dma_start3A_130, %dma_start3A_131] : memref<512x64xf32, #tpu.memory_space<vmem>> -> memref<128x64xf32, #tpu.memory_space<vmem>>
      %dma_start3A_133 = arith.constant 0 : i32
      %dma_start3A_134 = tpu.memref_slice %arg7[%add3A_129, %dma_start3A_133] : memref<112x128xi32, #tpu.memory_space<vmem>> -> memref<1x128xi32, #tpu.memory_space<vmem>>
      %dma_start3A_135 = tpu.memref_squeeze %dma_start3A_134 : memref<1x128xi32, #tpu.memory_space<vmem>> -> memref<128xi32, #tpu.memory_space<vmem>>
      %dma_start3A_136 = arith.constant 0 : i32
      %dma_start3A_137 = arith.constant 0 : i32
      %dma_start3A_138 = tpu.memref_slice %arg2[%dma_start3A_136, %dma_start3A_137] : memref<10240x64xf32, #tpu.memory_space<hbm>> -> memref<10240x64xf32, #tpu.memory_space<hbm>>
      tpu.enqueue_indirect_dma source(%dma_start3A_138 : memref<10240x64xf32, #tpu.memory_space<hbm>>) target(%dma_start3A_132 : memref<128x64xf32, #tpu.memory_space<vmem>>) offsets(%dma_start3A_135 : memref<128xi32, #tpu.memory_space<vmem>>) semaphore(%arg13 : memref<!tpu.dma_semaphore, #tpu.memory_space<semaphore_mem>>)
      %add3A_139 = arith.constant 4 : i32
      %add3A_140 = arith.addi %mul3A_64, %add3A_139 : i32
      %add3A_141 = arith.constant 2 : i32
      %add3A_142 = arith.addi %add3A_140, %add3A_141 : i32
      %dma_start3A_143 = arith.constant 256 : i32
      %dma_start3A_144 = arith.constant 0 : i32
      %dma_start3A_145 = tpu.memref_slice %arg10[%dma_start3A_143, %dma_start3A_144] : memref<512x64xf32, #tpu.memory_space<vmem>> -> memref<128x64xf32, #tpu.memory_space<vmem>>
      %dma_start3A_146 = arith.constant 0 : i32
      %dma_start3A_147 = tpu.memref_slice %arg7[%add3A_142, %dma_start3A_146] : memref<112x128xi32, #tpu.memory_space<vmem>> -> memref<1x128xi32, #tpu.memory_space<vmem>>
      %dma_start3A_148 = tpu.memref_squeeze %dma_start3A_147 : memref<1x128xi32, #tpu.memory_space<vmem>> -> memref<128xi32, #tpu.memory_space<vmem>>
      %dma_start3A_149 = arith.constant 0 : i32
      %dma_start3A_150 = arith.constant 0 : i32
      %dma_start3A_151 = tpu.memref_slice %arg2[%dma_start3A_149, %dma_start3A_150] : memref<10240x64xf32, #tpu.memory_space<hbm>> -> memref<10240x64xf32, #tpu.memory_space<hbm>>
      tpu.enqueue_indirect_dma source(%dma_start3A_151 : memref<10240x64xf32, #tpu.memory_space<hbm>>) target(%dma_start3A_145 : memref<128x64xf32, #tpu.memory_space<vmem>>) offsets(%dma_start3A_148 : memref<128xi32, #tpu.memory_space<vmem>>) semaphore(%arg13 : memref<!tpu.dma_semaphore, #tpu.memory_space<semaphore_mem>>)
      %add3A_152 = arith.constant 4 : i32
      %add3A_153 = arith.addi %mul3A_64, %add3A_152 : i32
      %add3A_154 = arith.constant 3 : i32
      %add3A_155 = arith.addi %add3A_153, %add3A_154 : i32
      %dma_start3A_156 = arith.constant 384 : i32
      %dma_start3A_157 = arith.constant 0 : i32
      %dma_start3A_158 = tpu.memref_slice %arg10[%dma_start3A_156, %dma_start3A_157] : memref<512x64xf32, #tpu.memory_space<vmem>> -> memref<128x64xf32, #tpu.memory_space<vmem>>
      %dma_start3A_159 = arith.constant 0 : i32
      %dma_start3A_160 = tpu.memref_slice %arg7[%add3A_155, %dma_start3A_159] : memref<112x128xi32, #tpu.memory_space<vmem>> -> memref<1x128xi32, #tpu.memory_space<vmem>>
      %dma_start3A_161 = tpu.memref_squeeze %dma_start3A_160 : memref<1x128xi32, #tpu.memory_space<vmem>> -> memref<128xi32, #tpu.memory_space<vmem>>
      %dma_start3A_162 = arith.constant 0 : i32
      %dma_start3A_163 = arith.constant 0 : i32
      %dma_start3A_164 = tpu.memref_slice %arg2[%dma_start3A_162, %dma_start3A_163] : memref<10240x64xf32, #tpu.memory_space<hbm>> -> memref<10240x64xf32, #tpu.memory_space<hbm>>
      tpu.enqueue_indirect_dma source(%dma_start3A_164 : memref<10240x64xf32, #tpu.memory_space<hbm>>) target(%dma_start3A_158 : memref<128x64xf32, #tpu.memory_space<vmem>>) offsets(%dma_start3A_161 : memref<128xi32, #tpu.memory_space<vmem>>) semaphore(%arg13 : memref<!tpu.dma_semaphore, #tpu.memory_space<semaphore_mem>>)
      %dma_wait3A = arith.constant 0 : i32
      %dma_wait3A_165 = arith.constant 0 : i32
      %dma_wait3A_166 = tpu.memref_slice %arg9[%dma_wait3A, %dma_wait3A_165] : memref<512x64xf32, #tpu.memory_space<vmem>> -> memref<128x64xf32, #tpu.memory_space<vmem>>
      %dma_wait3A_167 = arith.constant 0 : i32
      %dma_wait3A_168 = tpu.memref_slice %arg7[%add3A_70, %dma_wait3A_167] : memref<112x128xi32, #tpu.memory_space<vmem>> -> memref<1x128xi32, #tpu.memory_space<vmem>>
      %dma_wait3A_169 = tpu.memref_squeeze %dma_wait3A_168 : memref<1x128xi32, #tpu.memory_space<vmem>> -> memref<128xi32, #tpu.memory_space<vmem>>
      %dma_wait3A_170 = arith.constant 0 : i32
      %dma_wait3A_171 = arith.constant 0 : i32
      %dma_wait3A_172 = tpu.memref_slice %arg2[%dma_wait3A_170, %dma_wait3A_171] : memref<10240x64xf32, #tpu.memory_space<hbm>> -> memref<10240x64xf32, #tpu.memory_space<hbm>>
      tpu.wait_indirect_dma semaphore(%arg12 : memref<!tpu.dma_semaphore, #tpu.memory_space<semaphore_mem>>) src(%dma_wait3A_172 : memref<10240x64xf32, #tpu.memory_space<hbm>>) dst(%dma_wait3A_166 : memref<128x64xf32, #tpu.memory_space<vmem>>)
      %dma_wait3A_173 = arith.constant 128 : i32
      %dma_wait3A_174 = arith.constant 0 : i32
      %dma_wait3A_175 = tpu.memref_slice %arg9[%dma_wait3A_173, %dma_wait3A_174] : memref<512x64xf32, #tpu.memory_space<vmem>> -> memref<128x64xf32, #tpu.memory_space<vmem>>
      %dma_wait3A_176 = arith.constant 0 : i32
      %dma_wait3A_177 = tpu.memref_slice %arg7[%add3A_81, %dma_wait3A_176] : memref<112x128xi32, #tpu.memory_space<vmem>> -> memref<1x128xi32, #tpu.memory_space<vmem>>
      %dma_wait3A_178 = tpu.memref_squeeze %dma_wait3A_177 : memref<1x128xi32, #tpu.memory_space<vmem>> -> memref<128xi32, #tpu.memory_space<vmem>>
      %dma_wait3A_179 = arith.constant 0 : i32
      %dma_wait3A_180 = arith.constant 0 : i32
      %dma_wait3A_181 = tpu.memref_slice %arg2[%dma_wait3A_179, %dma_wait3A_180] : memref<10240x64xf32, #tpu.memory_space<hbm>> -> memref<10240x64xf32, #tpu.memory_space<hbm>>
      tpu.wait_indirect_dma semaphore(%arg12 : memref<!tpu.dma_semaphore, #tpu.memory_space<semaphore_mem>>) src(%dma_wait3A_181 : memref<10240x64xf32, #tpu.memory_space<hbm>>) dst(%dma_wait3A_175 : memref<128x64xf32, #tpu.memory_space<vmem>>)
      %dma_wait3A_182 = arith.constant 256 : i32
      %dma_wait3A_183 = arith.constant 0 : i32
      %dma_wait3A_184 = tpu.memref_slice %arg9[%dma_wait3A_182, %dma_wait3A_183] : memref<512x64xf32, #tpu.memory_space<vmem>> -> memref<128x64xf32, #tpu.memory_space<vmem>>
      %dma_wait3A_185 = arith.constant 0 : i32
      %dma_wait3A_186 = tpu.memref_slice %arg7[%add3A_92, %dma_wait3A_185] : memref<112x128xi32, #tpu.memory_space<vmem>> -> memref<1x128xi32, #tpu.memory_space<vmem>>
      %dma_wait3A_187 = tpu.memref_squeeze %dma_wait3A_186 : memref<1x128xi32, #tpu.memory_space<vmem>> -> memref<128xi32, #tpu.memory_space<vmem>>
      %dma_wait3A_188 = arith.constant 0 : i32
      %dma_wait3A_189 = arith.constant 0 : i32
      %dma_wait3A_190 = tpu.memref_slice %arg2[%dma_wait3A_188, %dma_wait3A_189] : memref<10240x64xf32, #tpu.memory_space<hbm>> -> memref<10240x64xf32, #tpu.memory_space<hbm>>
      tpu.wait_indirect_dma semaphore(%arg12 : memref<!tpu.dma_semaphore, #tpu.memory_space<semaphore_mem>>) src(%dma_wait3A_190 : memref<10240x64xf32, #tpu.memory_space<hbm>>) dst(%dma_wait3A_184 : memref<128x64xf32, #tpu.memory_space<vmem>>)
      %dma_wait3A_191 = arith.constant 384 : i32
      %dma_wait3A_192 = arith.constant 0 : i32
      %dma_wait3A_193 = tpu.memref_slice %arg9[%dma_wait3A_191, %dma_wait3A_192] : memref<512x64xf32, #tpu.memory_space<vmem>> -> memref<128x64xf32, #tpu.memory_space<vmem>>
      %dma_wait3A_194 = arith.constant 0 : i32
      %dma_wait3A_195 = tpu.memref_slice %arg7[%add3A_103, %dma_wait3A_194] : memref<112x128xi32, #tpu.memory_space<vmem>> -> memref<1x128xi32, #tpu.memory_space<vmem>>
      %dma_wait3A_196 = tpu.memref_squeeze %dma_wait3A_195 : memref<1x128xi32, #tpu.memory_space<vmem>> -> memref<128xi32, #tpu.memory_space<vmem>>
      %dma_wait3A_197 = arith.constant 0 : i32
      %dma_wait3A_198 = arith.constant 0 : i32
      %dma_wait3A_199 = tpu.memref_slice %arg2[%dma_wait3A_197, %dma_wait3A_198] : memref<10240x64xf32, #tpu.memory_space<hbm>> -> memref<10240x64xf32, #tpu.memory_space<hbm>>
      tpu.wait_indirect_dma semaphore(%arg12 : memref<!tpu.dma_semaphore, #tpu.memory_space<semaphore_mem>>) src(%dma_wait3A_199 : memref<10240x64xf32, #tpu.memory_space<hbm>>) dst(%dma_wait3A_193 : memref<128x64xf32, #tpu.memory_space<vmem>>)
      %dma_wait3A_200 = arith.constant 0 : i32
      %dma_wait3A_201 = tpu.memref_slice %arg4[%add3A_65, %dma_wait3A_200] : memref<2560x128xi32, #tpu.memory_space<hbm>> -> memref<8x128xi32, #tpu.memory_space<hbm>>
      %dma_wait3A_202 = arith.constant 0 : i32
      %dma_wait3A_203 = tpu.memref_slice %arg4[%add3A_65, %dma_wait3A_202] : memref<2560x128xi32, #tpu.memory_space<hbm>> -> memref<8x128xi32, #tpu.memory_space<hbm>>
      tpu.wait_dma2 semaphore(%arg16 : memref<!tpu.dma_semaphore, #tpu.memory_space<semaphore_mem>>) src(%dma_wait3A_203 : memref<8x128xi32, #tpu.memory_space<hbm>>) dst(%arg8 : memref<8x128xi32, #tpu.memory_space<vmem>>)
      %dma_start3A_204 = arith.constant 0 : i32
      %dma_start3A_205 = arith.constant 0 : i32
      %dma_start3A_206 = arith.constant 0 : i32
      %dma_start3A_207 = tpu.memref_slice %arg9[%dma_start3A_205, %dma_start3A_206] : memref<512x64xf32, #tpu.memory_space<vmem>> -> memref<128x64xf32, #tpu.memory_space<vmem>>
      %dma_start3A_208 = arith.constant 0 : i32
      %dma_start3A_209 = tpu.memref_slice %arg8[%dma_start3A_204, %dma_start3A_208] : memref<8x128xi32, #tpu.memory_space<vmem>> -> memref<1x128xi32, #tpu.memory_space<vmem>>
      %dma_start3A_210 = tpu.memref_squeeze %dma_start3A_209 : memref<1x128xi32, #tpu.memory_space<vmem>> -> memref<128xi32, #tpu.memory_space<vmem>>
      %dma_start3A_211 = arith.constant 0 : i32
      %dma_start3A_212 = arith.constant 0 : i32
      %dma_start3A_213 = tpu.memref_slice %arg11[%dma_start3A_211, %dma_start3A_212] : memref<10240x64xf32, #tpu.memory_space<vmem_shared>> -> memref<10240x64xf32, #tpu.memory_space<vmem_shared>>
      tpu.enqueue_indirect_dma source(%dma_start3A_207 : memref<128x64xf32, #tpu.memory_space<vmem>>) target(%dma_start3A_213 : memref<10240x64xf32, #tpu.memory_space<vmem_shared>>) offsets(%dma_start3A_210 : memref<128xi32, #tpu.memory_space<vmem>>) semaphore(%arg14 : memref<!tpu.dma_semaphore, #tpu.memory_space<semaphore_mem>>) {add = true}
      %dma_start3A_214 = arith.constant 1 : i32
      %dma_start3A_215 = arith.constant 128 : i32
      %dma_start3A_216 = arith.constant 0 : i32
      %dma_start3A_217 = tpu.memref_slice %arg9[%dma_start3A_215, %dma_start3A_216] : memref<512x64xf32, #tpu.memory_space<vmem>> -> memref<128x64xf32, #tpu.memory_space<vmem>>
      %dma_start3A_218 = arith.constant 0 : i32
      %dma_start3A_219 = tpu.memref_slice %arg8[%dma_start3A_214, %dma_start3A_218] : memref<8x128xi32, #tpu.memory_space<vmem>> -> memref<1x128xi32, #tpu.memory_space<vmem>>
      %dma_start3A_220 = tpu.memref_squeeze %dma_start3A_219 : memref<1x128xi32, #tpu.memory_space<vmem>> -> memref<128xi32, #tpu.memory_space<vmem>>
      %dma_start3A_221 = arith.constant 0 : i32
      %dma_start3A_222 = arith.constant 0 : i32
      %dma_start3A_223 = tpu.memref_slice %arg11[%dma_start3A_221, %dma_start3A_222] : memref<10240x64xf32, #tpu.memory_space<vmem_shared>> -> memref<10240x64xf32, #tpu.memory_space<vmem_shared>>
      tpu.enqueue_indirect_dma source(%dma_start3A_217 : memref<128x64xf32, #tpu.memory_space<vmem>>) target(%dma_start3A_223 : memref<10240x64xf32, #tpu.memory_space<vmem_shared>>) offsets(%dma_start3A_220 : memref<128xi32, #tpu.memory_space<vmem>>) semaphore(%arg14 : memref<!tpu.dma_semaphore, #tpu.memory_space<semaphore_mem>>) {add = true}
      %dma_start3A_224 = arith.constant 2 : i32
      %dma_start3A_225 = arith.constant 256 : i32
      %dma_start3A_226 = arith.constant 0 : i32
      %dma_start3A_227 = tpu.memref_slice %arg9[%dma_start3A_225, %dma_start3A_226] : memref<512x64xf32, #tpu.memory_space<vmem>> -> memref<128x64xf32, #tpu.memory_space<vmem>>
      %dma_start3A_228 = arith.constant 0 : i32
      %dma_start3A_229 = tpu.memref_slice %arg8[%dma_start3A_224, %dma_start3A_228] : memref<8x128xi32, #tpu.memory_space<vmem>> -> memref<1x128xi32, #tpu.memory_space<vmem>>
      %dma_start3A_230 = tpu.memref_squeeze %dma_start3A_229 : memref<1x128xi32, #tpu.memory_space<vmem>> -> memref<128xi32, #tpu.memory_space<vmem>>
      %dma_start3A_231 = arith.constant 0 : i32
      %dma_start3A_232 = arith.constant 0 : i32
      %dma_start3A_233 = tpu.memref_slice %arg11[%dma_start3A_231, %dma_start3A_232] : memref<10240x64xf32, #tpu.memory_space<vmem_shared>> -> memref<10240x64xf32, #tpu.memory_space<vmem_shared>>
      tpu.enqueue_indirect_dma source(%dma_start3A_227 : memref<128x64xf32, #tpu.memory_space<vmem>>) target(%dma_start3A_233 : memref<10240x64xf32, #tpu.memory_space<vmem_shared>>) offsets(%dma_start3A_230 : memref<128xi32, #tpu.memory_space<vmem>>) semaphore(%arg14 : memref<!tpu.dma_semaphore, #tpu.memory_space<semaphore_mem>>) {add = true}
      %dma_start3A_234 = arith.constant 3 : i32
      %dma_start3A_235 = arith.constant 384 : i32
      %dma_start3A_236 = arith.constant 0 : i32
      %dma_start3A_237 = tpu.memref_slice %arg9[%dma_start3A_235, %dma_start3A_236] : memref<512x64xf32, #tpu.memory_space<vmem>> -> memref<128x64xf32, #tpu.memory_space<vmem>>
      %dma_start3A_238 = arith.constant 0 : i32
      %dma_start3A_239 = tpu.memref_slice %arg8[%dma_start3A_234, %dma_start3A_238] : memref<8x128xi32, #tpu.memory_space<vmem>> -> memref<1x128xi32, #tpu.memory_space<vmem>>
      %dma_start3A_240 = tpu.memref_squeeze %dma_start3A_239 : memref<1x128xi32, #tpu.memory_space<vmem>> -> memref<128xi32, #tpu.memory_space<vmem>>
      %dma_start3A_241 = arith.constant 0 : i32
      %dma_start3A_242 = arith.constant 0 : i32
      %dma_start3A_243 = tpu.memref_slice %arg11[%dma_start3A_241, %dma_start3A_242] : memref<10240x64xf32, #tpu.memory_space<vmem_shared>> -> memref<10240x64xf32, #tpu.memory_space<vmem_shared>>
      tpu.enqueue_indirect_dma source(%dma_start3A_237 : memref<128x64xf32, #tpu.memory_space<vmem>>) target(%dma_start3A_243 : memref<10240x64xf32, #tpu.memory_space<vmem_shared>>) offsets(%dma_start3A_240 : memref<128xi32, #tpu.memory_space<vmem>>) semaphore(%arg14 : memref<!tpu.dma_semaphore, #tpu.memory_space<semaphore_mem>>) {add = true}
      %dma_wait3A_244 = arith.constant 0 : i32
      %dma_wait3A_245 = arith.constant 0 : i32
      %dma_wait3A_246 = tpu.memref_slice %arg10[%dma_wait3A_244, %dma_wait3A_245] : memref<512x64xf32, #tpu.memory_space<vmem>> -> memref<128x64xf32, #tpu.memory_space<vmem>>
      %dma_wait3A_247 = arith.constant 0 : i32
      %dma_wait3A_248 = tpu.memref_slice %arg7[%add3A_116, %dma_wait3A_247] : memref<112x128xi32, #tpu.memory_space<vmem>> -> memref<1x128xi32, #tpu.memory_space<vmem>>
      %dma_wait3A_249 = tpu.memref_squeeze %dma_wait3A_248 : memref<1x128xi32, #tpu.memory_space<vmem>> -> memref<128xi32, #tpu.memory_space<vmem>>
      %dma_wait3A_250 = arith.constant 0 : i32
      %dma_wait3A_251 = arith.constant 0 : i32
      %dma_wait3A_252 = tpu.memref_slice %arg2[%dma_wait3A_250, %dma_wait3A_251] : memref<10240x64xf32, #tpu.memory_space<hbm>> -> memref<10240x64xf32, #tpu.memory_space<hbm>>
      tpu.wait_indirect_dma semaphore(%arg13 : memref<!tpu.dma_semaphore, #tpu.memory_space<semaphore_mem>>) src(%dma_wait3A_252 : memref<10240x64xf32, #tpu.memory_space<hbm>>) dst(%dma_wait3A_246 : memref<128x64xf32, #tpu.memory_space<vmem>>)
      %dma_wait3A_253 = arith.constant 128 : i32
      %dma_wait3A_254 = arith.constant 0 : i32
      %dma_wait3A_255 = tpu.memref_slice %arg10[%dma_wait3A_253, %dma_wait3A_254] : memref<512x64xf32, #tpu.memory_space<vmem>> -> memref<128x64xf32, #tpu.memory_space<vmem>>
      %dma_wait3A_256 = arith.constant 0 : i32
      %dma_wait3A_257 = tpu.memref_slice %arg7[%add3A_129, %dma_wait3A_256] : memref<112x128xi32, #tpu.memory_space<vmem>> -> memref<1x128xi32, #tpu.memory_space<vmem>>
      %dma_wait3A_258 = tpu.memref_squeeze %dma_wait3A_257 : memref<1x128xi32, #tpu.memory_space<vmem>> -> memref<128xi32, #tpu.memory_space<vmem>>
      %dma_wait3A_259 = arith.constant 0 : i32
      %dma_wait3A_260 = arith.constant 0 : i32
      %dma_wait3A_261 = tpu.memref_slice %arg2[%dma_wait3A_259, %dma_wait3A_260] : memref<10240x64xf32, #tpu.memory_space<hbm>> -> memref<10240x64xf32, #tpu.memory_space<hbm>>
      tpu.wait_indirect_dma semaphore(%arg13 : memref<!tpu.dma_semaphore, #tpu.memory_space<semaphore_mem>>) src(%dma_wait3A_261 : memref<10240x64xf32, #tpu.memory_space<hbm>>) dst(%dma_wait3A_255 : memref<128x64xf32, #tpu.memory_space<vmem>>)
      %dma_wait3A_262 = arith.constant 256 : i32
      %dma_wait3A_263 = arith.constant 0 : i32
      %dma_wait3A_264 = tpu.memref_slice %arg10[%dma_wait3A_262, %dma_wait3A_263] : memref<512x64xf32, #tpu.memory_space<vmem>> -> memref<128x64xf32, #tpu.memory_space<vmem>>
      %dma_wait3A_265 = arith.constant 0 : i32
      %dma_wait3A_266 = tpu.memref_slice %arg7[%add3A_142, %dma_wait3A_265] : memref<112x128xi32, #tpu.memory_space<vmem>> -> memref<1x128xi32, #tpu.memory_space<vmem>>
      %dma_wait3A_267 = tpu.memref_squeeze %dma_wait3A_266 : memref<1x128xi32, #tpu.memory_space<vmem>> -> memref<128xi32, #tpu.memory_space<vmem>>
      %dma_wait3A_268 = arith.constant 0 : i32
      %dma_wait3A_269 = arith.constant 0 : i32
      %dma_wait3A_270 = tpu.memref_slice %arg2[%dma_wait3A_268, %dma_wait3A_269] : memref<10240x64xf32, #tpu.memory_space<hbm>> -> memref<10240x64xf32, #tpu.memory_space<hbm>>
      tpu.wait_indirect_dma semaphore(%arg13 : memref<!tpu.dma_semaphore, #tpu.memory_space<semaphore_mem>>) src(%dma_wait3A_270 : memref<10240x64xf32, #tpu.memory_space<hbm>>) dst(%dma_wait3A_264 : memref<128x64xf32, #tpu.memory_space<vmem>>)
      %dma_wait3A_271 = arith.constant 384 : i32
      %dma_wait3A_272 = arith.constant 0 : i32
      %dma_wait3A_273 = tpu.memref_slice %arg10[%dma_wait3A_271, %dma_wait3A_272] : memref<512x64xf32, #tpu.memory_space<vmem>> -> memref<128x64xf32, #tpu.memory_space<vmem>>
      %dma_wait3A_274 = arith.constant 0 : i32
      %dma_wait3A_275 = tpu.memref_slice %arg7[%add3A_155, %dma_wait3A_274] : memref<112x128xi32, #tpu.memory_space<vmem>> -> memref<1x128xi32, #tpu.memory_space<vmem>>
      %dma_wait3A_276 = tpu.memref_squeeze %dma_wait3A_275 : memref<1x128xi32, #tpu.memory_space<vmem>> -> memref<128xi32, #tpu.memory_space<vmem>>
      %dma_wait3A_277 = arith.constant 0 : i32
      %dma_wait3A_278 = arith.constant 0 : i32
      %dma_wait3A_279 = tpu.memref_slice %arg2[%dma_wait3A_277, %dma_wait3A_278] : memref<10240x64xf32, #tpu.memory_space<hbm>> -> memref<10240x64xf32, #tpu.memory_space<hbm>>
      tpu.wait_indirect_dma semaphore(%arg13 : memref<!tpu.dma_semaphore, #tpu.memory_space<semaphore_mem>>) src(%dma_wait3A_279 : memref<10240x64xf32, #tpu.memory_space<hbm>>) dst(%dma_wait3A_273 : memref<128x64xf32, #tpu.memory_space<vmem>>)
      %dma_start3A_280 = arith.constant 4 : i32
      %dma_start3A_281 = arith.constant 0 : i32
      %dma_start3A_282 = arith.constant 0 : i32
      %dma_start3A_283 = tpu.memref_slice %arg10[%dma_start3A_281, %dma_start3A_282] : memref<512x64xf32, #tpu.memory_space<vmem>> -> memref<128x64xf32, #tpu.memory_space<vmem>>
      %dma_start3A_284 = arith.constant 0 : i32
      %dma_start3A_285 = tpu.memref_slice %arg8[%dma_start3A_280, %dma_start3A_284] : memref<8x128xi32, #tpu.memory_space<vmem>> -> memref<1x128xi32, #tpu.memory_space<vmem>>
      %dma_start3A_286 = tpu.memref_squeeze %dma_start3A_285 : memref<1x128xi32, #tpu.memory_space<vmem>> -> memref<128xi32, #tpu.memory_space<vmem>>
      %dma_start3A_287 = arith.constant 0 : i32
      %dma_start3A_288 = arith.constant 0 : i32
      %dma_start3A_289 = tpu.memref_slice %arg11[%dma_start3A_287, %dma_start3A_288] : memref<10240x64xf32, #tpu.memory_space<vmem_shared>> -> memref<10240x64xf32, #tpu.memory_space<vmem_shared>>
      tpu.enqueue_indirect_dma source(%dma_start3A_283 : memref<128x64xf32, #tpu.memory_space<vmem>>) target(%dma_start3A_289 : memref<10240x64xf32, #tpu.memory_space<vmem_shared>>) offsets(%dma_start3A_286 : memref<128xi32, #tpu.memory_space<vmem>>) semaphore(%arg15 : memref<!tpu.dma_semaphore, #tpu.memory_space<semaphore_mem>>) {add = true}
      %dma_start3A_290 = arith.constant 5 : i32
      %dma_start3A_291 = arith.constant 128 : i32
      %dma_start3A_292 = arith.constant 0 : i32
      %dma_start3A_293 = tpu.memref_slice %arg10[%dma_start3A_291, %dma_start3A_292] : memref<512x64xf32, #tpu.memory_space<vmem>> -> memref<128x64xf32, #tpu.memory_space<vmem>>
      %dma_start3A_294 = arith.constant 0 : i32
      %dma_start3A_295 = tpu.memref_slice %arg8[%dma_start3A_290, %dma_start3A_294] : memref<8x128xi32, #tpu.memory_space<vmem>> -> memref<1x128xi32, #tpu.memory_space<vmem>>
      %dma_start3A_296 = tpu.memref_squeeze %dma_start3A_295 : memref<1x128xi32, #tpu.memory_space<vmem>> -> memref<128xi32, #tpu.memory_space<vmem>>
      %dma_start3A_297 = arith.constant 0 : i32
      %dma_start3A_298 = arith.constant 0 : i32
      %dma_start3A_299 = tpu.memref_slice %arg11[%dma_start3A_297, %dma_start3A_298] : memref<10240x64xf32, #tpu.memory_space<vmem_shared>> -> memref<10240x64xf32, #tpu.memory_space<vmem_shared>>
      tpu.enqueue_indirect_dma source(%dma_start3A_293 : memref<128x64xf32, #tpu.memory_space<vmem>>) target(%dma_start3A_299 : memref<10240x64xf32, #tpu.memory_space<vmem_shared>>) offsets(%dma_start3A_296 : memref<128xi32, #tpu.memory_space<vmem>>) semaphore(%arg15 : memref<!tpu.dma_semaphore, #tpu.memory_space<semaphore_mem>>) {add = true}
      %dma_start3A_300 = arith.constant 6 : i32
      %dma_start3A_301 = arith.constant 256 : i32
      %dma_start3A_302 = arith.constant 0 : i32
      %dma_start3A_303 = tpu.memref_slice %arg10[%dma_start3A_301, %dma_start3A_302] : memref<512x64xf32, #tpu.memory_space<vmem>> -> memref<128x64xf32, #tpu.memory_space<vmem>>
      %dma_start3A_304 = arith.constant 0 : i32
      %dma_start3A_305 = tpu.memref_slice %arg8[%dma_start3A_300, %dma_start3A_304] : memref<8x128xi32, #tpu.memory_space<vmem>> -> memref<1x128xi32, #tpu.memory_space<vmem>>
      %dma_start3A_306 = tpu.memref_squeeze %dma_start3A_305 : memref<1x128xi32, #tpu.memory_space<vmem>> -> memref<128xi32, #tpu.memory_space<vmem>>
      %dma_start3A_307 = arith.constant 0 : i32
      %dma_start3A_308 = arith.constant 0 : i32
      %dma_start3A_309 = tpu.memref_slice %arg11[%dma_start3A_307, %dma_start3A_308] : memref<10240x64xf32, #tpu.memory_space<vmem_shared>> -> memref<10240x64xf32, #tpu.memory_space<vmem_shared>>
      tpu.enqueue_indirect_dma source(%dma_start3A_303 : memref<128x64xf32, #tpu.memory_space<vmem>>) target(%dma_start3A_309 : memref<10240x64xf32, #tpu.memory_space<vmem_shared>>) offsets(%dma_start3A_306 : memref<128xi32, #tpu.memory_space<vmem>>) semaphore(%arg15 : memref<!tpu.dma_semaphore, #tpu.memory_space<semaphore_mem>>) {add = true}
      %dma_start3A_310 = arith.constant 7 : i32
      %dma_start3A_311 = arith.constant 384 : i32
      %dma_start3A_312 = arith.constant 0 : i32
      %dma_start3A_313 = tpu.memref_slice %arg10[%dma_start3A_311, %dma_start3A_312] : memref<512x64xf32, #tpu.memory_space<vmem>> -> memref<128x64xf32, #tpu.memory_space<vmem>>
      %dma_start3A_314 = arith.constant 0 : i32
      %dma_start3A_315 = tpu.memref_slice %arg8[%dma_start3A_310, %dma_start3A_314] : memref<8x128xi32, #tpu.memory_space<vmem>> -> memref<1x128xi32, #tpu.memory_space<vmem>>
      %dma_start3A_316 = tpu.memref_squeeze %dma_start3A_315 : memref<1x128xi32, #tpu.memory_space<vmem>> -> memref<128xi32, #tpu.memory_space<vmem>>
      %dma_start3A_317 = arith.constant 0 : i32
      %dma_start3A_318 = arith.constant 0 : i32
      %dma_start3A_319 = tpu.memref_slice %arg11[%dma_start3A_317, %dma_start3A_318] : memref<10240x64xf32, #tpu.memory_space<vmem_shared>> -> memref<10240x64xf32, #tpu.memory_space<vmem_shared>>
      tpu.enqueue_indirect_dma source(%dma_start3A_313 : memref<128x64xf32, #tpu.memory_space<vmem>>) target(%dma_start3A_319 : memref<10240x64xf32, #tpu.memory_space<vmem_shared>>) offsets(%dma_start3A_316 : memref<128xi32, #tpu.memory_space<vmem>>) semaphore(%arg15 : memref<!tpu.dma_semaphore, #tpu.memory_space<semaphore_mem>>) {add = true}
      %dma_wait3A_320 = arith.constant 0 : i32
      %dma_wait3A_321 = arith.constant 0 : i32
      %dma_wait3A_322 = arith.constant 0 : i32
      %dma_wait3A_323 = tpu.memref_slice %arg9[%dma_wait3A_321, %dma_wait3A_322] : memref<512x64xf32, #tpu.memory_space<vmem>> -> memref<128x64xf32, #tpu.memory_space<vmem>>
      %dma_wait3A_324 = arith.constant 0 : i32
      %dma_wait3A_325 = tpu.memref_slice %arg8[%dma_wait3A_320, %dma_wait3A_324] : memref<8x128xi32, #tpu.memory_space<vmem>> -> memref<1x128xi32, #tpu.memory_space<vmem>>
      %dma_wait3A_326 = tpu.memref_squeeze %dma_wait3A_325 : memref<1x128xi32, #tpu.memory_space<vmem>> -> memref<128xi32, #tpu.memory_space<vmem>>
      %dma_wait3A_327 = arith.constant 0 : i32
      %dma_wait3A_328 = arith.constant 0 : i32
      %dma_wait3A_329 = tpu.memref_slice %arg11[%dma_wait3A_327, %dma_wait3A_328] : memref<10240x64xf32, #tpu.memory_space<vmem_shared>> -> memref<10240x64xf32, #tpu.memory_space<vmem_shared>>
      tpu.wait_indirect_dma semaphore(%arg14 : memref<!tpu.dma_semaphore, #tpu.memory_space<semaphore_mem>>) src(%dma_wait3A_323 : memref<128x64xf32, #tpu.memory_space<vmem>>) dst(%dma_wait3A_329 : memref<10240x64xf32, #tpu.memory_space<vmem_shared>>)
      %dma_wait3A_330 = arith.constant 1 : i32
      %dma_wait3A_331 = arith.constant 128 : i32
      %dma_wait3A_332 = arith.constant 0 : i32
      %dma_wait3A_333 = tpu.memref_slice %arg9[%dma_wait3A_331, %dma_wait3A_332] : memref<512x64xf32, #tpu.memory_space<vmem>> -> memref<128x64xf32, #tpu.memory_space<vmem>>
      %dma_wait3A_334 = arith.constant 0 : i32
      %dma_wait3A_335 = tpu.memref_slice %arg8[%dma_wait3A_330, %dma_wait3A_334] : memref<8x128xi32, #tpu.memory_space<vmem>> -> memref<1x128xi32, #tpu.memory_space<vmem>>
      %dma_wait3A_336 = tpu.memref_squeeze %dma_wait3A_335 : memref<1x128xi32, #tpu.memory_space<vmem>> -> memref<128xi32, #tpu.memory_space<vmem>>
      %dma_wait3A_337 = arith.constant 0 : i32
      %dma_wait3A_338 = arith.constant 0 : i32
      %dma_wait3A_339 = tpu.memref_slice %arg11[%dma_wait3A_337, %dma_wait3A_338] : memref<10240x64xf32, #tpu.memory_space<vmem_shared>> -> memref<10240x64xf32, #tpu.memory_space<vmem_shared>>
      tpu.wait_indirect_dma semaphore(%arg14 : memref<!tpu.dma_semaphore, #tpu.memory_space<semaphore_mem>>) src(%dma_wait3A_333 : memref<128x64xf32, #tpu.memory_space<vmem>>) dst(%dma_wait3A_339 : memref<10240x64xf32, #tpu.memory_space<vmem_shared>>)
      %dma_wait3A_340 = arith.constant 2 : i32
      %dma_wait3A_341 = arith.constant 256 : i32
      %dma_wait3A_342 = arith.constant 0 : i32
      %dma_wait3A_343 = tpu.memref_slice %arg9[%dma_wait3A_341, %dma_wait3A_342] : memref<512x64xf32, #tpu.memory_space<vmem>> -> memref<128x64xf32, #tpu.memory_space<vmem>>
      %dma_wait3A_344 = arith.constant 0 : i32
      %dma_wait3A_345 = tpu.memref_slice %arg8[%dma_wait3A_340, %dma_wait3A_344] : memref<8x128xi32, #tpu.memory_space<vmem>> -> memref<1x128xi32, #tpu.memory_space<vmem>>
      %dma_wait3A_346 = tpu.memref_squeeze %dma_wait3A_345 : memref<1x128xi32, #tpu.memory_space<vmem>> -> memref<128xi32, #tpu.memory_space<vmem>>
      %dma_wait3A_347 = arith.constant 0 : i32
      %dma_wait3A_348 = arith.constant 0 : i32
      %dma_wait3A_349 = tpu.memref_slice %arg11[%dma_wait3A_347, %dma_wait3A_348] : memref<10240x64xf32, #tpu.memory_space<vmem_shared>> -> memref<10240x64xf32, #tpu.memory_space<vmem_shared>>
      tpu.wait_indirect_dma semaphore(%arg14 : memref<!tpu.dma_semaphore, #tpu.memory_space<semaphore_mem>>) src(%dma_wait3A_343 : memref<128x64xf32, #tpu.memory_space<vmem>>) dst(%dma_wait3A_349 : memref<10240x64xf32, #tpu.memory_space<vmem_shared>>)
      %dma_wait3A_350 = arith.constant 3 : i32
      %dma_wait3A_351 = arith.constant 384 : i32
      %dma_wait3A_352 = arith.constant 0 : i32
      %dma_wait3A_353 = tpu.memref_slice %arg9[%dma_wait3A_351, %dma_wait3A_352] : memref<512x64xf32, #tpu.memory_space<vmem>> -> memref<128x64xf32, #tpu.memory_space<vmem>>
      %dma_wait3A_354 = arith.constant 0 : i32
      %dma_wait3A_355 = tpu.memref_slice %arg8[%dma_wait3A_350, %dma_wait3A_354] : memref<8x128xi32, #tpu.memory_space<vmem>> -> memref<1x128xi32, #tpu.memory_space<vmem>>
      %dma_wait3A_356 = tpu.memref_squeeze %dma_wait3A_355 : memref<1x128xi32, #tpu.memory_space<vmem>> -> memref<128xi32, #tpu.memory_space<vmem>>
      %dma_wait3A_357 = arith.constant 0 : i32
      %dma_wait3A_358 = arith.constant 0 : i32
      %dma_wait3A_359 = tpu.memref_slice %arg11[%dma_wait3A_357, %dma_wait3A_358] : memref<10240x64xf32, #tpu.memory_space<vmem_shared>> -> memref<10240x64xf32, #tpu.memory_space<vmem_shared>>
      tpu.wait_indirect_dma semaphore(%arg14 : memref<!tpu.dma_semaphore, #tpu.memory_space<semaphore_mem>>) src(%dma_wait3A_353 : memref<128x64xf32, #tpu.memory_space<vmem>>) dst(%dma_wait3A_359 : memref<10240x64xf32, #tpu.memory_space<vmem_shared>>)
      %dma_wait3A_360 = arith.constant 4 : i32
      %dma_wait3A_361 = arith.constant 0 : i32
      %dma_wait3A_362 = arith.constant 0 : i32
      %dma_wait3A_363 = tpu.memref_slice %arg10[%dma_wait3A_361, %dma_wait3A_362] : memref<512x64xf32, #tpu.memory_space<vmem>> -> memref<128x64xf32, #tpu.memory_space<vmem>>
      %dma_wait3A_364 = arith.constant 0 : i32
      %dma_wait3A_365 = tpu.memref_slice %arg8[%dma_wait3A_360, %dma_wait3A_364] : memref<8x128xi32, #tpu.memory_space<vmem>> -> memref<1x128xi32, #tpu.memory_space<vmem>>
      %dma_wait3A_366 = tpu.memref_squeeze %dma_wait3A_365 : memref<1x128xi32, #tpu.memory_space<vmem>> -> memref<128xi32, #tpu.memory_space<vmem>>
      %dma_wait3A_367 = arith.constant 0 : i32
      %dma_wait3A_368 = arith.constant 0 : i32
      %dma_wait3A_369 = tpu.memref_slice %arg11[%dma_wait3A_367, %dma_wait3A_368] : memref<10240x64xf32, #tpu.memory_space<vmem_shared>> -> memref<10240x64xf32, #tpu.memory_space<vmem_shared>>
      tpu.wait_indirect_dma semaphore(%arg15 : memref<!tpu.dma_semaphore, #tpu.memory_space<semaphore_mem>>) src(%dma_wait3A_363 : memref<128x64xf32, #tpu.memory_space<vmem>>) dst(%dma_wait3A_369 : memref<10240x64xf32, #tpu.memory_space<vmem_shared>>)
      %dma_wait3A_370 = arith.constant 5 : i32
      %dma_wait3A_371 = arith.constant 128 : i32
      %dma_wait3A_372 = arith.constant 0 : i32
      %dma_wait3A_373 = tpu.memref_slice %arg10[%dma_wait3A_371, %dma_wait3A_372] : memref<512x64xf32, #tpu.memory_space<vmem>> -> memref<128x64xf32, #tpu.memory_space<vmem>>
      %dma_wait3A_374 = arith.constant 0 : i32
      %dma_wait3A_375 = tpu.memref_slice %arg8[%dma_wait3A_370, %dma_wait3A_374] : memref<8x128xi32, #tpu.memory_space<vmem>> -> memref<1x128xi32, #tpu.memory_space<vmem>>
      %dma_wait3A_376 = tpu.memref_squeeze %dma_wait3A_375 : memref<1x128xi32, #tpu.memory_space<vmem>> -> memref<128xi32, #tpu.memory_space<vmem>>
      %dma_wait3A_377 = arith.constant 0 : i32
      %dma_wait3A_378 = arith.constant 0 : i32
      %dma_wait3A_379 = tpu.memref_slice %arg11[%dma_wait3A_377, %dma_wait3A_378] : memref<10240x64xf32, #tpu.memory_space<vmem_shared>> -> memref<10240x64xf32, #tpu.memory_space<vmem_shared>>
      tpu.wait_indirect_dma semaphore(%arg15 : memref<!tpu.dma_semaphore, #tpu.memory_space<semaphore_mem>>) src(%dma_wait3A_373 : memref<128x64xf32, #tpu.memory_space<vmem>>) dst(%dma_wait3A_379 : memref<10240x64xf32, #tpu.memory_space<vmem_shared>>)
      %dma_wait3A_380 = arith.constant 6 : i32
      %dma_wait3A_381 = arith.constant 256 : i32
      %dma_wait3A_382 = arith.constant 0 : i32
      %dma_wait3A_383 = tpu.memref_slice %arg10[%dma_wait3A_381, %dma_wait3A_382] : memref<512x64xf32, #tpu.memory_space<vmem>> -> memref<128x64xf32, #tpu.memory_space<vmem>>
      %dma_wait3A_384 = arith.constant 0 : i32
      %dma_wait3A_385 = tpu.memref_slice %arg8[%dma_wait3A_380, %dma_wait3A_384] : memref<8x128xi32, #tpu.memory_space<vmem>> -> memref<1x128xi32, #tpu.memory_space<vmem>>
      %dma_wait3A_386 = tpu.memref_squeeze %dma_wait3A_385 : memref<1x128xi32, #tpu.memory_space<vmem>> -> memref<128xi32, #tpu.memory_space<vmem>>
      %dma_wait3A_387 = arith.constant 0 : i32
      %dma_wait3A_388 = arith.constant 0 : i32
      %dma_wait3A_389 = tpu.memref_slice %arg11[%dma_wait3A_387, %dma_wait3A_388] : memref<10240x64xf32, #tpu.memory_space<vmem_shared>> -> memref<10240x64xf32, #tpu.memory_space<vmem_shared>>
      tpu.wait_indirect_dma semaphore(%arg15 : memref<!tpu.dma_semaphore, #tpu.memory_space<semaphore_mem>>) src(%dma_wait3A_383 : memref<128x64xf32, #tpu.memory_space<vmem>>) dst(%dma_wait3A_389 : memref<10240x64xf32, #tpu.memory_space<vmem_shared>>)
      %dma_wait3A_390 = arith.constant 7 : i32
      %dma_wait3A_391 = arith.constant 384 : i32
      %dma_wait3A_392 = arith.constant 0 : i32
      %dma_wait3A_393 = tpu.memref_slice %arg10[%dma_wait3A_391, %dma_wait3A_392] : memref<512x64xf32, #tpu.memory_space<vmem>> -> memref<128x64xf32, #tpu.memory_space<vmem>>
      %dma_wait3A_394 = arith.constant 0 : i32
      %dma_wait3A_395 = tpu.memref_slice %arg8[%dma_wait3A_390, %dma_wait3A_394] : memref<8x128xi32, #tpu.memory_space<vmem>> -> memref<1x128xi32, #tpu.memory_space<vmem>>
      %dma_wait3A_396 = tpu.memref_squeeze %dma_wait3A_395 : memref<1x128xi32, #tpu.memory_space<vmem>> -> memref<128xi32, #tpu.memory_space<vmem>>
      %dma_wait3A_397 = arith.constant 0 : i32
      %dma_wait3A_398 = arith.constant 0 : i32
      %dma_wait3A_399 = tpu.memref_slice %arg11[%dma_wait3A_397, %dma_wait3A_398] : memref<10240x64xf32, #tpu.memory_space<vmem_shared>> -> memref<10240x64xf32, #tpu.memory_space<vmem_shared>>
      tpu.wait_indirect_dma semaphore(%arg15 : memref<!tpu.dma_semaphore, #tpu.memory_space<semaphore_mem>>) src(%dma_wait3A_393 : memref<128x64xf32, #tpu.memory_space<vmem>>) dst(%dma_wait3A_399 : memref<10240x64xf32, #tpu.memory_space<vmem_shared>>)
    }
    %while3A_40 = arith.constant 1 : i32
    scf.for %while3A_58 = %while3A_38 to %while3A_34 step %while3A_40  : i32 {
      %mul3A_59 = arith.muli %while3A_58, %while3A : i32
      %add3A_60 = arith.addi %while3A_31, %mul3A_59 : i32
      %mul3A_61 = arith.constant 2 : i32
      %mul3A_62 = arith.muli %add3A_60, %mul3A_61 : i32
      %mul3A_63 = arith.constant 4 : i32
      %mul3A_64 = arith.muli %mul3A_62, %mul3A_63 : i32
      %add3A_65 = arith.addi %select_n3A, %mul3A_64 : i32
      %dma_start3A = arith.constant 0 : i32
      %dma_start3A_66 = tpu.memref_slice %arg4[%add3A_65, %dma_start3A] : memref<2560x128xi32, #tpu.memory_space<hbm>> -> memref<8x128xi32, #tpu.memory_space<hbm>>
      %dma_start3A_67 = arith.constant 0 : i32
      %dma_start3A_68 = tpu.memref_slice %arg4[%add3A_65, %dma_start3A_67] : memref<2560x128xi32, #tpu.memory_space<hbm>> -> memref<8x128xi32, #tpu.memory_space<hbm>>
      tpu.enqueue_dma source(%dma_start3A_68 : memref<8x128xi32, #tpu.memory_space<hbm>>) target(%arg8 : memref<8x128xi32, #tpu.memory_space<vmem>>) target_semaphore(%arg16 : memref<!tpu.dma_semaphore, #tpu.memory_space<semaphore_mem>>)
      %add3A_69 = arith.constant 0 : i32
      %add3A_70 = arith.addi %mul3A_64, %add3A_69 : i32
      %dma_start3A_71 = arith.constant 0 : i32
      %dma_start3A_72 = arith.constant 0 : i32
      %dma_start3A_73 = tpu.memref_slice %arg9[%dma_start3A_71, %dma_start3A_72] : memref<512x64xf32, #tpu.memory_space<vmem>> -> memref<128x64xf32, #tpu.memory_space<vmem>>
      %dma_start3A_74 = arith.constant 0 : i32
      %dma_start3A_75 = tpu.memref_slice %arg7[%add3A_70, %dma_start3A_74] : memref<112x128xi32, #tpu.memory_space<vmem>> -> memref<1x128xi32, #tpu.memory_space<vmem>>
      %dma_start3A_76 = tpu.memref_squeeze %dma_start3A_75 : memref<1x128xi32, #tpu.memory_space<vmem>> -> memref<128xi32, #tpu.memory_space<vmem>>
      %dma_start3A_77 = arith.constant 0 : i32
      %dma_start3A_78 = arith.constant 0 : i32
      %dma_start3A_79 = tpu.memref_slice %arg2[%dma_start3A_77, %dma_start3A_78] : memref<10240x64xf32, #tpu.memory_space<hbm>> -> memref<10240x64xf32, #tpu.memory_space<hbm>>
      tpu.enqueue_indirect_dma source(%dma_start3A_79 : memref<10240x64xf32, #tpu.memory_space<hbm>>) target(%dma_start3A_73 : memref<128x64xf32, #tpu.memory_space<vmem>>) offsets(%dma_start3A_76 : memref<128xi32, #tpu.memory_space<vmem>>) semaphore(%arg12 : memref<!tpu.dma_semaphore, #tpu.memory_space<semaphore_mem>>)
      %add3A_80 = arith.constant 1 : i32
      %add3A_81 = arith.addi %mul3A_64, %add3A_80 : i32
      %dma_start3A_82 = arith.constant 128 : i32
      %dma_start3A_83 = arith.constant 0 : i32
      %dma_start3A_84 = tpu.memref_slice %arg9[%dma_start3A_82, %dma_start3A_83] : memref<512x64xf32, #tpu.memory_space<vmem>> -> memref<128x64xf32, #tpu.memory_space<vmem>>
      %dma_start3A_85 = arith.constant 0 : i32
      %dma_start3A_86 = tpu.memref_slice %arg7[%add3A_81, %dma_start3A_85] : memref<112x128xi32, #tpu.memory_space<vmem>> -> memref<1x128xi32, #tpu.memory_space<vmem>>
      %dma_start3A_87 = tpu.memref_squeeze %dma_start3A_86 : memref<1x128xi32, #tpu.memory_space<vmem>> -> memref<128xi32, #tpu.memory_space<vmem>>
      %dma_start3A_88 = arith.constant 0 : i32
      %dma_start3A_89 = arith.constant 0 : i32
      %dma_start3A_90 = tpu.memref_slice %arg2[%dma_start3A_88, %dma_start3A_89] : memref<10240x64xf32, #tpu.memory_space<hbm>> -> memref<10240x64xf32, #tpu.memory_space<hbm>>
      tpu.enqueue_indirect_dma source(%dma_start3A_90 : memref<10240x64xf32, #tpu.memory_space<hbm>>) target(%dma_start3A_84 : memref<128x64xf32, #tpu.memory_space<vmem>>) offsets(%dma_start3A_87 : memref<128xi32, #tpu.memory_space<vmem>>) semaphore(%arg12 : memref<!tpu.dma_semaphore, #tpu.memory_space<semaphore_mem>>)
      %add3A_91 = arith.constant 2 : i32
      %add3A_92 = arith.addi %mul3A_64, %add3A_91 : i32
      %dma_start3A_93 = arith.constant 256 : i32
      %dma_start3A_94 = arith.constant 0 : i32
      %dma_start3A_95 = tpu.memref_slice %arg9[%dma_start3A_93, %dma_start3A_94] : memref<512x64xf32, #tpu.memory_space<vmem>> -> memref<128x64xf32, #tpu.memory_space<vmem>>
      %dma_start3A_96 = arith.constant 0 : i32
      %dma_start3A_97 = tpu.memref_slice %arg7[%add3A_92, %dma_start3A_96] : memref<112x128xi32, #tpu.memory_space<vmem>> -> memref<1x128xi32, #tpu.memory_space<vmem>>
      %dma_start3A_98 = tpu.memref_squeeze %dma_start3A_97 : memref<1x128xi32, #tpu.memory_space<vmem>> -> memref<128xi32, #tpu.memory_space<vmem>>
      %dma_start3A_99 = arith.constant 0 : i32
      %dma_start3A_100 = arith.constant 0 : i32
      %dma_start3A_101 = tpu.memref_slice %arg2[%dma_start3A_99, %dma_start3A_100] : memref<10240x64xf32, #tpu.memory_space<hbm>> -> memref<10240x64xf32, #tpu.memory_space<hbm>>
      tpu.enqueue_indirect_dma source(%dma_start3A_101 : memref<10240x64xf32, #tpu.memory_space<hbm>>) target(%dma_start3A_95 : memref<128x64xf32, #tpu.memory_space<vmem>>) offsets(%dma_start3A_98 : memref<128xi32, #tpu.memory_space<vmem>>) semaphore(%arg12 : memref<!tpu.dma_semaphore, #tpu.memory_space<semaphore_mem>>)
      %add3A_102 = arith.constant 3 : i32
      %add3A_103 = arith.addi %mul3A_64, %add3A_102 : i32
      %dma_start3A_104 = arith.constant 384 : i32
      %dma_start3A_105 = arith.constant 0 : i32
      %dma_start3A_106 = tpu.memref_slice %arg9[%dma_start3A_104, %dma_start3A_105] : memref<512x64xf32, #tpu.memory_space<vmem>> -> memref<128x64xf32, #tpu.memory_space<vmem>>
      %dma_start3A_107 = arith.constant 0 : i32
      %dma_start3A_108 = tpu.memref_slice %arg7[%add3A_103, %dma_start3A_107] : memref<112x128xi32, #tpu.memory_space<vmem>> -> memref<1x128xi32, #tpu.memory_space<vmem>>
      %dma_start3A_109 = tpu.memref_squeeze %dma_start3A_108 : memref<1x128xi32, #tpu.memory_space<vmem>> -> memref<128xi32, #tpu.memory_space<vmem>>
      %dma_start3A_110 = arith.constant 0 : i32
      %dma_start3A_111 = arith.constant 0 : i32
      %dma_start3A_112 = tpu.memref_slice %arg2[%dma_start3A_110, %dma_start3A_111] : memref<10240x64xf32, #tpu.memory_space<hbm>> -> memref<10240x64xf32, #tpu.memory_space<hbm>>
      tpu.enqueue_indirect_dma source(%dma_start3A_112 : memref<10240x64xf32, #tpu.memory_space<hbm>>) target(%dma_start3A_106 : memref<128x64xf32, #tpu.memory_space<vmem>>) offsets(%dma_start3A_109 : memref<128xi32, #tpu.memory_space<vmem>>) semaphore(%arg12 : memref<!tpu.dma_semaphore, #tpu.memory_space<semaphore_mem>>)
      %add3A_113 = arith.constant 4 : i32
      %add3A_114 = arith.addi %mul3A_64, %add3A_113 : i32
      %add3A_115 = arith.constant 0 : i32
      %add3A_116 = arith.addi %add3A_114, %add3A_115 : i32
      %dma_start3A_117 = arith.constant 0 : i32
      %dma_start3A_118 = arith.constant 0 : i32
      %dma_start3A_119 = tpu.memref_slice %arg10[%dma_start3A_117, %dma_start3A_118] : memref<512x64xf32, #tpu.memory_space<vmem>> -> memref<128x64xf32, #tpu.memory_space<vmem>>
      %dma_start3A_120 = arith.constant 0 : i32
      %dma_start3A_121 = tpu.memref_slice %arg7[%add3A_116, %dma_start3A_120] : memref<112x128xi32, #tpu.memory_space<vmem>> -> memref<1x128xi32, #tpu.memory_space<vmem>>
      %dma_start3A_122 = tpu.memref_squeeze %dma_start3A_121 : memref<1x128xi32, #tpu.memory_space<vmem>> -> memref<128xi32, #tpu.memory_space<vmem>>
      %dma_start3A_123 = arith.constant 0 : i32
      %dma_start3A_124 = arith.constant 0 : i32
      %dma_start3A_125 = tpu.memref_slice %arg2[%dma_start3A_123, %dma_start3A_124] : memref<10240x64xf32, #tpu.memory_space<hbm>> -> memref<10240x64xf32, #tpu.memory_space<hbm>>
      tpu.enqueue_indirect_dma source(%dma_start3A_125 : memref<10240x64xf32, #tpu.memory_space<hbm>>) target(%dma_start3A_119 : memref<128x64xf32, #tpu.memory_space<vmem>>) offsets(%dma_start3A_122 : memref<128xi32, #tpu.memory_space<vmem>>) semaphore(%arg13 : memref<!tpu.dma_semaphore, #tpu.memory_space<semaphore_mem>>)
      %add3A_126 = arith.constant 4 : i32
      %add3A_127 = arith.addi %mul3A_64, %add3A_126 : i32
      %add3A_128 = arith.constant 1 : i32
      %add3A_129 = arith.addi %add3A_127, %add3A_128 : i32
      %dma_start3A_130 = arith.constant 128 : i32
      %dma_start3A_131 = arith.constant 0 : i32
      %dma_start3A_132 = tpu.memref_slice %arg10[%dma_start3A_130, %dma_start3A_131] : memref<512x64xf32, #tpu.memory_space<vmem>> -> memref<128x64xf32, #tpu.memory_space<vmem>>
      %dma_start3A_133 = arith.constant 0 : i32
      %dma_start3A_134 = tpu.memref_slice %arg7[%add3A_129, %dma_start3A_133] : memref<112x128xi32, #tpu.memory_space<vmem>> -> memref<1x128xi32, #tpu.memory_space<vmem>>
      %dma_start3A_135 = tpu.memref_squeeze %dma_start3A_134 : memref<1x128xi32, #tpu.memory_space<vmem>> -> memref<128xi32, #tpu.memory_space<vmem>>
      %dma_start3A_136 = arith.constant 0 : i32
      %dma_start3A_137 = arith.constant 0 : i32
      %dma_start3A_138 = tpu.memref_slice %arg2[%dma_start3A_136, %dma_start3A_137] : memref<10240x64xf32, #tpu.memory_space<hbm>> -> memref<10240x64xf32, #tpu.memory_space<hbm>>
      tpu.enqueue_indirect_dma source(%dma_start3A_138 : memref<10240x64xf32, #tpu.memory_space<hbm>>) target(%dma_start3A_132 : memref<128x64xf32, #tpu.memory_space<vmem>>) offsets(%dma_start3A_135 : memref<128xi32, #tpu.memory_space<vmem>>) semaphore(%arg13 : memref<!tpu.dma_semaphore, #tpu.memory_space<semaphore_mem>>)
      %add3A_139 = arith.constant 4 : i32
      %add3A_140 = arith.addi %mul3A_64, %add3A_139 : i32
      %add3A_141 = arith.constant 2 : i32
      %add3A_142 = arith.addi %add3A_140, %add3A_141 : i32
      %dma_start3A_143 = arith.constant 256 : i32
      %dma_start3A_144 = arith.constant 0 : i32
      %dma_start3A_145 = tpu.memref_slice %arg10[%dma_start3A_143, %dma_start3A_144] : memref<512x64xf32, #tpu.memory_space<vmem>> -> memref<128x64xf32, #tpu.memory_space<vmem>>
      %dma_start3A_146 = arith.constant 0 : i32
      %dma_start3A_147 = tpu.memref_slice %arg7[%add3A_142, %dma_start3A_146] : memref<112x128xi32, #tpu.memory_space<vmem>> -> memref<1x128xi32, #tpu.memory_space<vmem>>
      %dma_start3A_148 = tpu.memref_squeeze %dma_start3A_147 : memref<1x128xi32, #tpu.memory_space<vmem>> -> memref<128xi32, #tpu.memory_space<vmem>>
      %dma_start3A_149 = arith.constant 0 : i32
      %dma_start3A_150 = arith.constant 0 : i32
      %dma_start3A_151 = tpu.memref_slice %arg2[%dma_start3A_149, %dma_start3A_150] : memref<10240x64xf32, #tpu.memory_space<hbm>> -> memref<10240x64xf32, #tpu.memory_space<hbm>>
      tpu.enqueue_indirect_dma source(%dma_start3A_151 : memref<10240x64xf32, #tpu.memory_space<hbm>>) target(%dma_start3A_145 : memref<128x64xf32, #tpu.memory_space<vmem>>) offsets(%dma_start3A_148 : memref<128xi32, #tpu.memory_space<vmem>>) semaphore(%arg13 : memref<!tpu.dma_semaphore, #tpu.memory_space<semaphore_mem>>)
      %add3A_152 = arith.constant 4 : i32
      %add3A_153 = arith.addi %mul3A_64, %add3A_152 : i32
      %add3A_154 = arith.constant 3 : i32
      %add3A_155 = arith.addi %add3A_153, %add3A_154 : i32
      %dma_start3A_156 = arith.constant 384 : i32
      %dma_start3A_157 = arith.constant 0 : i32
      %dma_start3A_158 = tpu.memref_slice %arg10[%dma_start3A_156, %dma_start3A_157] : memref<512x64xf32, #tpu.memory_space<vmem>> -> memref<128x64xf32, #tpu.memory_space<vmem>>
      %dma_start3A_159 = arith.constant 0 : i32
      %dma_start3A_160 = tpu.memref_slice %arg7[%add3A_155, %dma_start3A_159] : memref<112x128xi32, #tpu.memory_space<vmem>> -> memref<1x128xi32, #tpu.memory_space<vmem>>
      %dma_start3A_161 = tpu.memref_squeeze %dma_start3A_160 : memref<1x128xi32, #tpu.memory_space<vmem>> -> memref<128xi32, #tpu.memory_space<vmem>>
      %dma_start3A_162 = arith.constant 0 : i32
      %dma_start3A_163 = arith.constant 0 : i32
      %dma_start3A_164 = tpu.memref_slice %arg2[%dma_start3A_162, %dma_start3A_163] : memref<10240x64xf32, #tpu.memory_space<hbm>> -> memref<10240x64xf32, #tpu.memory_space<hbm>>
      tpu.enqueue_indirect_dma source(%dma_start3A_164 : memref<10240x64xf32, #tpu.memory_space<hbm>>) target(%dma_start3A_158 : memref<128x64xf32, #tpu.memory_space<vmem>>) offsets(%dma_start3A_161 : memref<128xi32, #tpu.memory_space<vmem>>) semaphore(%arg13 : memref<!tpu.dma_semaphore, #tpu.memory_space<semaphore_mem>>)
      %dma_wait3A = arith.constant 0 : i32
      %dma_wait3A_165 = arith.constant 0 : i32
      %dma_wait3A_166 = tpu.memref_slice %arg9[%dma_wait3A, %dma_wait3A_165] : memref<512x64xf32, #tpu.memory_space<vmem>> -> memref<128x64xf32, #tpu.memory_space<vmem>>
      %dma_wait3A_167 = arith.constant 0 : i32
      %dma_wait3A_168 = tpu.memref_slice %arg7[%add3A_70, %dma_wait3A_167] : memref<112x128xi32, #tpu.memory_space<vmem>> -> memref<1x128xi32, #tpu.memory_space<vmem>>
      %dma_wait3A_169 = tpu.memref_squeeze %dma_wait3A_168 : memref<1x128xi32, #tpu.memory_space<vmem>> -> memref<128xi32, #tpu.memory_space<vmem>>
      %dma_wait3A_170 = arith.constant 0 : i32
      %dma_wait3A_171 = arith.constant 0 : i32
      %dma_wait3A_172 = tpu.memref_slice %arg2[%dma_wait3A_170, %dma_wait3A_171] : memref<10240x64xf32, #tpu.memory_space<hbm>> -> memref<10240x64xf32, #tpu.memory_space<hbm>>
      tpu.wait_indirect_dma semaphore(%arg12 : memref<!tpu.dma_semaphore, #tpu.memory_space<semaphore_mem>>) src(%dma_wait3A_172 : memref<10240x64xf32, #tpu.memory_space<hbm>>) dst(%dma_wait3A_166 : memref<128x64xf32, #tpu.memory_space<vmem>>)
      %dma_wait3A_173 = arith.constant 128 : i32
      %dma_wait3A_174 = arith.constant 0 : i32
      %dma_wait3A_175 = tpu.memref_slice %arg9[%dma_wait3A_173, %dma_wait3A_174] : memref<512x64xf32, #tpu.memory_space<vmem>> -> memref<128x64xf32, #tpu.memory_space<vmem>>
      %dma_wait3A_176 = arith.constant 0 : i32
      %dma_wait3A_177 = tpu.memref_slice %arg7[%add3A_81, %dma_wait3A_176] : memref<112x128xi32, #tpu.memory_space<vmem>> -> memref<1x128xi32, #tpu.memory_space<vmem>>
      %dma_wait3A_178 = tpu.memref_squeeze %dma_wait3A_177 : memref<1x128xi32, #tpu.memory_space<vmem>> -> memref<128xi32, #tpu.memory_space<vmem>>
      %dma_wait3A_179 = arith.constant 0 : i32
      %dma_wait3A_180 = arith.constant 0 : i32
      %dma_wait3A_181 = tpu.memref_slice %arg2[%dma_wait3A_179, %dma_wait3A_180] : memref<10240x64xf32, #tpu.memory_space<hbm>> -> memref<10240x64xf32, #tpu.memory_space<hbm>>
      tpu.wait_indirect_dma semaphore(%arg12 : memref<!tpu.dma_semaphore, #tpu.memory_space<semaphore_mem>>) src(%dma_wait3A_181 : memref<10240x64xf32, #tpu.memory_space<hbm>>) dst(%dma_wait3A_175 : memref<128x64xf32, #tpu.memory_space<vmem>>)
      %dma_wait3A_182 = arith.constant 256 : i32
      %dma_wait3A_183 = arith.constant 0 : i32
      %dma_wait3A_184 = tpu.memref_slice %arg9[%dma_wait3A_182, %dma_wait3A_183] : memref<512x64xf32, #tpu.memory_space<vmem>> -> memref<128x64xf32, #tpu.memory_space<vmem>>
      %dma_wait3A_185 = arith.constant 0 : i32
      %dma_wait3A_186 = tpu.memref_slice %arg7[%add3A_92, %dma_wait3A_185] : memref<112x128xi32, #tpu.memory_space<vmem>> -> memref<1x128xi32, #tpu.memory_space<vmem>>
      %dma_wait3A_187 = tpu.memref_squeeze %dma_wait3A_186 : memref<1x128xi32, #tpu.memory_space<vmem>> -> memref<128xi32, #tpu.memory_space<vmem>>
      %dma_wait3A_188 = arith.constant 0 : i32
      %dma_wait3A_189 = arith.constant 0 : i32
      %dma_wait3A_190 = tpu.memref_slice %arg2[%dma_wait3A_188, %dma_wait3A_189] : memref<10240x64xf32, #tpu.memory_space<hbm>> -> memref<10240x64xf32, #tpu.memory_space<hbm>>
      tpu.wait_indirect_dma semaphore(%arg12 : memref<!tpu.dma_semaphore, #tpu.memory_space<semaphore_mem>>) src(%dma_wait3A_190 : memref<10240x64xf32, #tpu.memory_space<hbm>>) dst(%dma_wait3A_184 : memref<128x64xf32, #tpu.memory_space<vmem>>)
      %dma_wait3A_191 = arith.constant 384 : i32
      %dma_wait3A_192 = arith.constant 0 : i32
      %dma_wait3A_193 = tpu.memref_slice %arg9[%dma_wait3A_191, %dma_wait3A_192] : memref<512x64xf32, #tpu.memory_space<vmem>> -> memref<128x64xf32, #tpu.memory_space<vmem>>
      %dma_wait3A_194 = arith.constant 0 : i32
      %dma_wait3A_195 = tpu.memref_slice %arg7[%add3A_103, %dma_wait3A_194] : memref<112x128xi32, #tpu.memory_space<vmem>> -> memref<1x128xi32, #tpu.memory_space<vmem>>
      %dma_wait3A_196 = tpu.memref_squeeze %dma_wait3A_195 : memref<1x128xi32, #tpu.memory_space<vmem>> -> memref<128xi32, #tpu.memory_space<vmem>>
      %dma_wait3A_197 = arith.constant 0 : i32
      %dma_wait3A_198 = arith.constant 0 : i32
      %dma_wait3A_199 = tpu.memref_slice %arg2[%dma_wait3A_197, %dma_wait3A_198] : memref<10240x64xf32, #tpu.memory_space<hbm>> -> memref<10240x64xf32, #tpu.memory_space<hbm>>
      tpu.wait_indirect_dma semaphore(%arg12 : memref<!tpu.dma_semaphore, #tpu.memory_space<semaphore_mem>>) src(%dma_wait3A_199 : memref<10240x64xf32, #tpu.memory_space<hbm>>) dst(%dma_wait3A_193 : memref<128x64xf32, #tpu.memory_space<vmem>>)
      %dma_wait3A_200 = arith.constant 0 : i32
      %dma_wait3A_201 = tpu.memref_slice %arg4[%add3A_65, %dma_wait3A_200] : memref<2560x128xi32, #tpu.memory_space<hbm>> -> memref<8x128xi32, #tpu.memory_space<hbm>>
      %dma_wait3A_202 = arith.constant 0 : i32
      %dma_wait3A_203 = tpu.memref_slice %arg4[%add3A_65, %dma_wait3A_202] : memref<2560x128xi32, #tpu.memory_space<hbm>> -> memref<8x128xi32, #tpu.memory_space<hbm>>
      tpu.wait_dma2 semaphore(%arg16 : memref<!tpu.dma_semaphore, #tpu.memory_space<semaphore_mem>>) src(%dma_wait3A_203 : memref<8x128xi32, #tpu.memory_space<hbm>>) dst(%arg8 : memref<8x128xi32, #tpu.memory_space<vmem>>)
      %dma_start3A_204 = arith.constant 0 : i32
      %dma_start3A_205 = arith.constant 0 : i32
      %dma_start3A_206 = arith.constant 0 : i32
      %dma_start3A_207 = tpu.memref_slice %arg9[%dma_start3A_205, %dma_start3A_206] : memref<512x64xf32, #tpu.memory_space<vmem>> -> memref<128x64xf32, #tpu.memory_space<vmem>>
      %dma_start3A_208 = arith.constant 0 : i32
      %dma_start3A_209 = tpu.memref_slice %arg8[%dma_start3A_204, %dma_start3A_208] : memref<8x128xi32, #tpu.memory_space<vmem>> -> memref<1x128xi32, #tpu.memory_space<vmem>>
      %dma_start3A_210 = tpu.memref_squeeze %dma_start3A_209 : memref<1x128xi32, #tpu.memory_space<vmem>> -> memref<128xi32, #tpu.memory_space<vmem>>
      %dma_start3A_211 = arith.constant 0 : i32
      %dma_start3A_212 = arith.constant 0 : i32
      %dma_start3A_213 = tpu.memref_slice %arg11[%dma_start3A_211, %dma_start3A_212] : memref<10240x64xf32, #tpu.memory_space<vmem_shared>> -> memref<10240x64xf32, #tpu.memory_space<vmem_shared>>
      tpu.enqueue_indirect_dma source(%dma_start3A_207 : memref<128x64xf32, #tpu.memory_space<vmem>>) target(%dma_start3A_213 : memref<10240x64xf32, #tpu.memory_space<vmem_shared>>) offsets(%dma_start3A_210 : memref<128xi32, #tpu.memory_space<vmem>>) semaphore(%arg14 : memref<!tpu.dma_semaphore, #tpu.memory_space<semaphore_mem>>) {add = true}
      %dma_start3A_214 = arith.constant 1 : i32
      %dma_start3A_215 = arith.constant 128 : i32
      %dma_start3A_216 = arith.constant 0 : i32
      %dma_start3A_217 = tpu.memref_slice %arg9[%dma_start3A_215, %dma_start3A_216] : memref<512x64xf32, #tpu.memory_space<vmem>> -> memref<128x64xf32, #tpu.memory_space<vmem>>
      %dma_start3A_218 = arith.constant 0 : i32
      %dma_start3A_219 = tpu.memref_slice %arg8[%dma_start3A_214, %dma_start3A_218] : memref<8x128xi32, #tpu.memory_space<vmem>> -> memref<1x128xi32, #tpu.memory_space<vmem>>
      %dma_start3A_220 = tpu.memref_squeeze %dma_start3A_219 : memref<1x128xi32, #tpu.memory_space<vmem>> -> memref<128xi32, #tpu.memory_space<vmem>>
      %dma_start3A_221 = arith.constant 0 : i32
      %dma_start3A_222 = arith.constant 0 : i32
      %dma_start3A_223 = tpu.memref_slice %arg11[%dma_start3A_221, %dma_start3A_222] : memref<10240x64xf32, #tpu.memory_space<vmem_shared>> -> memref<10240x64xf32, #tpu.memory_space<vmem_shared>>
      tpu.enqueue_indirect_dma source(%dma_start3A_217 : memref<128x64xf32, #tpu.memory_space<vmem>>) target(%dma_start3A_223 : memref<10240x64xf32, #tpu.memory_space<vmem_shared>>) offsets(%dma_start3A_220 : memref<128xi32, #tpu.memory_space<vmem>>) semaphore(%arg14 : memref<!tpu.dma_semaphore, #tpu.memory_space<semaphore_mem>>) {add = true}
      %dma_start3A_224 = arith.constant 2 : i32
      %dma_start3A_225 = arith.constant 256 : i32
      %dma_start3A_226 = arith.constant 0 : i32
      %dma_start3A_227 = tpu.memref_slice %arg9[%dma_start3A_225, %dma_start3A_226] : memref<512x64xf32, #tpu.memory_space<vmem>> -> memref<128x64xf32, #tpu.memory_space<vmem>>
      %dma_start3A_228 = arith.constant 0 : i32
      %dma_start3A_229 = tpu.memref_slice %arg8[%dma_start3A_224, %dma_start3A_228] : memref<8x128xi32, #tpu.memory_space<vmem>> -> memref<1x128xi32, #tpu.memory_space<vmem>>
      %dma_start3A_230 = tpu.memref_squeeze %dma_start3A_229 : memref<1x128xi32, #tpu.memory_space<vmem>> -> memref<128xi32, #tpu.memory_space<vmem>>
      %dma_start3A_231 = arith.constant 0 : i32
      %dma_start3A_232 = arith.constant 0 : i32
      %dma_start3A_233 = tpu.memref_slice %arg11[%dma_start3A_231, %dma_start3A_232] : memref<10240x64xf32, #tpu.memory_space<vmem_shared>> -> memref<10240x64xf32, #tpu.memory_space<vmem_shared>>
      tpu.enqueue_indirect_dma source(%dma_start3A_227 : memref<128x64xf32, #tpu.memory_space<vmem>>) target(%dma_start3A_233 : memref<10240x64xf32, #tpu.memory_space<vmem_shared>>) offsets(%dma_start3A_230 : memref<128xi32, #tpu.memory_space<vmem>>) semaphore(%arg14 : memref<!tpu.dma_semaphore, #tpu.memory_space<semaphore_mem>>) {add = true}
      %dma_start3A_234 = arith.constant 3 : i32
      %dma_start3A_235 = arith.constant 384 : i32
      %dma_start3A_236 = arith.constant 0 : i32
      %dma_start3A_237 = tpu.memref_slice %arg9[%dma_start3A_235, %dma_start3A_236] : memref<512x64xf32, #tpu.memory_space<vmem>> -> memref<128x64xf32, #tpu.memory_space<vmem>>
      %dma_start3A_238 = arith.constant 0 : i32
      %dma_start3A_239 = tpu.memref_slice %arg8[%dma_start3A_234, %dma_start3A_238] : memref<8x128xi32, #tpu.memory_space<vmem>> -> memref<1x128xi32, #tpu.memory_space<vmem>>
      %dma_start3A_240 = tpu.memref_squeeze %dma_start3A_239 : memref<1x128xi32, #tpu.memory_space<vmem>> -> memref<128xi32, #tpu.memory_space<vmem>>
      %dma_start3A_241 = arith.constant 0 : i32
      %dma_start3A_242 = arith.constant 0 : i32
      %dma_start3A_243 = tpu.memref_slice %arg11[%dma_start3A_241, %dma_start3A_242] : memref<10240x64xf32, #tpu.memory_space<vmem_shared>> -> memref<10240x64xf32, #tpu.memory_space<vmem_shared>>
      tpu.enqueue_indirect_dma source(%dma_start3A_237 : memref<128x64xf32, #tpu.memory_space<vmem>>) target(%dma_start3A_243 : memref<10240x64xf32, #tpu.memory_space<vmem_shared>>) offsets(%dma_start3A_240 : memref<128xi32, #tpu.memory_space<vmem>>) semaphore(%arg14 : memref<!tpu.dma_semaphore, #tpu.memory_space<semaphore_mem>>) {add = true}
      %dma_wait3A_244 = arith.constant 0 : i32
      %dma_wait3A_245 = arith.constant 0 : i32
      %dma_wait3A_246 = tpu.memref_slice %arg10[%dma_wait3A_244, %dma_wait3A_245] : memref<512x64xf32, #tpu.memory_space<vmem>> -> memref<128x64xf32, #tpu.memory_space<vmem>>
      %dma_wait3A_247 = arith.constant 0 : i32
      %dma_wait3A_248 = tpu.memref_slice %arg7[%add3A_116, %dma_wait3A_247] : memref<112x128xi32, #tpu.memory_space<vmem>> -> memref<1x128xi32, #tpu.memory_space<vmem>>
      %dma_wait3A_249 = tpu.memref_squeeze %dma_wait3A_248 : memref<1x128xi32, #tpu.memory_space<vmem>> -> memref<128xi32, #tpu.memory_space<vmem>>
      %dma_wait3A_250 = arith.constant 0 : i32
      %dma_wait3A_251 = arith.constant 0 : i32
      %dma_wait3A_252 = tpu.memref_slice %arg2[%dma_wait3A_250, %dma_wait3A_251] : memref<10240x64xf32, #tpu.memory_space<hbm>> -> memref<10240x64xf32, #tpu.memory_space<hbm>>
      tpu.wait_indirect_dma semaphore(%arg13 : memref<!tpu.dma_semaphore, #tpu.memory_space<semaphore_mem>>) src(%dma_wait3A_252 : memref<10240x64xf32, #tpu.memory_space<hbm>>) dst(%dma_wait3A_246 : memref<128x64xf32, #tpu.memory_space<vmem>>)
      %dma_wait3A_253 = arith.constant 128 : i32
      %dma_wait3A_254 = arith.constant 0 : i32
      %dma_wait3A_255 = tpu.memref_slice %arg10[%dma_wait3A_253, %dma_wait3A_254] : memref<512x64xf32, #tpu.memory_space<vmem>> -> memref<128x64xf32, #tpu.memory_space<vmem>>
      %dma_wait3A_256 = arith.constant 0 : i32
      %dma_wait3A_257 = tpu.memref_slice %arg7[%add3A_129, %dma_wait3A_256] : memref<112x128xi32, #tpu.memory_space<vmem>> -> memref<1x128xi32, #tpu.memory_space<vmem>>
      %dma_wait3A_258 = tpu.memref_squeeze %dma_wait3A_257 : memref<1x128xi32, #tpu.memory_space<vmem>> -> memref<128xi32, #tpu.memory_space<vmem>>
      %dma_wait3A_259 = arith.constant 0 : i32
      %dma_wait3A_260 = arith.constant 0 : i32
      %dma_wait3A_261 = tpu.memref_slice %arg2[%dma_wait3A_259, %dma_wait3A_260] : memref<10240x64xf32, #tpu.memory_space<hbm>> -> memref<10240x64xf32, #tpu.memory_space<hbm>>
      tpu.wait_indirect_dma semaphore(%arg13 : memref<!tpu.dma_semaphore, #tpu.memory_space<semaphore_mem>>) src(%dma_wait3A_261 : memref<10240x64xf32, #tpu.memory_space<hbm>>) dst(%dma_wait3A_255 : memref<128x64xf32, #tpu.memory_space<vmem>>)
      %dma_wait3A_262 = arith.constant 256 : i32
      %dma_wait3A_263 = arith.constant 0 : i32
      %dma_wait3A_264 = tpu.memref_slice %arg10[%dma_wait3A_262, %dma_wait3A_263] : memref<512x64xf32, #tpu.memory_space<vmem>> -> memref<128x64xf32, #tpu.memory_space<vmem>>
      %dma_wait3A_265 = arith.constant 0 : i32
      %dma_wait3A_266 = tpu.memref_slice %arg7[%add3A_142, %dma_wait3A_265] : memref<112x128xi32, #tpu.memory_space<vmem>> -> memref<1x128xi32, #tpu.memory_space<vmem>>
      %dma_wait3A_267 = tpu.memref_squeeze %dma_wait3A_266 : memref<1x128xi32, #tpu.memory_space<vmem>> -> memref<128xi32, #tpu.memory_space<vmem>>
      %dma_wait3A_268 = arith.constant 0 : i32
      %dma_wait3A_269 = arith.constant 0 : i32
      %dma_wait3A_270 = tpu.memref_slice %arg2[%dma_wait3A_268, %dma_wait3A_269] : memref<10240x64xf32, #tpu.memory_space<hbm>> -> memref<10240x64xf32, #tpu.memory_space<hbm>>
      tpu.wait_indirect_dma semaphore(%arg13 : memref<!tpu.dma_semaphore, #tpu.memory_space<semaphore_mem>>) src(%dma_wait3A_270 : memref<10240x64xf32, #tpu.memory_space<hbm>>) dst(%dma_wait3A_264 : memref<128x64xf32, #tpu.memory_space<vmem>>)
      %dma_wait3A_271 = arith.constant 384 : i32
      %dma_wait3A_272 = arith.constant 0 : i32
      %dma_wait3A_273 = tpu.memref_slice %arg10[%dma_wait3A_271, %dma_wait3A_272] : memref<512x64xf32, #tpu.memory_space<vmem>> -> memref<128x64xf32, #tpu.memory_space<vmem>>
      %dma_wait3A_274 = arith.constant 0 : i32
      %dma_wait3A_275 = tpu.memref_slice %arg7[%add3A_155, %dma_wait3A_274] : memref<112x128xi32, #tpu.memory_space<vmem>> -> memref<1x128xi32, #tpu.memory_space<vmem>>
      %dma_wait3A_276 = tpu.memref_squeeze %dma_wait3A_275 : memref<1x128xi32, #tpu.memory_space<vmem>> -> memref<128xi32, #tpu.memory_space<vmem>>
      %dma_wait3A_277 = arith.constant 0 : i32
      %dma_wait3A_278 = arith.constant 0 : i32
      %dma_wait3A_279 = tpu.memref_slice %arg2[%dma_wait3A_277, %dma_wait3A_278] : memref<10240x64xf32, #tpu.memory_space<hbm>> -> memref<10240x64xf32, #tpu.memory_space<hbm>>
      tpu.wait_indirect_dma semaphore(%arg13 : memref<!tpu.dma_semaphore, #tpu.memory_space<semaphore_mem>>) src(%dma_wait3A_279 : memref<10240x64xf32, #tpu.memory_space<hbm>>) dst(%dma_wait3A_273 : memref<128x64xf32, #tpu.memory_space<vmem>>)
      %dma_start3A_280 = arith.constant 4 : i32
      %dma_start3A_281 = arith.constant 0 : i32
      %dma_start3A_282 = arith.constant 0 : i32
      %dma_start3A_283 = tpu.memref_slice %arg10[%dma_start3A_281, %dma_start3A_282] : memref<512x64xf32, #tpu.memory_space<vmem>> -> memref<128x64xf32, #tpu.memory_space<vmem>>
      %dma_start3A_284 = arith.constant 0 : i32
      %dma_start3A_285 = tpu.memref_slice %arg8[%dma_start3A_280, %dma_start3A_284] : memref<8x128xi32, #tpu.memory_space<vmem>> -> memref<1x128xi32, #tpu.memory_space<vmem>>
      %dma_start3A_286 = tpu.memref_squeeze %dma_start3A_285 : memref<1x128xi32, #tpu.memory_space<vmem>> -> memref<128xi32, #tpu.memory_space<vmem>>
      %dma_start3A_287 = arith.constant 0 : i32
      %dma_start3A_288 = arith.constant 0 : i32
      %dma_start3A_289 = tpu.memref_slice %arg11[%dma_start3A_287, %dma_start3A_288] : memref<10240x64xf32, #tpu.memory_space<vmem_shared>> -> memref<10240x64xf32, #tpu.memory_space<vmem_shared>>
      tpu.enqueue_indirect_dma source(%dma_start3A_283 : memref<128x64xf32, #tpu.memory_space<vmem>>) target(%dma_start3A_289 : memref<10240x64xf32, #tpu.memory_space<vmem_shared>>) offsets(%dma_start3A_286 : memref<128xi32, #tpu.memory_space<vmem>>) semaphore(%arg15 : memref<!tpu.dma_semaphore, #tpu.memory_space<semaphore_mem>>) {add = true}
      %dma_start3A_290 = arith.constant 5 : i32
      %dma_start3A_291 = arith.constant 128 : i32
      %dma_start3A_292 = arith.constant 0 : i32
      %dma_start3A_293 = tpu.memref_slice %arg10[%dma_start3A_291, %dma_start3A_292] : memref<512x64xf32, #tpu.memory_space<vmem>> -> memref<128x64xf32, #tpu.memory_space<vmem>>
      %dma_start3A_294 = arith.constant 0 : i32
      %dma_start3A_295 = tpu.memref_slice %arg8[%dma_start3A_290, %dma_start3A_294] : memref<8x128xi32, #tpu.memory_space<vmem>> -> memref<1x128xi32, #tpu.memory_space<vmem>>
      %dma_start3A_296 = tpu.memref_squeeze %dma_start3A_295 : memref<1x128xi32, #tpu.memory_space<vmem>> -> memref<128xi32, #tpu.memory_space<vmem>>
      %dma_start3A_297 = arith.constant 0 : i32
      %dma_start3A_298 = arith.constant 0 : i32
      %dma_start3A_299 = tpu.memref_slice %arg11[%dma_start3A_297, %dma_start3A_298] : memref<10240x64xf32, #tpu.memory_space<vmem_shared>> -> memref<10240x64xf32, #tpu.memory_space<vmem_shared>>
      tpu.enqueue_indirect_dma source(%dma_start3A_293 : memref<128x64xf32, #tpu.memory_space<vmem>>) target(%dma_start3A_299 : memref<10240x64xf32, #tpu.memory_space<vmem_shared>>) offsets(%dma_start3A_296 : memref<128xi32, #tpu.memory_space<vmem>>) semaphore(%arg15 : memref<!tpu.dma_semaphore, #tpu.memory_space<semaphore_mem>>) {add = true}
      %dma_start3A_300 = arith.constant 6 : i32
      %dma_start3A_301 = arith.constant 256 : i32
      %dma_start3A_302 = arith.constant 0 : i32
      %dma_start3A_303 = tpu.memref_slice %arg10[%dma_start3A_301, %dma_start3A_302] : memref<512x64xf32, #tpu.memory_space<vmem>> -> memref<128x64xf32, #tpu.memory_space<vmem>>
      %dma_start3A_304 = arith.constant 0 : i32
      %dma_start3A_305 = tpu.memref_slice %arg8[%dma_start3A_300, %dma_start3A_304] : memref<8x128xi32, #tpu.memory_space<vmem>> -> memref<1x128xi32, #tpu.memory_space<vmem>>
      %dma_start3A_306 = tpu.memref_squeeze %dma_start3A_305 : memref<1x128xi32, #tpu.memory_space<vmem>> -> memref<128xi32, #tpu.memory_space<vmem>>
      %dma_start3A_307 = arith.constant 0 : i32
      %dma_start3A_308 = arith.constant 0 : i32
      %dma_start3A_309 = tpu.memref_slice %arg11[%dma_start3A_307, %dma_start3A_308] : memref<10240x64xf32, #tpu.memory_space<vmem_shared>> -> memref<10240x64xf32, #tpu.memory_space<vmem_shared>>
      tpu.enqueue_indirect_dma source(%dma_start3A_303 : memref<128x64xf32, #tpu.memory_space<vmem>>) target(%dma_start3A_309 : memref<10240x64xf32, #tpu.memory_space<vmem_shared>>) offsets(%dma_start3A_306 : memref<128xi32, #tpu.memory_space<vmem>>) semaphore(%arg15 : memref<!tpu.dma_semaphore, #tpu.memory_space<semaphore_mem>>) {add = true}
      %dma_start3A_310 = arith.constant 7 : i32
      %dma_start3A_311 = arith.constant 384 : i32
      %dma_start3A_312 = arith.constant 0 : i32
      %dma_start3A_313 = tpu.memref_slice %arg10[%dma_start3A_311, %dma_start3A_312] : memref<512x64xf32, #tpu.memory_space<vmem>> -> memref<128x64xf32, #tpu.memory_space<vmem>>
      %dma_start3A_314 = arith.constant 0 : i32
      %dma_start3A_315 = tpu.memref_slice %arg8[%dma_start3A_310, %dma_start3A_314] : memref<8x128xi32, #tpu.memory_space<vmem>> -> memref<1x128xi32, #tpu.memory_space<vmem>>
      %dma_start3A_316 = tpu.memref_squeeze %dma_start3A_315 : memref<1x128xi32, #tpu.memory_space<vmem>> -> memref<128xi32, #tpu.memory_space<vmem>>
      %dma_start3A_317 = arith.constant 0 : i32
      %dma_start3A_318 = arith.constant 0 : i32
      %dma_start3A_319 = tpu.memref_slice %arg11[%dma_start3A_317, %dma_start3A_318] : memref<10240x64xf32, #tpu.memory_space<vmem_shared>> -> memref<10240x64xf32, #tpu.memory_space<vmem_shared>>
      tpu.enqueue_indirect_dma source(%dma_start3A_313 : memref<128x64xf32, #tpu.memory_space<vmem>>) target(%dma_start3A_319 : memref<10240x64xf32, #tpu.memory_space<vmem_shared>>) offsets(%dma_start3A_316 : memref<128xi32, #tpu.memory_space<vmem>>) semaphore(%arg15 : memref<!tpu.dma_semaphore, #tpu.memory_space<semaphore_mem>>) {add = true}
      %dma_wait3A_320 = arith.constant 0 : i32
      %dma_wait3A_321 = arith.constant 0 : i32
      %dma_wait3A_322 = arith.constant 0 : i32
      %dma_wait3A_323 = tpu.memref_slice %arg9[%dma_wait3A_321, %dma_wait3A_322] : memref<512x64xf32, #tpu.memory_space<vmem>> -> memref<128x64xf32, #tpu.memory_space<vmem>>
      %dma_wait3A_324 = arith.constant 0 : i32
      %dma_wait3A_325 = tpu.memref_slice %arg8[%dma_wait3A_320, %dma_wait3A_324] : memref<8x128xi32, #tpu.memory_space<vmem>> -> memref<1x128xi32, #tpu.memory_space<vmem>>
      %dma_wait3A_326 = tpu.memref_squeeze %dma_wait3A_325 : memref<1x128xi32, #tpu.memory_space<vmem>> -> memref<128xi32, #tpu.memory_space<vmem>>
      %dma_wait3A_327 = arith.constant 0 : i32
      %dma_wait3A_328 = arith.constant 0 : i32
      %dma_wait3A_329 = tpu.memref_slice %arg11[%dma_wait3A_327, %dma_wait3A_328] : memref<10240x64xf32, #tpu.memory_space<vmem_shared>> -> memref<10240x64xf32, #tpu.memory_space<vmem_shared>>
      tpu.wait_indirect_dma semaphore(%arg14 : memref<!tpu.dma_semaphore, #tpu.memory_space<semaphore_mem>>) src(%dma_wait3A_323 : memref<128x64xf32, #tpu.memory_space<vmem>>) dst(%dma_wait3A_329 : memref<10240x64xf32, #tpu.memory_space<vmem_shared>>)
      %dma_wait3A_330 = arith.constant 1 : i32
      %dma_wait3A_331 = arith.constant 128 : i32
      %dma_wait3A_332 = arith.constant 0 : i32
      %dma_wait3A_333 = tpu.memref_slice %arg9[%dma_wait3A_331, %dma_wait3A_332] : memref<512x64xf32, #tpu.memory_space<vmem>> -> memref<128x64xf32, #tpu.memory_space<vmem>>
      %dma_wait3A_334 = arith.constant 0 : i32
      %dma_wait3A_335 = tpu.memref_slice %arg8[%dma_wait3A_330, %dma_wait3A_334] : memref<8x128xi32, #tpu.memory_space<vmem>> -> memref<1x128xi32, #tpu.memory_space<vmem>>
      %dma_wait3A_336 = tpu.memref_squeeze %dma_wait3A_335 : memref<1x128xi32, #tpu.memory_space<vmem>> -> memref<128xi32, #tpu.memory_space<vmem>>
      %dma_wait3A_337 = arith.constant 0 : i32
      %dma_wait3A_338 = arith.constant 0 : i32
      %dma_wait3A_339 = tpu.memref_slice %arg11[%dma_wait3A_337, %dma_wait3A_338] : memref<10240x64xf32, #tpu.memory_space<vmem_shared>> -> memref<10240x64xf32, #tpu.memory_space<vmem_shared>>
      tpu.wait_indirect_dma semaphore(%arg14 : memref<!tpu.dma_semaphore, #tpu.memory_space<semaphore_mem>>) src(%dma_wait3A_333 : memref<128x64xf32, #tpu.memory_space<vmem>>) dst(%dma_wait3A_339 : memref<10240x64xf32, #tpu.memory_space<vmem_shared>>)
      %dma_wait3A_340 = arith.constant 2 : i32
      %dma_wait3A_341 = arith.constant 256 : i32
      %dma_wait3A_342 = arith.constant 0 : i32
      %dma_wait3A_343 = tpu.memref_slice %arg9[%dma_wait3A_341, %dma_wait3A_342] : memref<512x64xf32, #tpu.memory_space<vmem>> -> memref<128x64xf32, #tpu.memory_space<vmem>>
      %dma_wait3A_344 = arith.constant 0 : i32
      %dma_wait3A_345 = tpu.memref_slice %arg8[%dma_wait3A_340, %dma_wait3A_344] : memref<8x128xi32, #tpu.memory_space<vmem>> -> memref<1x128xi32, #tpu.memory_space<vmem>>
      %dma_wait3A_346 = tpu.memref_squeeze %dma_wait3A_345 : memref<1x128xi32, #tpu.memory_space<vmem>> -> memref<128xi32, #tpu.memory_space<vmem>>
      %dma_wait3A_347 = arith.constant 0 : i32
      %dma_wait3A_348 = arith.constant 0 : i32
      %dma_wait3A_349 = tpu.memref_slice %arg11[%dma_wait3A_347, %dma_wait3A_348] : memref<10240x64xf32, #tpu.memory_space<vmem_shared>> -> memref<10240x64xf32, #tpu.memory_space<vmem_shared>>
      tpu.wait_indirect_dma semaphore(%arg14 : memref<!tpu.dma_semaphore, #tpu.memory_space<semaphore_mem>>) src(%dma_wait3A_343 : memref<128x64xf32, #tpu.memory_space<vmem>>) dst(%dma_wait3A_349 : memref<10240x64xf32, #tpu.memory_space<vmem_shared>>)
      %dma_wait3A_350 = arith.constant 3 : i32
      %dma_wait3A_351 = arith.constant 384 : i32
      %dma_wait3A_352 = arith.constant 0 : i32
      %dma_wait3A_353 = tpu.memref_slice %arg9[%dma_wait3A_351, %dma_wait3A_352] : memref<512x64xf32, #tpu.memory_space<vmem>> -> memref<128x64xf32, #tpu.memory_space<vmem>>
      %dma_wait3A_354 = arith.constant 0 : i32
      %dma_wait3A_355 = tpu.memref_slice %arg8[%dma_wait3A_350, %dma_wait3A_354] : memref<8x128xi32, #tpu.memory_space<vmem>> -> memref<1x128xi32, #tpu.memory_space<vmem>>
      %dma_wait3A_356 = tpu.memref_squeeze %dma_wait3A_355 : memref<1x128xi32, #tpu.memory_space<vmem>> -> memref<128xi32, #tpu.memory_space<vmem>>
      %dma_wait3A_357 = arith.constant 0 : i32
      %dma_wait3A_358 = arith.constant 0 : i32
      %dma_wait3A_359 = tpu.memref_slice %arg11[%dma_wait3A_357, %dma_wait3A_358] : memref<10240x64xf32, #tpu.memory_space<vmem_shared>> -> memref<10240x64xf32, #tpu.memory_space<vmem_shared>>
      tpu.wait_indirect_dma semaphore(%arg14 : memref<!tpu.dma_semaphore, #tpu.memory_space<semaphore_mem>>) src(%dma_wait3A_353 : memref<128x64xf32, #tpu.memory_space<vmem>>) dst(%dma_wait3A_359 : memref<10240x64xf32, #tpu.memory_space<vmem_shared>>)
      %dma_wait3A_360 = arith.constant 4 : i32
      %dma_wait3A_361 = arith.constant 0 : i32
      %dma_wait3A_362 = arith.constant 0 : i32
      %dma_wait3A_363 = tpu.memref_slice %arg10[%dma_wait3A_361, %dma_wait3A_362] : memref<512x64xf32, #tpu.memory_space<vmem>> -> memref<128x64xf32, #tpu.memory_space<vmem>>
      %dma_wait3A_364 = arith.constant 0 : i32
      %dma_wait3A_365 = tpu.memref_slice %arg8[%dma_wait3A_360, %dma_wait3A_364] : memref<8x128xi32, #tpu.memory_space<vmem>> -> memref<1x128xi32, #tpu.memory_space<vmem>>
      %dma_wait3A_366 = tpu.memref_squeeze %dma_wait3A_365 : memref<1x128xi32, #tpu.memory_space<vmem>> -> memref<128xi32, #tpu.memory_space<vmem>>
      %dma_wait3A_367 = arith.constant 0 : i32
      %dma_wait3A_368 = arith.constant 0 : i32
      %dma_wait3A_369 = tpu.memref_slice %arg11[%dma_wait3A_367, %dma_wait3A_368] : memref<10240x64xf32, #tpu.memory_space<vmem_shared>> -> memref<10240x64xf32, #tpu.memory_space<vmem_shared>>
      tpu.wait_indirect_dma semaphore(%arg15 : memref<!tpu.dma_semaphore, #tpu.memory_space<semaphore_mem>>) src(%dma_wait3A_363 : memref<128x64xf32, #tpu.memory_space<vmem>>) dst(%dma_wait3A_369 : memref<10240x64xf32, #tpu.memory_space<vmem_shared>>)
      %dma_wait3A_370 = arith.constant 5 : i32
      %dma_wait3A_371 = arith.constant 128 : i32
      %dma_wait3A_372 = arith.constant 0 : i32
      %dma_wait3A_373 = tpu.memref_slice %arg10[%dma_wait3A_371, %dma_wait3A_372] : memref<512x64xf32, #tpu.memory_space<vmem>> -> memref<128x64xf32, #tpu.memory_space<vmem>>
      %dma_wait3A_374 = arith.constant 0 : i32
      %dma_wait3A_375 = tpu.memref_slice %arg8[%dma_wait3A_370, %dma_wait3A_374] : memref<8x128xi32, #tpu.memory_space<vmem>> -> memref<1x128xi32, #tpu.memory_space<vmem>>
      %dma_wait3A_376 = tpu.memref_squeeze %dma_wait3A_375 : memref<1x128xi32, #tpu.memory_space<vmem>> -> memref<128xi32, #tpu.memory_space<vmem>>
      %dma_wait3A_377 = arith.constant 0 : i32
      %dma_wait3A_378 = arith.constant 0 : i32
      %dma_wait3A_379 = tpu.memref_slice %arg11[%dma_wait3A_377, %dma_wait3A_378] : memref<10240x64xf32, #tpu.memory_space<vmem_shared>> -> memref<10240x64xf32, #tpu.memory_space<vmem_shared>>
      tpu.wait_indirect_dma semaphore(%arg15 : memref<!tpu.dma_semaphore, #tpu.memory_space<semaphore_mem>>) src(%dma_wait3A_373 : memref<128x64xf32, #tpu.memory_space<vmem>>) dst(%dma_wait3A_379 : memref<10240x64xf32, #tpu.memory_space<vmem_shared>>)
      %dma_wait3A_380 = arith.constant 6 : i32
      %dma_wait3A_381 = arith.constant 256 : i32
      %dma_wait3A_382 = arith.constant 0 : i32
      %dma_wait3A_383 = tpu.memref_slice %arg10[%dma_wait3A_381, %dma_wait3A_382] : memref<512x64xf32, #tpu.memory_space<vmem>> -> memref<128x64xf32, #tpu.memory_space<vmem>>
      %dma_wait3A_384 = arith.constant 0 : i32
      %dma_wait3A_385 = tpu.memref_slice %arg8[%dma_wait3A_380, %dma_wait3A_384] : memref<8x128xi32, #tpu.memory_space<vmem>> -> memref<1x128xi32, #tpu.memory_space<vmem>>
      %dma_wait3A_386 = tpu.memref_squeeze %dma_wait3A_385 : memref<1x128xi32, #tpu.memory_space<vmem>> -> memref<128xi32, #tpu.memory_space<vmem>>
      %dma_wait3A_387 = arith.constant 0 : i32
      %dma_wait3A_388 = arith.constant 0 : i32
      %dma_wait3A_389 = tpu.memref_slice %arg11[%dma_wait3A_387, %dma_wait3A_388] : memref<10240x64xf32, #tpu.memory_space<vmem_shared>> -> memref<10240x64xf32, #tpu.memory_space<vmem_shared>>
      tpu.wait_indirect_dma semaphore(%arg15 : memref<!tpu.dma_semaphore, #tpu.memory_space<semaphore_mem>>) src(%dma_wait3A_383 : memref<128x64xf32, #tpu.memory_space<vmem>>) dst(%dma_wait3A_389 : memref<10240x64xf32, #tpu.memory_space<vmem_shared>>)
      %dma_wait3A_390 = arith.constant 7 : i32
      %dma_wait3A_391 = arith.constant 384 : i32
      %dma_wait3A_392 = arith.constant 0 : i32
      %dma_wait3A_393 = tpu.memref_slice %arg10[%dma_wait3A_391, %dma_wait3A_392] : memref<512x64xf32, #tpu.memory_space<vmem>> -> memref<128x64xf32, #tpu.memory_space<vmem>>
      %dma_wait3A_394 = arith.constant 0 : i32
      %dma_wait3A_395 = tpu.memref_slice %arg8[%dma_wait3A_390, %dma_wait3A_394] : memref<8x128xi32, #tpu.memory_space<vmem>> -> memref<1x128xi32, #tpu.memory_space<vmem>>
      %dma_wait3A_396 = tpu.memref_squeeze %dma_wait3A_395 : memref<1x128xi32, #tpu.memory_space<vmem>> -> memref<128xi32, #tpu.memory_space<vmem>>
      %dma_wait3A_397 = arith.constant 0 : i32
      %dma_wait3A_398 = arith.constant 0 : i32
      %dma_wait3A_399 = tpu.memref_slice %arg11[%dma_wait3A_397, %dma_wait3A_398] : memref<10240x64xf32, #tpu.memory_space<vmem_shared>> -> memref<10240x64xf32, #tpu.memory_space<vmem_shared>>
      tpu.wait_indirect_dma semaphore(%arg15 : memref<!tpu.dma_semaphore, #tpu.memory_space<semaphore_mem>>) src(%dma_wait3A_393 : memref<128x64xf32, #tpu.memory_space<vmem>>) dst(%dma_wait3A_399 : memref<10240x64xf32, #tpu.memory_space<vmem_shared>>)
    }
    %barrier3A_41 = arith.constant 0 : index
    tpu.barrier barrier_id(%barrier3A_41)
    %mul3A_42 = arith.constant 640 : i32
    %mul3A_43 = arith.muli %arg1, %mul3A_42 : i32
    %add3A_44 = arith.constant 0 : i32
    %add3A_45 = arith.addi %mul3A_43, %add3A_44 : i32
    "tpu.region"() ({
      %run_scoped3A = tpu.sem_alloc : memref<!tpu.dma_semaphore, #tpu.memory_space<semaphore_mem>>
      %dma_start3A = arith.constant 0 : i32
      %dma_start3A_58 = arith.constant 0 : i32
      %dma_start3A_59 = tpu.memref_slice %arg9[%dma_start3A, %dma_start3A_58] : memref<512x64xf32, #tpu.memory_space<vmem>> -> memref<320x64xf32, #tpu.memory_space<vmem>>
      %dma_start3A_60 = arith.constant 0 : i32
      %dma_start3A_61 = tpu.memref_slice %arg11[%add3A_45, %dma_start3A_60] : memref<10240x64xf32, #tpu.memory_space<vmem_shared>> -> memref<320x64xf32, #tpu.memory_space<vmem_shared>>
      %dma_start3A_62 = arith.constant 0 : i32
      %dma_start3A_63 = arith.constant 0 : i32
      %dma_start3A_64 = tpu.memref_slice %arg9[%dma_start3A_62, %dma_start3A_63] : memref<512x64xf32, #tpu.memory_space<vmem>> -> memref<320x64xf32, #tpu.memory_space<vmem>>
      %dma_start3A_65 = arith.constant 0 : i32
      %dma_start3A_66 = tpu.memref_slice %arg11[%add3A_45, %dma_start3A_65] : memref<10240x64xf32, #tpu.memory_space<vmem_shared>> -> memref<320x64xf32, #tpu.memory_space<vmem_shared>>
      tpu.enqueue_dma source(%dma_start3A_66 : memref<320x64xf32, #tpu.memory_space<vmem_shared>>) target(%dma_start3A_64 : memref<320x64xf32, #tpu.memory_space<vmem>>) target_semaphore(%run_scoped3A : memref<!tpu.dma_semaphore, #tpu.memory_space<semaphore_mem>>)
      %dma_wait3A = arith.constant 0 : i32
      %dma_wait3A_67 = arith.constant 0 : i32
      %dma_wait3A_68 = tpu.memref_slice %arg9[%dma_wait3A, %dma_wait3A_67] : memref<512x64xf32, #tpu.memory_space<vmem>> -> memref<320x64xf32, #tpu.memory_space<vmem>>
      %dma_wait3A_69 = arith.constant 0 : i32
      %dma_wait3A_70 = tpu.memref_slice %arg11[%add3A_45, %dma_wait3A_69] : memref<10240x64xf32, #tpu.memory_space<vmem_shared>> -> memref<320x64xf32, #tpu.memory_space<vmem_shared>>
      %dma_wait3A_71 = arith.constant 0 : i32
      %dma_wait3A_72 = arith.constant 0 : i32
      %dma_wait3A_73 = tpu.memref_slice %arg9[%dma_wait3A_71, %dma_wait3A_72] : memref<512x64xf32, #tpu.memory_space<vmem>> -> memref<320x64xf32, #tpu.memory_space<vmem>>
      %dma_wait3A_74 = arith.constant 0 : i32
      %dma_wait3A_75 = tpu.memref_slice %arg11[%add3A_45, %dma_wait3A_74] : memref<10240x64xf32, #tpu.memory_space<vmem_shared>> -> memref<320x64xf32, #tpu.memory_space<vmem_shared>>
      tpu.wait_dma2 semaphore(%run_scoped3A : memref<!tpu.dma_semaphore, #tpu.memory_space<semaphore_mem>>) src(%dma_wait3A_75 : memref<320x64xf32, #tpu.memory_space<vmem_shared>>) dst(%dma_wait3A_73 : memref<320x64xf32, #tpu.memory_space<vmem>>)
      tpu.yield
    }) : () -> ()
    %mul3A_46 = arith.constant 640 : i32
    %mul3A_47 = arith.muli %arg1, %mul3A_46 : i32
    %add3A_48 = arith.constant 0 : i32
    %add3A_49 = arith.addi %mul3A_47, %add3A_48 : i32
    "tpu.region"() ({
      %run_scoped3A = tpu.sem_alloc : memref<!tpu.dma_semaphore, #tpu.memory_space<semaphore_mem>>
      %dma_start3A = arith.constant 0 : i32
      %dma_start3A_58 = arith.constant 0 : i32
      %dma_start3A_59 = tpu.memref_slice %arg9[%dma_start3A, %dma_start3A_58] : memref<512x64xf32, #tpu.memory_space<vmem>> -> memref<320x64xf32, #tpu.memory_space<vmem>>
      %dma_start3A_60 = arith.constant 0 : i32
      %dma_start3A_61 = arith.constant 0 : i32
      %dma_start3A_62 = tpu.memref_slice %arg6[%arg0, %dma_start3A_60, %dma_start3A_61] : memref<2x10240x64xf32, #tpu.memory_space<hbm>> -> memref<1x10240x64xf32, #tpu.memory_space<hbm>>
      %dma_start3A_63 = tpu.memref_squeeze %dma_start3A_62 : memref<1x10240x64xf32, #tpu.memory_space<hbm>> -> memref<10240x64xf32, #tpu.memory_space<hbm>>
      %dma_start3A_64 = arith.constant 0 : i32
      %dma_start3A_65 = tpu.memref_slice %dma_start3A_63[%add3A_49, %dma_start3A_64] : memref<10240x64xf32, #tpu.memory_space<hbm>> -> memref<320x64xf32, #tpu.memory_space<hbm>>
      %dma_start3A_66 = arith.constant 0 : i32
      %dma_start3A_67 = arith.constant 0 : i32
      %dma_start3A_68 = tpu.memref_slice %arg6[%arg0, %dma_start3A_66, %dma_start3A_67] : memref<2x10240x64xf32, #tpu.memory_space<hbm>> -> memref<1x10240x64xf32, #tpu.memory_space<hbm>>
      %dma_start3A_69 = tpu.memref_squeeze %dma_start3A_68 : memref<1x10240x64xf32, #tpu.memory_space<hbm>> -> memref<10240x64xf32, #tpu.memory_space<hbm>>
      %dma_start3A_70 = arith.constant 0 : i32
      %dma_start3A_71 = tpu.memref_slice %dma_start3A_69[%add3A_49, %dma_start3A_70] : memref<10240x64xf32, #tpu.memory_space<hbm>> -> memref<320x64xf32, #tpu.memory_space<hbm>>
      %dma_start3A_72 = arith.constant 0 : i32
      %dma_start3A_73 = arith.constant 0 : i32
      %dma_start3A_74 = tpu.memref_slice %arg9[%dma_start3A_72, %dma_start3A_73] : memref<512x64xf32, #tpu.memory_space<vmem>> -> memref<320x64xf32, #tpu.memory_space<vmem>>
      tpu.enqueue_dma source(%dma_start3A_74 : memref<320x64xf32, #tpu.memory_space<vmem>>) target(%dma_start3A_71 : memref<320x64xf32, #tpu.memory_space<hbm>>) target_semaphore(%run_scoped3A : memref<!tpu.dma_semaphore, #tpu.memory_space<semaphore_mem>>)
      %dma_wait3A = arith.constant 0 : i32
      %dma_wait3A_75 = arith.constant 0 : i32
      %dma_wait3A_76 = tpu.memref_slice %arg9[%dma_wait3A, %dma_wait3A_75] : memref<512x64xf32, #tpu.memory_space<vmem>> -> memref<320x64xf32, #tpu.memory_space<vmem>>
      %dma_wait3A_77 = arith.constant 0 : i32
      %dma_wait3A_78 = arith.constant 0 : i32
      %dma_wait3A_79 = tpu.memref_slice %arg6[%arg0, %dma_wait3A_77, %dma_wait3A_78] : memref<2x10240x64xf32, #tpu.memory_space<hbm>> -> memref<1x10240x64xf32, #tpu.memory_space<hbm>>
      %dma_wait3A_80 = tpu.memref_squeeze %dma_wait3A_79 : memref<1x10240x64xf32, #tpu.memory_space<hbm>> -> memref<10240x64xf32, #tpu.memory_space<hbm>>
      %dma_wait3A_81 = arith.constant 0 : i32
      %dma_wait3A_82 = tpu.memref_slice %dma_wait3A_80[%add3A_49, %dma_wait3A_81] : memref<10240x64xf32, #tpu.memory_space<hbm>> -> memref<320x64xf32, #tpu.memory_space<hbm>>
      %dma_wait3A_83 = arith.constant 0 : i32
      %dma_wait3A_84 = arith.constant 0 : i32
      %dma_wait3A_85 = tpu.memref_slice %arg6[%arg0, %dma_wait3A_83, %dma_wait3A_84] : memref<2x10240x64xf32, #tpu.memory_space<hbm>> -> memref<1x10240x64xf32, #tpu.memory_space<hbm>>
      %dma_wait3A_86 = tpu.memref_squeeze %dma_wait3A_85 : memref<1x10240x64xf32, #tpu.memory_space<hbm>> -> memref<10240x64xf32, #tpu.memory_space<hbm>>
      %dma_wait3A_87 = arith.constant 0 : i32
      %dma_wait3A_88 = tpu.memref_slice %dma_wait3A_86[%add3A_49, %dma_wait3A_87] : memref<10240x64xf32, #tpu.memory_space<hbm>> -> memref<320x64xf32, #tpu.memory_space<hbm>>
      %dma_wait3A_89 = arith.constant 0 : i32
      %dma_wait3A_90 = arith.constant 0 : i32
      %dma_wait3A_91 = tpu.memref_slice %arg9[%dma_wait3A_89, %dma_wait3A_90] : memref<512x64xf32, #tpu.memory_space<vmem>> -> memref<320x64xf32, #tpu.memory_space<vmem>>
      tpu.wait_dma2 semaphore(%run_scoped3A : memref<!tpu.dma_semaphore, #tpu.memory_space<semaphore_mem>>) src(%dma_wait3A_91 : memref<320x64xf32, #tpu.memory_space<vmem>>) dst(%dma_wait3A_88 : memref<320x64xf32, #tpu.memory_space<hbm>>)
      tpu.yield
    }) : () -> ()
    %mul3A_50 = arith.constant 640 : i32
    %mul3A_51 = arith.muli %arg1, %mul3A_50 : i32
    %add3A_52 = arith.constant 320 : i32
    %add3A_53 = arith.addi %mul3A_51, %add3A_52 : i32
    "tpu.region"() ({
      %run_scoped3A = tpu.sem_alloc : memref<!tpu.dma_semaphore, #tpu.memory_space<semaphore_mem>>
      %dma_start3A = arith.constant 0 : i32
      %dma_start3A_58 = arith.constant 0 : i32
      %dma_start3A_59 = tpu.memref_slice %arg9[%dma_start3A, %dma_start3A_58] : memref<512x64xf32, #tpu.memory_space<vmem>> -> memref<320x64xf32, #tpu.memory_space<vmem>>
      %dma_start3A_60 = arith.constant 0 : i32
      %dma_start3A_61 = tpu.memref_slice %arg11[%add3A_53, %dma_start3A_60] : memref<10240x64xf32, #tpu.memory_space<vmem_shared>> -> memref<320x64xf32, #tpu.memory_space<vmem_shared>>
      %dma_start3A_62 = arith.constant 0 : i32
      %dma_start3A_63 = arith.constant 0 : i32
      %dma_start3A_64 = tpu.memref_slice %arg9[%dma_start3A_62, %dma_start3A_63] : memref<512x64xf32, #tpu.memory_space<vmem>> -> memref<320x64xf32, #tpu.memory_space<vmem>>
      %dma_start3A_65 = arith.constant 0 : i32
      %dma_start3A_66 = tpu.memref_slice %arg11[%add3A_53, %dma_start3A_65] : memref<10240x64xf32, #tpu.memory_space<vmem_shared>> -> memref<320x64xf32, #tpu.memory_space<vmem_shared>>
      tpu.enqueue_dma source(%dma_start3A_66 : memref<320x64xf32, #tpu.memory_space<vmem_shared>>) target(%dma_start3A_64 : memref<320x64xf32, #tpu.memory_space<vmem>>) target_semaphore(%run_scoped3A : memref<!tpu.dma_semaphore, #tpu.memory_space<semaphore_mem>>)
      %dma_wait3A = arith.constant 0 : i32
      %dma_wait3A_67 = arith.constant 0 : i32
      %dma_wait3A_68 = tpu.memref_slice %arg9[%dma_wait3A, %dma_wait3A_67] : memref<512x64xf32, #tpu.memory_space<vmem>> -> memref<320x64xf32, #tpu.memory_space<vmem>>
      %dma_wait3A_69 = arith.constant 0 : i32
      %dma_wait3A_70 = tpu.memref_slice %arg11[%add3A_53, %dma_wait3A_69] : memref<10240x64xf32, #tpu.memory_space<vmem_shared>> -> memref<320x64xf32, #tpu.memory_space<vmem_shared>>
      %dma_wait3A_71 = arith.constant 0 : i32
      %dma_wait3A_72 = arith.constant 0 : i32
      %dma_wait3A_73 = tpu.memref_slice %arg9[%dma_wait3A_71, %dma_wait3A_72] : memref<512x64xf32, #tpu.memory_space<vmem>> -> memref<320x64xf32, #tpu.memory_space<vmem>>
      %dma_wait3A_74 = arith.constant 0 : i32
      %dma_wait3A_75 = tpu.memref_slice %arg11[%add3A_53, %dma_wait3A_74] : memref<10240x64xf32, #tpu.memory_space<vmem_shared>> -> memref<320x64xf32, #tpu.memory_space<vmem_shared>>
      tpu.wait_dma2 semaphore(%run_scoped3A : memref<!tpu.dma_semaphore, #tpu.memory_space<semaphore_mem>>) src(%dma_wait3A_75 : memref<320x64xf32, #tpu.memory_space<vmem_shared>>) dst(%dma_wait3A_73 : memref<320x64xf32, #tpu.memory_space<vmem>>)
      tpu.yield
    }) : () -> ()
    %mul3A_54 = arith.constant 640 : i32
    %mul3A_55 = arith.muli %arg1, %mul3A_54 : i32
    %add3A_56 = arith.constant 320 : i32
    %add3A_57 = arith.addi %mul3A_55, %add3A_56 : i32
    "tpu.region"() ({
      %run_scoped3A = tpu.sem_alloc : memref<!tpu.dma_semaphore, #tpu.memory_space<semaphore_mem>>
      %dma_start3A = arith.constant 0 : i32
      %dma_start3A_58 = arith.constant 0 : i32
      %dma_start3A_59 = tpu.memref_slice %arg9[%dma_start3A, %dma_start3A_58] : memref<512x64xf32, #tpu.memory_space<vmem>> -> memref<320x64xf32, #tpu.memory_space<vmem>>
      %dma_start3A_60 = arith.constant 0 : i32
      %dma_start3A_61 = arith.constant 0 : i32
      %dma_start3A_62 = tpu.memref_slice %arg6[%arg0, %dma_start3A_60, %dma_start3A_61] : memref<2x10240x64xf32, #tpu.memory_space<hbm>> -> memref<1x10240x64xf32, #tpu.memory_space<hbm>>
      %dma_start3A_63 = tpu.memref_squeeze %dma_start3A_62 : memref<1x10240x64xf32, #tpu.memory_space<hbm>> -> memref<10240x64xf32, #tpu.memory_space<hbm>>
      %dma_start3A_64 = arith.constant 0 : i32
      %dma_start3A_65 = tpu.memref_slice %dma_start3A_63[%add3A_57, %dma_start3A_64] : memref<10240x64xf32, #tpu.memory_space<hbm>> -> memref<320x64xf32, #tpu.memory_space<hbm>>
      %dma_start3A_66 = arith.constant 0 : i32
      %dma_start3A_67 = arith.constant 0 : i32
      %dma_start3A_68 = tpu.memref_slice %arg6[%arg0, %dma_start3A_66, %dma_start3A_67] : memref<2x10240x64xf32, #tpu.memory_space<hbm>> -> memref<1x10240x64xf32, #tpu.memory_space<hbm>>
      %dma_start3A_69 = tpu.memref_squeeze %dma_start3A_68 : memref<1x10240x64xf32, #tpu.memory_space<hbm>> -> memref<10240x64xf32, #tpu.memory_space<hbm>>
      %dma_start3A_70 = arith.constant 0 : i32
      %dma_start3A_71 = tpu.memref_slice %dma_start3A_69[%add3A_57, %dma_start3A_70] : memref<10240x64xf32, #tpu.memory_space<hbm>> -> memref<320x64xf32, #tpu.memory_space<hbm>>
      %dma_start3A_72 = arith.constant 0 : i32
      %dma_start3A_73 = arith.constant 0 : i32
      %dma_start3A_74 = tpu.memref_slice %arg9[%dma_start3A_72, %dma_start3A_73] : memref<512x64xf32, #tpu.memory_space<vmem>> -> memref<320x64xf32, #tpu.memory_space<vmem>>
      tpu.enqueue_dma source(%dma_start3A_74 : memref<320x64xf32, #tpu.memory_space<vmem>>) target(%dma_start3A_71 : memref<320x64xf32, #tpu.memory_space<hbm>>) target_semaphore(%run_scoped3A : memref<!tpu.dma_semaphore, #tpu.memory_space<semaphore_mem>>)
      %dma_wait3A = arith.constant 0 : i32
      %dma_wait3A_75 = arith.constant 0 : i32
      %dma_wait3A_76 = tpu.memref_slice %arg9[%dma_wait3A, %dma_wait3A_75] : memref<512x64xf32, #tpu.memory_space<vmem>> -> memref<320x64xf32, #tpu.memory_space<vmem>>
      %dma_wait3A_77 = arith.constant 0 : i32
      %dma_wait3A_78 = arith.constant 0 : i32
      %dma_wait3A_79 = tpu.memref_slice %arg6[%arg0, %dma_wait3A_77, %dma_wait3A_78] : memref<2x10240x64xf32, #tpu.memory_space<hbm>> -> memref<1x10240x64xf32, #tpu.memory_space<hbm>>
      %dma_wait3A_80 = tpu.memref_squeeze %dma_wait3A_79 : memref<1x10240x64xf32, #tpu.memory_space<hbm>> -> memref<10240x64xf32, #tpu.memory_space<hbm>>
      %dma_wait3A_81 = arith.constant 0 : i32
      %dma_wait3A_82 = tpu.memref_slice %dma_wait3A_80[%add3A_57, %dma_wait3A_81] : memref<10240x64xf32, #tpu.memory_space<hbm>> -> memref<320x64xf32, #tpu.memory_space<hbm>>
      %dma_wait3A_83 = arith.constant 0 : i32
      %dma_wait3A_84 = arith.constant 0 : i32
      %dma_wait3A_85 = tpu.memref_slice %arg6[%arg0, %dma_wait3A_83, %dma_wait3A_84] : memref<2x10240x64xf32, #tpu.memory_space<hbm>> -> memref<1x10240x64xf32, #tpu.memory_space<hbm>>
      %dma_wait3A_86 = tpu.memref_squeeze %dma_wait3A_85 : memref<1x10240x64xf32, #tpu.memory_space<hbm>> -> memref<10240x64xf32, #tpu.memory_space<hbm>>
      %dma_wait3A_87 = arith.constant 0 : i32
      %dma_wait3A_88 = tpu.memref_slice %dma_wait3A_86[%add3A_57, %dma_wait3A_87] : memref<10240x64xf32, #tpu.memory_space<hbm>> -> memref<320x64xf32, #tpu.memory_space<hbm>>
      %dma_wait3A_89 = arith.constant 0 : i32
      %dma_wait3A_90 = arith.constant 0 : i32
      %dma_wait3A_91 = tpu.memref_slice %arg9[%dma_wait3A_89, %dma_wait3A_90] : memref<512x64xf32, #tpu.memory_space<vmem>> -> memref<320x64xf32, #tpu.memory_space<vmem>>
      tpu.wait_dma2 semaphore(%run_scoped3A : memref<!tpu.dma_semaphore, #tpu.memory_space<semaphore_mem>>) src(%dma_wait3A_91 : memref<320x64xf32, #tpu.memory_space<vmem>>) dst(%dma_wait3A_88 : memref<320x64xf32, #tpu.memory_space<hbm>>)
      tpu.yield
    }) : () -> ()
    return
  }
}

module attributes {stable_mosaic.version = 14 : i64} {
  func.func @_tc_matmul_kernel(%arg0: memref<10240x128xf32, #tpu.memory_space<vmem>>, %arg1: memref<128x64xf32, #tpu.memory_space<vmem>>, %arg2: memref<10240x64xf32, #tpu.memory_space<vmem>>) attributes {dimension_semantics = [], scalar_prefetch = 0 : i64, scratch_operands = 0 : i64, tpu.core_type = #tpu.core_type<tc>} {
    %get3A = arith.constant 0 : index
    %get3A_0 = arith.constant 0 : index
    %get3A_1 = vector.load %arg0[%get3A, %get3A_0] : memref<10240x128xf32, #tpu.memory_space<vmem>>, vector<10240x128xf32>
    %get3A_2 = arith.constant 0 : index
    %get3A_3 = arith.constant 0 : index
    %get3A_4 = vector.load %arg1[%get3A_2, %get3A_3] : memref<128x64xf32, #tpu.memory_space<vmem>>, vector<128x64xf32>
    %dot_general3A = arith.constant dense<0.000000e+00> : vector<10240x64xf32>
    %dot_general3A_5 = tpu.matmul %get3A_1, %get3A_4, %dot_general3A {dimension_numbers = #tpu.dot_dimension_numbers<[1], [0], [0], [1], [0, 0, 1, 1], [], []>, transpose_lhs_hint = false} : vector<10240x128xf32>, vector<128x64xf32>, vector<10240x64xf32> -> vector<10240x64xf32>
    %swap3A = arith.constant 0 : index
    %swap3A_6 = arith.constant 0 : index
    %swap3A_7 = vector.load %arg2[%swap3A, %swap3A_6] : memref<10240x64xf32, #tpu.memory_space<vmem>>, vector<10240x64xf32>
    tpu.vector_store %arg2[%swap3A, %swap3A_6], %dot_general3A_5 {strides = array<i32>} : memref<10240x64xf32, #tpu.memory_space<vmem>>, vector<10240x64xf32>,
    return
  }
}

module attributes {stable_mosaic.version = 14 : i64} {
  func.func @_tc_prep_kernel(%arg0: memref<2x10240x16xf32, #tpu.memory_space<vmem>>, %arg1: memref<10240x64xf32, #tpu.memory_space<vmem>>, %arg2: memref<10240x1xf32, #tpu.memory_space<vmem>>, %arg3: memref<10240x64xf32, #tpu.memory_space<vmem>>) attributes {dimension_semantics = [], scalar_prefetch = 0 : i64, scratch_operands = 0 : i64, tpu.core_type = #tpu.core_type<tc>} {
    %get3A = arith.constant 0 : index
    %get3A_0 = arith.constant 0 : index
    %get3A_1 = arith.constant 0 : index
    %get3A_2 = vector.load %arg0[%get3A, %get3A_0, %get3A_1] : memref<2x10240x16xf32, #tpu.memory_space<vmem>>, vector<1x10240x1xf32>
    %get3A_3 = vector.shape_cast %get3A_2 : vector<1x10240x1xf32> to vector<10240x1xf32>
    %get3A_4 = arith.constant 1 : index
    %get3A_5 = arith.constant 0 : index
    %get3A_6 = arith.constant 0 : index
    %get3A_7 = vector.load %arg0[%get3A_4, %get3A_5, %get3A_6] : memref<2x10240x16xf32, #tpu.memory_space<vmem>>, vector<1x10240x1xf32>
    %get3A_8 = vector.shape_cast %get3A_7 : vector<1x10240x1xf32> to vector<10240x1xf32>
    %add3A = arith.addf %get3A_3, %get3A_8 : vector<10240x1xf32>
    %add3A_9 = arith.constant 1.000000e+00 : f32
    %add3A_10 = vector.broadcast %add3A_9 : f32 to vector<10240x1xf32>
    %add3A_11 = arith.addf %add3A, %add3A_10 : vector<10240x1xf32>
    %rsqrt3A = math.rsqrt %add3A_11 : vector<10240x1xf32>
    %swap3A = arith.constant 0 : index
    %swap3A_12 = arith.constant 0 : index
    %swap3A_13 = vector.load %arg2[%swap3A, %swap3A_12] : memref<10240x1xf32, #tpu.memory_space<vmem>>, vector<10240x1xf32>
    tpu.vector_store %arg2[%swap3A, %swap3A_12], %rsqrt3A {strides = array<i32>} : memref<10240x1xf32, #tpu.memory_space<vmem>>, vector<10240x1xf32>,
    %get3A_14 = arith.constant 0 : index
    %get3A_15 = arith.constant 0 : index
    %get3A_16 = vector.load %arg1[%get3A_14, %get3A_15] : memref<10240x64xf32, #tpu.memory_space<vmem>>, vector<10240x64xf32>
    %mul3A = vector.broadcast %rsqrt3A : vector<10240x1xf32> to vector<10240x64xf32>
    %mul3A_17 = arith.mulf %get3A_16, %mul3A : vector<10240x64xf32>
    %swap3A_18 = arith.constant 0 : index
    %swap3A_19 = arith.constant 0 : index
    %swap3A_20 = vector.load %arg3[%swap3A_18, %swap3A_19] : memref<10240x64xf32, #tpu.memory_space<vmem>>, vector<10240x64xf32>
    tpu.vector_store %arg3[%swap3A_18, %swap3A_19], %mul3A_17 {strides = array<i32>} : memref<10240x64xf32, #tpu.memory_space<vmem>>, vector<10240x64xf32>,
    return
  }
}

module attributes {stable_mosaic.version = 14 : i64} {
  func.func @_tc_layer_kernel(%arg0: memref<2x10240x64xf32, #tpu.memory_space<vmem>>, %arg1: memref<10240x64xf32, #tpu.memory_space<vmem>>, %arg2: memref<10240x1xf32, #tpu.memory_space<vmem>>, %arg3: memref<1x64xf32, #tpu.memory_space<vmem>>, %arg4: memref<64x64xf32, #tpu.memory_space<vmem>>, %arg5: memref<10240x64xf32, #tpu.memory_space<vmem>>) attributes {dimension_semantics = [], scalar_prefetch = 0 : i64, scratch_operands = 0 : i64, tpu.core_type = #tpu.core_type<tc>} {
    %get3A = arith.constant 0 : index
    %get3A_0 = arith.constant 0 : index
    %get3A_1 = vector.load %arg2[%get3A, %get3A_0] : memref<10240x1xf32, #tpu.memory_space<vmem>>, vector<10240x1xf32>
    %get3A_2 = arith.constant 0 : index
    %get3A_3 = arith.constant 0 : index
    %get3A_4 = arith.constant 0 : index
    %get3A_5 = vector.load %arg0[%get3A_2, %get3A_3, %get3A_4] : memref<2x10240x64xf32, #tpu.memory_space<vmem>>, vector<1x10240x64xf32>
    %get3A_6 = vector.shape_cast %get3A_5 : vector<1x10240x64xf32> to vector<10240x64xf32>
    %get3A_7 = arith.constant 1 : index
    %get3A_8 = arith.constant 0 : index
    %get3A_9 = arith.constant 0 : index
    %get3A_10 = vector.load %arg0[%get3A_7, %get3A_8, %get3A_9] : memref<2x10240x64xf32, #tpu.memory_space<vmem>>, vector<1x10240x64xf32>
    %get3A_11 = vector.shape_cast %get3A_10 : vector<1x10240x64xf32> to vector<10240x64xf32>
    %add3A = arith.addf %get3A_6, %get3A_11 : vector<10240x64xf32>
    %get3A_12 = arith.constant 0 : index
    %get3A_13 = arith.constant 0 : index
    %get3A_14 = vector.load %arg1[%get3A_12, %get3A_13] : memref<10240x64xf32, #tpu.memory_space<vmem>>, vector<10240x64xf32>
    %add3A_15 = arith.addf %add3A, %get3A_14 : vector<10240x64xf32>
    %mul3A = vector.broadcast %get3A_1 : vector<10240x1xf32> to vector<10240x64xf32>
    %mul3A_16 = arith.mulf %mul3A, %add3A_15 : vector<10240x64xf32>
    %get3A_17 = arith.constant 0 : index
    %get3A_18 = arith.constant 0 : index
    %get3A_19 = vector.load %arg3[%get3A_17, %get3A_18] : memref<1x64xf32, #tpu.memory_space<vmem>>, vector<1x64xf32>
    %add3A_20 = vector.broadcast %get3A_19 : vector<1x64xf32> to vector<10240x64xf32>
    %add3A_21 = arith.addf %mul3A_16, %add3A_20 : vector<10240x64xf32>
    %max3A = arith.constant 0.000000e+00 : f32
    %max3A_22 = vector.broadcast %max3A : f32 to vector<10240x64xf32>
    %max3A_23 = arith.maximumf %add3A_21, %max3A_22 : vector<10240x64xf32>
    %get3A_24 = arith.constant 0 : index
    %get3A_25 = arith.constant 0 : index
    %get3A_26 = vector.load %arg4[%get3A_24, %get3A_25] : memref<64x64xf32, #tpu.memory_space<vmem>>, vector<64x64xf32>
    %dot_general3A = arith.constant dense<0.000000e+00> : vector<10240x64xf32>
    %dot_general3A_27 = tpu.matmul %max3A_23, %get3A_26, %dot_general3A {dimension_numbers = #tpu.dot_dimension_numbers<[1], [0], [0], [1], [0, 0, 1, 1], [], []>, transpose_lhs_hint = false} : vector<10240x64xf32>, vector<64x64xf32>, vector<10240x64xf32> -> vector<10240x64xf32>
    %mul3A_28 = vector.broadcast %get3A_1 : vector<10240x1xf32> to vector<10240x64xf32>
    %mul3A_29 = arith.mulf %mul3A_28, %dot_general3A_27 : vector<10240x64xf32>
    %swap3A = arith.constant 0 : index
    %swap3A_30 = arith.constant 0 : index
    %swap3A_31 = vector.load %arg5[%swap3A, %swap3A_30] : memref<10240x64xf32, #tpu.memory_space<vmem>>, vector<10240x64xf32>
    tpu.vector_store %arg5[%swap3A, %swap3A_30], %mul3A_29 {strides = array<i32>} : memref<10240x64xf32, #tpu.memory_space<vmem>>, vector<10240x64xf32>,
    return
  }
}

module attributes {stable_mosaic.version = 14 : i64} {
  func.func @_tc_final_kernel(%arg0: memref<2x10240x64xf32, #tpu.memory_space<vmem>>, %arg1: memref<10240x64xf32, #tpu.memory_space<vmem>>, %arg2: memref<10240x1xf32, #tpu.memory_space<vmem>>, %arg3: memref<1x64xf32, #tpu.memory_space<vmem>>, %arg4: memref<10240x64xf32, #tpu.memory_space<vmem>>) attributes {dimension_semantics = [], scalar_prefetch = 0 : i64, scratch_operands = 0 : i64, tpu.core_type = #tpu.core_type<tc>} {
    %get3A = arith.constant 0 : index
    %get3A_0 = arith.constant 0 : index
    %get3A_1 = vector.load %arg2[%get3A, %get3A_0] : memref<10240x1xf32, #tpu.memory_space<vmem>>, vector<10240x1xf32>
    %get3A_2 = arith.constant 0 : index
    %get3A_3 = arith.constant 0 : index
    %get3A_4 = arith.constant 0 : index
    %get3A_5 = vector.load %arg0[%get3A_2, %get3A_3, %get3A_4] : memref<2x10240x64xf32, #tpu.memory_space<vmem>>, vector<1x10240x64xf32>
    %get3A_6 = vector.shape_cast %get3A_5 : vector<1x10240x64xf32> to vector<10240x64xf32>
    %get3A_7 = arith.constant 1 : index
    %get3A_8 = arith.constant 0 : index
    %get3A_9 = arith.constant 0 : index
    %get3A_10 = vector.load %arg0[%get3A_7, %get3A_8, %get3A_9] : memref<2x10240x64xf32, #tpu.memory_space<vmem>>, vector<1x10240x64xf32>
    %get3A_11 = vector.shape_cast %get3A_10 : vector<1x10240x64xf32> to vector<10240x64xf32>
    %add3A = arith.addf %get3A_6, %get3A_11 : vector<10240x64xf32>
    %get3A_12 = arith.constant 0 : index
    %get3A_13 = arith.constant 0 : index
    %get3A_14 = vector.load %arg1[%get3A_12, %get3A_13] : memref<10240x64xf32, #tpu.memory_space<vmem>>, vector<10240x64xf32>
    %add3A_15 = arith.addf %add3A, %get3A_14 : vector<10240x64xf32>
    %mul3A = vector.broadcast %get3A_1 : vector<10240x1xf32> to vector<10240x64xf32>
    %mul3A_16 = arith.mulf %mul3A, %add3A_15 : vector<10240x64xf32>
    %get3A_17 = arith.constant 0 : index
    %get3A_18 = arith.constant 0 : index
    %get3A_19 = vector.load %arg3[%get3A_17, %get3A_18] : memref<1x64xf32, #tpu.memory_space<vmem>>, vector<1x64xf32>
    %add3A_20 = vector.broadcast %get3A_19 : vector<1x64xf32> to vector<10240x64xf32>
    %add3A_21 = arith.addf %mul3A_16, %add3A_20 : vector<10240x64xf32>
    %swap3A = arith.constant 0 : index
    %swap3A_22 = arith.constant 0 : index
    %swap3A_23 = vector.load %arg4[%swap3A, %swap3A_22] : memref<10240x64xf32, #tpu.memory_space<vmem>>, vector<10240x64xf32>
    tpu.vector_store %arg4[%swap3A, %swap3A_22], %add3A_21 {strides = array<i32>} : memref<10240x64xf32, #tpu.memory_space<vmem>>, vector<10240x64xf32>,
    return
  }
}

</mosaic_0001>

<sc_bundles>
// kernel: kernel.11.cloned.1.call-start
scs
__scs_entry_jumppad:
0x0: {  	(pc) =	sbr.rel $0x88, $3  }
0x1: {  	(tag) =	ssettag $0x0;
	lr =	simm.s32 $0x1  }
0x2: {  	[smem:$0x3F99] =	sst lr;
	_ =	strace $0xD0000000  }
0x3: {  	_ = 	snop  }
0x4: {  	_ = 	snop  }
0x5: {  	_ = 	snop  }
0x6: {  	_ = 	snop  }
0x7: {  	_ = 	snop  }
__scs_overlays_trampoline_lowered:
0x8: {  	[smem:$0x3FA8] =	sst s0  }
0x9: {  	[smem:$0x3FA9] =	sst s1  }
0xa: {  	[smem:$0x3FAA] =	sst s2  }
0xb: {  	[smem:$0x3FAB] =	sst s3  }
0xc: {  	[smem:$0x3FAC] =	sst s4  }
0xd: {  	[smem:$0x3FAD] =	sst s5  }
0xe: {  	[smem:$0x3FAE] =	sst s6  }
0xf: {  	[smem:$0x3FAF] =	sst s7  }
0x10: {  	[smem:$0x3FB0] =	sst s8  }
0x11: {  	[smem:$0x3FB1] =	sst s9;
	s0 =	simm.s32 @!p0 $0x0  }
0x12: {  	s1 =	sld [smem:$0x3F97];
	s0 =	simm.s32 @p0 $0x1  }
0x13: {  	[smem:$0x3FB2] =	sst s0;
	s0 =	simm.s32 @!p1 $0x0  }
0x14: {  	s2 =	sld [smem:$0x3F96];
	s0 =	simm.s32 @p1 $0x1  }
0x15: {  	[smem:$0x3FB3] =	sst s0;
	s0 =	simm.s32 @!p2 $0x0  }
0x16: {  	s3 =	sld [smem:$0x3FDB];
	s0 =	simm.s32 @p2 $0x1  }
0x17: {  	s4 =	simm.s32 $0x1BF5;
	[smem:$0x3FB5] =	sst s0  }
0x18: {  	s0 =	sld [smem:$0x3F98];
	_ =	swait.ge [sflag:s4], $0x0  }
0x19: {  	s7 =	sld [smem:$0x3F99]  }
0x1a: {  	s8 =	sadd.s32 $0xFFFFE003, lr  }
0x1b: {  	s9 =	sadd.s32 $0xFFFFFEF7, lr;
	s5 =	simm.s32 $0xFFFFFFFF;
	p2 =	slt.u32 s8, $0xFFFFF086  }
0x1c: {  	p1 =	slt.u32 s9, $0xF7A;
	s5 =	simm.s32 @!p2 $0x0  }
0x1d: {  	s5 =	simm.s32 @p1 $0x1;
	p0 =	seq.s32 s7, s2  }
0x1e: {  	s7 =	smul.u32 @!p0 $0xF7A, s2;
	p2 =	seq.s32 @!p0 s5, $0x0  }
0x1f: {  	s9 =	smul.u32 $0xF7A, s1;
	s8 =	simm.s32 @!p0 $0x1BF5;
	p2 =	por !p2, p0  }
0x20: {  	[sflag:s8] =	ssyncset.s32 @!p0 $0xFFFFF086;
	s6 =	sadd.s32 @!p0 s3, s7;
	s7 =	simm.s32 @!p0 $0x108  }
0x21: {  	s3 =	sadd.s32 s3, s9;
	s6 =	sadd.s32 @!p0 $0x88, s6;
	s7 =	simm.s32 @p2 $0x1082  }
0x22: {  	[simem:s7], [sflag:s8] =	dma.local @!p0 [hbm:s6], $0xF7A  }
0x23: {  	s9 =	sor.u32 $0xD0000000, s2;
	s6 =	simm.s32 $0x108;
	_ =	swait.ge @!p0 [sflag:s8], $0x0  }
0x24: {  	s3 =	sadd.s32 $0x88, s3;
	s6 =	simm.s32 @!p1 $0x1082;
	[sflag:s4] =	ssyncset.s32 $0xFFFFF086  }
0x25: {  	[simem:s6], [sflag:s4] =	dma.local [hbm:s3], $0xF7A  }
0x26: {  	[smem:$0x3F99] =	sst s1;
	(tag) =	ssettag s2;
	_ =	strace s9  }
0x27: {  	s1 =	sld [smem:$0x3FA9]  }
0x28: {  	s2 =	sld [smem:$0x3FAA]  }
0x29: {  	s4 =	sld [smem:$0x3FAC]  }
0x2a: {  	p0 =	seq.s32 s5, $0x0;
	s5 =	sld [smem:$0x3FAD]  }
0x2b: {  	s6 =	sld [smem:$0x3FAE]  }
0x2c: {  	s7 =	sld [smem:$0x3FAF]  }
0x2d: {  	s3 =	simm.s32 $0x108;
	s8 =	sld [smem:$0x3FB0]  }
0x2e: {  	s3 =	simm.s32 @!p0 $0x1082;
	s9 =	sld [smem:$0x3FB1]  }
0x2f: {  	lr =	sadd.s32 s0, s3;
	s0 =	sld [smem:$0x3FA8]  }
0x30: {  	s3 =	sld [smem:$0x3FAB]  }
0x31: {  	[smem:$0x3FB4] =	sst s10  }
0x32: {  	s10 =	sld [smem:$0x3FB2];
	_ =	sdelay $0x3  }
0x33: {  	p0 =	seq.s32 s10, $0x1;
	s10 =	sld [smem:$0x3FB4];
	_ =	sdelay $0x3  }
0x34: {  	[smem:$0x3FB4] =	sst s10  }
0x35: {  	s10 =	sld [smem:$0x3FB3];
	_ =	sdelay $0x3  }
0x36: {  	p1 =	seq.s32 s10, $0x1;
	s10 =	sld [smem:$0x3FB4];
	_ =	sdelay $0x3  }
0x37: {  	[smem:$0x3FB4] =	sst s10  }
0x38: {  	s10 =	sld [smem:$0x3FB5]  }
0x39: {  	_ = 	snop;
	(pc) =	sbr.ind lr, $3  }
0x3a: {  	_ = 	snop  }
0x3b: {  	_ = 	snop  }
0x3c: {  	p2 =	seq.s32 s10, $0x1;
	s10 =	sld [smem:$0x3FB4]  }
0x3d: {  	_ =	shalt  }
0x3e: {  	_ =	shalt  }
0x3f: {  	_ =	shalt  }
0x40: {  	_ =	shalt  }
0x41: {  	_ =	shalt  }
0x42: {  	_ =	shalt  }
0x43: {  	_ =	shalt  }
0x44: {  	_ =	shalt  }
0x45: {  	_ =	shalt  }
0x46: {  	_ =	shalt  }
0x47: {  	_ =	shalt  }
0x48: {  	_ =	shalt  }
0x49: {  	_ =	shalt  }
0x4a: {  	_ =	shalt  }
0x4b: {  	_ =	shalt  }
0x4c: {  	_ =	shalt  }
0x4d: {  	_ =	shalt  }
0x4e: {  	_ =	shalt  }
0x4f: {  	_ =	shalt  }
0x50: {  	_ =	shalt  }
0x51: {  	_ =	shalt  }
0x52: {  	_ =	shalt  }
0x53: {  	_ =	shalt  }
0x54: {  	_ =	shalt  }
0x55: {  	_ =	shalt  }
0x56: {  	_ =	shalt  }
0x57: {  	_ =	shalt  }
0x58: {  	_ =	shalt  }
0x59: {  	_ =	shalt  }
0x5a: {  	_ =	shalt  }
0x5b: {  	_ =	shalt  }
0x5c: {  	_ =	shalt  }
0x5d: {  	_ =	shalt  }
0x5e: {  	_ =	shalt  }
0x5f: {  	_ =	shalt  }
0x60: {  	_ =	shalt  }
0x61: {  	_ =	shalt  }
0x62: {  	_ =	shalt  }
0x63: {  	_ =	shalt  }
0x64: {  	_ =	shalt  }
0x65: {  	_ =	shalt  }
0x66: {  	_ =	shalt  }
0x67: {  	_ =	shalt  }
0x68: {  	_ =	shalt  }
0x69: {  	_ =	shalt  }
0x6a: {  	_ =	shalt  }
0x6b: {  	_ =	shalt  }
0x6c: {  	_ =	shalt  }
0x6d: {  	_ =	shalt  }
0x6e: {  	_ =	shalt  }
0x6f: {  	_ =	shalt  }
0x70: {  	_ =	shalt  }
0x71: {  	_ =	shalt  }
0x72: {  	_ =	shalt  }
0x73: {  	_ =	shalt  }
0x74: {  	_ =	shalt  }
0x75: {  	_ =	shalt  }
0x76: {  	_ =	shalt  }
0x77: {  	_ =	shalt  }
0x78: {  	_ =	shalt  }
0x79: {  	_ =	shalt  }
0x7a: {  	_ =	shalt  }
0x7b: {  	_ =	shalt  }
0x7c: {  	_ =	shalt  }
0x7d: {  	_ =	shalt  }
0x7e: {  	_ =	shalt  }
0x7f: {  	_ =	shalt  }
0x80: {  	_ =	shalt  }
0x81: {  	_ =	shalt  }
0x82: {  	_ =	shalt  }
0x83: {  	_ =	shalt  }
0x84: {  	_ =	shalt  }
0x85: {  	_ =	shalt  }
0x86: {  	_ =	shalt  }
0x87: {  	_ =	shalt  }
.Lfunc_end0:
.L_simem_size_0:
called_computation_lowered:
.L_overlay_start_0:
0x88: {  	s2 =	sld [smem:$0x3FD9]  }
0x89: {  	s3 =	sld [smem:$0x3FFE];
	_ =	sdelay $0x1  }
0x8a: {  	s1 =	srdreg.scid  }
0x8b: {  	s0 =	sand.u32 $0x1, s1  }
0x8c: {  	s17 =	sshll.u32 s0, $0xA;
	s2 =	sadd.s32 s3, s2  }
0x8d: {  	s2 =	sadd.s32 s2, s17  }
0x8e: {  	[smem:$0x3FC0] =	sst s2  }
0x8f: {  	_ = 	snop  }
0x90: {  	s2 =	sld [smem:$0x3FD0];
	(tm) =	ssettm $0x1  }
0x91: {  	s18 =	sld [smem:$0x3FFB];
	_ =	sdelay $0x3  }
0x92: {  	_ =	strace s18  }
0x93: {  	s3 =	sld [smem:$0x3FFC];
	_ =	sdelay $0x3  }
0x94: {  	_ =	strace s3  }
0x95: {  	s3 =	sld [smem:$0x3FFD];
	_ =	sdelay $0x3  }
0x96: {  	_ =	strace s3  }
0x97: {  	_ =	strace $0x8FFFFFFF  }
0x98: {  	s19 =	sld [smem:$0x3FDB];
	_ =	sdelay $0x1  }
0x99: {  	s4 =	simm.s32 $_scs_section_size  }
0x9a: {  	s5 =	simm.s32 $_size__tile_overlayer_lowered;
	s6 =	simm.s32 $_tile_overlayer_lowered  }
0x9b: {  	s22 =	simm.s32 $0x1BFF;
	s21 =	sshll.u32 s6, $0x1;
	s3 =	sadd.s32 s4, s19  }
0x9c: {  	s7 =	simm.s32 $0x0;
	s20 =	sshll.u32 s5, $0x1;
	s5 =	sadd.s32 s21, s3  }
0x9d: {  	[timem:s7], [sflag:s22] =	dma.local [hbm:s5], s20  }
0x9e: {  	_ =	swait.ge [sflag:s22], s20  }
0x9f: {  	s4 =	ssub.s32 $0x0, s20;
	[sflag:s22] =	ssyncset.done $0x0  }
0xa0: {  	[sflag:s22] =	ssyncadd.s32 s4;
	_ =	sdelay $0x1  }
0xa1: {  	s23 =	simm.s32 $0x1B8B  }
0xa2: {  	_ =	swait.ge [sflag:s23], $0x1  }
0xa3: {  	[sflag:s23] =	ssyncset.done $0x0  }
0xa4: {  	s25 =	simm.s32 $0x1B8E;
	s24 =	sld [smem:$0x3FFE];
	[sflag:s23] =	ssyncadd.s32 $0xFFFFFFFF  }
0xa5: {  	s26 =	simm.s32 $execute0_lowered;
	[smem:$0x3FD2] =	sst s25  }
0xa6: {  	s5 =	sshll.u32 s26, $0x1;
	_ =	strace $0x80000046;
	[dreg:$0x1] =	wrdreg $0xFFFFFFFF  }
0xa7: {  	s28 =	simm.s32 $_size_execute0_lowered;
	s3 =	sadd.s32 s3, s5;
	[dreg:$0x0] =	wrdreg $0x0  }
0xa8: {  	s5 =	sshll.u32 s28, $0x1;
	[dreg:$0x2] =	wrdreg s3  }
0xa9: {  	[dreg:$0x3] =	wrdreg s5  }
0xaa: {  	[dreg:$0x4] =	wrdreg $0xC0  }
0xab: {  	_ =	task [dreg:s7], $0x5FFFF  }
0xac: {  	[dreg:$0x1] =	wrdreg $0xFFFFFFFF  }
0xad: {  	[dreg:$0x0] =	wrdreg $0x60  }
0xae: {  	[dreg:$0x2] =	wrdreg s2  }
0xaf: {  	[dreg:$0x3] =	wrdreg s24  }
0xb0: {  	[dreg:$0x4] =	wrdreg $0x58000  }
0xb1: {  	[dreg:$0x5] =	wrdreg $0x9  }
0xb2: {  	_ =	task.clear_ibuf [dreg:s7], $0x6FFFF;
	_ =	strace $0x90000046  }
0xb3: {  	s29 =	simm.s32 $0x9;
	_ =	strace $0x80000048  }
0xb4: {  	_ =	swait.ge [sflag:s29], $0x1  }
0xb5: {  	[sflag:s29] =	ssyncadd.s32 $0xFFFFFFFF  }
0xb6: {  	_ =	strace $0x90000048  }
0xb7: {  	_ =	sfence  }
0xb8: {  	s30 =	sld [smem:$0x0];
	_ =	sdelay $0x2  }
0xb9: {  	s31 =	sshll.u32 s1, $0xD;
	s1 =	sshrl.u32 s1, $0x2  }
0xba: {  	s3 =	sand.u32 $0x4000, s31;
	s1 =	sadd.s32 s1, s30  }
0xbb: {  	s0 =	sor.u32 s3, s0;
	s1 =	sshll.u32 s1, $0x11  }
0xbc: {  	s0 =	sor.u32 s1, s0  }
0xbd: {  	s0 =	sadd.s32 $0x8F2B, s0  }
0xbe: {  	[sflag:s0] =	ssyncadd.remote.s32 $0x1  }
0xbf: {  	_ =	sfence.sel $0xFFFF  }
0xc0: {  	[dreg:$0x0] =	wrdreg $0xFFFFFFFF;
	(pc) =	sbr.abs _section_cstart, $3  }
0xc1: {  	[dreg:$0x1] =	wrdreg $0xFFFFFFFF  }
0xc2: {  	_ =	task.clear_ibuf [dreg:s7], $0x2FFFF;
	_ =	strace $0x9FFFFFFF  }
0xc3: {  	(tm) =	ssettm $0x7FFFFFFF  }
tec
execute0_lowered:
.L_overlay_start_1:
0x0: {  	(tag) =	ssettag $0x1  }
0x1: {  	s6 =	rddreg [dreg:$0x0]  }
0x2: {  	s7 =	rddreg [dreg:$0x1]  }
0x3: {  	s2 =	rddreg [dreg:$0x2]  }
0x4: {  	s0 =	rddreg [dreg:$0x3]  }
0x5: {  	s4 =	srdreg.scid;
	s1 =	stileid.u32  }
0x6: {  	s3 =	simm.s32 $0x0;
	s13 =	simm.s32 $0x100;
	s14 =	simm.s32 $0x180  }
0x7: {  	s15 =	simm.s32 $0x200;
	s16 =	simm.s32 $0x280;
	s17 =	simm.s32 $0x300  }
0x8: {  	s18 =	simm.s32 $0x380;
	s19 =	simm.s32 $0x1;
	s4 =	sand.u32 $0x1, s4  }
0x9: {  	s5 =	sshll.u32 s1, $0x1;
	[smem:$0x7FF] =	sst s3;
	s12 =	smul.u32 $0x2800, s1  }
0xa: {  	s8 =	smul.u32 $0x5000, s4;
	s5 =	sor.u32 s4, s5;
	_ =	strace $0x80000047  }
0xb: {  	s9 =	ssub.s32 $0x2, s4;
	s4 =	sadd.s32 $0x1E00, s7;
	s10 =	smul.u32 $0x500, s5  }
0xc: {  	s11 =	sshrl.u32 s9, $0x1;
	s5 =	sadd.s32 $0x2000, s7;
	s21 =	sshrl.u32 s12, $0x3  }
0xd: {  	s8 =	sadd.s32 s8, s7;
	s9 =	ssub.s32 s9, s11;
	s7 =	sadd.s32 s12, s2  }
0xe: {  	s11 =	simm.s32 $0x3000;
	s12 =	simm.s32 $0x80;
	s6 =	sadd.s32 s6, s10  }
0xf: {  	s20 =	sadd.s32 $0x2600, s8;
	s8 =	smax.u32 s9, $0x1;
	s9 =	simm.s32 $0x2  }
0x10: {  	s10 =	simm.s32 $0x2800;
	s20 =	sadd.s32 s21, s20;
	s21 =	simm.s32 $0x0  }
.LBB2_1:
0x11: {  	[tilespmem:s3], [sflag:$0x2] =	stream.linear.gather [hbm4b:s6+s3], $0x2800, $0x38;
	[tilespmem:$0x8000] =	vst v63  }
0x12: {  	_ =	swait.ge [sflag:s9], $0x2800  }
0x13: {  	[sflag:s9] =	ssyncset.done $0x0  }
0x14: {  	[sflag:s9] =	ssyncadd.s32 $0xFFFFD800  }
0x15: {  	[tilespmem:s10], [sflag:$0x2] =	stream.linear.gather [hbm4b:s4+s3], $0x800, $0x38;
	[tilespmem:$0x8000] =	vst v63  }
0x16: {  	_ =	swait.ge [sflag:s9], $0x800  }
0x17: {  	[sflag:s9] =	ssyncset.done $0x0  }
0x18: {  	[sflag:s9] =	ssyncadd.s32 $0xFFFFF800  }
0x19: {  	[tilespmem:s11], [sflag:$0x2] =	stream.linear.gather [hbm4b:s5+s3], $0x2800, $0x38;
	[tilespmem:$0x8000] =	vst v63  }
0x1a: {  	_ =	swait.ge [sflag:s9], $0x2800  }
0x1b: {  	[sflag:s9] =	ssyncset.done $0x0  }
0x1c: {  	[sflag:s9] =	ssyncadd.s32 $0xFFFFD800  }
0x1d: {  	[spmem:s7] =	stream.linear.scatter [tilespmem:s11], [sflag:$0x2], $0x2800, $0x38;
	[tilespmem:$0x8000] =	vst v63  }
0x1e: {  	_ =	swait.ge [sflag:s9], $0x2800  }
0x1f: {  	[sflag:s9] =	ssyncset.done $0x0  }
0x20: {  	[sflag:s9] =	ssyncadd.s32 $0xFFFFD800  }
0x21: {  	[bflag:$0x0] =	sbarrier.arrive $0xFFFF  }
0x22: {  	[spmem:s2] =	stream.indirect.scatter.add.f32 [tilespmem:s10], [sflag:$0x1], $0x10, s3, s12, $0xb8;
	[tilespmem:$0x8000] =	vst v63  }
0x23: {  	_ = 	snop  }
0x24: {  	[spmem:s2] =	stream.indirect.scatter.add.f32 [tilespmem:s10], [sflag:$0x1], $0x10, s12, s12, $0xb8;
	[tilespmem:$0x8000] =	vst v63  }
0x25: {  	_ = 	snop  }
0x26: {  	[spmem:s2] =	stream.indirect.scatter.add.f32 [tilespmem:s10], [sflag:$0x1], $0x10, s13, s12, $0xb8;
	[tilespmem:$0x8000] =	vst v63  }
0x27: {  	_ = 	snop  }
0x28: {  	[spmem:s2] =	stream.indirect.scatter.add.f32 [tilespmem:s10], [sflag:$0x1], $0x10, s14, s12, $0xb8;
	[tilespmem:$0x8000] =	vst v63  }
0x29: {  	_ = 	snop  }
0x2a: {  	[spmem:s2] =	stream.indirect.scatter.add.f32 [tilespmem:s10], [sflag:$0x1], $0x10, s15, s12, $0xb8;
	[tilespmem:$0x8000] =	vst v63  }
0x2b: {  	_ = 	snop  }
0x2c: {  	[spmem:s2] =	stream.indirect.scatter.add.f32 [tilespmem:s10], [sflag:$0x1], $0x10, s16, s12, $0xb8;
	[tilespmem:$0x8000] =	vst v63  }
0x2d: {  	_ = 	snop  }
0x2e: {  	[spmem:s2] =	stream.indirect.scatter.add.f32 [tilespmem:s10], [sflag:$0x1], $0x10, s17, s12, $0xb8;
	[tilespmem:$0x8000] =	vst v63  }
0x2f: {  	_ = 	snop  }
0x30: {  	[spmem:s2] =	stream.indirect.scatter.add.f32 [tilespmem:s10], [sflag:$0x1], $0x10, s18, s12, $0xb8;
	[tilespmem:$0x8000] =	vst v63  }
0x31: {  	_ =	swait.ge [sflag:s19], $0x800  }
0x32: {  	[sflag:s19] =	ssyncset.done $0x0  }
0x33: {  	[sflag:s19] =	ssyncadd.s32 $0xFFFFF800  }
0x34: {  	_ =	swait.ge [sflag:s19], $0x800  }
0x35: {  	[sflag:s19] =	ssyncset.done $0x0  }
0x36: {  	[sflag:s19] =	ssyncadd.s32 $0xFFFFF800  }
0x37: {  	_ =	swait.ge [sflag:s19], $0x800  }
0x38: {  	[sflag:s19] =	ssyncset.done $0x0  }
0x39: {  	[sflag:s19] =	ssyncadd.s32 $0xFFFFF800  }
0x3a: {  	_ =	swait.ge [sflag:s19], $0x800  }
0x3b: {  	[sflag:s19] =	ssyncset.done $0x0  }
0x3c: {  	[sflag:s19] =	ssyncadd.s32 $0xFFFFF800  }
0x3d: {  	_ =	swait.ge [sflag:s19], $0x800  }
0x3e: {  	[sflag:s19] =	ssyncset.done $0x0  }
0x3f: {  	[sflag:s19] =	ssyncadd.s32 $0xFFFFF800  }
0x40: {  	_ =	swait.ge [sflag:s19], $0x800  }
0x41: {  	[sflag:s19] =	ssyncset.done $0x0  }
0x42: {  	[sflag:s19] =	ssyncadd.s32 $0xFFFFF800  }
0x43: {  	_ =	swait.ge [sflag:s19], $0x800  }
0x44: {  	[sflag:s19] =	ssyncset.done $0x0  }
0x45: {  	[sflag:s19] =	ssyncadd.s32 $0xFFFFF800  }
0x46: {  	_ =	swait.ge [sflag:s19], $0x800  }
0x47: {  	[sflag:s19] =	ssyncset.done $0x0  }
0x48: {  	s22 =	simm.s32 $0x400;
	[sflag:s19] =	ssyncadd.s32 $0xFFFFF800  }
0x49: {  	[spmem:s2] =	stream.indirect.scatter.add.f32 [tilespmem:s10], [sflag:$0x1], $0x10, s22, s12, $0xb8;
	[tilespmem:$0x8000] =	vst v63  }
0x4a: {  	s25 =	simm.s32 $0x480  }
0x4b: {  	[spmem:s2] =	stream.indirect.scatter.add.f32 [tilespmem:s10], [sflag:$0x1], $0x10, s25, s12, $0xb8;
	[tilespmem:$0x8000] =	vst v63  }
0x4c: {  	s26 =	simm.s32 $0x500  }
0x4d: {  	[spmem:s2] =	stream.indirect.scatter.add.f32 [tilespmem:s10], [sflag:$0x1], $0x10, s26, s12, $0xb8;
	[tilespmem:$0x8000] =	vst v63  }
0x4e: {  	s28 =	simm.s32 $0x580  }
0x4f: {  	[spmem:s2] =	stream.indirect.scatter.add.f32 [tilespmem:s10], [sflag:$0x1], $0x10, s28, s12, $0xb8;
	[tilespmem:$0x8000] =	vst v63  }
0x50: {  	s29 =	simm.s32 $0x600  }
0x51: {  	[spmem:s2] =	stream.indirect.scatter.add.f32 [tilespmem:s10], [sflag:$0x1], $0x10, s29, s12, $0xb8;
	[tilespmem:$0x8000] =	vst v63  }
0x52: {  	s30 =	simm.s32 $0x680  }
0x53: {  	[spmem:s2] =	stream.indirect.scatter.add.f32 [tilespmem:s10], [sflag:$0x1], $0x10, s30, s12, $0xb8;
	[tilespmem:$0x8000] =	vst v63  }
0x54: {  	s31 =	simm.s32 $0x700;
	s23 =	simm.s32 $0x780;
	s22 =	simm.s32 $0x1000  }
0x55: {  	[spmem:s2] =	stream.indirect.scatter.add.f32 [tilespmem:s10], [sflag:$0x1], $0x10, s31, s12, $0xb8;
	[tilespmem:$0x8000] =	vst v63  }
.LBB2_2:
0x56: {  	[spmem:s2] =	stream.indirect.scatter.add.f32 [tilespmem:s10], [sflag:$0x1], $0x10, s23, s12, $0xb8;
	[tilespmem:$0x8000] =	vst v63  }
0x57: {  	s23 =	smov.u32 s22  }
0x58: {  	p0 =	sne.s32 s22, $0x8000;
	s22 =	sadd.s32 $0x1000, s22;
	_ =	swait.ge [sflag:s19], $0x800  }
0x59: {  	[sflag:s19] =	ssyncset.done $0x0  }
0x5a: {  	[sflag:s19] =	ssyncadd.s32 $0xFFFFF800  }
0x5b: {  	_ =	swait.ge [sflag:s19], $0x800  }
0x5c: {  	[sflag:s19] =	ssyncset.done $0x0  }
0x5d: {  	[sflag:s19] =	ssyncadd.s32 $0xFFFFF800  }
0x5e: {  	_ =	swait.ge [sflag:s19], $0x800  }
0x5f: {  	[sflag:s19] =	ssyncset.done $0x0  }
0x60: {  	[sflag:s19] =	ssyncadd.s32 $0xFFFFF800  }
0x61: {  	_ =	swait.ge [sflag:s19], $0x800  }
0x62: {  	[sflag:s19] =	ssyncset.done $0x0  }
0x63: {  	[sflag:s19] =	ssyncadd.s32 $0xFFFFF800  }
0x64: {  	_ =	swait.ge [sflag:s19], $0x800  }
0x65: {  	[sflag:s19] =	ssyncset.done $0x0  }
0x66: {  	[sflag:s19] =	ssyncadd.s32 $0xFFFFF800  }
0x67: {  	_ =	swait.ge [sflag:s19], $0x800  }
0x68: {  	[sflag:s19] =	ssyncset.done $0x0  }
0x69: {  	[sflag:s19] =	ssyncadd.s32 $0xFFFFF800  }
0x6a: {  	_ =	swait.ge [sflag:s19], $0x800  }
0x6b: {  	[sflag:s19] =	ssyncset.done $0x0  }
0x6c: {  	[sflag:s19] =	ssyncadd.s32 $0xFFFFF800  }
0x6d: {  	_ =	swait.ge [sflag:s19], $0x800  }
0x6e: {  	s23 =	sshra.s32 s23, $0x2;
	[sflag:s19] =	ssyncset.done $0x0  }
0x6f: {  	s24 =	sadd.s32 $0x400, s23;
	[sflag:s19] =	ssyncadd.s32 $0xFFFFF800  }
0x70: {  	[spmem:s2] =	stream.indirect.scatter.add.f32 [tilespmem:s10], [sflag:$0x1], $0x10, s24, s12, $0xb8;
	[tilespmem:$0x8000] =	vst v63  }
0x71: {  	s24 =	sadd.s32 $0x480, s23  }
0x72: {  	[spmem:s2] =	stream.indirect.scatter.add.f32 [tilespmem:s10], [sflag:$0x1], $0x10, s24, s12, $0xb8;
	[tilespmem:$0x8000] =	vst v63  }
0x73: {  	s24 =	sadd.s32 $0x500, s23  }
0x74: {  	[spmem:s2] =	stream.indirect.scatter.add.f32 [tilespmem:s10], [sflag:$0x1], $0x10, s24, s12, $0xb8;
	[tilespmem:$0x8000] =	vst v63  }
0x75: {  	s24 =	sadd.s32 $0x580, s23  }
0x76: {  	[spmem:s2] =	stream.indirect.scatter.add.f32 [tilespmem:s10], [sflag:$0x1], $0x10, s24, s12, $0xb8;
	[tilespmem:$0x8000] =	vst v63  }
0x77: {  	s24 =	sadd.s32 $0x600, s23  }
0x78: {  	[spmem:s2] =	stream.indirect.scatter.add.f32 [tilespmem:s10], [sflag:$0x1], $0x10, s24, s12, $0xb8;
	[tilespmem:$0x8000] =	vst v63  }
.Ltmp0:
0x79: {  	s24 =	sadd.s32 $0x680, s23;
	(pc) =	sbr.rel @p0 .LBB2_2-.Ltmp0, $4  }
0x7a: {  	[spmem:s2] =	stream.indirect.scatter.add.f32 [tilespmem:s10], [sflag:$0x1], $0x10, s24, s12, $0xb8;
	[tilespmem:$0x8000] =	vst v63  }
0x7b: {  	s24 =	sadd.s32 $0x700, s23  }
0x7c: {  	[spmem:s2] =	stream.indirect.scatter.add.f32 [tilespmem:s10], [sflag:$0x1], $0x10, s24, s12, $0xb8;
	[tilespmem:$0x8000] =	vst v63  }
0x7d: {  	s23 =	sadd.s32 $0x780, s23  }
0x7e: {  	[spmem:s2] =	stream.indirect.scatter.add.f32 [tilespmem:s10], [sflag:$0x1], $0x10, s23, s12, $0xb8;
	[tilespmem:$0x8000] =	vst v63  }
0x7f: {  	_ =	swait.ge [sflag:s19], $0x800  }
0x80: {  	[sflag:s19] =	ssyncset.done $0x0  }
0x81: {  	[sflag:s19] =	ssyncadd.s32 $0xFFFFF800  }
0x82: {  	_ =	swait.ge [sflag:s19], $0x800  }
0x83: {  	[sflag:s19] =	ssyncset.done $0x0  }
0x84: {  	[sflag:s19] =	ssyncadd.s32 $0xFFFFF800  }
0x85: {  	_ =	swait.ge [sflag:s19], $0x800  }
0x86: {  	[sflag:s19] =	ssyncset.done $0x0  }
0x87: {  	[sflag:s19] =	ssyncadd.s32 $0xFFFFF800  }
0x88: {  	_ =	swait.ge [sflag:s19], $0x800  }
0x89: {  	[sflag:s19] =	ssyncset.done $0x0  }
0x8a: {  	[sflag:s19] =	ssyncadd.s32 $0xFFFFF800  }
0x8b: {  	_ =	swait.ge [sflag:s19], $0x800  }
0x8c: {  	[sflag:s19] =	ssyncset.done $0x0  }
0x8d: {  	[sflag:s19] =	ssyncadd.s32 $0xFFFFF800  }
0x8e: {  	_ =	swait.ge [sflag:s19], $0x800  }
0x8f: {  	[sflag:s19] =	ssyncset.done $0x0  }
0x90: {  	[sflag:s19] =	ssyncadd.s32 $0xFFFFF800  }
0x91: {  	_ =	swait.ge [sflag:s19], $0x800  }
0x92: {  	[sflag:s19] =	ssyncset.done $0x0  }
0x93: {  	[sflag:s19] =	ssyncadd.s32 $0xFFFFF800  }
0x94: {  	_ =	swait.ge [sflag:s19], $0x800  }
0x95: {  	[sflag:s19] =	ssyncset.done $0x0  }
0x96: {  	[sflag:s19] =	ssyncadd.s32 $0xFFFFF800  }
0x97: {  	[bflag:$0x0] =	sbarrier.arrive $0xFFFF  }
0x98: {  	[tilespmem:s11], [sflag:$0x2] =	stream.linear.gather [spmem:s7], $0x2800, $0x38;
	[tilespmem:$0x8000] =	vst v63  }
0x99: {  	s21 =	sadd.s32 $0x1, s21;
	_ =	swait.ge [sflag:s9], $0x2800  }
0x9a: {  	p0 =	sne.s32 s21, s8;
	[sflag:s9] =	ssyncset.done $0x0  }
.Ltmp1:
0x9b: {  	[sflag:s9] =	ssyncadd.s32 $0xFFFFD800;
	(pc) =	sbr.rel @p0 .LBB2_1-.Ltmp1, $4  }
0x9c: {  	[hbm4b:s20+s3] =	stream.linear.scatter [tilespmem:s11], [sflag:$0x2], $0x2800, $0x38;
	[tilespmem:$0x8000] =	vst v63  }
0x9d: {  	_ =	swait.ge [sflag:s9], $0x2800  }
0x9e: {  	[sflag:s9] =	ssyncset.done $0x0  }
0x9f: {  	[sflag:s9] =	ssyncadd.s32 $0xFFFFD800  }
0xa0: {  	_ =	sfence.sel $0x180000  }
0xa1: {  	[bflag:$0x0] =	sbarrier.arrive $0xFFFF  }
0xa2: {  	p0 =	sne.s32 s1, $0x0;
	_ =	strace $0x90000047  }
0xa3: {  	s0 =	sadd.s32 @!p0 $0x100000, s0;
	[bflag:$0x2] =	sbarrier.arrive $0xFFFF  }
0xa4: {  	[sflag:s0] =	ssyncadd.tile.s32 @!p0 $0x1;
	_ =	shalt  }
.Lfunc_end2:
_tile_overlayer_lowered:
.L_overlay_start_2:
0xa5: {  	(tag) =	ssettag $0x2  }
0xa6: {  	s0 =	rddreg [dreg:$0x0];
	s2 =	stileid.u32  }
0xa7: {  	s1 =	rddreg [dreg:$0x1];
	p0 =	sne.s32 s2, $0x0  }
0xa8: {  	s3 =	rddreg [dreg:$0x2];
	[bflag:$0x3] =	sbarrier.arrive $0xFFFF;
	s2 =	simm.s32 @!p0 $0x1C02  }
0xa9: {  	[timem:s3], [sflag:s2] =	dma.local @!p0 [hbm:s0], s1  }
0xaa: {  	s0 =	simm.s32 @!p0 $0x2  }
0xab: {  	_ =	swait.ge @!p0 [sflag:s0], s1  }
0xac: {  	s1 =	ssub.s32 @!p0 $0x0, s1;
	[sflag:s0] =	ssyncset.done @!p0 $0x0  }
0xad: {  	[sflag:s0] =	ssyncadd.s32 @!p0 s1  }
0xae: {  	[bflag:$0x3] =	sbarrier.arrive $0xFFFF  }
0xaf: {  	_ =	shalt  }

// kernel: kernel.14.cloned.1.call-start
scs
__scs_entry_jumppad:
0x0: {  	(pc) =	sbr.rel $0x88, $3  }
0x1: {  	(tag) =	ssettag $0x0;
	lr =	simm.s32 $0x1  }
0x2: {  	[smem:$0x3F99] =	sst lr;
	_ =	strace $0xD0000000  }
0x3: {  	_ = 	snop  }
0x4: {  	_ = 	snop  }
0x5: {  	_ = 	snop  }
0x6: {  	_ = 	snop  }
0x7: {  	_ = 	snop  }
__scs_overlays_trampoline_lowered:
0x8: {  	[smem:$0x3FA8] =	sst s0  }
0x9: {  	[smem:$0x3FA9] =	sst s1  }
0xa: {  	[smem:$0x3FAA] =	sst s2  }
0xb: {  	[smem:$0x3FAB] =	sst s3  }
0xc: {  	[smem:$0x3FAC] =	sst s4  }
0xd: {  	[smem:$0x3FAD] =	sst s5  }
0xe: {  	[smem:$0x3FAE] =	sst s6  }
0xf: {  	[smem:$0x3FAF] =	sst s7  }
0x10: {  	[smem:$0x3FB0] =	sst s8  }
0x11: {  	[smem:$0x3FB1] =	sst s9;
	s0 =	simm.s32 @!p0 $0x0  }
0x12: {  	s1 =	sld [smem:$0x3F97];
	s0 =	simm.s32 @p0 $0x1  }
0x13: {  	[smem:$0x3FB2] =	sst s0;
	s0 =	simm.s32 @!p1 $0x0  }
0x14: {  	s2 =	sld [smem:$0x3F96];
	s0 =	simm.s32 @p1 $0x1  }
0x15: {  	[smem:$0x3FB3] =	sst s0;
	s0 =	simm.s32 @!p2 $0x0  }
0x16: {  	s3 =	sld [smem:$0x3FDB];
	s0 =	simm.s32 @p2 $0x1  }
0x17: {  	s4 =	simm.s32 $0x1BF5;
	[smem:$0x3FB5] =	sst s0  }
0x18: {  	s0 =	sld [smem:$0x3F98];
	_ =	swait.ge [sflag:s4], $0x0  }
0x19: {  	s7 =	sld [smem:$0x3F99]  }
0x1a: {  	s8 =	sadd.s32 $0xFFFFE003, lr  }
0x1b: {  	s9 =	sadd.s32 $0xFFFFFEF7, lr;
	s5 =	simm.s32 $0xFFFFFFFF;
	p2 =	slt.u32 s8, $0xFFFFF086  }
0x1c: {  	p1 =	slt.u32 s9, $0xF7A;
	s5 =	simm.s32 @!p2 $0x0  }
0x1d: {  	s5 =	simm.s32 @p1 $0x1;
	p0 =	seq.s32 s7, s2  }
0x1e: {  	s7 =	smul.u32 @!p0 $0xF7A, s2;
	p2 =	seq.s32 @!p0 s5, $0x0  }
0x1f: {  	s9 =	smul.u32 $0xF7A, s1;
	s8 =	simm.s32 @!p0 $0x1BF5;
	p2 =	por !p2, p0  }
0x20: {  	[sflag:s8] =	ssyncset.s32 @!p0 $0xFFFFF086;
	s6 =	sadd.s32 @!p0 s3, s7;
	s7 =	simm.s32 @!p0 $0x108  }
0x21: {  	s3 =	sadd.s32 s3, s9;
	s6 =	sadd.s32 @!p0 $0x88, s6;
	s7 =	simm.s32 @p2 $0x1082  }
0x22: {  	[simem:s7], [sflag:s8] =	dma.local @!p0 [hbm:s6], $0xF7A  }
0x23: {  	s9 =	sor.u32 $0xD0000000, s2;
	s6 =	simm.s32 $0x108;
	_ =	swait.ge @!p0 [sflag:s8], $0x0  }
0x24: {  	s3 =	sadd.s32 $0x88, s3;
	s6 =	simm.s32 @!p1 $0x1082;
	[sflag:s4] =	ssyncset.s32 $0xFFFFF086  }
0x25: {  	[simem:s6], [sflag:s4] =	dma.local [hbm:s3], $0xF7A  }
0x26: {  	[smem:$0x3F99] =	sst s1;
	(tag) =	ssettag s2;
	_ =	strace s9  }
0x27: {  	s1 =	sld [smem:$0x3FA9]  }
0x28: {  	s2 =	sld [smem:$0x3FAA]  }
0x29: {  	s4 =	sld [smem:$0x3FAC]  }
0x2a: {  	p0 =	seq.s32 s5, $0x0;
	s5 =	sld [smem:$0x3FAD]  }
0x2b: {  	s6 =	sld [smem:$0x3FAE]  }
0x2c: {  	s7 =	sld [smem:$0x3FAF]  }
0x2d: {  	s3 =	simm.s32 $0x108;
	s8 =	sld [smem:$0x3FB0]  }
0x2e: {  	s3 =	simm.s32 @!p0 $0x1082;
	s9 =	sld [smem:$0x3FB1]  }
0x2f: {  	lr =	sadd.s32 s0, s3;
	s0 =	sld [smem:$0x3FA8]  }
0x30: {  	s3 =	sld [smem:$0x3FAB]  }
0x31: {  	[smem:$0x3FB4] =	sst s10  }
0x32: {  	s10 =	sld [smem:$0x3FB2];
	_ =	sdelay $0x3  }
0x33: {  	p0 =	seq.s32 s10, $0x1;
	s10 =	sld [smem:$0x3FB4];
	_ =	sdelay $0x3  }
0x34: {  	[smem:$0x3FB4] =	sst s10  }
0x35: {  	s10 =	sld [smem:$0x3FB3];
	_ =	sdelay $0x3  }
0x36: {  	p1 =	seq.s32 s10, $0x1;
	s10 =	sld [smem:$0x3FB4];
	_ =	sdelay $0x3  }
0x37: {  	[smem:$0x3FB4] =	sst s10  }
0x38: {  	s10 =	sld [smem:$0x3FB5]  }
0x39: {  	_ = 	snop;
	(pc) =	sbr.ind lr, $3  }
0x3a: {  	_ = 	snop  }
0x3b: {  	_ = 	snop  }
0x3c: {  	p2 =	seq.s32 s10, $0x1;
	s10 =	sld [smem:$0x3FB4]  }
0x3d: {  	_ =	shalt  }
0x3e: {  	_ =	shalt  }
0x3f: {  	_ =	shalt  }
0x40: {  	_ =	shalt  }
0x41: {  	_ =	shalt  }
0x42: {  	_ =	shalt  }
0x43: {  	_ =	shalt  }
0x44: {  	_ =	shalt  }
0x45: {  	_ =	shalt  }
0x46: {  	_ =	shalt  }
0x47: {  	_ =	shalt  }
0x48: {  	_ =	shalt  }
0x49: {  	_ =	shalt  }
0x4a: {  	_ =	shalt  }
0x4b: {  	_ =	shalt  }
0x4c: {  	_ =	shalt  }
0x4d: {  	_ =	shalt  }
0x4e: {  	_ =	shalt  }
0x4f: {  	_ =	shalt  }
0x50: {  	_ =	shalt  }
0x51: {  	_ =	shalt  }
0x52: {  	_ =	shalt  }
0x53: {  	_ =	shalt  }
0x54: {  	_ =	shalt  }
0x55: {  	_ =	shalt  }
0x56: {  	_ =	shalt  }
0x57: {  	_ =	shalt  }
0x58: {  	_ =	shalt  }
0x59: {  	_ =	shalt  }
0x5a: {  	_ =	shalt  }
0x5b: {  	_ =	shalt  }
0x5c: {  	_ =	shalt  }
0x5d: {  	_ =	shalt  }
0x5e: {  	_ =	shalt  }
0x5f: {  	_ =	shalt  }
0x60: {  	_ =	shalt  }
0x61: {  	_ =	shalt  }
0x62: {  	_ =	shalt  }
0x63: {  	_ =	shalt  }
0x64: {  	_ =	shalt  }
0x65: {  	_ =	shalt  }
0x66: {  	_ =	shalt  }
0x67: {  	_ =	shalt  }
0x68: {  	_ =	shalt  }
0x69: {  	_ =	shalt  }
0x6a: {  	_ =	shalt  }
0x6b: {  	_ =	shalt  }
0x6c: {  	_ =	shalt  }
0x6d: {  	_ =	shalt  }
0x6e: {  	_ =	shalt  }
0x6f: {  	_ =	shalt  }
0x70: {  	_ =	shalt  }
0x71: {  	_ =	shalt  }
0x72: {  	_ =	shalt  }
0x73: {  	_ =	shalt  }
0x74: {  	_ =	shalt  }
0x75: {  	_ =	shalt  }
0x76: {  	_ =	shalt  }
0x77: {  	_ =	shalt  }
0x78: {  	_ =	shalt  }
0x79: {  	_ =	shalt  }
0x7a: {  	_ =	shalt  }
0x7b: {  	_ =	shalt  }
0x7c: {  	_ =	shalt  }
0x7d: {  	_ =	shalt  }
0x7e: {  	_ =	shalt  }
0x7f: {  	_ =	shalt  }
0x80: {  	_ =	shalt  }
0x81: {  	_ =	shalt  }
0x82: {  	_ =	shalt  }
0x83: {  	_ =	shalt  }
0x84: {  	_ =	shalt  }
0x85: {  	_ =	shalt  }
0x86: {  	_ =	shalt  }
0x87: {  	_ =	shalt  }
.Lfunc_end0:
.L_simem_size_0:
called_computation.1_lowered:
.L_overlay_start_0:
0x88: {  	s2 =	sld [smem:$0x3FD9]  }
0x89: {  	s3 =	sld [smem:$0x3FFE];
	_ =	sdelay $0x1  }
0x8a: {  	s1 =	srdreg.scid  }
0x8b: {  	s0 =	sand.u32 $0x1, s1  }
0x8c: {  	s17 =	sshll.u32 s0, $0xA;
	s2 =	sadd.s32 s3, s2  }
0x8d: {  	s2 =	sadd.s32 s2, s17  }
0x8e: {  	[smem:$0x3FC0] =	sst s2  }
0x8f: {  	_ = 	snop  }
0x90: {  	s2 =	sld [smem:$0x3FD0];
	(tm) =	ssettm $0x1  }
0x91: {  	s18 =	sld [smem:$0x3FFB];
	_ =	sdelay $0x3  }
0x92: {  	_ =	strace s18  }
0x93: {  	s3 =	sld [smem:$0x3FFC];
	_ =	sdelay $0x3  }
0x94: {  	_ =	strace s3  }
0x95: {  	s3 =	sld [smem:$0x3FFD];
	_ =	sdelay $0x3  }
0x96: {  	_ =	strace s3  }
0x97: {  	_ =	strace $0x8FFFFFFF  }
0x98: {  	s19 =	sld [smem:$0x3FDB];
	_ =	sdelay $0x1  }
0x99: {  	s4 =	simm.s32 $_scs_section_size  }
0x9a: {  	s5 =	simm.s32 $_size__tile_overlayer_lowered;
	s6 =	simm.s32 $_tile_overlayer_lowered  }
0x9b: {  	s22 =	simm.s32 $0x1BFF;
	s21 =	sshll.u32 s6, $0x1;
	s3 =	sadd.s32 s4, s19  }
0x9c: {  	s7 =	simm.s32 $0x0;
	s20 =	sshll.u32 s5, $0x1;
	s5 =	sadd.s32 s21, s3  }
0x9d: {  	[timem:s7], [sflag:s22] =	dma.local [hbm:s5], s20  }
0x9e: {  	_ =	swait.ge [sflag:s22], s20  }
0x9f: {  	s4 =	ssub.s32 $0x0, s20;
	[sflag:s22] =	ssyncset.done $0x0  }
0xa0: {  	[sflag:s22] =	ssyncadd.s32 s4;
	_ =	sdelay $0x1  }
0xa1: {  	s23 =	simm.s32 $0x1B8B  }
0xa2: {  	_ =	swait.ge [sflag:s23], $0x1  }
0xa3: {  	[sflag:s23] =	ssyncset.done $0x0  }
0xa4: {  	s25 =	simm.s32 $0x1B8E;
	s24 =	sld [smem:$0x3FFE];
	[sflag:s23] =	ssyncadd.s32 $0xFFFFFFFF  }
0xa5: {  	s26 =	simm.s32 $execute0_lowered;
	[smem:$0x3FD2] =	sst s25  }
0xa6: {  	s5 =	sshll.u32 s26, $0x1;
	_ =	strace $0x80000049;
	[dreg:$0x1] =	wrdreg $0xFFFFFFFF  }
0xa7: {  	s28 =	simm.s32 $_size_execute0_lowered;
	s3 =	sadd.s32 s3, s5;
	[dreg:$0x0] =	wrdreg $0x0  }
0xa8: {  	s5 =	sshll.u32 s28, $0x1;
	[dreg:$0x2] =	wrdreg s3  }
0xa9: {  	[dreg:$0x3] =	wrdreg s5  }
0xaa: {  	[dreg:$0x4] =	wrdreg $0xC0  }
0xab: {  	_ =	task [dreg:s7], $0x5FFFF  }
0xac: {  	[dreg:$0x1] =	wrdreg $0xFFFFFFFF  }
0xad: {  	[dreg:$0x0] =	wrdreg $0x60  }
0xae: {  	[dreg:$0x2] =	wrdreg s24  }
0xaf: {  	[dreg:$0x3] =	wrdreg s2  }
0xb0: {  	[dreg:$0x4] =	wrdreg $0x13C000  }
0xb1: {  	[dreg:$0x5] =	wrdreg $0x9  }
0xb2: {  	_ =	task.clear_ibuf [dreg:s7], $0x6FFFF;
	_ =	strace $0x90000049  }
0xb3: {  	s29 =	simm.s32 $0x9;
	_ =	strace $0x8000004B  }
0xb4: {  	_ =	swait.ge [sflag:s29], $0x1  }
0xb5: {  	[sflag:s29] =	ssyncadd.s32 $0xFFFFFFFF  }
0xb6: {  	_ =	strace $0x9000004B  }
0xb7: {  	_ =	sfence  }
0xb8: {  	s30 =	sld [smem:$0x0];
	_ =	sdelay $0x2  }
0xb9: {  	s31 =	sshll.u32 s1, $0xD;
	s1 =	sshrl.u32 s1, $0x2  }
0xba: {  	s3 =	sand.u32 $0x4000, s31;
	s1 =	sadd.s32 s1, s30  }
0xbb: {  	s0 =	sor.u32 s3, s0;
	s1 =	sshll.u32 s1, $0x11  }
0xbc: {  	s0 =	sor.u32 s1, s0  }
0xbd: {  	s0 =	sadd.s32 $0x8F2B, s0  }
0xbe: {  	[sflag:s0] =	ssyncadd.remote.s32 $0x1  }
0xbf: {  	_ =	sfence.sel $0xFFFF  }
0xc0: {  	[dreg:$0x0] =	wrdreg $0xFFFFFFFF;
	(pc) =	sbr.abs _section_cstart, $3  }
0xc1: {  	[dreg:$0x1] =	wrdreg $0xFFFFFFFF  }
0xc2: {  	_ =	task.clear_ibuf [dreg:s7], $0x2FFFF;
	_ =	strace $0x9FFFFFFF  }
0xc3: {  	(tm) =	ssettm $0x7FFFFFFF  }
tec
execute0_lowered:
.L_overlay_start_1:
0x0: {  	(tag) =	ssettag $0x1  }
0x1: {  	s0 =	rddreg [dreg:$0x0]  }
0x2: {  	s3 =	rddreg [dreg:$0x1]  }
0x3: {  	s1 =	rddreg [dreg:$0x2]  }
0x4: {  	s2 =	simm.s32 $0x0;
	s4 =	srdreg.scid;
	s13 =	stileid.u32  }
0x5: {  	s20 =	simm.s32 $0x3880;
	s21 =	simm.s32 $0x3900;
	s22 =	simm.s32 $0x3980  }
0x6: {  	s25 =	simm.s32 $0x3A00;
	s26 =	simm.s32 $0x3A80;
	s28 =	simm.s32 $0x2  }
0x7: {  	s29 =	simm.s32 $0x3B00;
	s30 =	simm.s32 $0x3B80;
	s31 =	simm.s32 $0x3  }
0x8: {  	[smem:$0x7FF] =	sst s2;
	s8 =	sadd.s32 $0x1E00, s0;
	s14 =	smul.u32 $0x30, s13  }
0x9: {  	s9 =	smul.u32 $0x70, s13;
	_ =	strace $0x8000004A;
	[dreg:$0xa] =	wrdreg s8  }
0xa: {  	s5 =	sand.u32 $0x1, s4;
	s16 =	smul.u32 $0x700, s13;
	[dreg:$0x5] =	wrdreg s20  }
0xb: {  	s4 =	sadd.s32 $0x16600, s0;
	s13 =	smul.u32 $0xA000, s13;
	[dreg:$0x6] =	wrdreg s21  }
0xc: {  	s7 =	sadd.s32 $0xC600, s0;
	s6 =	smul.u32 $0x14000, s5;
	[dreg:$0x7] =	wrdreg s22  }
0xd: {  	s15 =	ssub.s32 $0x2, s5;
	p0 =	seq.s32 s5, $0x0;
	[dreg:$0x8] =	wrdreg s25  }
0xe: {  	s20 =	simm.s32 $0xDC00;
	s21 =	simm.s32 $0xFC00;
	[dreg:$0x9] =	wrdreg s26  }
0xf: {  	s22 =	simm.s32 $0x11C00;
	s25 =	simm.s32 $0x1;
	s26 =	simm.s32 $0x5  }
0x10: {  	s10 =	sshrl.u32 s15, $0x1;
	s11 =	sadd.s32 $0x700, s14;
	s8 =	sadd.s32 s13, s1  }
0x11: {  	s18 =	sadd.s32 $0x5000, s13;
	s23 =	sshrl.u32 s13, $0x3;
	s13 =	simm.s32 $0x6  }
0x12: {  	s14 =	simm.s32 $0x3800;
	s0 =	sadd.s32 s6, s0;
	s12 =	sshll.u32 s11, $0x4  }
0x13: {  	s6 =	ssub.s32 s15, s10;
	s11 =	smov.u32 @p0 s9;
	s9 =	sadd.s32 s18, s1  }
0x14: {  	s24 =	sshrl.u32 s18, $0x3;
	p0 =	sne.s32 s5, $0x0;
	s15 =	simm.s32 $0x80  }
0x15: {  	s18 =	simm.s32 $0x9C00;
	s17 =	sadd.s32 s7, s12;
	s7 =	sadd.s32 s7, s16  }
0x16: {  	s0 =	sadd.s32 $0x2A600, s0;
	s6 =	smax.u32 s6, $0x1;
	[dreg:$0xb] =	wrdreg s17  }
0x17: {  	s19 =	sshll.u32 s11, $0x4;
	s12 =	simm.s32 $0x3C00;
	[dreg:$0xc] =	wrdreg s7  }
0x18: {  	s16 =	simm.s32 $0x5C00;
	[dreg:$0xd] =	wrdreg s6;
	s6 =	sadd.s32 s19, s3  }
0x19: {  	s17 =	simm.s32 $0x7C00;
	s19 =	simm.s32 $0xBC00;
	s23 =	sadd.s32 s23, s0  }
0x1a: {  	s24 =	sadd.s32 s24, s0;
	s0 =	simm.s32 $0x4;
	s3 =	simm.s32 $0x0  }
.LBB2_1:
0x1b: {  	s5 =	simm.s32 @p0 $0x0;
	s7 =	rddreg [dreg:$0xb]  }
0x1c: {  	[tilespmem:s5], [sflag:$0x6] =	stream.linear.gather @p0 [hbm4b:s7+s5], $0x1800, $0x38;
	[tilespmem:$0x1DC00] =	vst v63  }
0x1d: {  	s5 =	simm.s32 @p0 $0x6  }
0x1e: {  	_ =	swait.ge @p0 [sflag:s5], $0x1800  }
0x1f: {  	[sflag:s5] =	ssyncset.done @p0 $0x0  }
0x20: {  	s7 =	rddreg [dreg:$0xc];
	[sflag:s5] =	ssyncadd.s32 @p0 $0xFFFFE800;
	s5 =	simm.s32 @!p0 $0x0  }
0x21: {  	[tilespmem:s5], [sflag:$0x6] =	stream.linear.gather @!p0 [hbm4b:s7+s5], $0x3800, $0x38;
	[tilespmem:$0x1DC00] =	vst v63  }
0x22: {  	s5 =	simm.s32 @!p0 $0x6  }
0x23: {  	_ =	swait.ge @!p0 [sflag:s5], $0x3800  }
0x24: {  	[sflag:s5] =	ssyncset.done @!p0 $0x0  }
0x25: {  	s11 =	rddreg [dreg:$0xa];
	[sflag:s5] =	ssyncadd.s32 @!p0 $0xFFFFC800  }
0x26: {  	[tilespmem:s12], [sflag:$0x6] =	stream.linear.gather [hbm4b:s11+s2], $0x5000, $0x38;
	[tilespmem:$0x1DC00] =	vst v63  }
0x27: {  	_ =	swait.ge [sflag:s13], $0x5000  }
0x28: {  	[sflag:s13] =	ssyncset.done $0x0  }
0x29: {  	[sflag:s13] =	ssyncadd.s32 $0xFFFFB000  }
0x2a: {  	[spmem:s8] =	stream.linear.scatter [tilespmem:s12], [sflag:$0x6], $0x5000, $0x38;
	[tilespmem:$0x1DC00] =	vst v63  }
0x2b: {  	_ =	swait.ge [sflag:s13], $0x5000  }
0x2c: {  	[sflag:s13] =	ssyncset.done $0x0  }
0x2d: {  	[sflag:s13] =	ssyncadd.s32 $0xFFFFB000  }
0x2e: {  	[spmem:s9] =	stream.linear.scatter [tilespmem:s12], [sflag:$0x6], $0x5000, $0x38;
	[tilespmem:$0x1DC00] =	vst v63  }
0x2f: {  	_ =	swait.ge [sflag:s13], $0x5000  }
0x30: {  	s5 =	simm.s32 @!p0 $0xE;
	[sflag:s13] =	ssyncset.done $0x0  }
0x31: {  	s5 =	simm.s32 @p0 $0x6;
	[sflag:s13] =	ssyncadd.s32 $0xFFFFB000  }
0x32: {  	s5 =	sshll.u32 s5, $0xC;
	[bflag:$0x0] =	sbarrier.arrive $0xFFFF  }
0x33: {  	s11 =	smov.u32 s6;
	[dreg:$0x4] =	wrdreg s5;
	s5 =	simm.s32 $0x0  }
.LBB2_2:
0x34: {  	[tilespmem:s14], [sflag:$0x5] =	stream.linear.gather [hbm4b:s11+s2], $0x400, $0x38;
	[tilespmem:$0x1DC00] =	vst v63  }
0x35: {  	s7 =	sshra.s32 s5, $0x2  }
0x36: {  	[tilespmem:s12], [sflag:$0x1] =	stream.indirect.gather [hbm4b:s4+s15], $0x40, s7, s15, $0xb8;
	[tilespmem:$0x1DC00] =	vst v63  }
0x37: {  	s10 =	sadd.s32 $0x80, s7  }
0x38: {  	[tilespmem:s16], [sflag:$0x1] =	stream.indirect.gather [hbm4b:s4+s15], $0x40, s10, s15, $0xb8;
	[tilespmem:$0x1DC00] =	vst v63  }
0x39: {  	s10 =	sadd.s32 $0x100, s7  }
0x3a: {  	[tilespmem:s17], [sflag:$0x1] =	stream.indirect.gather [hbm4b:s4+s15], $0x40, s10, s15, $0xb8;
	[tilespmem:$0x1DC00] =	vst v63  }
0x3b: {  	s10 =	sadd.s32 $0x180, s7  }
0x3c: {  	[tilespmem:s18], [sflag:$0x1] =	stream.indirect.gather [hbm4b:s4+s15], $0x40, s10, s15, $0xb8;
	[tilespmem:$0x1DC00] =	vst v63  }
0x3d: {  	s10 =	sadd.s32 $0x200, s7  }
0x3e: {  	[tilespmem:s19], [sflag:$0x2] =	stream.indirect.gather [hbm4b:s4+s15], $0x40, s10, s15, $0xb8;
	[tilespmem:$0x1DC00] =	vst v63  }
0x3f: {  	s10 =	sadd.s32 $0x280, s7  }
0x40: {  	[tilespmem:s20], [sflag:$0x2] =	stream.indirect.gather [hbm4b:s4+s15], $0x40, s10, s15, $0xb8;
	[tilespmem:$0x1DC00] =	vst v63  }
0x41: {  	s10 =	sadd.s32 $0x300, s7  }
0x42: {  	[tilespmem:s21], [sflag:$0x2] =	stream.indirect.gather [hbm4b:s4+s15], $0x40, s10, s15, $0xb8;
	[tilespmem:$0x1DC00] =	vst v63  }
0x43: {  	s7 =	sadd.s32 $0x380, s7  }
0x44: {  	[tilespmem:s22], [sflag:$0x2] =	stream.indirect.gather [hbm4b:s4+s15], $0x40, s7, s15, $0xb8;
	[tilespmem:$0x1DC00] =	vst v63  }
0x45: {  	_ =	swait.ge [sflag:s25], $0x2000  }
0x46: {  	[sflag:s25] =	ssyncset.done $0x0  }
0x47: {  	[sflag:s25] =	ssyncadd.s32 $0xFFFFE000  }
0x48: {  	_ =	swait.ge [sflag:s25], $0x2000  }
0x49: {  	[sflag:s25] =	ssyncset.done $0x0  }
0x4a: {  	[sflag:s25] =	ssyncadd.s32 $0xFFFFE000  }
0x4b: {  	_ =	swait.ge [sflag:s25], $0x2000  }
0x4c: {  	[sflag:s25] =	ssyncset.done $0x0  }
0x4d: {  	[sflag:s25] =	ssyncadd.s32 $0xFFFFE000  }
0x4e: {  	_ =	swait.ge [sflag:s25], $0x2000  }
0x4f: {  	[sflag:s25] =	ssyncset.done $0x0  }
0x50: {  	[sflag:s25] =	ssyncadd.s32 $0xFFFFE000  }
0x51: {  	_ =	swait.ge [sflag:s26], $0x400  }
0x52: {  	[sflag:s26] =	ssyncset.done $0x0  }
0x53: {  	[sflag:s26] =	ssyncadd.s32 $0xFFFFFC00  }
0x54: {  	[spmem:s1] =	stream.indirect.scatter.add.f32 [tilespmem:s12], [sflag:$0x3], $0x40, s14, s15, $0xb8;
	[tilespmem:$0x1DC00] =	vst v63  }
0x55: {  	s7 =	rddreg [dreg:$0x5]  }
0x56: {  	[spmem:s1] =	stream.indirect.scatter.add.f32 [tilespmem:s16], [sflag:$0x3], $0x40, s7, s15, $0xb8;
	[tilespmem:$0x1DC00] =	vst v63  }
0x57: {  	s10 =	rddreg [dreg:$0x6]  }
0x58: {  	[spmem:s1] =	stream.indirect.scatter.add.f32 [tilespmem:s17], [sflag:$0x3], $0x40, s10, s15, $0xb8;
	[tilespmem:$0x1DC00] =	vst v63  }
0x59: {  	s7 =	rddreg [dreg:$0x7]  }
0x5a: {  	[spmem:s1] =	stream.indirect.scatter.add.f32 [tilespmem:s18], [sflag:$0x3], $0x40, s7, s15, $0xb8;
	[tilespmem:$0x1DC00] =	vst v63  }
0x5b: {  	_ =	swait.ge [sflag:s28], $0x2000  }
0x5c: {  	[sflag:s28] =	ssyncset.done $0x0  }
0x5d: {  	[sflag:s28] =	ssyncadd.s32 $0xFFFFE000  }
0x5e: {  	_ =	swait.ge [sflag:s28], $0x2000  }
0x5f: {  	[sflag:s28] =	ssyncset.done $0x0  }
0x60: {  	[sflag:s28] =	ssyncadd.s32 $0xFFFFE000  }
0x61: {  	_ =	swait.ge [sflag:s28], $0x2000  }
0x62: {  	[sflag:s28] =	ssyncset.done $0x0  }
0x63: {  	[sflag:s28] =	ssyncadd.s32 $0xFFFFE000  }
0x64: {  	_ =	swait.ge [sflag:s28], $0x2000  }
0x65: {  	[sflag:s28] =	ssyncset.done $0x0  }
0x66: {  	s7 =	rddreg [dreg:$0x8];
	[sflag:s28] =	ssyncadd.s32 $0xFFFFE000  }
0x67: {  	[spmem:s1] =	stream.indirect.scatter.add.f32 [tilespmem:s19], [sflag:$0x4], $0x40, s7, s15, $0xb8;
	[tilespmem:$0x1DC00] =	vst v63  }
0x68: {  	s10 =	rddreg [dreg:$0x9]  }
0x69: {  	[spmem:s1] =	stream.indirect.scatter.add.f32 [tilespmem:s20], [sflag:$0x4], $0x40, s10, s15, $0xb8;
	[tilespmem:$0x1DC00] =	vst v63  }
0x6a: {  	_ = 	snop  }
0x6b: {  	[spmem:s1] =	stream.indirect.scatter.add.f32 [tilespmem:s21], [sflag:$0x4], $0x40, s29, s15, $0xb8;
	[tilespmem:$0x1DC00] =	vst v63  }
0x6c: {  	_ = 	snop  }
0x6d: {  	[spmem:s1] =	stream.indirect.scatter.add.f32 [tilespmem:s22], [sflag:$0x4], $0x40, s30, s15, $0xb8;
	[tilespmem:$0x1DC00] =	vst v63  }
0x6e: {  	_ =	swait.ge [sflag:s31], $0x2000  }
0x6f: {  	[sflag:s31] =	ssyncset.done $0x0  }
0x70: {  	[sflag:s31] =	ssyncadd.s32 $0xFFFFE000  }
0x71: {  	_ =	swait.ge [sflag:s31], $0x2000  }
0x72: {  	[sflag:s31] =	ssyncset.done $0x0  }
0x73: {  	[sflag:s31] =	ssyncadd.s32 $0xFFFFE000  }
0x74: {  	_ =	swait.ge [sflag:s31], $0x2000  }
0x75: {  	[sflag:s31] =	ssyncset.done $0x0  }
0x76: {  	[sflag:s31] =	ssyncadd.s32 $0xFFFFE000  }
0x77: {  	_ =	swait.ge [sflag:s31], $0x2000  }
0x78: {  	[sflag:s31] =	ssyncset.done $0x0  }
0x79: {  	[sflag:s31] =	ssyncadd.s32 $0xFFFFE000  }
0x7a: {  	_ =	swait.ge [sflag:s0], $0x2000  }
0x7b: {  	[sflag:s0] =	ssyncset.done $0x0  }
0x7c: {  	[sflag:s0] =	ssyncadd.s32 $0xFFFFE000  }
0x7d: {  	_ =	swait.ge [sflag:s0], $0x2000  }
0x7e: {  	[sflag:s0] =	ssyncset.done $0x0  }
0x7f: {  	[sflag:s0] =	ssyncadd.s32 $0xFFFFE000  }
0x80: {  	_ =	swait.ge [sflag:s0], $0x2000  }
0x81: {  	[sflag:s0] =	ssyncset.done $0x0  }
0x82: {  	[sflag:s0] =	ssyncadd.s32 $0xFFFFE000  }
0x83: {  	_ =	swait.ge [sflag:s0], $0x2000  }
0x84: {  	s5 =	sadd.s32 $0x1000, s5;
	s10 =	rddreg [dreg:$0x4]  }
0x85: {  	p1 =	sne.s32 s10, s5  }
.Ltmp0:
0x86: {  	_ = 	snop;
	(pc) =	sbr.rel @p1 .LBB2_2-.Ltmp0, $3  }
0x87: {  	_ =	sdelay $0x1  }
0x88: {  	[sflag:s0] =	ssyncset.done $0x0  }
0x89: {  	s11 =	sadd.s32 $0x80, s11;
	[sflag:s0] =	ssyncadd.s32 $0xFFFFE000  }
0x8a: {  	[bflag:$0x0] =	sbarrier.arrive $0xFFFF  }
0x8b: {  	[tilespmem:s12], [sflag:$0x6] =	stream.linear.gather [spmem:s8], $0x5000, $0x38;
	[tilespmem:$0x1DC00] =	vst v63  }
0x8c: {  	_ =	swait.ge [sflag:s13], $0x5000  }
0x8d: {  	[sflag:s13] =	ssyncset.done $0x0  }
0x8e: {  	[sflag:s13] =	ssyncadd.s32 $0xFFFFB000  }
0x8f: {  	[hbm4b:s23+s2] =	stream.linear.scatter [tilespmem:s12], [sflag:$0x6], $0x5000, $0x38;
	[tilespmem:$0x1DC00] =	vst v63  }
0x90: {  	_ =	swait.ge [sflag:s13], $0x5000  }
0x91: {  	[sflag:s13] =	ssyncset.done $0x0  }
0x92: {  	[sflag:s13] =	ssyncadd.s32 $0xFFFFB000  }
0x93: {  	[tilespmem:s12], [sflag:$0x6] =	stream.linear.gather [spmem:s9], $0x5000, $0x38;
	[tilespmem:$0x1DC00] =	vst v63  }
0x94: {  	_ =	swait.ge [sflag:s13], $0x5000  }
0x95: {  	[sflag:s13] =	ssyncset.done $0x0  }
0x96: {  	[sflag:s13] =	ssyncadd.s32 $0xFFFFB000  }
0x97: {  	[hbm4b:s24+s2] =	stream.linear.scatter [tilespmem:s12], [sflag:$0x6], $0x5000, $0x38;
	[tilespmem:$0x1DC00] =	vst v63  }
0x98: {  	_ =	swait.ge [sflag:s13], $0x5000  }
0x99: {  	s3 =	sadd.s32 $0x1, s3;
	s5 =	rddreg [dreg:$0xd]  }
0x9a: {  	p1 =	sne.s32 s3, s5  }
.Ltmp1:
0x9b: {  	_ = 	snop;
	(pc) =	sbr.rel @p1 .LBB2_1-.Ltmp1, $3  }
0x9c: {  	_ =	sdelay $0x1  }
0x9d: {  	[sflag:s13] =	ssyncset.done $0x0  }
0x9e: {  	[sflag:s13] =	ssyncadd.s32 $0xFFFFB000  }
0x9f: {  	_ =	sfence.sel $0x180000  }
0xa0: {  	[bflag:$0x0] =	sbarrier.arrive $0xFFFF  }
0xa1: {  	_ =	strace $0x9000004A  }
0xa2: {  	s0 =	stileid.u32;
	[bflag:$0x2] =	sbarrier.arrive $0xFFFF  }
0xa3: {  	p0 =	sne.s32 s0, $0x0;
	s0 =	rddreg [dreg:$0x3]  }
0xa4: {  	s0 =	sadd.s32 @!p0 $0x100000, s0  }
0xa5: {  	[sflag:s0] =	ssyncadd.tile.s32 @!p0 $0x1;
	_ =	shalt  }
.Lfunc_end2:
_tile_overlayer_lowered:
.L_overlay_start_2:
0xa6: {  	(tag) =	ssettag $0x2  }
0xa7: {  	s0 =	rddreg [dreg:$0x0];
	s2 =	stileid.u32  }
0xa8: {  	s1 =	rddreg [dreg:$0x1];
	p0 =	sne.s32 s2, $0x0  }
0xa9: {  	s3 =	rddreg [dreg:$0x2];
	[bflag:$0x3] =	sbarrier.arrive $0xFFFF;
	s2 =	simm.s32 @!p0 $0x1C06  }
0xaa: {  	[timem:s3], [sflag:s2] =	dma.local @!p0 [hbm:s0], s1  }
0xab: {  	s0 =	simm.s32 @!p0 $0x6  }
0xac: {  	_ =	swait.ge @!p0 [sflag:s0], s1  }
0xad: {  	s1 =	ssub.s32 @!p0 $0x0, s1;
	[sflag:s0] =	ssyncset.done @!p0 $0x0  }
0xae: {  	[sflag:s0] =	ssyncadd.s32 @!p0 s1  }
0xaf: {  	[bflag:$0x3] =	sbarrier.arrive $0xFFFF  }
0xb0: {  	_ =	shalt  }

// kernel: kernel.17.cloned.1.call-start
scs
__scs_entry_jumppad:
0x0: {  	(pc) =	sbr.rel $0x88, $3  }
0x1: {  	(tag) =	ssettag $0x0;
	lr =	simm.s32 $0x1  }
0x2: {  	[smem:$0x3F99] =	sst lr;
	_ =	strace $0xD0000000  }
0x3: {  	_ = 	snop  }
0x4: {  	_ = 	snop  }
0x5: {  	_ = 	snop  }
0x6: {  	_ = 	snop  }
0x7: {  	_ = 	snop  }
__scs_overlays_trampoline_lowered:
0x8: {  	[smem:$0x3FA8] =	sst s0  }
0x9: {  	[smem:$0x3FA9] =	sst s1  }
0xa: {  	[smem:$0x3FAA] =	sst s2  }
0xb: {  	[smem:$0x3FAB] =	sst s3  }
0xc: {  	[smem:$0x3FAC] =	sst s4  }
0xd: {  	[smem:$0x3FAD] =	sst s5  }
0xe: {  	[smem:$0x3FAE] =	sst s6  }
0xf: {  	[smem:$0x3FAF] =	sst s7  }
0x10: {  	[smem:$0x3FB0] =	sst s8  }
0x11: {  	[smem:$0x3FB1] =	sst s9;
	s0 =	simm.s32 @!p0 $0x0  }
0x12: {  	s1 =	sld [smem:$0x3F97];
	s0 =	simm.s32 @p0 $0x1  }
0x13: {  	[smem:$0x3FB2] =	sst s0;
	s0 =	simm.s32 @!p1 $0x0  }
0x14: {  	s2 =	sld [smem:$0x3F96];
	s0 =	simm.s32 @p1 $0x1  }
0x15: {  	[smem:$0x3FB3] =	sst s0;
	s0 =	simm.s32 @!p2 $0x0  }
0x16: {  	s3 =	sld [smem:$0x3FDB];
	s0 =	simm.s32 @p2 $0x1  }
0x17: {  	s4 =	simm.s32 $0x1BF5;
	[smem:$0x3FB5] =	sst s0  }
0x18: {  	s0 =	sld [smem:$0x3F98];
	_ =	swait.ge [sflag:s4], $0x0  }
0x19: {  	s7 =	sld [smem:$0x3F99]  }
0x1a: {  	s8 =	sadd.s32 $0xFFFFE003, lr  }
0x1b: {  	s9 =	sadd.s32 $0xFFFFFEF7, lr;
	s5 =	simm.s32 $0xFFFFFFFF;
	p2 =	slt.u32 s8, $0xFFFFF086  }
0x1c: {  	p1 =	slt.u32 s9, $0xF7A;
	s5 =	simm.s32 @!p2 $0x0  }
0x1d: {  	s5 =	simm.s32 @p1 $0x1;
	p0 =	seq.s32 s7, s2  }
0x1e: {  	s7 =	smul.u32 @!p0 $0xF7A, s2;
	p2 =	seq.s32 @!p0 s5, $0x0  }
0x1f: {  	s9 =	smul.u32 $0xF7A, s1;
	s8 =	simm.s32 @!p0 $0x1BF5;
	p2 =	por !p2, p0  }
0x20: {  	[sflag:s8] =	ssyncset.s32 @!p0 $0xFFFFF086;
	s6 =	sadd.s32 @!p0 s3, s7;
	s7 =	simm.s32 @!p0 $0x108  }
0x21: {  	s3 =	sadd.s32 s3, s9;
	s6 =	sadd.s32 @!p0 $0x88, s6;
	s7 =	simm.s32 @p2 $0x1082  }
0x22: {  	[simem:s7], [sflag:s8] =	dma.local @!p0 [hbm:s6], $0xF7A  }
0x23: {  	s9 =	sor.u32 $0xD0000000, s2;
	s6 =	simm.s32 $0x108;
	_ =	swait.ge @!p0 [sflag:s8], $0x0  }
0x24: {  	s3 =	sadd.s32 $0x88, s3;
	s6 =	simm.s32 @!p1 $0x1082;
	[sflag:s4] =	ssyncset.s32 $0xFFFFF086  }
0x25: {  	[simem:s6], [sflag:s4] =	dma.local [hbm:s3], $0xF7A  }
0x26: {  	[smem:$0x3F99] =	sst s1;
	(tag) =	ssettag s2;
	_ =	strace s9  }
0x27: {  	s1 =	sld [smem:$0x3FA9]  }
0x28: {  	s2 =	sld [smem:$0x3FAA]  }
0x29: {  	s4 =	sld [smem:$0x3FAC]  }
0x2a: {  	p0 =	seq.s32 s5, $0x0;
	s5 =	sld [smem:$0x3FAD]  }
0x2b: {  	s6 =	sld [smem:$0x3FAE]  }
0x2c: {  	s7 =	sld [smem:$0x3FAF]  }
0x2d: {  	s3 =	simm.s32 $0x108;
	s8 =	sld [smem:$0x3FB0]  }
0x2e: {  	s3 =	simm.s32 @!p0 $0x1082;
	s9 =	sld [smem:$0x3FB1]  }
0x2f: {  	lr =	sadd.s32 s0, s3;
	s0 =	sld [smem:$0x3FA8]  }
0x30: {  	s3 =	sld [smem:$0x3FAB]  }
0x31: {  	[smem:$0x3FB4] =	sst s10  }
0x32: {  	s10 =	sld [smem:$0x3FB2];
	_ =	sdelay $0x3  }
0x33: {  	p0 =	seq.s32 s10, $0x1;
	s10 =	sld [smem:$0x3FB4];
	_ =	sdelay $0x3  }
0x34: {  	[smem:$0x3FB4] =	sst s10  }
0x35: {  	s10 =	sld [smem:$0x3FB3];
	_ =	sdelay $0x3  }
0x36: {  	p1 =	seq.s32 s10, $0x1;
	s10 =	sld [smem:$0x3FB4];
	_ =	sdelay $0x3  }
0x37: {  	[smem:$0x3FB4] =	sst s10  }
0x38: {  	s10 =	sld [smem:$0x3FB5]  }
0x39: {  	_ = 	snop;
	(pc) =	sbr.ind lr, $3  }
0x3a: {  	_ = 	snop  }
0x3b: {  	_ = 	snop  }
0x3c: {  	p2 =	seq.s32 s10, $0x1;
	s10 =	sld [smem:$0x3FB4]  }
0x3d: {  	_ =	shalt  }
0x3e: {  	_ =	shalt  }
0x3f: {  	_ =	shalt  }
0x40: {  	_ =	shalt  }
0x41: {  	_ =	shalt  }
0x42: {  	_ =	shalt  }
0x43: {  	_ =	shalt  }
0x44: {  	_ =	shalt  }
0x45: {  	_ =	shalt  }
0x46: {  	_ =	shalt  }
0x47: {  	_ =	shalt  }
0x48: {  	_ =	shalt  }
0x49: {  	_ =	shalt  }
0x4a: {  	_ =	shalt  }
0x4b: {  	_ =	shalt  }
0x4c: {  	_ =	shalt  }
0x4d: {  	_ =	shalt  }
0x4e: {  	_ =	shalt  }
0x4f: {  	_ =	shalt  }
0x50: {  	_ =	shalt  }
0x51: {  	_ =	shalt  }
0x52: {  	_ =	shalt  }
0x53: {  	_ =	shalt  }
0x54: {  	_ =	shalt  }
0x55: {  	_ =	shalt  }
0x56: {  	_ =	shalt  }
0x57: {  	_ =	shalt  }
0x58: {  	_ =	shalt  }
0x59: {  	_ =	shalt  }
0x5a: {  	_ =	shalt  }
0x5b: {  	_ =	shalt  }
0x5c: {  	_ =	shalt  }
0x5d: {  	_ =	shalt  }
0x5e: {  	_ =	shalt  }
0x5f: {  	_ =	shalt  }
0x60: {  	_ =	shalt  }
0x61: {  	_ =	shalt  }
0x62: {  	_ =	shalt  }
0x63: {  	_ =	shalt  }
0x64: {  	_ =	shalt  }
0x65: {  	_ =	shalt  }
0x66: {  	_ =	shalt  }
0x67: {  	_ =	shalt  }
0x68: {  	_ =	shalt  }
0x69: {  	_ =	shalt  }
0x6a: {  	_ =	shalt  }
0x6b: {  	_ =	shalt  }
0x6c: {  	_ =	shalt  }
0x6d: {  	_ =	shalt  }
0x6e: {  	_ =	shalt  }
0x6f: {  	_ =	shalt  }
0x70: {  	_ =	shalt  }
0x71: {  	_ =	shalt  }
0x72: {  	_ =	shalt  }
0x73: {  	_ =	shalt  }
0x74: {  	_ =	shalt  }
0x75: {  	_ =	shalt  }
0x76: {  	_ =	shalt  }
0x77: {  	_ =	shalt  }
0x78: {  	_ =	shalt  }
0x79: {  	_ =	shalt  }
0x7a: {  	_ =	shalt  }
0x7b: {  	_ =	shalt  }
0x7c: {  	_ =	shalt  }
0x7d: {  	_ =	shalt  }
0x7e: {  	_ =	shalt  }
0x7f: {  	_ =	shalt  }
0x80: {  	_ =	shalt  }
0x81: {  	_ =	shalt  }
0x82: {  	_ =	shalt  }
0x83: {  	_ =	shalt  }
0x84: {  	_ =	shalt  }
0x85: {  	_ =	shalt  }
0x86: {  	_ =	shalt  }
0x87: {  	_ =	shalt  }
.Lfunc_end0:
.L_simem_size_0:
called_computation.2_lowered:
.L_overlay_start_0:
0x88: {  	s2 =	sld [smem:$0x3FD9]  }
0x89: {  	s3 =	sld [smem:$0x3FFE];
	_ =	sdelay $0x1  }
0x8a: {  	s1 =	srdreg.scid  }
0x8b: {  	s0 =	sand.u32 $0x1, s1  }
0x8c: {  	s17 =	sshll.u32 s0, $0xA;
	s2 =	sadd.s32 s3, s2  }
0x8d: {  	s2 =	sadd.s32 s2, s17  }
0x8e: {  	[smem:$0x3FC0] =	sst s2  }
0x8f: {  	_ = 	snop  }
0x90: {  	s2 =	sld [smem:$0x3FD0];
	(tm) =	ssettm $0x1  }
0x91: {  	s18 =	sld [smem:$0x3FFB];
	_ =	sdelay $0x3  }
0x92: {  	_ =	strace s18  }
0x93: {  	s3 =	sld [smem:$0x3FFC];
	_ =	sdelay $0x3  }
0x94: {  	_ =	strace s3  }
0x95: {  	s3 =	sld [smem:$0x3FFD];
	_ =	sdelay $0x3  }
0x96: {  	_ =	strace s3  }
0x97: {  	_ =	strace $0x8FFFFFFF  }
0x98: {  	s19 =	sld [smem:$0x3FDB];
	_ =	sdelay $0x1  }
0x99: {  	s4 =	simm.s32 $_scs_section_size  }
0x9a: {  	s5 =	simm.s32 $_size__tile_overlayer_lowered;
	s6 =	simm.s32 $_tile_overlayer_lowered  }
0x9b: {  	s22 =	simm.s32 $0x1BFF;
	s21 =	sshll.u32 s6, $0x1;
	s3 =	sadd.s32 s4, s19  }
0x9c: {  	s7 =	simm.s32 $0x0;
	s20 =	sshll.u32 s5, $0x1;
	s5 =	sadd.s32 s21, s3  }
0x9d: {  	[timem:s7], [sflag:s22] =	dma.local [hbm:s5], s20  }
0x9e: {  	_ =	swait.ge [sflag:s22], s20  }
0x9f: {  	s4 =	ssub.s32 $0x0, s20;
	[sflag:s22] =	ssyncset.done $0x0  }
0xa0: {  	[sflag:s22] =	ssyncadd.s32 s4;
	_ =	sdelay $0x1  }
0xa1: {  	s23 =	simm.s32 $0x1B8B  }
0xa2: {  	_ =	swait.ge [sflag:s23], $0x1  }
0xa3: {  	[sflag:s23] =	ssyncset.done $0x0  }
0xa4: {  	s25 =	simm.s32 $0x1B8E;
	s24 =	sld [smem:$0x3FFE];
	[sflag:s23] =	ssyncadd.s32 $0xFFFFFFFF  }
0xa5: {  	s26 =	simm.s32 $execute0_lowered;
	[smem:$0x3FD2] =	sst s25  }
0xa6: {  	s5 =	sshll.u32 s26, $0x1;
	_ =	strace $0x8000004C;
	[dreg:$0x1] =	wrdreg $0xFFFFFFFF  }
0xa7: {  	s28 =	simm.s32 $_size_execute0_lowered;
	s3 =	sadd.s32 s3, s5;
	[dreg:$0x0] =	wrdreg $0x0  }
0xa8: {  	s5 =	sshll.u32 s28, $0x1;
	[dreg:$0x2] =	wrdreg s3  }
0xa9: {  	[dreg:$0x3] =	wrdreg s5  }
0xaa: {  	[dreg:$0x4] =	wrdreg $0xC0  }
0xab: {  	_ =	task [dreg:s7], $0x5FFFF  }
0xac: {  	[dreg:$0x1] =	wrdreg $0xFFFFFFFF  }
0xad: {  	[dreg:$0x0] =	wrdreg $0x60  }
0xae: {  	[dreg:$0x2] =	wrdreg s24  }
0xaf: {  	[dreg:$0x3] =	wrdreg s2  }
0xb0: {  	[dreg:$0x4] =	wrdreg $0x13C000  }
0xb1: {  	[dreg:$0x5] =	wrdreg $0x9  }
0xb2: {  	_ =	task.clear_ibuf [dreg:s7], $0x6FFFF;
	_ =	strace $0x9000004C  }
0xb3: {  	s29 =	simm.s32 $0x9;
	_ =	strace $0x8000004E  }
0xb4: {  	_ =	swait.ge [sflag:s29], $0x1  }
0xb5: {  	[sflag:s29] =	ssyncadd.s32 $0xFFFFFFFF  }
0xb6: {  	_ =	strace $0x9000004E  }
0xb7: {  	_ =	sfence  }
0xb8: {  	s30 =	sld [smem:$0x0];
	_ =	sdelay $0x2  }
0xb9: {  	s31 =	sshll.u32 s1, $0xD;
	s1 =	sshrl.u32 s1, $0x2  }
0xba: {  	s3 =	sand.u32 $0x4000, s31;
	s1 =	sadd.s32 s1, s30  }
0xbb: {  	s0 =	sor.u32 s3, s0;
	s1 =	sshll.u32 s1, $0x11  }
0xbc: {  	s0 =	sor.u32 s1, s0  }
0xbd: {  	s0 =	sadd.s32 $0x8F2B, s0  }
0xbe: {  	[sflag:s0] =	ssyncadd.remote.s32 $0x1  }
0xbf: {  	_ =	sfence.sel $0xFFFF  }
0xc0: {  	[dreg:$0x0] =	wrdreg $0xFFFFFFFF;
	(pc) =	sbr.abs _section_cstart, $3  }
0xc1: {  	[dreg:$0x1] =	wrdreg $0xFFFFFFFF  }
0xc2: {  	_ =	task.clear_ibuf [dreg:s7], $0x2FFFF;
	_ =	strace $0x9FFFFFFF  }
0xc3: {  	(tm) =	ssettm $0x7FFFFFFF  }
tec
execute0_lowered:
.L_overlay_start_1:
0x0: {  	(tag) =	ssettag $0x1  }
0x1: {  	s0 =	rddreg [dreg:$0x0]  }
0x2: {  	s3 =	rddreg [dreg:$0x1]  }
0x3: {  	s1 =	rddreg [dreg:$0x2]  }
0x4: {  	s2 =	simm.s32 $0x0;
	s4 =	srdreg.scid;
	s13 =	stileid.u32  }
0x5: {  	s20 =	simm.s32 $0x3880;
	s21 =	simm.s32 $0x3900;
	s22 =	simm.s32 $0x3980  }
0x6: {  	s25 =	simm.s32 $0x3A00;
	s26 =	simm.s32 $0x3A80;
	s28 =	simm.s32 $0x2  }
0x7: {  	s29 =	simm.s32 $0x3B00;
	s30 =	simm.s32 $0x3B80;
	s31 =	simm.s32 $0x3  }
0x8: {  	[smem:$0x7FF] =	sst s2;
	s8 =	sadd.s32 $0x1E00, s0;
	s14 =	smul.u32 $0x30, s13  }
0x9: {  	s9 =	smul.u32 $0x70, s13;
	_ =	strace $0x8000004D;
	[dreg:$0xa] =	wrdreg s8  }
0xa: {  	s5 =	sand.u32 $0x1, s4;
	s16 =	smul.u32 $0x700, s13;
	[dreg:$0x5] =	wrdreg s20  }
0xb: {  	s4 =	sadd.s32 $0x16600, s0;
	s13 =	smul.u32 $0xA000, s13;
	[dreg:$0x6] =	wrdreg s21  }
0xc: {  	s7 =	sadd.s32 $0xC600, s0;
	s6 =	smul.u32 $0x14000, s5;
	[dreg:$0x7] =	wrdreg s22  }
0xd: {  	s15 =	ssub.s32 $0x2, s5;
	p0 =	seq.s32 s5, $0x0;
	[dreg:$0x8] =	wrdreg s25  }
0xe: {  	s20 =	simm.s32 $0xDC00;
	s21 =	simm.s32 $0xFC00;
	[dreg:$0x9] =	wrdreg s26  }
0xf: {  	s22 =	simm.s32 $0x11C00;
	s25 =	simm.s32 $0x1;
	s26 =	simm.s32 $0x5  }
0x10: {  	s10 =	sshrl.u32 s15, $0x1;
	s11 =	sadd.s32 $0x700, s14;
	s8 =	sadd.s32 s13, s1  }
0x11: {  	s18 =	sadd.s32 $0x5000, s13;
	s23 =	sshrl.u32 s13, $0x3;
	s13 =	simm.s32 $0x6  }
0x12: {  	s14 =	simm.s32 $0x3800;
	s0 =	sadd.s32 s6, s0;
	s12 =	sshll.u32 s11, $0x4  }
0x13: {  	s6 =	ssub.s32 s15, s10;
	s11 =	smov.u32 @p0 s9;
	s9 =	sadd.s32 s18, s1  }
0x14: {  	s24 =	sshrl.u32 s18, $0x3;
	p0 =	sne.s32 s5, $0x0;
	s15 =	simm.s32 $0x80  }
0x15: {  	s18 =	simm.s32 $0x9C00;
	s17 =	sadd.s32 s7, s12;
	s7 =	sadd.s32 s7, s16  }
0x16: {  	s0 =	sadd.s32 $0x2A600, s0;
	s6 =	smax.u32 s6, $0x1;
	[dreg:$0xb] =	wrdreg s17  }
0x17: {  	s19 =	sshll.u32 s11, $0x4;
	s12 =	simm.s32 $0x3C00;
	[dreg:$0xc] =	wrdreg s7  }
0x18: {  	s16 =	simm.s32 $0x5C00;
	[dreg:$0xd] =	wrdreg s6;
	s6 =	sadd.s32 s19, s3  }
0x19: {  	s17 =	simm.s32 $0x7C00;
	s19 =	simm.s32 $0xBC00;
	s23 =	sadd.s32 s23, s0  }
0x1a: {  	s24 =	sadd.s32 s24, s0;
	s0 =	simm.s32 $0x4;
	s3 =	simm.s32 $0x0  }
.LBB2_1:
0x1b: {  	s5 =	simm.s32 @p0 $0x0;
	s7 =	rddreg [dreg:$0xb]  }
0x1c: {  	[tilespmem:s5], [sflag:$0x6] =	stream.linear.gather @p0 [hbm4b:s7+s5], $0x1800, $0x38;
	[tilespmem:$0x1DC00] =	vst v63  }
0x1d: {  	s5 =	simm.s32 @p0 $0x6  }
0x1e: {  	_ =	swait.ge @p0 [sflag:s5], $0x1800  }
0x1f: {  	[sflag:s5] =	ssyncset.done @p0 $0x0  }
0x20: {  	s7 =	rddreg [dreg:$0xc];
	[sflag:s5] =	ssyncadd.s32 @p0 $0xFFFFE800;
	s5 =	simm.s32 @!p0 $0x0  }
0x21: {  	[tilespmem:s5], [sflag:$0x6] =	stream.linear.gather @!p0 [hbm4b:s7+s5], $0x3800, $0x38;
	[tilespmem:$0x1DC00] =	vst v63  }
0x22: {  	s5 =	simm.s32 @!p0 $0x6  }
0x23: {  	_ =	swait.ge @!p0 [sflag:s5], $0x3800  }
0x24: {  	[sflag:s5] =	ssyncset.done @!p0 $0x0  }
0x25: {  	s11 =	rddreg [dreg:$0xa];
	[sflag:s5] =	ssyncadd.s32 @!p0 $0xFFFFC800  }
0x26: {  	[tilespmem:s12], [sflag:$0x6] =	stream.linear.gather [hbm4b:s11+s2], $0x5000, $0x38;
	[tilespmem:$0x1DC00] =	vst v63  }
0x27: {  	_ =	swait.ge [sflag:s13], $0x5000  }
0x28: {  	[sflag:s13] =	ssyncset.done $0x0  }
0x29: {  	[sflag:s13] =	ssyncadd.s32 $0xFFFFB000  }
0x2a: {  	[spmem:s8] =	stream.linear.scatter [tilespmem:s12], [sflag:$0x6], $0x5000, $0x38;
	[tilespmem:$0x1DC00] =	vst v63  }
0x2b: {  	_ =	swait.ge [sflag:s13], $0x5000  }
0x2c: {  	[sflag:s13] =	ssyncset.done $0x0  }
0x2d: {  	[sflag:s13] =	ssyncadd.s32 $0xFFFFB000  }
0x2e: {  	[spmem:s9] =	stream.linear.scatter [tilespmem:s12], [sflag:$0x6], $0x5000, $0x38;
	[tilespmem:$0x1DC00] =	vst v63  }
0x2f: {  	_ =	swait.ge [sflag:s13], $0x5000  }
0x30: {  	s5 =	simm.s32 @!p0 $0xE;
	[sflag:s13] =	ssyncset.done $0x0  }
0x31: {  	s5 =	simm.s32 @p0 $0x6;
	[sflag:s13] =	ssyncadd.s32 $0xFFFFB000  }
0x32: {  	s5 =	sshll.u32 s5, $0xC;
	[bflag:$0x0] =	sbarrier.arrive $0xFFFF  }
0x33: {  	s11 =	smov.u32 s6;
	[dreg:$0x4] =	wrdreg s5;
	s5 =	simm.s32 $0x0  }
.LBB2_2:
0x34: {  	[tilespmem:s14], [sflag:$0x5] =	stream.linear.gather [hbm4b:s11+s2], $0x400, $0x38;
	[tilespmem:$0x1DC00] =	vst v63  }
0x35: {  	s7 =	sshra.s32 s5, $0x2  }
0x36: {  	[tilespmem:s12], [sflag:$0x1] =	stream.indirect.gather [hbm4b:s4+s15], $0x40, s7, s15, $0xb8;
	[tilespmem:$0x1DC00] =	vst v63  }
0x37: {  	s10 =	sadd.s32 $0x80, s7  }
0x38: {  	[tilespmem:s16], [sflag:$0x1] =	stream.indirect.gather [hbm4b:s4+s15], $0x40, s10, s15, $0xb8;
	[tilespmem:$0x1DC00] =	vst v63  }
0x39: {  	s10 =	sadd.s32 $0x100, s7  }
0x3a: {  	[tilespmem:s17], [sflag:$0x1] =	stream.indirect.gather [hbm4b:s4+s15], $0x40, s10, s15, $0xb8;
	[tilespmem:$0x1DC00] =	vst v63  }
0x3b: {  	s10 =	sadd.s32 $0x180, s7  }
0x3c: {  	[tilespmem:s18], [sflag:$0x1] =	stream.indirect.gather [hbm4b:s4+s15], $0x40, s10, s15, $0xb8;
	[tilespmem:$0x1DC00] =	vst v63  }
0x3d: {  	s10 =	sadd.s32 $0x200, s7  }
0x3e: {  	[tilespmem:s19], [sflag:$0x2] =	stream.indirect.gather [hbm4b:s4+s15], $0x40, s10, s15, $0xb8;
	[tilespmem:$0x1DC00] =	vst v63  }
0x3f: {  	s10 =	sadd.s32 $0x280, s7  }
0x40: {  	[tilespmem:s20], [sflag:$0x2] =	stream.indirect.gather [hbm4b:s4+s15], $0x40, s10, s15, $0xb8;
	[tilespmem:$0x1DC00] =	vst v63  }
0x41: {  	s10 =	sadd.s32 $0x300, s7  }
0x42: {  	[tilespmem:s21], [sflag:$0x2] =	stream.indirect.gather [hbm4b:s4+s15], $0x40, s10, s15, $0xb8;
	[tilespmem:$0x1DC00] =	vst v63  }
0x43: {  	s7 =	sadd.s32 $0x380, s7  }
0x44: {  	[tilespmem:s22], [sflag:$0x2] =	stream.indirect.gather [hbm4b:s4+s15], $0x40, s7, s15, $0xb8;
	[tilespmem:$0x1DC00] =	vst v63  }
0x45: {  	_ =	swait.ge [sflag:s25], $0x2000  }
0x46: {  	[sflag:s25] =	ssyncset.done $0x0  }
0x47: {  	[sflag:s25] =	ssyncadd.s32 $0xFFFFE000  }
0x48: {  	_ =	swait.ge [sflag:s25], $0x2000  }
0x49: {  	[sflag:s25] =	ssyncset.done $0x0  }
0x4a: {  	[sflag:s25] =	ssyncadd.s32 $0xFFFFE000  }
0x4b: {  	_ =	swait.ge [sflag:s25], $0x2000  }
0x4c: {  	[sflag:s25] =	ssyncset.done $0x0  }
0x4d: {  	[sflag:s25] =	ssyncadd.s32 $0xFFFFE000  }
0x4e: {  	_ =	swait.ge [sflag:s25], $0x2000  }
0x4f: {  	[sflag:s25] =	ssyncset.done $0x0  }
0x50: {  	[sflag:s25] =	ssyncadd.s32 $0xFFFFE000  }
0x51: {  	_ =	swait.ge [sflag:s26], $0x400  }
0x52: {  	[sflag:s26] =	ssyncset.done $0x0  }
0x53: {  	[sflag:s26] =	ssyncadd.s32 $0xFFFFFC00  }
0x54: {  	[spmem:s1] =	stream.indirect.scatter.add.f32 [tilespmem:s12], [sflag:$0x3], $0x40, s14, s15, $0xb8;
	[tilespmem:$0x1DC00] =	vst v63  }
0x55: {  	s7 =	rddreg [dreg:$0x5]  }
0x56: {  	[spmem:s1] =	stream.indirect.scatter.add.f32 [tilespmem:s16], [sflag:$0x3], $0x40, s7, s15, $0xb8;
	[tilespmem:$0x1DC00] =	vst v63  }
0x57: {  	s10 =	rddreg [dreg:$0x6]  }
0x58: {  	[spmem:s1] =	stream.indirect.scatter.add.f32 [tilespmem:s17], [sflag:$0x3], $0x40, s10, s15, $0xb8;
	[tilespmem:$0x1DC00] =	vst v63  }
0x59: {  	s7 =	rddreg [dreg:$0x7]  }
0x5a: {  	[spmem:s1] =	stream.indirect.scatter.add.f32 [tilespmem:s18], [sflag:$0x3], $0x40, s7, s15, $0xb8;
	[tilespmem:$0x1DC00] =	vst v63  }
0x5b: {  	_ =	swait.ge [sflag:s28], $0x2000  }
0x5c: {  	[sflag:s28] =	ssyncset.done $0x0  }
0x5d: {  	[sflag:s28] =	ssyncadd.s32 $0xFFFFE000  }
0x5e: {  	_ =	swait.ge [sflag:s28], $0x2000  }
0x5f: {  	[sflag:s28] =	ssyncset.done $0x0  }
0x60: {  	[sflag:s28] =	ssyncadd.s32 $0xFFFFE000  }
0x61: {  	_ =	swait.ge [sflag:s28], $0x2000  }
0x62: {  	[sflag:s28] =	ssyncset.done $0x0  }
0x63: {  	[sflag:s28] =	ssyncadd.s32 $0xFFFFE000  }
0x64: {  	_ =	swait.ge [sflag:s28], $0x2000  }
0x65: {  	[sflag:s28] =	ssyncset.done $0x0  }
0x66: {  	s7 =	rddreg [dreg:$0x8];
	[sflag:s28] =	ssyncadd.s32 $0xFFFFE000  }
0x67: {  	[spmem:s1] =	stream.indirect.scatter.add.f32 [tilespmem:s19], [sflag:$0x4], $0x40, s7, s15, $0xb8;
	[tilespmem:$0x1DC00] =	vst v63  }
0x68: {  	s10 =	rddreg [dreg:$0x9]  }
0x69: {  	[spmem:s1] =	stream.indirect.scatter.add.f32 [tilespmem:s20], [sflag:$0x4], $0x40, s10, s15, $0xb8;
	[tilespmem:$0x1DC00] =	vst v63  }
0x6a: {  	_ = 	snop  }
0x6b: {  	[spmem:s1] =	stream.indirect.scatter.add.f32 [tilespmem:s21], [sflag:$0x4], $0x40, s29, s15, $0xb8;
	[tilespmem:$0x1DC00] =	vst v63  }
0x6c: {  	_ = 	snop  }
0x6d: {  	[spmem:s1] =	stream.indirect.scatter.add.f32 [tilespmem:s22], [sflag:$0x4], $0x40, s30, s15, $0xb8;
	[tilespmem:$0x1DC00] =	vst v63  }
0x6e: {  	_ =	swait.ge [sflag:s31], $0x2000  }
0x6f: {  	[sflag:s31] =	ssyncset.done $0x0  }
0x70: {  	[sflag:s31] =	ssyncadd.s32 $0xFFFFE000  }
0x71: {  	_ =	swait.ge [sflag:s31], $0x2000  }
0x72: {  	[sflag:s31] =	ssyncset.done $0x0  }
0x73: {  	[sflag:s31] =	ssyncadd.s32 $0xFFFFE000  }
0x74: {  	_ =	swait.ge [sflag:s31], $0x2000  }
0x75: {  	[sflag:s31] =	ssyncset.done $0x0  }
0x76: {  	[sflag:s31] =	ssyncadd.s32 $0xFFFFE000  }
0x77: {  	_ =	swait.ge [sflag:s31], $0x2000  }
0x78: {  	[sflag:s31] =	ssyncset.done $0x0  }
0x79: {  	[sflag:s31] =	ssyncadd.s32 $0xFFFFE000  }
0x7a: {  	_ =	swait.ge [sflag:s0], $0x2000  }
0x7b: {  	[sflag:s0] =	ssyncset.done $0x0  }
0x7c: {  	[sflag:s0] =	ssyncadd.s32 $0xFFFFE000  }
0x7d: {  	_ =	swait.ge [sflag:s0], $0x2000  }
0x7e: {  	[sflag:s0] =	ssyncset.done $0x0  }
0x7f: {  	[sflag:s0] =	ssyncadd.s32 $0xFFFFE000  }
0x80: {  	_ =	swait.ge [sflag:s0], $0x2000  }
0x81: {  	[sflag:s0] =	ssyncset.done $0x0  }
0x82: {  	[sflag:s0] =	ssyncadd.s32 $0xFFFFE000  }
0x83: {  	_ =	swait.ge [sflag:s0], $0x2000  }
0x84: {  	s5 =	sadd.s32 $0x1000, s5;
	s10 =	rddreg [dreg:$0x4]  }
0x85: {  	p1 =	sne.s32 s10, s5  }
.Ltmp0:
0x86: {  	_ = 	snop;
	(pc) =	sbr.rel @p1 .LBB2_2-.Ltmp0, $3  }
0x87: {  	_ =	sdelay $0x1  }
0x88: {  	[sflag:s0] =	ssyncset.done $0x0  }
0x89: {  	s11 =	sadd.s32 $0x80, s11;
	[sflag:s0] =	ssyncadd.s32 $0xFFFFE000  }
0x8a: {  	[bflag:$0x0] =	sbarrier.arrive $0xFFFF  }
0x8b: {  	[tilespmem:s12], [sflag:$0x6] =	stream.linear.gather [spmem:s8], $0x5000, $0x38;
	[tilespmem:$0x1DC00] =	vst v63  }
0x8c: {  	_ =	swait.ge [sflag:s13], $0x5000  }
0x8d: {  	[sflag:s13] =	ssyncset.done $0x0  }
0x8e: {  	[sflag:s13] =	ssyncadd.s32 $0xFFFFB000  }
0x8f: {  	[hbm4b:s23+s2] =	stream.linear.scatter [tilespmem:s12], [sflag:$0x6], $0x5000, $0x38;
	[tilespmem:$0x1DC00] =	vst v63  }
0x90: {  	_ =	swait.ge [sflag:s13], $0x5000  }
0x91: {  	[sflag:s13] =	ssyncset.done $0x0  }
0x92: {  	[sflag:s13] =	ssyncadd.s32 $0xFFFFB000  }
0x93: {  	[tilespmem:s12], [sflag:$0x6] =	stream.linear.gather [spmem:s9], $0x5000, $0x38;
	[tilespmem:$0x1DC00] =	vst v63  }
0x94: {  	_ =	swait.ge [sflag:s13], $0x5000  }
0x95: {  	[sflag:s13] =	ssyncset.done $0x0  }
0x96: {  	[sflag:s13] =	ssyncadd.s32 $0xFFFFB000  }
0x97: {  	[hbm4b:s24+s2] =	stream.linear.scatter [tilespmem:s12], [sflag:$0x6], $0x5000, $0x38;
	[tilespmem:$0x1DC00] =	vst v63  }
0x98: {  	_ =	swait.ge [sflag:s13], $0x5000  }
0x99: {  	s3 =	sadd.s32 $0x1, s3;
	s5 =	rddreg [dreg:$0xd]  }
0x9a: {  	p1 =	sne.s32 s3, s5  }
.Ltmp1:
0x9b: {  	_ = 	snop;
	(pc) =	sbr.rel @p1 .LBB2_1-.Ltmp1, $3  }
0x9c: {  	_ =	sdelay $0x1  }
0x9d: {  	[sflag:s13] =	ssyncset.done $0x0  }
0x9e: {  	[sflag:s13] =	ssyncadd.s32 $0xFFFFB000  }
0x9f: {  	_ =	sfence.sel $0x180000  }
0xa0: {  	[bflag:$0x0] =	sbarrier.arrive $0xFFFF  }
0xa1: {  	_ =	strace $0x9000004D  }
0xa2: {  	s0 =	stileid.u32;
	[bflag:$0x2] =	sbarrier.arrive $0xFFFF  }
0xa3: {  	p0 =	sne.s32 s0, $0x0;
	s0 =	rddreg [dreg:$0x3]  }
0xa4: {  	s0 =	sadd.s32 @!p0 $0x100000, s0  }
0xa5: {  	[sflag:s0] =	ssyncadd.tile.s32 @!p0 $0x1;
	_ =	shalt  }
.Lfunc_end2:
_tile_overlayer_lowered:
.L_overlay_start_2:
0xa6: {  	(tag) =	ssettag $0x2  }
0xa7: {  	s0 =	rddreg [dreg:$0x0];
	s2 =	stileid.u32  }
0xa8: {  	s1 =	rddreg [dreg:$0x1];
	p0 =	sne.s32 s2, $0x0  }
0xa9: {  	s3 =	rddreg [dreg:$0x2];
	[bflag:$0x3] =	sbarrier.arrive $0xFFFF;
	s2 =	simm.s32 @!p0 $0x1C06  }
0xaa: {  	[timem:s3], [sflag:s2] =	dma.local @!p0 [hbm:s0], s1  }
0xab: {  	s0 =	simm.s32 @!p0 $0x6  }
0xac: {  	_ =	swait.ge @!p0 [sflag:s0], s1  }
0xad: {  	s1 =	ssub.s32 @!p0 $0x0, s1;
	[sflag:s0] =	ssyncset.done @!p0 $0x0  }
0xae: {  	[sflag:s0] =	ssyncadd.s32 @!p0 s1  }
0xaf: {  	[bflag:$0x3] =	sbarrier.arrive $0xFFFF  }
0xb0: {  	_ =	shalt  }

// kernel: kernel.20.cloned.1.call-start
scs
__scs_entry_jumppad:
0x0: {  	(pc) =	sbr.rel $0x88, $3  }
0x1: {  	(tag) =	ssettag $0x0;
	lr =	simm.s32 $0x1  }
0x2: {  	[smem:$0x3F99] =	sst lr;
	_ =	strace $0xD0000000  }
0x3: {  	_ = 	snop  }
0x4: {  	_ = 	snop  }
0x5: {  	_ = 	snop  }
0x6: {  	_ = 	snop  }
0x7: {  	_ = 	snop  }
__scs_overlays_trampoline_lowered:
0x8: {  	[smem:$0x3FA8] =	sst s0  }
0x9: {  	[smem:$0x3FA9] =	sst s1  }
0xa: {  	[smem:$0x3FAA] =	sst s2  }
0xb: {  	[smem:$0x3FAB] =	sst s3  }
0xc: {  	[smem:$0x3FAC] =	sst s4  }
0xd: {  	[smem:$0x3FAD] =	sst s5  }
0xe: {  	[smem:$0x3FAE] =	sst s6  }
0xf: {  	[smem:$0x3FAF] =	sst s7  }
0x10: {  	[smem:$0x3FB0] =	sst s8  }
0x11: {  	[smem:$0x3FB1] =	sst s9;
	s0 =	simm.s32 @!p0 $0x0  }
0x12: {  	s1 =	sld [smem:$0x3F97];
	s0 =	simm.s32 @p0 $0x1  }
0x13: {  	[smem:$0x3FB2] =	sst s0;
	s0 =	simm.s32 @!p1 $0x0  }
0x14: {  	s2 =	sld [smem:$0x3F96];
	s0 =	simm.s32 @p1 $0x1  }
0x15: {  	[smem:$0x3FB3] =	sst s0;
	s0 =	simm.s32 @!p2 $0x0  }
0x16: {  	s3 =	sld [smem:$0x3FDB];
	s0 =	simm.s32 @p2 $0x1  }
0x17: {  	s4 =	simm.s32 $0x1BF5;
	[smem:$0x3FB5] =	sst s0  }
0x18: {  	s0 =	sld [smem:$0x3F98];
	_ =	swait.ge [sflag:s4], $0x0  }
0x19: {  	s7 =	sld [smem:$0x3F99]  }
0x1a: {  	s8 =	sadd.s32 $0xFFFFE003, lr  }
0x1b: {  	s9 =	sadd.s32 $0xFFFFFEF7, lr;
	s5 =	simm.s32 $0xFFFFFFFF;
	p2 =	slt.u32 s8, $0xFFFFF086  }
0x1c: {  	p1 =	slt.u32 s9, $0xF7A;
	s5 =	simm.s32 @!p2 $0x0  }
0x1d: {  	s5 =	simm.s32 @p1 $0x1;
	p0 =	seq.s32 s7, s2  }
0x1e: {  	s7 =	smul.u32 @!p0 $0xF7A, s2;
	p2 =	seq.s32 @!p0 s5, $0x0  }
0x1f: {  	s9 =	smul.u32 $0xF7A, s1;
	s8 =	simm.s32 @!p0 $0x1BF5;
	p2 =	por !p2, p0  }
0x20: {  	[sflag:s8] =	ssyncset.s32 @!p0 $0xFFFFF086;
	s6 =	sadd.s32 @!p0 s3, s7;
	s7 =	simm.s32 @!p0 $0x108  }
0x21: {  	s3 =	sadd.s32 s3, s9;
	s6 =	sadd.s32 @!p0 $0x88, s6;
	s7 =	simm.s32 @p2 $0x1082  }
0x22: {  	[simem:s7], [sflag:s8] =	dma.local @!p0 [hbm:s6], $0xF7A  }
0x23: {  	s9 =	sor.u32 $0xD0000000, s2;
	s6 =	simm.s32 $0x108;
	_ =	swait.ge @!p0 [sflag:s8], $0x0  }
0x24: {  	s3 =	sadd.s32 $0x88, s3;
	s6 =	simm.s32 @!p1 $0x1082;
	[sflag:s4] =	ssyncset.s32 $0xFFFFF086  }
0x25: {  	[simem:s6], [sflag:s4] =	dma.local [hbm:s3], $0xF7A  }
0x26: {  	[smem:$0x3F99] =	sst s1;
	(tag) =	ssettag s2;
	_ =	strace s9  }
0x27: {  	s1 =	sld [smem:$0x3FA9]  }
0x28: {  	s2 =	sld [smem:$0x3FAA]  }
0x29: {  	s4 =	sld [smem:$0x3FAC]  }
0x2a: {  	p0 =	seq.s32 s5, $0x0;
	s5 =	sld [smem:$0x3FAD]  }
0x2b: {  	s6 =	sld [smem:$0x3FAE]  }
0x2c: {  	s7 =	sld [smem:$0x3FAF]  }
0x2d: {  	s3 =	simm.s32 $0x108;
	s8 =	sld [smem:$0x3FB0]  }
0x2e: {  	s3 =	simm.s32 @!p0 $0x1082;
	s9 =	sld [smem:$0x3FB1]  }
0x2f: {  	lr =	sadd.s32 s0, s3;
	s0 =	sld [smem:$0x3FA8]  }
0x30: {  	s3 =	sld [smem:$0x3FAB]  }
0x31: {  	[smem:$0x3FB4] =	sst s10  }
0x32: {  	s10 =	sld [smem:$0x3FB2];
	_ =	sdelay $0x3  }
0x33: {  	p0 =	seq.s32 s10, $0x1;
	s10 =	sld [smem:$0x3FB4];
	_ =	sdelay $0x3  }
0x34: {  	[smem:$0x3FB4] =	sst s10  }
0x35: {  	s10 =	sld [smem:$0x3FB3];
	_ =	sdelay $0x3  }
0x36: {  	p1 =	seq.s32 s10, $0x1;
	s10 =	sld [smem:$0x3FB4];
	_ =	sdelay $0x3  }
0x37: {  	[smem:$0x3FB4] =	sst s10  }
0x38: {  	s10 =	sld [smem:$0x3FB5]  }
0x39: {  	_ = 	snop;
	(pc) =	sbr.ind lr, $3  }
0x3a: {  	_ = 	snop  }
0x3b: {  	_ = 	snop  }
0x3c: {  	p2 =	seq.s32 s10, $0x1;
	s10 =	sld [smem:$0x3FB4]  }
0x3d: {  	_ =	shalt  }
0x3e: {  	_ =	shalt  }
0x3f: {  	_ =	shalt  }
0x40: {  	_ =	shalt  }
0x41: {  	_ =	shalt  }
0x42: {  	_ =	shalt  }
0x43: {  	_ =	shalt  }
0x44: {  	_ =	shalt  }
0x45: {  	_ =	shalt  }
0x46: {  	_ =	shalt  }
0x47: {  	_ =	shalt  }
0x48: {  	_ =	shalt  }
0x49: {  	_ =	shalt  }
0x4a: {  	_ =	shalt  }
0x4b: {  	_ =	shalt  }
0x4c: {  	_ =	shalt  }
0x4d: {  	_ =	shalt  }
0x4e: {  	_ =	shalt  }
0x4f: {  	_ =	shalt  }
0x50: {  	_ =	shalt  }
0x51: {  	_ =	shalt  }
0x52: {  	_ =	shalt  }
0x53: {  	_ =	shalt  }
0x54: {  	_ =	shalt  }
0x55: {  	_ =	shalt  }
0x56: {  	_ =	shalt  }
0x57: {  	_ =	shalt  }
0x58: {  	_ =	shalt  }
0x59: {  	_ =	shalt  }
0x5a: {  	_ =	shalt  }
0x5b: {  	_ =	shalt  }
0x5c: {  	_ =	shalt  }
0x5d: {  	_ =	shalt  }
0x5e: {  	_ =	shalt  }
0x5f: {  	_ =	shalt  }
0x60: {  	_ =	shalt  }
0x61: {  	_ =	shalt  }
0x62: {  	_ =	shalt  }
0x63: {  	_ =	shalt  }
0x64: {  	_ =	shalt  }
0x65: {  	_ =	shalt  }
0x66: {  	_ =	shalt  }
0x67: {  	_ =	shalt  }
0x68: {  	_ =	shalt  }
0x69: {  	_ =	shalt  }
0x6a: {  	_ =	shalt  }
0x6b: {  	_ =	shalt  }
0x6c: {  	_ =	shalt  }
0x6d: {  	_ =	shalt  }
0x6e: {  	_ =	shalt  }
0x6f: {  	_ =	shalt  }
0x70: {  	_ =	shalt  }
0x71: {  	_ =	shalt  }
0x72: {  	_ =	shalt  }
0x73: {  	_ =	shalt  }
0x74: {  	_ =	shalt  }
0x75: {  	_ =	shalt  }
0x76: {  	_ =	shalt  }
0x77: {  	_ =	shalt  }
0x78: {  	_ =	shalt  }
0x79: {  	_ =	shalt  }
0x7a: {  	_ =	shalt  }
0x7b: {  	_ =	shalt  }
0x7c: {  	_ =	shalt  }
0x7d: {  	_ =	shalt  }
0x7e: {  	_ =	shalt  }
0x7f: {  	_ =	shalt  }
0x80: {  	_ =	shalt  }
0x81: {  	_ =	shalt  }
0x82: {  	_ =	shalt  }
0x83: {  	_ =	shalt  }
0x84: {  	_ =	shalt  }
0x85: {  	_ =	shalt  }
0x86: {  	_ =	shalt  }
0x87: {  	_ =	shalt  }
.Lfunc_end0:
.L_simem_size_0:
called_computation.3_lowered:
.L_overlay_start_0:
0x88: {  	s2 =	sld [smem:$0x3FD9]  }
0x89: {  	s3 =	sld [smem:$0x3FFE];
	_ =	sdelay $0x1  }
0x8a: {  	s1 =	srdreg.scid  }
0x8b: {  	s0 =	sand.u32 $0x1, s1  }
0x8c: {  	s17 =	sshll.u32 s0, $0xA;
	s2 =	sadd.s32 s3, s2  }
0x8d: {  	s2 =	sadd.s32 s2, s17  }
0x8e: {  	[smem:$0x3FC0] =	sst s2  }
0x8f: {  	_ = 	snop  }
0x90: {  	s2 =	sld [smem:$0x3FD0];
	(tm) =	ssettm $0x1  }
0x91: {  	s18 =	sld [smem:$0x3FFB];
	_ =	sdelay $0x3  }
0x92: {  	_ =	strace s18  }
0x93: {  	s3 =	sld [smem:$0x3FFC];
	_ =	sdelay $0x3  }
0x94: {  	_ =	strace s3  }
0x95: {  	s3 =	sld [smem:$0x3FFD];
	_ =	sdelay $0x3  }
0x96: {  	_ =	strace s3  }
0x97: {  	_ =	strace $0x8FFFFFFF  }
0x98: {  	s19 =	sld [smem:$0x3FDB];
	_ =	sdelay $0x1  }
0x99: {  	s4 =	simm.s32 $_scs_section_size  }
0x9a: {  	s5 =	simm.s32 $_size__tile_overlayer_lowered;
	s6 =	simm.s32 $_tile_overlayer_lowered  }
0x9b: {  	s22 =	simm.s32 $0x1BFF;
	s21 =	sshll.u32 s6, $0x1;
	s3 =	sadd.s32 s4, s19  }
0x9c: {  	s7 =	simm.s32 $0x0;
	s20 =	sshll.u32 s5, $0x1;
	s5 =	sadd.s32 s21, s3  }
0x9d: {  	[timem:s7], [sflag:s22] =	dma.local [hbm:s5], s20  }
0x9e: {  	_ =	swait.ge [sflag:s22], s20  }
0x9f: {  	s4 =	ssub.s32 $0x0, s20;
	[sflag:s22] =	ssyncset.done $0x0  }
0xa0: {  	[sflag:s22] =	ssyncadd.s32 s4;
	_ =	sdelay $0x1  }
0xa1: {  	s23 =	simm.s32 $0x1B8B  }
0xa2: {  	_ =	swait.ge [sflag:s23], $0x1  }
0xa3: {  	[sflag:s23] =	ssyncset.done $0x0  }
0xa4: {  	s25 =	simm.s32 $0x1B8E;
	s24 =	sld [smem:$0x3FFE];
	[sflag:s23] =	ssyncadd.s32 $0xFFFFFFFF  }
0xa5: {  	s26 =	simm.s32 $execute0_lowered;
	[smem:$0x3FD2] =	sst s25  }
0xa6: {  	s5 =	sshll.u32 s26, $0x1;
	_ =	strace $0x8000004F;
	[dreg:$0x1] =	wrdreg $0xFFFFFFFF  }
0xa7: {  	s28 =	simm.s32 $_size_execute0_lowered;
	s3 =	sadd.s32 s3, s5;
	[dreg:$0x0] =	wrdreg $0x0  }
0xa8: {  	s5 =	sshll.u32 s28, $0x1;
	[dreg:$0x2] =	wrdreg s3  }
0xa9: {  	[dreg:$0x3] =	wrdreg s5  }
0xaa: {  	[dreg:$0x4] =	wrdreg $0xC0  }
0xab: {  	_ =	task [dreg:s7], $0x5FFFF  }
0xac: {  	[dreg:$0x1] =	wrdreg $0xFFFFFFFF  }
0xad: {  	[dreg:$0x0] =	wrdreg $0x60  }
0xae: {  	[dreg:$0x2] =	wrdreg s24  }
0xaf: {  	[dreg:$0x3] =	wrdreg s2  }
0xb0: {  	[dreg:$0x4] =	wrdreg $0x13C000  }
0xb1: {  	[dreg:$0x5] =	wrdreg $0x9  }
0xb2: {  	_ =	task.clear_ibuf [dreg:s7], $0x6FFFF;
	_ =	strace $0x9000004F  }
0xb3: {  	s29 =	simm.s32 $0x9;
	_ =	strace $0x80000051  }
0xb4: {  	_ =	swait.ge [sflag:s29], $0x1  }
0xb5: {  	[sflag:s29] =	ssyncadd.s32 $0xFFFFFFFF  }
0xb6: {  	_ =	strace $0x90000051  }
0xb7: {  	_ =	sfence  }
0xb8: {  	s30 =	sld [smem:$0x0];
	_ =	sdelay $0x2  }
0xb9: {  	s31 =	sshll.u32 s1, $0xD;
	s1 =	sshrl.u32 s1, $0x2  }
0xba: {  	s3 =	sand.u32 $0x4000, s31;
	s1 =	sadd.s32 s1, s30  }
0xbb: {  	s0 =	sor.u32 s3, s0;
	s1 =	sshll.u32 s1, $0x11  }
0xbc: {  	s0 =	sor.u32 s1, s0  }
0xbd: {  	s0 =	sadd.s32 $0x8F2B, s0  }
0xbe: {  	[sflag:s0] =	ssyncadd.remote.s32 $0x1  }
0xbf: {  	_ =	sfence.sel $0xFFFF  }
0xc0: {  	[dreg:$0x0] =	wrdreg $0xFFFFFFFF;
	(pc) =	sbr.abs _section_cstart, $3  }
0xc1: {  	[dreg:$0x1] =	wrdreg $0xFFFFFFFF  }
0xc2: {  	_ =	task.clear_ibuf [dreg:s7], $0x2FFFF;
	_ =	strace $0x9FFFFFFF  }
0xc3: {  	(tm) =	ssettm $0x7FFFFFFF  }
tec
execute0_lowered:
.L_overlay_start_1:
0x0: {  	(tag) =	ssettag $0x1  }
0x1: {  	s0 =	rddreg [dreg:$0x0]  }
0x2: {  	s3 =	rddreg [dreg:$0x1]  }
0x3: {  	s1 =	rddreg [dreg:$0x2]  }
0x4: {  	s2 =	simm.s32 $0x0;
	s4 =	srdreg.scid;
	s13 =	stileid.u32  }
0x5: {  	s20 =	simm.s32 $0x3880;
	s21 =	simm.s32 $0x3900;
	s22 =	simm.s32 $0x3980  }
0x6: {  	s25 =	simm.s32 $0x3A00;
	s26 =	simm.s32 $0x3A80;
	s28 =	simm.s32 $0x2  }
0x7: {  	s29 =	simm.s32 $0x3B00;
	s30 =	simm.s32 $0x3B80;
	s31 =	simm.s32 $0x3  }
0x8: {  	[smem:$0x7FF] =	sst s2;
	s8 =	sadd.s32 $0x1E00, s0;
	s14 =	smul.u32 $0x30, s13  }
0x9: {  	s9 =	smul.u32 $0x70, s13;
	_ =	strace $0x80000050;
	[dreg:$0xa] =	wrdreg s8  }
0xa: {  	s5 =	sand.u32 $0x1, s4;
	s16 =	smul.u32 $0x700, s13;
	[dreg:$0x5] =	wrdreg s20  }
0xb: {  	s4 =	sadd.s32 $0x16600, s0;
	s13 =	smul.u32 $0xA000, s13;
	[dreg:$0x6] =	wrdreg s21  }
0xc: {  	s7 =	sadd.s32 $0xC600, s0;
	s6 =	smul.u32 $0x14000, s5;
	[dreg:$0x7] =	wrdreg s22  }
0xd: {  	s15 =	ssub.s32 $0x2, s5;
	p0 =	seq.s32 s5, $0x0;
	[dreg:$0x8] =	wrdreg s25  }
0xe: {  	s20 =	simm.s32 $0xDC00;
	s21 =	simm.s32 $0xFC00;
	[dreg:$0x9] =	wrdreg s26  }
0xf: {  	s22 =	simm.s32 $0x11C00;
	s25 =	simm.s32 $0x1;
	s26 =	simm.s32 $0x5  }
0x10: {  	s10 =	sshrl.u32 s15, $0x1;
	s11 =	sadd.s32 $0x700, s14;
	s8 =	sadd.s32 s13, s1  }
0x11: {  	s18 =	sadd.s32 $0x5000, s13;
	s23 =	sshrl.u32 s13, $0x3;
	s13 =	simm.s32 $0x6  }
0x12: {  	s14 =	simm.s32 $0x3800;
	s0 =	sadd.s32 s6, s0;
	s12 =	sshll.u32 s11, $0x4  }
0x13: {  	s6 =	ssub.s32 s15, s10;
	s11 =	smov.u32 @p0 s9;
	s9 =	sadd.s32 s18, s1  }
0x14: {  	s24 =	sshrl.u32 s18, $0x3;
	p0 =	sne.s32 s5, $0x0;
	s15 =	simm.s32 $0x80  }
0x15: {  	s18 =	simm.s32 $0x9C00;
	s17 =	sadd.s32 s7, s12;
	s7 =	sadd.s32 s7, s16  }
0x16: {  	s0 =	sadd.s32 $0x2A600, s0;
	s6 =	smax.u32 s6, $0x1;
	[dreg:$0xb] =	wrdreg s17  }
0x17: {  	s19 =	sshll.u32 s11, $0x4;
	s12 =	simm.s32 $0x3C00;
	[dreg:$0xc] =	wrdreg s7  }
0x18: {  	s16 =	simm.s32 $0x5C00;
	[dreg:$0xd] =	wrdreg s6;
	s6 =	sadd.s32 s19, s3  }
0x19: {  	s17 =	simm.s32 $0x7C00;
	s19 =	simm.s32 $0xBC00;
	s23 =	sadd.s32 s23, s0  }
0x1a: {  	s24 =	sadd.s32 s24, s0;
	s0 =	simm.s32 $0x4;
	s3 =	simm.s32 $0x0  }
.LBB2_1:
0x1b: {  	s5 =	simm.s32 @p0 $0x0;
	s7 =	rddreg [dreg:$0xb]  }
0x1c: {  	[tilespmem:s5], [sflag:$0x6] =	stream.linear.gather @p0 [hbm4b:s7+s5], $0x1800, $0x38;
	[tilespmem:$0x1DC00] =	vst v63  }
0x1d: {  	s5 =	simm.s32 @p0 $0x6  }
0x1e: {  	_ =	swait.ge @p0 [sflag:s5], $0x1800  }
0x1f: {  	[sflag:s5] =	ssyncset.done @p0 $0x0  }
0x20: {  	s7 =	rddreg [dreg:$0xc];
	[sflag:s5] =	ssyncadd.s32 @p0 $0xFFFFE800;
	s5 =	simm.s32 @!p0 $0x0  }
0x21: {  	[tilespmem:s5], [sflag:$0x6] =	stream.linear.gather @!p0 [hbm4b:s7+s5], $0x3800, $0x38;
	[tilespmem:$0x1DC00] =	vst v63  }
0x22: {  	s5 =	simm.s32 @!p0 $0x6  }
0x23: {  	_ =	swait.ge @!p0 [sflag:s5], $0x3800  }
0x24: {  	[sflag:s5] =	ssyncset.done @!p0 $0x0  }
0x25: {  	s11 =	rddreg [dreg:$0xa];
	[sflag:s5] =	ssyncadd.s32 @!p0 $0xFFFFC800  }
0x26: {  	[tilespmem:s12], [sflag:$0x6] =	stream.linear.gather [hbm4b:s11+s2], $0x5000, $0x38;
	[tilespmem:$0x1DC00] =	vst v63  }
0x27: {  	_ =	swait.ge [sflag:s13], $0x5000  }
0x28: {  	[sflag:s13] =	ssyncset.done $0x0  }
0x29: {  	[sflag:s13] =	ssyncadd.s32 $0xFFFFB000  }
0x2a: {  	[spmem:s8] =	stream.linear.scatter [tilespmem:s12], [sflag:$0x6], $0x5000, $0x38;
	[tilespmem:$0x1DC00] =	vst v63  }
0x2b: {  	_ =	swait.ge [sflag:s13], $0x5000  }
0x2c: {  	[sflag:s13] =	ssyncset.done $0x0  }
0x2d: {  	[sflag:s13] =	ssyncadd.s32 $0xFFFFB000  }
0x2e: {  	[spmem:s9] =	stream.linear.scatter [tilespmem:s12], [sflag:$0x6], $0x5000, $0x38;
	[tilespmem:$0x1DC00] =	vst v63  }
0x2f: {  	_ =	swait.ge [sflag:s13], $0x5000  }
0x30: {  	s5 =	simm.s32 @!p0 $0xE;
	[sflag:s13] =	ssyncset.done $0x0  }
0x31: {  	s5 =	simm.s32 @p0 $0x6;
	[sflag:s13] =	ssyncadd.s32 $0xFFFFB000  }
0x32: {  	s5 =	sshll.u32 s5, $0xC;
	[bflag:$0x0] =	sbarrier.arrive $0xFFFF  }
0x33: {  	s11 =	smov.u32 s6;
	[dreg:$0x4] =	wrdreg s5;
	s5 =	simm.s32 $0x0  }
.LBB2_2:
0x34: {  	[tilespmem:s14], [sflag:$0x5] =	stream.linear.gather [hbm4b:s11+s2], $0x400, $0x38;
	[tilespmem:$0x1DC00] =	vst v63  }
0x35: {  	s7 =	sshra.s32 s5, $0x2  }
0x36: {  	[tilespmem:s12], [sflag:$0x1] =	stream.indirect.gather [hbm4b:s4+s15], $0x40, s7, s15, $0xb8;
	[tilespmem:$0x1DC00] =	vst v63  }
0x37: {  	s10 =	sadd.s32 $0x80, s7  }
0x38: {  	[tilespmem:s16], [sflag:$0x1] =	stream.indirect.gather [hbm4b:s4+s15], $0x40, s10, s15, $0xb8;
	[tilespmem:$0x1DC00] =	vst v63  }
0x39: {  	s10 =	sadd.s32 $0x100, s7  }
0x3a: {  	[tilespmem:s17], [sflag:$0x1] =	stream.indirect.gather [hbm4b:s4+s15], $0x40, s10, s15, $0xb8;
	[tilespmem:$0x1DC00] =	vst v63  }
0x3b: {  	s10 =	sadd.s32 $0x180, s7  }
0x3c: {  	[tilespmem:s18], [sflag:$0x1] =	stream.indirect.gather [hbm4b:s4+s15], $0x40, s10, s15, $0xb8;
	[tilespmem:$0x1DC00] =	vst v63  }
0x3d: {  	s10 =	sadd.s32 $0x200, s7  }
0x3e: {  	[tilespmem:s19], [sflag:$0x2] =	stream.indirect.gather [hbm4b:s4+s15], $0x40, s10, s15, $0xb8;
	[tilespmem:$0x1DC00] =	vst v63  }
0x3f: {  	s10 =	sadd.s32 $0x280, s7  }
0x40: {  	[tilespmem:s20], [sflag:$0x2] =	stream.indirect.gather [hbm4b:s4+s15], $0x40, s10, s15, $0xb8;
	[tilespmem:$0x1DC00] =	vst v63  }
0x41: {  	s10 =	sadd.s32 $0x300, s7  }
0x42: {  	[tilespmem:s21], [sflag:$0x2] =	stream.indirect.gather [hbm4b:s4+s15], $0x40, s10, s15, $0xb8;
	[tilespmem:$0x1DC00] =	vst v63  }
0x43: {  	s7 =	sadd.s32 $0x380, s7  }
0x44: {  	[tilespmem:s22], [sflag:$0x2] =	stream.indirect.gather [hbm4b:s4+s15], $0x40, s7, s15, $0xb8;
	[tilespmem:$0x1DC00] =	vst v63  }
0x45: {  	_ =	swait.ge [sflag:s25], $0x2000  }
0x46: {  	[sflag:s25] =	ssyncset.done $0x0  }
0x47: {  	[sflag:s25] =	ssyncadd.s32 $0xFFFFE000  }
0x48: {  	_ =	swait.ge [sflag:s25], $0x2000  }
0x49: {  	[sflag:s25] =	ssyncset.done $0x0  }
0x4a: {  	[sflag:s25] =	ssyncadd.s32 $0xFFFFE000  }
0x4b: {  	_ =	swait.ge [sflag:s25], $0x2000  }
0x4c: {  	[sflag:s25] =	ssyncset.done $0x0  }
0x4d: {  	[sflag:s25] =	ssyncadd.s32 $0xFFFFE000  }
0x4e: {  	_ =	swait.ge [sflag:s25], $0x2000  }
0x4f: {  	[sflag:s25] =	ssyncset.done $0x0  }
0x50: {  	[sflag:s25] =	ssyncadd.s32 $0xFFFFE000  }
0x51: {  	_ =	swait.ge [sflag:s26], $0x400  }
0x52: {  	[sflag:s26] =	ssyncset.done $0x0  }
0x53: {  	[sflag:s26] =	ssyncadd.s32 $0xFFFFFC00  }
0x54: {  	[spmem:s1] =	stream.indirect.scatter.add.f32 [tilespmem:s12], [sflag:$0x3], $0x40, s14, s15, $0xb8;
	[tilespmem:$0x1DC00] =	vst v63  }
0x55: {  	s7 =	rddreg [dreg:$0x5]  }
0x56: {  	[spmem:s1] =	stream.indirect.scatter.add.f32 [tilespmem:s16], [sflag:$0x3], $0x40, s7, s15, $0xb8;
	[tilespmem:$0x1DC00] =	vst v63  }
0x57: {  	s10 =	rddreg [dreg:$0x6]  }
0x58: {  	[spmem:s1] =	stream.indirect.scatter.add.f32 [tilespmem:s17], [sflag:$0x3], $0x40, s10, s15, $0xb8;
	[tilespmem:$0x1DC00] =	vst v63  }
0x59: {  	s7 =	rddreg [dreg:$0x7]  }
0x5a: {  	[spmem:s1] =	stream.indirect.scatter.add.f32 [tilespmem:s18], [sflag:$0x3], $0x40, s7, s15, $0xb8;
	[tilespmem:$0x1DC00] =	vst v63  }
0x5b: {  	_ =	swait.ge [sflag:s28], $0x2000  }
0x5c: {  	[sflag:s28] =	ssyncset.done $0x0  }
0x5d: {  	[sflag:s28] =	ssyncadd.s32 $0xFFFFE000  }
0x5e: {  	_ =	swait.ge [sflag:s28], $0x2000  }
0x5f: {  	[sflag:s28] =	ssyncset.done $0x0  }
0x60: {  	[sflag:s28] =	ssyncadd.s32 $0xFFFFE000  }
0x61: {  	_ =	swait.ge [sflag:s28], $0x2000  }
0x62: {  	[sflag:s28] =	ssyncset.done $0x0  }
0x63: {  	[sflag:s28] =	ssyncadd.s32 $0xFFFFE000  }
0x64: {  	_ =	swait.ge [sflag:s28], $0x2000  }
0x65: {  	[sflag:s28] =	ssyncset.done $0x0  }
0x66: {  	s7 =	rddreg [dreg:$0x8];
	[sflag:s28] =	ssyncadd.s32 $0xFFFFE000  }
0x67: {  	[spmem:s1] =	stream.indirect.scatter.add.f32 [tilespmem:s19], [sflag:$0x4], $0x40, s7, s15, $0xb8;
	[tilespmem:$0x1DC00] =	vst v63  }
0x68: {  	s10 =	rddreg [dreg:$0x9]  }
0x69: {  	[spmem:s1] =	stream.indirect.scatter.add.f32 [tilespmem:s20], [sflag:$0x4], $0x40, s10, s15, $0xb8;
	[tilespmem:$0x1DC00] =	vst v63  }
0x6a: {  	_ = 	snop  }
0x6b: {  	[spmem:s1] =	stream.indirect.scatter.add.f32 [tilespmem:s21], [sflag:$0x4], $0x40, s29, s15, $0xb8;
	[tilespmem:$0x1DC00] =	vst v63  }
0x6c: {  	_ = 	snop  }
0x6d: {  	[spmem:s1] =	stream.indirect.scatter.add.f32 [tilespmem:s22], [sflag:$0x4], $0x40, s30, s15, $0xb8;
	[tilespmem:$0x1DC00] =	vst v63  }
0x6e: {  	_ =	swait.ge [sflag:s31], $0x2000  }
0x6f: {  	[sflag:s31] =	ssyncset.done $0x0  }
0x70: {  	[sflag:s31] =	ssyncadd.s32 $0xFFFFE000  }
0x71: {  	_ =	swait.ge [sflag:s31], $0x2000  }
0x72: {  	[sflag:s31] =	ssyncset.done $0x0  }
0x73: {  	[sflag:s31] =	ssyncadd.s32 $0xFFFFE000  }
0x74: {  	_ =	swait.ge [sflag:s31], $0x2000  }
0x75: {  	[sflag:s31] =	ssyncset.done $0x0  }
0x76: {  	[sflag:s31] =	ssyncadd.s32 $0xFFFFE000  }
0x77: {  	_ =	swait.ge [sflag:s31], $0x2000  }
0x78: {  	[sflag:s31] =	ssyncset.done $0x0  }
0x79: {  	[sflag:s31] =	ssyncadd.s32 $0xFFFFE000  }
0x7a: {  	_ =	swait.ge [sflag:s0], $0x2000  }
0x7b: {  	[sflag:s0] =	ssyncset.done $0x0  }
0x7c: {  	[sflag:s0] =	ssyncadd.s32 $0xFFFFE000  }
0x7d: {  	_ =	swait.ge [sflag:s0], $0x2000  }
0x7e: {  	[sflag:s0] =	ssyncset.done $0x0  }
0x7f: {  	[sflag:s0] =	ssyncadd.s32 $0xFFFFE000  }
0x80: {  	_ =	swait.ge [sflag:s0], $0x2000  }
0x81: {  	[sflag:s0] =	ssyncset.done $0x0  }
0x82: {  	[sflag:s0] =	ssyncadd.s32 $0xFFFFE000  }
0x83: {  	_ =	swait.ge [sflag:s0], $0x2000  }
0x84: {  	s5 =	sadd.s32 $0x1000, s5;
	s10 =	rddreg [dreg:$0x4]  }
0x85: {  	p1 =	sne.s32 s10, s5  }
.Ltmp0:
0x86: {  	_ = 	snop;
	(pc) =	sbr.rel @p1 .LBB2_2-.Ltmp0, $3  }
0x87: {  	_ =	sdelay $0x1  }
0x88: {  	[sflag:s0] =	ssyncset.done $0x0  }
0x89: {  	s11 =	sadd.s32 $0x80, s11;
	[sflag:s0] =	ssyncadd.s32 $0xFFFFE000  }
0x8a: {  	[bflag:$0x0] =	sbarrier.arrive $0xFFFF  }
0x8b: {  	[tilespmem:s12], [sflag:$0x6] =	stream.linear.gather [spmem:s8], $0x5000, $0x38;
	[tilespmem:$0x1DC00] =	vst v63  }
0x8c: {  	_ =	swait.ge [sflag:s13], $0x5000  }
0x8d: {  	[sflag:s13] =	ssyncset.done $0x0  }
0x8e: {  	[sflag:s13] =	ssyncadd.s32 $0xFFFFB000  }
0x8f: {  	[hbm4b:s23+s2] =	stream.linear.scatter [tilespmem:s12], [sflag:$0x6], $0x5000, $0x38;
	[tilespmem:$0x1DC00] =	vst v63  }
0x90: {  	_ =	swait.ge [sflag:s13], $0x5000  }
0x91: {  	[sflag:s13] =	ssyncset.done $0x0  }
0x92: {  	[sflag:s13] =	ssyncadd.s32 $0xFFFFB000  }
0x93: {  	[tilespmem:s12], [sflag:$0x6] =	stream.linear.gather [spmem:s9], $0x5000, $0x38;
	[tilespmem:$0x1DC00] =	vst v63  }
0x94: {  	_ =	swait.ge [sflag:s13], $0x5000  }
0x95: {  	[sflag:s13] =	ssyncset.done $0x0  }
0x96: {  	[sflag:s13] =	ssyncadd.s32 $0xFFFFB000  }
0x97: {  	[hbm4b:s24+s2] =	stream.linear.scatter [tilespmem:s12], [sflag:$0x6], $0x5000, $0x38;
	[tilespmem:$0x1DC00] =	vst v63  }
0x98: {  	_ =	swait.ge [sflag:s13], $0x5000  }
0x99: {  	s3 =	sadd.s32 $0x1, s3;
	s5 =	rddreg [dreg:$0xd]  }
0x9a: {  	p1 =	sne.s32 s3, s5  }
.Ltmp1:
0x9b: {  	_ = 	snop;
	(pc) =	sbr.rel @p1 .LBB2_1-.Ltmp1, $3  }
0x9c: {  	_ =	sdelay $0x1  }
0x9d: {  	[sflag:s13] =	ssyncset.done $0x0  }
0x9e: {  	[sflag:s13] =	ssyncadd.s32 $0xFFFFB000  }
0x9f: {  	_ =	sfence.sel $0x180000  }
0xa0: {  	[bflag:$0x0] =	sbarrier.arrive $0xFFFF  }
0xa1: {  	_ =	strace $0x90000050  }
0xa2: {  	s0 =	stileid.u32;
	[bflag:$0x2] =	sbarrier.arrive $0xFFFF  }
0xa3: {  	p0 =	sne.s32 s0, $0x0;
	s0 =	rddreg [dreg:$0x3]  }
0xa4: {  	s0 =	sadd.s32 @!p0 $0x100000, s0  }
0xa5: {  	[sflag:s0] =	ssyncadd.tile.s32 @!p0 $0x1;
	_ =	shalt  }
.Lfunc_end2:
_tile_overlayer_lowered:
.L_overlay_start_2:
0xa6: {  	(tag) =	ssettag $0x2  }
0xa7: {  	s0 =	rddreg [dreg:$0x0];
	s2 =	stileid.u32  }
0xa8: {  	s1 =	rddreg [dreg:$0x1];
	p0 =	sne.s32 s2, $0x0  }
0xa9: {  	s3 =	rddreg [dreg:$0x2];
	[bflag:$0x3] =	sbarrier.arrive $0xFFFF;
	s2 =	simm.s32 @!p0 $0x1C06  }
0xaa: {  	[timem:s3], [sflag:s2] =	dma.local @!p0 [hbm:s0], s1  }
0xab: {  	s0 =	simm.s32 @!p0 $0x6  }
0xac: {  	_ =	swait.ge @!p0 [sflag:s0], s1  }
0xad: {  	s1 =	ssub.s32 @!p0 $0x0, s1;
	[sflag:s0] =	ssyncset.done @!p0 $0x0  }
0xae: {  	[sflag:s0] =	ssyncadd.s32 @!p0 s1  }
0xaf: {  	[bflag:$0x3] =	sbarrier.arrive $0xFFFF  }
0xb0: {  	_ =	shalt  }

</sc_bundles>
